<compile_context>
chip_gen: v7x
topology: tpu7x:2x2x1
jax: 0.10.2.dev20260603
libtpu: 0.0.44.dev20260713+nightly
codegen_flags: <defaults>
</compile_context>

<pallas_src>
import functools

import jax
import jax.numpy as jnp
from jax import lax
from jax.experimental import pallas as pl
from jax.experimental.pallas import tpu as pltpu
from jax.experimental.pallas import tpu_sc as plsc

_NEG_RATIO = 3.0
_EPS = 1e-6
_N = 8 * 512 * 512
_COLS = 512


def _softplus_neg_abs(x):
    u = jnp.exp(-jnp.abs(x))
    q = jnp.full(u.shape, _Q_C[-1], jnp.float32)
    for c in _Q_C[-2::-1]:
        q = q * u + c
    return u * q


def _bce(x, z):
    return jnp.maximum(x, 0.0) - x * z + _softplus_neg_abs(x)


_NC, _NS, _L = 2, 16, 16
_NW = _NC * _NS

_Q_C = (
    0.9995653689071052,
    -0.4857423674537659,
    0.2523185823418057,
    -0.07323740523185052,
)


_SC_IMG = 3
_RCH = 16
_CPI = 512 // _RCH
_NCHUNK_SC = _SC_IMG
_CCH = _COLS // _L


def _sc_body(pred_hbm, gt_hbm, out_hbm, xbuf, zbuf, obuf, sem0, sem1):
    wid = lax.axis_index("s") * _NC + lax.axis_index("c")
    sems = (sem0, sem1)

    def _copies(ci):
        b = ci % 2
        c = wid + ci * _NW
        bi = c // _CPI
        rs = pl.ds((c % _CPI) * _RCH, _RCH)
        return (
            pltpu.make_async_copy(pred_hbm.at[bi, rs, :], xbuf.at[b], sems[b]),
            pltpu.make_async_copy(gt_hbm.at[bi, rs, :], zbuf.at[b], sems[b]),
        )

    for cp in _copies(0):
        cp.start()
    accs = (jnp.zeros((_L,), jnp.float32),) * 3
    for ci in range(_NCHUNK_SC):
        for cp in _copies(ci):
            cp.wait()
        if ci + 1 < _NCHUNK_SC:
            for cp in _copies(ci + 1):
                cp.start()
        xb = xbuf.at[ci % 2]
        zb = zbuf.at[ci % 2]

        def outer_body(j, accs, xb=xb, zb=zb):
            al, alz, az = accs
            col = j * _L
            for r in range(_RCH):
                x = xb[r, pl.ds(col, _L)]
                z = zb[r, pl.ds(col, _L)]
                b = _softplus_neg_abs(x) + jnp.maximum(x, 0.0)
                loss = b - x * z
                al = al + loss
                alz = alz + loss * z
                az = az + z
            return (al, alz, az)

        accs = lax.fori_loop(0, _CCH, outer_body, accs)

    al, alz, az = accs
    obuf[0, :] = al
    obuf[1, :] = alz
    obuf[2, :] = az
    pltpu.sync_copy(obuf, out_hbm.at[wid])


@functools.cache
def _sc_reduce_call():
    return pl.kernel(
        _sc_body,
        out_type=jax.ShapeDtypeStruct((_NW, 3, _L), jnp.float32),
        mesh=plsc.VectorSubcoreMesh(core_axis_name="c", subcore_axis_name="s"),
        scratch_types=[
            pltpu.VMEM((2, _RCH, _COLS), jnp.float32),
            pltpu.VMEM((2, _RCH, _COLS), jnp.float32),
            pltpu.VMEM((3, _L), jnp.float32),
            pltpu.SemaphoreType.DMA,
            pltpu.SemaphoreType.DMA,
        ],
    )


_TC_IMG = 8 - _SC_IMG
_TC_BLKR = 512
_TC_GRID = _TC_IMG * (512 // _TC_BLKR)
_TC_BPI = 512 // _TC_BLKR


def _tc_reduce_body(pred_ref, gt_ref, out_ref, acc_ref):
    i = pl.program_id(0)

    @pl.when(i == 0)
    def _():
        acc_ref[0] = 0.0
        acc_ref[1] = 0.0
        acc_ref[2] = 0.0

    x = pred_ref[...]
    z = gt_ref[...]
    loss = _bce(x, z)
    acc_ref[0] += jnp.sum(loss)
    acc_ref[1] += jnp.sum(loss * z)
    acc_ref[2] += jnp.sum(z)

    @pl.when(i == pl.num_programs(0) - 1)
    def _():
        out_ref[0] = acc_ref[0]
        out_ref[1] = acc_ref[1]
        out_ref[2] = acc_ref[2]


_tc_reduce = pl.pallas_call(
    _tc_reduce_body,
    grid=(_TC_GRID,),
    in_specs=[
        pl.BlockSpec(
            (1, _TC_BLKR, _COLS),
            lambda i: (_SC_IMG + i // _TC_BPI, i % _TC_BPI, 0),
        ),
        pl.BlockSpec(
            (1, _TC_BLKR, _COLS),
            lambda i: (_SC_IMG + i // _TC_BPI, i % _TC_BPI, 0),
        ),
    ],
    out_specs=pl.BlockSpec(memory_space=pltpu.SMEM),
    out_shape=jax.ShapeDtypeStruct((3,), jnp.float32),
    scratch_shapes=[pltpu.SMEM((3,), jnp.float32)],
)


def _topk_body(k_ref, pred_ref, gt_ref, out_ref, nl_ref):
    x = pred_ref[...]
    z = gt_ref[...]
    loss = _bce(x, z)
    nl_ref[...] = jnp.where((1.0 - z) > 0, loss, 0.0)
    k_f = k_ref[0].astype(jnp.float32)

    def body(i, cur):
        bits = lax.bitcast_convert_type(nl_ref[...], jnp.int32)
        t = cur + lax.shift_left(jnp.int32(1), 30 - i)
        cnt = jnp.sum((bits >= t).astype(jnp.float32))
        return jnp.where(cnt >= k_f, t, cur)

    cur = lax.fori_loop(0, 31, body, jnp.int32(0))
    nl = nl_ref[...]
    bits = lax.bitcast_convert_type(nl, jnp.int32)
    kth_val = jnp.max(jnp.where(bits == cur, nl, 0.0))
    gt_mask = bits > cur
    sum_gt = jnp.sum(jnp.where(gt_mask, nl, 0.0))
    cnt_gt = jnp.sum(gt_mask.astype(jnp.float32))
    res = sum_gt + (k_f - cnt_gt) * kth_val
    out_ref[0] = jnp.where(k_f > 0, res, 0.0)


_topk = pl.pallas_call(
    _topk_body,
    in_specs=[
        pl.BlockSpec(memory_space=pltpu.SMEM),
        pl.BlockSpec(memory_space=pltpu.VMEM),
        pl.BlockSpec(memory_space=pltpu.VMEM),
    ],
    out_specs=pl.BlockSpec(memory_space=pltpu.SMEM),
    out_shape=jax.ShapeDtypeStruct((1,), jnp.float32),
    scratch_shapes=[pltpu.VMEM((8, _COLS, _COLS), jnp.float32)],
)


def kernel(pred_logits, gt):
    sc_parts = _sc_reduce_call()(pred_logits, gt)
    tc_parts = _tc_reduce(pred_logits, gt)
    tot, pos_sum, pos_f = jnp.sum(sc_parts, axis=(0, 2)) + tc_parts
    pos_i = pos_f.astype(jnp.int32)
    neg_i = jnp.int32(_N) - pos_i
    cap = (pos_f * _NEG_RATIO).astype(jnp.int32)
    k = jnp.minimum(neg_i, cap)
    denom = pos_f + k.astype(jnp.float32) + _EPS

    def easy(_):
        return (pos_sum + (tot - pos_sum)) / denom

    def hard(_):
        tk = _topk(k.reshape(1), pred_logits, gt)[0]
        return (pos_sum + tk) / denom

    return lax.cond(k >= neg_i, easy, hard, None)

# --- scband reference (transcript-rebuilt; emitter-appended) ---
"""Pipeline reference for scband-bceloss-43654047597080 (READ-ONLY COPY).

The authoritative reference and input builder live on the scoring server;
editing this copy changes nothing except your own understanding.
"""

import jax, jax.numpy as jnp
import numpy as np

NEGATIVE_RATIO = 3.0
EPS = 1e-06


def _bce_with_logits(x, z):
    # numerically stable binary_cross_entropy_with_logits, reduction='none'
    return jnp.clip(x, 0, None) - x * z + jnp.log1p(jnp.exp(-jnp.abs(x)))


def setup_inputs(seed: int = 0) -> dict:
    key = jax.random.key(seed)
    k1, k2 = jax.random.split(key)
    pred_logits = jax.random.normal(k1, (8, 512, 512), dtype=jnp.float32)
    gt = jax.random.randint(k2, (8, 512, 512), 0, 2).astype(jnp.float32)
    return {"pred_logits": pred_logits, "gt": gt}


def reference(pred_logits, gt):
    mask = jnp.ones_like(gt)
    positive = (gt * mask) > 0
    negative = ((1 - gt) * mask) > 0
    positive_count = positive.sum()
    negative_cap = (positive_count.astype(jnp.float32) * NEGATIVE_RATIO).astype(
        positive_count.dtype
    )
    negative_count = jnp.minimum(negative.sum(), negative_cap)
    loss = _bce_with_logits(pred_logits, gt)
    positive_loss = loss * positive.astype(loss.dtype)
    negative_loss = loss * negative.astype(loss.dtype)
    neg_flat = negative_loss.reshape(-1)
    neg_sorted = jnp.sort(neg_flat)[::-1]
    keep = jnp.arange(neg_flat.shape[0]) < negative_count
    negative_loss_sum = jnp.where(keep, neg_sorted, jnp.zeros((), dtype=loss.dtype)).sum()
    balance_loss = (positive_loss.sum() + negative_loss_sum) / (
        positive_count + negative_count + EPS
    )
    return balance_loss

if __name__ == "__main__":
    import jax
    _d = setup_inputs()
    print(jax.jit(kernel)(*tuple(_d.values())))

</pallas_src>

<mosaic_0001>
#map = affine_map<(d0, d1) -> (0, 0, 0)>
module attributes {stable_mosaic.version = 14 : i64} {
  func.func @_sc_body(%arg0: i32, %arg1: i32, %arg2: memref<8x512x512xf32, #tpu.memory_space<hbm>>, %arg3: memref<8x512x512xf32, #tpu.memory_space<hbm>>, %arg4: memref<32x3x16xf32, #tpu.memory_space<hbm>>, %arg5: memref<2x16x512xf32, #tpu.memory_space<vmem>>, %arg6: memref<2x16x512xf32, #tpu.memory_space<vmem>>, %arg7: memref<3x16xf32, #tpu.memory_space<vmem>>, %arg8: memref<!tpu.dma_semaphore, #tpu.memory_space<semaphore_mem>>, %arg9: memref<!tpu.dma_semaphore, #tpu.memory_space<semaphore_mem>>) attributes {dimension_semantics = [#tpu.dimension_semantics<core_parallel>, #tpu.dimension_semantics<subcore_parallel>], iteration_bounds = array<i64: 2, 16>, scalar_prefetch = 0 : i64, scratch_operands = 5 : i64, tpu.core_type = #tpu.core_type<sc_vector_subcore>, window_params = [{transform_indices = #map}, {transform_indices = #map}, {transform_indices = #map}]} {
    %mul3A = arith.constant 2 : i32
    %mul3A_0 = arith.muli %arg1, %mul3A : i32
    %add3A = arith.addi %mul3A_0, %arg0 : i32
    %add3A_1 = arith.constant 0 : i32
    %add3A_2 = arith.addi %add3A, %add3A_1 : i32
    %jit3A = arith.constant 32 : i32
    %div3A = arith.divsi %add3A_2, %jit3A : i32
    %sign3A = arith.constant 0 : i32
    %sign3A_3 = arith.cmpi sgt, %add3A_2, %sign3A : i32
    %sign3A_4 = arith.extui %sign3A_3 : i1 to i32
    %sign3A_5 = arith.constant 0 : i32
    %sign3A_6 = arith.cmpi slt, %add3A_2, %sign3A_5 : i32
    %sign3A_7 = arith.extui %sign3A_6 : i1 to i32
    %sign3A_8 = arith.subi %sign3A_4, %sign3A_7 : i32
    %sign3A_9 = arith.constant 0 : i32
    %sign3A_10 = arith.cmpi sgt, %jit3A, %sign3A_9 : i32
    %sign3A_11 = arith.extui %sign3A_10 : i1 to i32
    %sign3A_12 = arith.constant 0 : i32
    %sign3A_13 = arith.cmpi slt, %jit3A, %sign3A_12 : i32
    %sign3A_14 = arith.extui %sign3A_13 : i1 to i32
    %sign3A_15 = arith.subi %sign3A_11, %sign3A_14 : i32
    %ne3A = arith.cmpi ne, %sign3A_8, %sign3A_15 : i32
    %rem3A = arith.remsi %add3A_2, %jit3A : i32
    %ne3A_16 = arith.constant 0 : i32
    %ne3A_17 = arith.cmpi ne, %rem3A, %ne3A_16 : i32
    %and3A = arith.andi %ne3A, %ne3A_17 : i1
    %sub3A = arith.constant 1 : i32
    %sub3A_18 = arith.subi %div3A, %sub3A : i32
    %select_n3A = arith.select %and3A, %sub3A_18, %div3A : i32
    %jit3A_19 = arith.constant 32 : i32
    %eq3A = arith.constant 0 : i32
    %eq3A_20 = arith.cmpi eq, %jit3A_19, %eq3A : i32
    %jit3A_21 = arith.constant 1 : i32
    %select_n3A_22 = arith.select %eq3A_20, %jit3A_21, %jit3A_19 : i32
    %rem3A_23 = arith.remsi %add3A_2, %select_n3A_22 : i32
    %ne3A_24 = arith.constant 0 : i32
    %ne3A_25 = arith.cmpi ne, %rem3A_23, %ne3A_24 : i32
    %lt3A = arith.constant 0 : i32
    %lt3A_26 = arith.cmpi slt, %rem3A_23, %lt3A : i32
    %lt3A_27 = arith.constant 0 : i32
    %lt3A_28 = arith.cmpi slt, %select_n3A_22, %lt3A_27 : i32
    %ne3A_29 = arith.xori %lt3A_26, %lt3A_28 : i1
    %and3A_30 = arith.andi %ne3A_29, %ne3A_25 : i1
    %add3A_31 = arith.addi %rem3A_23, %select_n3A_22 : i32
    %select_n3A_32 = arith.select %and3A_30, %add3A_31, %rem3A_23 : i32
    %mul3A_33 = arith.constant 16 : i32
    %mul3A_34 = arith.muli %select_n3A_32, %mul3A_33 : i32
    %dma_start3A = arith.constant 0 : i32
    %dma_start3A_35 = arith.constant 0 : i32
    %dma_start3A_36 = arith.constant 0 : i32
    %dma_start3A_37 = tpu.memref_slice %arg5[%dma_start3A, %dma_start3A_35, %dma_start3A_36] : memref<2x16x512xf32, #tpu.memory_space<vmem>> -> memref<1x16x512xf32, #tpu.memory_space<vmem>>
    %dma_start3A_38 = tpu.memref_squeeze %dma_start3A_37 : memref<1x16x512xf32, #tpu.memory_space<vmem>> -> memref<16x512xf32, #tpu.memory_space<vmem>>
    %dma_start3A_39 = arith.constant 0 : i32
    %dma_start3A_40 = tpu.memref_slice %arg2[%select_n3A, %mul3A_34, %dma_start3A_39] : memref<8x512x512xf32, #tpu.memory_space<hbm>> -> memref<1x16x512xf32, #tpu.memory_space<hbm>>
    %dma_start3A_41 = tpu.memref_squeeze %dma_start3A_40 : memref<1x16x512xf32, #tpu.memory_space<hbm>> -> memref<16x512xf32, #tpu.memory_space<hbm>>
    %dma_start3A_42 = arith.constant 0 : i32
    %dma_start3A_43 = arith.constant 0 : i32
    %dma_start3A_44 = tpu.memref_slice %arg5[%dma_start3A, %dma_start3A_42, %dma_start3A_43] : memref<2x16x512xf32, #tpu.memory_space<vmem>> -> memref<1x16x512xf32, #tpu.memory_space<vmem>>
    %dma_start3A_45 = tpu.memref_squeeze %dma_start3A_44 : memref<1x16x512xf32, #tpu.memory_space<vmem>> -> memref<16x512xf32, #tpu.memory_space<vmem>>
    %dma_start3A_46 = arith.constant 0 : i32
    %dma_start3A_47 = tpu.memref_slice %arg2[%select_n3A, %mul3A_34, %dma_start3A_46] : memref<8x512x512xf32, #tpu.memory_space<hbm>> -> memref<1x16x512xf32, #tpu.memory_space<hbm>>
    %dma_start3A_48 = tpu.memref_squeeze %dma_start3A_47 : memref<1x16x512xf32, #tpu.memory_space<hbm>> -> memref<16x512xf32, #tpu.memory_space<hbm>>
    tpu.enqueue_dma source(%dma_start3A_48 : memref<16x512xf32, #tpu.memory_space<hbm>>) target(%dma_start3A_45 : memref<16x512xf32, #tpu.memory_space<vmem>>) target_semaphore(%arg8 : memref<!tpu.dma_semaphore, #tpu.memory_space<semaphore_mem>>)
    %dma_start3A_49 = arith.constant 0 : i32
    %dma_start3A_50 = arith.constant 0 : i32
    %dma_start3A_51 = arith.constant 0 : i32
    %dma_start3A_52 = tpu.memref_slice %arg6[%dma_start3A_49, %dma_start3A_50, %dma_start3A_51] : memref<2x16x512xf32, #tpu.memory_space<vmem>> -> memref<1x16x512xf32, #tpu.memory_space<vmem>>
    %dma_start3A_53 = tpu.memref_squeeze %dma_start3A_52 : memref<1x16x512xf32, #tpu.memory_space<vmem>> -> memref<16x512xf32, #tpu.memory_space<vmem>>
    %dma_start3A_54 = arith.constant 0 : i32
    %dma_start3A_55 = tpu.memref_slice %arg3[%select_n3A, %mul3A_34, %dma_start3A_54] : memref<8x512x512xf32, #tpu.memory_space<hbm>> -> memref<1x16x512xf32, #tpu.memory_space<hbm>>
    %dma_start3A_56 = tpu.memref_squeeze %dma_start3A_55 : memref<1x16x512xf32, #tpu.memory_space<hbm>> -> memref<16x512xf32, #tpu.memory_space<hbm>>
    %dma_start3A_57 = arith.constant 0 : i32
    %dma_start3A_58 = arith.constant 0 : i32
    %dma_start3A_59 = tpu.memref_slice %arg6[%dma_start3A_49, %dma_start3A_57, %dma_start3A_58] : memref<2x16x512xf32, #tpu.memory_space<vmem>> -> memref<1x16x512xf32, #tpu.memory_space<vmem>>
    %dma_start3A_60 = tpu.memref_squeeze %dma_start3A_59 : memref<1x16x512xf32, #tpu.memory_space<vmem>> -> memref<16x512xf32, #tpu.memory_space<vmem>>
    %dma_start3A_61 = arith.constant 0 : i32
    %dma_start3A_62 = tpu.memref_slice %arg3[%select_n3A, %mul3A_34, %dma_start3A_61] : memref<8x512x512xf32, #tpu.memory_space<hbm>> -> memref<1x16x512xf32, #tpu.memory_space<hbm>>
    %dma_start3A_63 = tpu.memref_squeeze %dma_start3A_62 : memref<1x16x512xf32, #tpu.memory_space<hbm>> -> memref<16x512xf32, #tpu.memory_space<hbm>>
    tpu.enqueue_dma source(%dma_start3A_63 : memref<16x512xf32, #tpu.memory_space<hbm>>) target(%dma_start3A_60 : memref<16x512xf32, #tpu.memory_space<vmem>>) target_semaphore(%arg8 : memref<!tpu.dma_semaphore, #tpu.memory_space<semaphore_mem>>)
    %broadcast_in_dim3A = arith.constant 0.000000e+00 : f32
    %broadcast_in_dim3A_64 = vector.broadcast %broadcast_in_dim3A : f32 to vector<16xf32>
    %add3A_65 = arith.constant 0 : i32
    %add3A_66 = arith.addi %add3A, %add3A_65 : i32
    %jit3A_67 = arith.constant 32 : i32
    %div3A_68 = arith.divsi %add3A_66, %jit3A_67 : i32
    %sign3A_69 = arith.constant 0 : i32
    %sign3A_70 = arith.cmpi sgt, %add3A_66, %sign3A_69 : i32
    %sign3A_71 = arith.extui %sign3A_70 : i1 to i32
    %sign3A_72 = arith.constant 0 : i32
    %sign3A_73 = arith.cmpi slt, %add3A_66, %sign3A_72 : i32
    %sign3A_74 = arith.extui %sign3A_73 : i1 to i32
    %sign3A_75 = arith.subi %sign3A_71, %sign3A_74 : i32
    %sign3A_76 = arith.constant 0 : i32
    %sign3A_77 = arith.cmpi sgt, %jit3A_67, %sign3A_76 : i32
    %sign3A_78 = arith.extui %sign3A_77 : i1 to i32
    %sign3A_79 = arith.constant 0 : i32
    %sign3A_80 = arith.cmpi slt, %jit3A_67, %sign3A_79 : i32
    %sign3A_81 = arith.extui %sign3A_80 : i1 to i32
    %sign3A_82 = arith.subi %sign3A_78, %sign3A_81 : i32
    %ne3A_83 = arith.cmpi ne, %sign3A_75, %sign3A_82 : i32
    %rem3A_84 = arith.remsi %add3A_66, %jit3A_67 : i32
    %ne3A_85 = arith.constant 0 : i32
    %ne3A_86 = arith.cmpi ne, %rem3A_84, %ne3A_85 : i32
    %and3A_87 = arith.andi %ne3A_83, %ne3A_86 : i1
    %sub3A_88 = arith.constant 1 : i32
    %sub3A_89 = arith.subi %div3A_68, %sub3A_88 : i32
    %select_n3A_90 = arith.select %and3A_87, %sub3A_89, %div3A_68 : i32
    %jit3A_91 = arith.constant 32 : i32
    %eq3A_92 = arith.constant 0 : i32
    %eq3A_93 = arith.cmpi eq, %jit3A_91, %eq3A_92 : i32
    %jit3A_94 = arith.constant 1 : i32
    %select_n3A_95 = arith.select %eq3A_93, %jit3A_94, %jit3A_91 : i32
    %rem3A_96 = arith.remsi %add3A_66, %select_n3A_95 : i32
    %ne3A_97 = arith.constant 0 : i32
    %ne3A_98 = arith.cmpi ne, %rem3A_96, %ne3A_97 : i32
    %lt3A_99 = arith.constant 0 : i32
    %lt3A_100 = arith.cmpi slt, %rem3A_96, %lt3A_99 : i32
    %lt3A_101 = arith.constant 0 : i32
    %lt3A_102 = arith.cmpi slt, %select_n3A_95, %lt3A_101 : i32
    %ne3A_103 = arith.xori %lt3A_100, %lt3A_102 : i1
    %and3A_104 = arith.andi %ne3A_103, %ne3A_98 : i1
    %add3A_105 = arith.addi %rem3A_96, %select_n3A_95 : i32
    %select_n3A_106 = arith.select %and3A_104, %add3A_105, %rem3A_96 : i32
    %mul3A_107 = arith.constant 16 : i32
    %mul3A_108 = arith.muli %select_n3A_106, %mul3A_107 : i32
    %dma_wait3A = arith.constant 0 : i32
    %dma_wait3A_109 = arith.constant 0 : i32
    %dma_wait3A_110 = arith.constant 0 : i32
    %dma_wait3A_111 = tpu.memref_slice %arg5[%dma_wait3A, %dma_wait3A_109, %dma_wait3A_110] : memref<2x16x512xf32, #tpu.memory_space<vmem>> -> memref<1x16x512xf32, #tpu.memory_space<vmem>>
    %dma_wait3A_112 = tpu.memref_squeeze %dma_wait3A_111 : memref<1x16x512xf32, #tpu.memory_space<vmem>> -> memref<16x512xf32, #tpu.memory_space<vmem>>
    %dma_wait3A_113 = arith.constant 0 : i32
    %dma_wait3A_114 = tpu.memref_slice %arg2[%select_n3A_90, %mul3A_108, %dma_wait3A_113] : memref<8x512x512xf32, #tpu.memory_space<hbm>> -> memref<1x16x512xf32, #tpu.memory_space<hbm>>
    %dma_wait3A_115 = tpu.memref_squeeze %dma_wait3A_114 : memref<1x16x512xf32, #tpu.memory_space<hbm>> -> memref<16x512xf32, #tpu.memory_space<hbm>>
    %dma_wait3A_116 = arith.constant 0 : i32
    %dma_wait3A_117 = arith.constant 0 : i32
    %dma_wait3A_118 = tpu.memref_slice %arg5[%dma_wait3A, %dma_wait3A_116, %dma_wait3A_117] : memref<2x16x512xf32, #tpu.memory_space<vmem>> -> memref<1x16x512xf32, #tpu.memory_space<vmem>>
    %dma_wait3A_119 = tpu.memref_squeeze %dma_wait3A_118 : memref<1x16x512xf32, #tpu.memory_space<vmem>> -> memref<16x512xf32, #tpu.memory_space<vmem>>
    %dma_wait3A_120 = arith.constant 0 : i32
    %dma_wait3A_121 = tpu.memref_slice %arg2[%select_n3A_90, %mul3A_108, %dma_wait3A_120] : memref<8x512x512xf32, #tpu.memory_space<hbm>> -> memref<1x16x512xf32, #tpu.memory_space<hbm>>
    %dma_wait3A_122 = tpu.memref_squeeze %dma_wait3A_121 : memref<1x16x512xf32, #tpu.memory_space<hbm>> -> memref<16x512xf32, #tpu.memory_space<hbm>>
    tpu.wait_dma2 semaphore(%arg8 : memref<!tpu.dma_semaphore, #tpu.memory_space<semaphore_mem>>) src(%dma_wait3A_122 : memref<16x512xf32, #tpu.memory_space<hbm>>) dst(%dma_wait3A_119 : memref<16x512xf32, #tpu.memory_space<vmem>>)
    %dma_wait3A_123 = arith.constant 0 : i32
    %dma_wait3A_124 = arith.constant 0 : i32
    %dma_wait3A_125 = arith.constant 0 : i32
    %dma_wait3A_126 = tpu.memref_slice %arg6[%dma_wait3A_123, %dma_wait3A_124, %dma_wait3A_125] : memref<2x16x512xf32, #tpu.memory_space<vmem>> -> memref<1x16x512xf32, #tpu.memory_space<vmem>>
    %dma_wait3A_127 = tpu.memref_squeeze %dma_wait3A_126 : memref<1x16x512xf32, #tpu.memory_space<vmem>> -> memref<16x512xf32, #tpu.memory_space<vmem>>
    %dma_wait3A_128 = arith.constant 0 : i32
    %dma_wait3A_129 = tpu.memref_slice %arg3[%select_n3A_90, %mul3A_108, %dma_wait3A_128] : memref<8x512x512xf32, #tpu.memory_space<hbm>> -> memref<1x16x512xf32, #tpu.memory_space<hbm>>
    %dma_wait3A_130 = tpu.memref_squeeze %dma_wait3A_129 : memref<1x16x512xf32, #tpu.memory_space<hbm>> -> memref<16x512xf32, #tpu.memory_space<hbm>>
    %dma_wait3A_131 = arith.constant 0 : i32
    %dma_wait3A_132 = arith.constant 0 : i32
    %dma_wait3A_133 = tpu.memref_slice %arg6[%dma_wait3A_123, %dma_wait3A_131, %dma_wait3A_132] : memref<2x16x512xf32, #tpu.memory_space<vmem>> -> memref<1x16x512xf32, #tpu.memory_space<vmem>>
    %dma_wait3A_134 = tpu.memref_squeeze %dma_wait3A_133 : memref<1x16x512xf32, #tpu.memory_space<vmem>> -> memref<16x512xf32, #tpu.memory_space<vmem>>
    %dma_wait3A_135 = arith.constant 0 : i32
    %dma_wait3A_136 = tpu.memref_slice %arg3[%select_n3A_90, %mul3A_108, %dma_wait3A_135] : memref<8x512x512xf32, #tpu.memory_space<hbm>> -> memref<1x16x512xf32, #tpu.memory_space<hbm>>
    %dma_wait3A_137 = tpu.memref_squeeze %dma_wait3A_136 : memref<1x16x512xf32, #tpu.memory_space<hbm>> -> memref<16x512xf32, #tpu.memory_space<hbm>>
    tpu.wait_dma2 semaphore(%arg8 : memref<!tpu.dma_semaphore, #tpu.memory_space<semaphore_mem>>) src(%dma_wait3A_137 : memref<16x512xf32, #tpu.memory_space<hbm>>) dst(%dma_wait3A_134 : memref<16x512xf32, #tpu.memory_space<vmem>>)
    %add3A_138 = arith.constant 32 : i32
    %add3A_139 = arith.addi %add3A, %add3A_138 : i32
    %jit3A_140 = arith.constant 32 : i32
    %div3A_141 = arith.divsi %add3A_139, %jit3A_140 : i32
    %sign3A_142 = arith.constant 0 : i32
    %sign3A_143 = arith.cmpi sgt, %add3A_139, %sign3A_142 : i32
    %sign3A_144 = arith.extui %sign3A_143 : i1 to i32
    %sign3A_145 = arith.constant 0 : i32
    %sign3A_146 = arith.cmpi slt, %add3A_139, %sign3A_145 : i32
    %sign3A_147 = arith.extui %sign3A_146 : i1 to i32
    %sign3A_148 = arith.subi %sign3A_144, %sign3A_147 : i32
    %sign3A_149 = arith.constant 0 : i32
    %sign3A_150 = arith.cmpi sgt, %jit3A_140, %sign3A_149 : i32
    %sign3A_151 = arith.extui %sign3A_150 : i1 to i32
    %sign3A_152 = arith.constant 0 : i32
    %sign3A_153 = arith.cmpi slt, %jit3A_140, %sign3A_152 : i32
    %sign3A_154 = arith.extui %sign3A_153 : i1 to i32
    %sign3A_155 = arith.subi %sign3A_151, %sign3A_154 : i32
    %ne3A_156 = arith.cmpi ne, %sign3A_148, %sign3A_155 : i32
    %rem3A_157 = arith.remsi %add3A_139, %jit3A_140 : i32
    %ne3A_158 = arith.constant 0 : i32
    %ne3A_159 = arith.cmpi ne, %rem3A_157, %ne3A_158 : i32
    %and3A_160 = arith.andi %ne3A_156, %ne3A_159 : i1
    %sub3A_161 = arith.constant 1 : i32
    %sub3A_162 = arith.subi %div3A_141, %sub3A_161 : i32
    %select_n3A_163 = arith.select %and3A_160, %sub3A_162, %div3A_141 : i32
    %jit3A_164 = arith.constant 32 : i32
    %eq3A_165 = arith.constant 0 : i32
    %eq3A_166 = arith.cmpi eq, %jit3A_164, %eq3A_165 : i32
    %jit3A_167 = arith.constant 1 : i32
    %select_n3A_168 = arith.select %eq3A_166, %jit3A_167, %jit3A_164 : i32
    %rem3A_169 = arith.remsi %add3A_139, %select_n3A_168 : i32
    %ne3A_170 = arith.constant 0 : i32
    %ne3A_171 = arith.cmpi ne, %rem3A_169, %ne3A_170 : i32
    %lt3A_172 = arith.constant 0 : i32
    %lt3A_173 = arith.cmpi slt, %rem3A_169, %lt3A_172 : i32
    %lt3A_174 = arith.constant 0 : i32
    %lt3A_175 = arith.cmpi slt, %select_n3A_168, %lt3A_174 : i32
    %ne3A_176 = arith.xori %lt3A_173, %lt3A_175 : i1
    %and3A_177 = arith.andi %ne3A_176, %ne3A_171 : i1
    %add3A_178 = arith.addi %rem3A_169, %select_n3A_168 : i32
    %select_n3A_179 = arith.select %and3A_177, %add3A_178, %rem3A_169 : i32
    %mul3A_180 = arith.constant 16 : i32
    %mul3A_181 = arith.muli %select_n3A_179, %mul3A_180 : i32
    %dma_start3A_182 = arith.constant 1 : i32
    %dma_start3A_183 = arith.constant 0 : i32
    %dma_start3A_184 = arith.constant 0 : i32
    %dma_start3A_185 = tpu.memref_slice %arg5[%dma_start3A_182, %dma_start3A_183, %dma_start3A_184] : memref<2x16x512xf32, #tpu.memory_space<vmem>> -> memref<1x16x512xf32, #tpu.memory_space<vmem>>
    %dma_start3A_186 = tpu.memref_squeeze %dma_start3A_185 : memref<1x16x512xf32, #tpu.memory_space<vmem>> -> memref<16x512xf32, #tpu.memory_space<vmem>>
    %dma_start3A_187 = arith.constant 0 : i32
    %dma_start3A_188 = tpu.memref_slice %arg2[%select_n3A_163, %mul3A_181, %dma_start3A_187] : memref<8x512x512xf32, #tpu.memory_space<hbm>> -> memref<1x16x512xf32, #tpu.memory_space<hbm>>
    %dma_start3A_189 = tpu.memref_squeeze %dma_start3A_188 : memref<1x16x512xf32, #tpu.memory_space<hbm>> -> memref<16x512xf32, #tpu.memory_space<hbm>>
    %dma_start3A_190 = arith.constant 0 : i32
    %dma_start3A_191 = arith.constant 0 : i32
    %dma_start3A_192 = tpu.memref_slice %arg5[%dma_start3A_182, %dma_start3A_190, %dma_start3A_191] : memref<2x16x512xf32, #tpu.memory_space<vmem>> -> memref<1x16x512xf32, #tpu.memory_space<vmem>>
    %dma_start3A_193 = tpu.memref_squeeze %dma_start3A_192 : memref<1x16x512xf32, #tpu.memory_space<vmem>> -> memref<16x512xf32, #tpu.memory_space<vmem>>
    %dma_start3A_194 = arith.constant 0 : i32
    %dma_start3A_195 = tpu.memref_slice %arg2[%select_n3A_163, %mul3A_181, %dma_start3A_194] : memref<8x512x512xf32, #tpu.memory_space<hbm>> -> memref<1x16x512xf32, #tpu.memory_space<hbm>>
    %dma_start3A_196 = tpu.memref_squeeze %dma_start3A_195 : memref<1x16x512xf32, #tpu.memory_space<hbm>> -> memref<16x512xf32, #tpu.memory_space<hbm>>
    tpu.enqueue_dma source(%dma_start3A_196 : memref<16x512xf32, #tpu.memory_space<hbm>>) target(%dma_start3A_193 : memref<16x512xf32, #tpu.memory_space<vmem>>) target_semaphore(%arg9 : memref<!tpu.dma_semaphore, #tpu.memory_space<semaphore_mem>>)
    %dma_start3A_197 = arith.constant 1 : i32
    %dma_start3A_198 = arith.constant 0 : i32
    %dma_start3A_199 = arith.constant 0 : i32
    %dma_start3A_200 = tpu.memref_slice %arg6[%dma_start3A_197, %dma_start3A_198, %dma_start3A_199] : memref<2x16x512xf32, #tpu.memory_space<vmem>> -> memref<1x16x512xf32, #tpu.memory_space<vmem>>
    %dma_start3A_201 = tpu.memref_squeeze %dma_start3A_200 : memref<1x16x512xf32, #tpu.memory_space<vmem>> -> memref<16x512xf32, #tpu.memory_space<vmem>>
    %dma_start3A_202 = arith.constant 0 : i32
    %dma_start3A_203 = tpu.memref_slice %arg3[%select_n3A_163, %mul3A_181, %dma_start3A_202] : memref<8x512x512xf32, #tpu.memory_space<hbm>> -> memref<1x16x512xf32, #tpu.memory_space<hbm>>
    %dma_start3A_204 = tpu.memref_squeeze %dma_start3A_203 : memref<1x16x512xf32, #tpu.memory_space<hbm>> -> memref<16x512xf32, #tpu.memory_space<hbm>>
    %dma_start3A_205 = arith.constant 0 : i32
    %dma_start3A_206 = arith.constant 0 : i32
    %dma_start3A_207 = tpu.memref_slice %arg6[%dma_start3A_197, %dma_start3A_205, %dma_start3A_206] : memref<2x16x512xf32, #tpu.memory_space<vmem>> -> memref<1x16x512xf32, #tpu.memory_space<vmem>>
    %dma_start3A_208 = tpu.memref_squeeze %dma_start3A_207 : memref<1x16x512xf32, #tpu.memory_space<vmem>> -> memref<16x512xf32, #tpu.memory_space<vmem>>
    %dma_start3A_209 = arith.constant 0 : i32
    %dma_start3A_210 = tpu.memref_slice %arg3[%select_n3A_163, %mul3A_181, %dma_start3A_209] : memref<8x512x512xf32, #tpu.memory_space<hbm>> -> memref<1x16x512xf32, #tpu.memory_space<hbm>>
    %dma_start3A_211 = tpu.memref_squeeze %dma_start3A_210 : memref<1x16x512xf32, #tpu.memory_space<hbm>> -> memref<16x512xf32, #tpu.memory_space<hbm>>
    tpu.enqueue_dma source(%dma_start3A_211 : memref<16x512xf32, #tpu.memory_space<hbm>>) target(%dma_start3A_208 : memref<16x512xf32, #tpu.memory_space<vmem>>) target_semaphore(%arg9 : memref<!tpu.dma_semaphore, #tpu.memory_space<semaphore_mem>>)
    %scan3A = arith.constant 0 : i32
    %scan3A_212 = arith.constant 0 : i32
    %scan3A_213 = arith.constant 0 : i32
    %scan3A_214 = arith.constant 32 : i32
    %scan3A_215 = arith.addi %scan3A_213, %scan3A_214 : i32
    %scan3A_216 = arith.constant 1 : i32
    %scan3A_217:3 = scf.for %scan3A_474 = %scan3A_213 to %scan3A_215 step %scan3A_216 iter_args(%scan3A_475 = %broadcast_in_dim3A_64, %scan3A_476 = %broadcast_in_dim3A_64, %scan3A_477 = %broadcast_in_dim3A_64) -> (vector<16xf32>, vector<16xf32>, vector<16xf32>)  : i32 {
      %mul3A_478 = arith.constant 16 : i32
      %mul3A_479 = arith.muli %scan3A_474, %mul3A_478 : i32
      %get3A = arith.constant 0 : i32
      %get3A_480 = arith.constant 0 : i32
      %get3A_481 = arith.constant 0 : i32
      %get3A_482 = tpu.memref_slice %arg5[%scan3A, %get3A_480, %get3A_481] : memref<2x16x512xf32, #tpu.memory_space<vmem>> -> memref<1x16x512xf32, #tpu.memory_space<vmem>>
      %get3A_483 = tpu.memref_squeeze %get3A_482 : memref<1x16x512xf32, #tpu.memory_space<vmem>> -> memref<16x512xf32, #tpu.memory_space<vmem>>
      %get3A_484 = arith.index_cast %get3A : i32 to index
      %get3A_485 = arith.index_cast %mul3A_479 : i32 to index
      %get3A_486 = tpu.vector_load %get3A_483[%get3A_484, %get3A_485] {strides = array<i32>} : memref<16x512xf32, #tpu.memory_space<vmem>>, vector<1x16xf32>,
      %get3A_487 = vector.shape_cast %get3A_486 : vector<1x16xf32> to vector<16xf32>
      %get3A_488 = arith.constant 0 : i32
      %get3A_489 = arith.constant 0 : i32
      %get3A_490 = arith.constant 0 : i32
      %get3A_491 = tpu.memref_slice %arg6[%scan3A_212, %get3A_489, %get3A_490] : memref<2x16x512xf32, #tpu.memory_space<vmem>> -> memref<1x16x512xf32, #tpu.memory_space<vmem>>
      %get3A_492 = tpu.memref_squeeze %get3A_491 : memref<1x16x512xf32, #tpu.memory_space<vmem>> -> memref<16x512xf32, #tpu.memory_space<vmem>>
      %get3A_493 = arith.index_cast %get3A_488 : i32 to index
      %get3A_494 = arith.index_cast %mul3A_479 : i32 to index
      %get3A_495 = tpu.vector_load %get3A_492[%get3A_493, %get3A_494] {strides = array<i32>} : memref<16x512xf32, #tpu.memory_space<vmem>>, vector<1x16xf32>,
      %get3A_496 = vector.shape_cast %get3A_495 : vector<1x16xf32> to vector<16xf32>
      %abs3A = math.absf %get3A_487 : vector<16xf32>
      %neg3A = arith.constant 0.000000e+00 : f32
      %neg3A_497 = vector.broadcast %neg3A : f32 to vector<16xf32>
      %neg3A_498 = arith.subf %neg3A_497, %abs3A : vector<16xf32>
      %exp3A = math.exp %neg3A_498 : vector<16xf32>
      %broadcast_in_dim3A_499 = arith.constant -0.0732374042 : f32
      %broadcast_in_dim3A_500 = vector.broadcast %broadcast_in_dim3A_499 : f32 to vector<16xf32>
      %mul3A_501 = arith.mulf %broadcast_in_dim3A_500, %exp3A : vector<16xf32>
      %add3A_502 = arith.constant 0.252318591 : f32
      %add3A_503 = vector.broadcast %add3A_502 : f32 to vector<16xf32>
      %add3A_504 = arith.addf %mul3A_501, %add3A_503 : vector<16xf32>
      %mul3A_505 = arith.mulf %add3A_504, %exp3A : vector<16xf32>
      %add3A_506 = arith.constant -0.48574236 : f32
      %add3A_507 = vector.broadcast %add3A_506 : f32 to vector<16xf32>
      %add3A_508 = arith.addf %mul3A_505, %add3A_507 : vector<16xf32>
      %mul3A_509 = arith.mulf %add3A_508, %exp3A : vector<16xf32>
      %add3A_510 = arith.constant 0.999565362 : f32
      %add3A_511 = vector.broadcast %add3A_510 : f32 to vector<16xf32>
      %add3A_512 = arith.addf %mul3A_509, %add3A_511 : vector<16xf32>
      %mul3A_513 = arith.mulf %exp3A, %add3A_512 : vector<16xf32>
      %max3A = arith.constant 0.000000e+00 : f32
      %max3A_514 = vector.broadcast %max3A : f32 to vector<16xf32>
      %max3A_515 = arith.maximumf %get3A_487, %max3A_514 : vector<16xf32>
      %add3A_516 = arith.addf %mul3A_513, %max3A_515 : vector<16xf32>
      %mul3A_517 = arith.mulf %get3A_487, %get3A_496 : vector<16xf32>
      %sub3A_518 = arith.subf %add3A_516, %mul3A_517 : vector<16xf32>
      %add3A_519 = arith.addf %scan3A_475, %sub3A_518 : vector<16xf32>
      %mul3A_520 = arith.mulf %sub3A_518, %get3A_496 : vector<16xf32>
      %add3A_521 = arith.addf %scan3A_476, %mul3A_520 : vector<16xf32>
      %add3A_522 = arith.addf %scan3A_477, %get3A_496 : vector<16xf32>
      %get3A_523 = arith.constant 1 : i32
      %get3A_524 = arith.constant 0 : i32
      %get3A_525 = arith.constant 0 : i32
      %get3A_526 = tpu.memref_slice %arg5[%scan3A, %get3A_524, %get3A_525] : memref<2x16x512xf32, #tpu.memory_space<vmem>> -> memref<1x16x512xf32, #tpu.memory_space<vmem>>
      %get3A_527 = tpu.memref_squeeze %get3A_526 : memref<1x16x512xf32, #tpu.memory_space<vmem>> -> memref<16x512xf32, #tpu.memory_space<vmem>>
      %get3A_528 = arith.index_cast %get3A_523 : i32 to index
      %get3A_529 = arith.index_cast %mul3A_479 : i32 to index
      %get3A_530 = tpu.vector_load %get3A_527[%get3A_528, %get3A_529] {strides = array<i32>} : memref<16x512xf32, #tpu.memory_space<vmem>>, vector<1x16xf32>,
      %get3A_531 = vector.shape_cast %get3A_530 : vector<1x16xf32> to vector<16xf32>
      %get3A_532 = arith.constant 1 : i32
      %get3A_533 = arith.constant 0 : i32
      %get3A_534 = arith.constant 0 : i32
      %get3A_535 = tpu.memref_slice %arg6[%scan3A_212, %get3A_533, %get3A_534] : memref<2x16x512xf32, #tpu.memory_space<vmem>> -> memref<1x16x512xf32, #tpu.memory_space<vmem>>
      %get3A_536 = tpu.memref_squeeze %get3A_535 : memref<1x16x512xf32, #tpu.memory_space<vmem>> -> memref<16x512xf32, #tpu.memory_space<vmem>>
      %get3A_537 = arith.index_cast %get3A_532 : i32 to index
      %get3A_538 = arith.index_cast %mul3A_479 : i32 to index
      %get3A_539 = tpu.vector_load %get3A_536[%get3A_537, %get3A_538] {strides = array<i32>} : memref<16x512xf32, #tpu.memory_space<vmem>>, vector<1x16xf32>,
      %get3A_540 = vector.shape_cast %get3A_539 : vector<1x16xf32> to vector<16xf32>
      %abs3A_541 = math.absf %get3A_531 : vector<16xf32>
      %neg3A_542 = arith.constant 0.000000e+00 : f32
      %neg3A_543 = vector.broadcast %neg3A_542 : f32 to vector<16xf32>
      %neg3A_544 = arith.subf %neg3A_543, %abs3A_541 : vector<16xf32>
      %exp3A_545 = math.exp %neg3A_544 : vector<16xf32>
      %broadcast_in_dim3A_546 = arith.constant -0.0732374042 : f32
      %broadcast_in_dim3A_547 = vector.broadcast %broadcast_in_dim3A_546 : f32 to vector<16xf32>
      %mul3A_548 = arith.mulf %broadcast_in_dim3A_547, %exp3A_545 : vector<16xf32>
      %add3A_549 = arith.constant 0.252318591 : f32
      %add3A_550 = vector.broadcast %add3A_549 : f32 to vector<16xf32>
      %add3A_551 = arith.addf %mul3A_548, %add3A_550 : vector<16xf32>
      %mul3A_552 = arith.mulf %add3A_551, %exp3A_545 : vector<16xf32>
      %add3A_553 = arith.constant -0.48574236 : f32
      %add3A_554 = vector.broadcast %add3A_553 : f32 to vector<16xf32>
      %add3A_555 = arith.addf %mul3A_552, %add3A_554 : vector<16xf32>
      %mul3A_556 = arith.mulf %add3A_555, %exp3A_545 : vector<16xf32>
      %add3A_557 = arith.constant 0.999565362 : f32
      %add3A_558 = vector.broadcast %add3A_557 : f32 to vector<16xf32>
      %add3A_559 = arith.addf %mul3A_556, %add3A_558 : vector<16xf32>
      %mul3A_560 = arith.mulf %exp3A_545, %add3A_559 : vector<16xf32>
      %max3A_561 = arith.constant 0.000000e+00 : f32
      %max3A_562 = vector.broadcast %max3A_561 : f32 to vector<16xf32>
      %max3A_563 = arith.maximumf %get3A_531, %max3A_562 : vector<16xf32>
      %add3A_564 = arith.addf %mul3A_560, %max3A_563 : vector<16xf32>
      %mul3A_565 = arith.mulf %get3A_531, %get3A_540 : vector<16xf32>
      %sub3A_566 = arith.subf %add3A_564, %mul3A_565 : vector<16xf32>
      %add3A_567 = arith.addf %add3A_519, %sub3A_566 : vector<16xf32>
      %mul3A_568 = arith.mulf %sub3A_566, %get3A_540 : vector<16xf32>
      %add3A_569 = arith.addf %add3A_521, %mul3A_568 : vector<16xf32>
      %add3A_570 = arith.addf %add3A_522, %get3A_540 : vector<16xf32>
      %get3A_571 = arith.constant 2 : i32
      %get3A_572 = arith.constant 0 : i32
      %get3A_573 = arith.constant 0 : i32
      %get3A_574 = tpu.memref_slice %arg5[%scan3A, %get3A_572, %get3A_573] : memref<2x16x512xf32, #tpu.memory_space<vmem>> -> memref<1x16x512xf32, #tpu.memory_space<vmem>>
      %get3A_575 = tpu.memref_squeeze %get3A_574 : memref<1x16x512xf32, #tpu.memory_space<vmem>> -> memref<16x512xf32, #tpu.memory_space<vmem>>
      %get3A_576 = arith.index_cast %get3A_571 : i32 to index
      %get3A_577 = arith.index_cast %mul3A_479 : i32 to index
      %get3A_578 = tpu.vector_load %get3A_575[%get3A_576, %get3A_577] {strides = array<i32>} : memref<16x512xf32, #tpu.memory_space<vmem>>, vector<1x16xf32>,
      %get3A_579 = vector.shape_cast %get3A_578 : vector<1x16xf32> to vector<16xf32>
      %get3A_580 = arith.constant 2 : i32
      %get3A_581 = arith.constant 0 : i32
      %get3A_582 = arith.constant 0 : i32
      %get3A_583 = tpu.memref_slice %arg6[%scan3A_212, %get3A_581, %get3A_582] : memref<2x16x512xf32, #tpu.memory_space<vmem>> -> memref<1x16x512xf32, #tpu.memory_space<vmem>>
      %get3A_584 = tpu.memref_squeeze %get3A_583 : memref<1x16x512xf32, #tpu.memory_space<vmem>> -> memref<16x512xf32, #tpu.memory_space<vmem>>
      %get3A_585 = arith.index_cast %get3A_580 : i32 to index
      %get3A_586 = arith.index_cast %mul3A_479 : i32 to index
      %get3A_587 = tpu.vector_load %get3A_584[%get3A_585, %get3A_586] {strides = array<i32>} : memref<16x512xf32, #tpu.memory_space<vmem>>, vector<1x16xf32>,
      %get3A_588 = vector.shape_cast %get3A_587 : vector<1x16xf32> to vector<16xf32>
      %abs3A_589 = math.absf %get3A_579 : vector<16xf32>
      %neg3A_590 = arith.constant 0.000000e+00 : f32
      %neg3A_591 = vector.broadcast %neg3A_590 : f32 to vector<16xf32>
      %neg3A_592 = arith.subf %neg3A_591, %abs3A_589 : vector<16xf32>
      %exp3A_593 = math.exp %neg3A_592 : vector<16xf32>
      %broadcast_in_dim3A_594 = arith.constant -0.0732374042 : f32
      %broadcast_in_dim3A_595 = vector.broadcast %broadcast_in_dim3A_594 : f32 to vector<16xf32>
      %mul3A_596 = arith.mulf %broadcast_in_dim3A_595, %exp3A_593 : vector<16xf32>
      %add3A_597 = arith.constant 0.252318591 : f32
      %add3A_598 = vector.broadcast %add3A_597 : f32 to vector<16xf32>
      %add3A_599 = arith.addf %mul3A_596, %add3A_598 : vector<16xf32>
      %mul3A_600 = arith.mulf %add3A_599, %exp3A_593 : vector<16xf32>
      %add3A_601 = arith.constant -0.48574236 : f32
      %add3A_602 = vector.broadcast %add3A_601 : f32 to vector<16xf32>
      %add3A_603 = arith.addf %mul3A_600, %add3A_602 : vector<16xf32>
      %mul3A_604 = arith.mulf %add3A_603, %exp3A_593 : vector<16xf32>
      %add3A_605 = arith.constant 0.999565362 : f32
      %add3A_606 = vector.broadcast %add3A_605 : f32 to vector<16xf32>
      %add3A_607 = arith.addf %mul3A_604, %add3A_606 : vector<16xf32>
      %mul3A_608 = arith.mulf %exp3A_593, %add3A_607 : vector<16xf32>
      %max3A_609 = arith.constant 0.000000e+00 : f32
      %max3A_610 = vector.broadcast %max3A_609 : f32 to vector<16xf32>
      %max3A_611 = arith.maximumf %get3A_579, %max3A_610 : vector<16xf32>
      %add3A_612 = arith.addf %mul3A_608, %max3A_611 : vector<16xf32>
      %mul3A_613 = arith.mulf %get3A_579, %get3A_588 : vector<16xf32>
      %sub3A_614 = arith.subf %add3A_612, %mul3A_613 : vector<16xf32>
      %add3A_615 = arith.addf %add3A_567, %sub3A_614 : vector<16xf32>
      %mul3A_616 = arith.mulf %sub3A_614, %get3A_588 : vector<16xf32>
      %add3A_617 = arith.addf %add3A_569, %mul3A_616 : vector<16xf32>
      %add3A_618 = arith.addf %add3A_570, %get3A_588 : vector<16xf32>
      %get3A_619 = arith.constant 3 : i32
      %get3A_620 = arith.constant 0 : i32
      %get3A_621 = arith.constant 0 : i32
      %get3A_622 = tpu.memref_slice %arg5[%scan3A, %get3A_620, %get3A_621] : memref<2x16x512xf32, #tpu.memory_space<vmem>> -> memref<1x16x512xf32, #tpu.memory_space<vmem>>
      %get3A_623 = tpu.memref_squeeze %get3A_622 : memref<1x16x512xf32, #tpu.memory_space<vmem>> -> memref<16x512xf32, #tpu.memory_space<vmem>>
      %get3A_624 = arith.index_cast %get3A_619 : i32 to index
      %get3A_625 = arith.index_cast %mul3A_479 : i32 to index
      %get3A_626 = tpu.vector_load %get3A_623[%get3A_624, %get3A_625] {strides = array<i32>} : memref<16x512xf32, #tpu.memory_space<vmem>>, vector<1x16xf32>,
      %get3A_627 = vector.shape_cast %get3A_626 : vector<1x16xf32> to vector<16xf32>
      %get3A_628 = arith.constant 3 : i32
      %get3A_629 = arith.constant 0 : i32
      %get3A_630 = arith.constant 0 : i32
      %get3A_631 = tpu.memref_slice %arg6[%scan3A_212, %get3A_629, %get3A_630] : memref<2x16x512xf32, #tpu.memory_space<vmem>> -> memref<1x16x512xf32, #tpu.memory_space<vmem>>
      %get3A_632 = tpu.memref_squeeze %get3A_631 : memref<1x16x512xf32, #tpu.memory_space<vmem>> -> memref<16x512xf32, #tpu.memory_space<vmem>>
      %get3A_633 = arith.index_cast %get3A_628 : i32 to index
      %get3A_634 = arith.index_cast %mul3A_479 : i32 to index
      %get3A_635 = tpu.vector_load %get3A_632[%get3A_633, %get3A_634] {strides = array<i32>} : memref<16x512xf32, #tpu.memory_space<vmem>>, vector<1x16xf32>,
      %get3A_636 = vector.shape_cast %get3A_635 : vector<1x16xf32> to vector<16xf32>
      %abs3A_637 = math.absf %get3A_627 : vector<16xf32>
      %neg3A_638 = arith.constant 0.000000e+00 : f32
      %neg3A_639 = vector.broadcast %neg3A_638 : f32 to vector<16xf32>
      %neg3A_640 = arith.subf %neg3A_639, %abs3A_637 : vector<16xf32>
      %exp3A_641 = math.exp %neg3A_640 : vector<16xf32>
      %broadcast_in_dim3A_642 = arith.constant -0.0732374042 : f32
      %broadcast_in_dim3A_643 = vector.broadcast %broadcast_in_dim3A_642 : f32 to vector<16xf32>
      %mul3A_644 = arith.mulf %broadcast_in_dim3A_643, %exp3A_641 : vector<16xf32>
      %add3A_645 = arith.constant 0.252318591 : f32
      %add3A_646 = vector.broadcast %add3A_645 : f32 to vector<16xf32>
      %add3A_647 = arith.addf %mul3A_644, %add3A_646 : vector<16xf32>
      %mul3A_648 = arith.mulf %add3A_647, %exp3A_641 : vector<16xf32>
      %add3A_649 = arith.constant -0.48574236 : f32
      %add3A_650 = vector.broadcast %add3A_649 : f32 to vector<16xf32>
      %add3A_651 = arith.addf %mul3A_648, %add3A_650 : vector<16xf32>
      %mul3A_652 = arith.mulf %add3A_651, %exp3A_641 : vector<16xf32>
      %add3A_653 = arith.constant 0.999565362 : f32
      %add3A_654 = vector.broadcast %add3A_653 : f32 to vector<16xf32>
      %add3A_655 = arith.addf %mul3A_652, %add3A_654 : vector<16xf32>
      %mul3A_656 = arith.mulf %exp3A_641, %add3A_655 : vector<16xf32>
      %max3A_657 = arith.constant 0.000000e+00 : f32
      %max3A_658 = vector.broadcast %max3A_657 : f32 to vector<16xf32>
      %max3A_659 = arith.maximumf %get3A_627, %max3A_658 : vector<16xf32>
      %add3A_660 = arith.addf %mul3A_656, %max3A_659 : vector<16xf32>
      %mul3A_661 = arith.mulf %get3A_627, %get3A_636 : vector<16xf32>
      %sub3A_662 = arith.subf %add3A_660, %mul3A_661 : vector<16xf32>
      %add3A_663 = arith.addf %add3A_615, %sub3A_662 : vector<16xf32>
      %mul3A_664 = arith.mulf %sub3A_662, %get3A_636 : vector<16xf32>
      %add3A_665 = arith.addf %add3A_617, %mul3A_664 : vector<16xf32>
      %add3A_666 = arith.addf %add3A_618, %get3A_636 : vector<16xf32>
      %get3A_667 = arith.constant 4 : i32
      %get3A_668 = arith.constant 0 : i32
      %get3A_669 = arith.constant 0 : i32
      %get3A_670 = tpu.memref_slice %arg5[%scan3A, %get3A_668, %get3A_669] : memref<2x16x512xf32, #tpu.memory_space<vmem>> -> memref<1x16x512xf32, #tpu.memory_space<vmem>>
      %get3A_671 = tpu.memref_squeeze %get3A_670 : memref<1x16x512xf32, #tpu.memory_space<vmem>> -> memref<16x512xf32, #tpu.memory_space<vmem>>
      %get3A_672 = arith.index_cast %get3A_667 : i32 to index
      %get3A_673 = arith.index_cast %mul3A_479 : i32 to index
      %get3A_674 = tpu.vector_load %get3A_671[%get3A_672, %get3A_673] {strides = array<i32>} : memref<16x512xf32, #tpu.memory_space<vmem>>, vector<1x16xf32>,
      %get3A_675 = vector.shape_cast %get3A_674 : vector<1x16xf32> to vector<16xf32>
      %get3A_676 = arith.constant 4 : i32
      %get3A_677 = arith.constant 0 : i32
      %get3A_678 = arith.constant 0 : i32
      %get3A_679 = tpu.memref_slice %arg6[%scan3A_212, %get3A_677, %get3A_678] : memref<2x16x512xf32, #tpu.memory_space<vmem>> -> memref<1x16x512xf32, #tpu.memory_space<vmem>>
      %get3A_680 = tpu.memref_squeeze %get3A_679 : memref<1x16x512xf32, #tpu.memory_space<vmem>> -> memref<16x512xf32, #tpu.memory_space<vmem>>
      %get3A_681 = arith.index_cast %get3A_676 : i32 to index
      %get3A_682 = arith.index_cast %mul3A_479 : i32 to index
      %get3A_683 = tpu.vector_load %get3A_680[%get3A_681, %get3A_682] {strides = array<i32>} : memref<16x512xf32, #tpu.memory_space<vmem>>, vector<1x16xf32>,
      %get3A_684 = vector.shape_cast %get3A_683 : vector<1x16xf32> to vector<16xf32>
      %abs3A_685 = math.absf %get3A_675 : vector<16xf32>
      %neg3A_686 = arith.constant 0.000000e+00 : f32
      %neg3A_687 = vector.broadcast %neg3A_686 : f32 to vector<16xf32>
      %neg3A_688 = arith.subf %neg3A_687, %abs3A_685 : vector<16xf32>
      %exp3A_689 = math.exp %neg3A_688 : vector<16xf32>
      %broadcast_in_dim3A_690 = arith.constant -0.0732374042 : f32
      %broadcast_in_dim3A_691 = vector.broadcast %broadcast_in_dim3A_690 : f32 to vector<16xf32>
      %mul3A_692 = arith.mulf %broadcast_in_dim3A_691, %exp3A_689 : vector<16xf32>
      %add3A_693 = arith.constant 0.252318591 : f32
      %add3A_694 = vector.broadcast %add3A_693 : f32 to vector<16xf32>
      %add3A_695 = arith.addf %mul3A_692, %add3A_694 : vector<16xf32>
      %mul3A_696 = arith.mulf %add3A_695, %exp3A_689 : vector<16xf32>
      %add3A_697 = arith.constant -0.48574236 : f32
      %add3A_698 = vector.broadcast %add3A_697 : f32 to vector<16xf32>
      %add3A_699 = arith.addf %mul3A_696, %add3A_698 : vector<16xf32>
      %mul3A_700 = arith.mulf %add3A_699, %exp3A_689 : vector<16xf32>
      %add3A_701 = arith.constant 0.999565362 : f32
      %add3A_702 = vector.broadcast %add3A_701 : f32 to vector<16xf32>
      %add3A_703 = arith.addf %mul3A_700, %add3A_702 : vector<16xf32>
      %mul3A_704 = arith.mulf %exp3A_689, %add3A_703 : vector<16xf32>
      %max3A_705 = arith.constant 0.000000e+00 : f32
      %max3A_706 = vector.broadcast %max3A_705 : f32 to vector<16xf32>
      %max3A_707 = arith.maximumf %get3A_675, %max3A_706 : vector<16xf32>
      %add3A_708 = arith.addf %mul3A_704, %max3A_707 : vector<16xf32>
      %mul3A_709 = arith.mulf %get3A_675, %get3A_684 : vector<16xf32>
      %sub3A_710 = arith.subf %add3A_708, %mul3A_709 : vector<16xf32>
      %add3A_711 = arith.addf %add3A_663, %sub3A_710 : vector<16xf32>
      %mul3A_712 = arith.mulf %sub3A_710, %get3A_684 : vector<16xf32>
      %add3A_713 = arith.addf %add3A_665, %mul3A_712 : vector<16xf32>
      %add3A_714 = arith.addf %add3A_666, %get3A_684 : vector<16xf32>
      %get3A_715 = arith.constant 5 : i32
      %get3A_716 = arith.constant 0 : i32
      %get3A_717 = arith.constant 0 : i32
      %get3A_718 = tpu.memref_slice %arg5[%scan3A, %get3A_716, %get3A_717] : memref<2x16x512xf32, #tpu.memory_space<vmem>> -> memref<1x16x512xf32, #tpu.memory_space<vmem>>
      %get3A_719 = tpu.memref_squeeze %get3A_718 : memref<1x16x512xf32, #tpu.memory_space<vmem>> -> memref<16x512xf32, #tpu.memory_space<vmem>>
      %get3A_720 = arith.index_cast %get3A_715 : i32 to index
      %get3A_721 = arith.index_cast %mul3A_479 : i32 to index
      %get3A_722 = tpu.vector_load %get3A_719[%get3A_720, %get3A_721] {strides = array<i32>} : memref<16x512xf32, #tpu.memory_space<vmem>>, vector<1x16xf32>,
      %get3A_723 = vector.shape_cast %get3A_722 : vector<1x16xf32> to vector<16xf32>
      %get3A_724 = arith.constant 5 : i32
      %get3A_725 = arith.constant 0 : i32
      %get3A_726 = arith.constant 0 : i32
      %get3A_727 = tpu.memref_slice %arg6[%scan3A_212, %get3A_725, %get3A_726] : memref<2x16x512xf32, #tpu.memory_space<vmem>> -> memref<1x16x512xf32, #tpu.memory_space<vmem>>
      %get3A_728 = tpu.memref_squeeze %get3A_727 : memref<1x16x512xf32, #tpu.memory_space<vmem>> -> memref<16x512xf32, #tpu.memory_space<vmem>>
      %get3A_729 = arith.index_cast %get3A_724 : i32 to index
      %get3A_730 = arith.index_cast %mul3A_479 : i32 to index
      %get3A_731 = tpu.vector_load %get3A_728[%get3A_729, %get3A_730] {strides = array<i32>} : memref<16x512xf32, #tpu.memory_space<vmem>>, vector<1x16xf32>,
      %get3A_732 = vector.shape_cast %get3A_731 : vector<1x16xf32> to vector<16xf32>
      %abs3A_733 = math.absf %get3A_723 : vector<16xf32>
      %neg3A_734 = arith.constant 0.000000e+00 : f32
      %neg3A_735 = vector.broadcast %neg3A_734 : f32 to vector<16xf32>
      %neg3A_736 = arith.subf %neg3A_735, %abs3A_733 : vector<16xf32>
      %exp3A_737 = math.exp %neg3A_736 : vector<16xf32>
      %broadcast_in_dim3A_738 = arith.constant -0.0732374042 : f32
      %broadcast_in_dim3A_739 = vector.broadcast %broadcast_in_dim3A_738 : f32 to vector<16xf32>
      %mul3A_740 = arith.mulf %broadcast_in_dim3A_739, %exp3A_737 : vector<16xf32>
      %add3A_741 = arith.constant 0.252318591 : f32
      %add3A_742 = vector.broadcast %add3A_741 : f32 to vector<16xf32>
      %add3A_743 = arith.addf %mul3A_740, %add3A_742 : vector<16xf32>
      %mul3A_744 = arith.mulf %add3A_743, %exp3A_737 : vector<16xf32>
      %add3A_745 = arith.constant -0.48574236 : f32
      %add3A_746 = vector.broadcast %add3A_745 : f32 to vector<16xf32>
      %add3A_747 = arith.addf %mul3A_744, %add3A_746 : vector<16xf32>
      %mul3A_748 = arith.mulf %add3A_747, %exp3A_737 : vector<16xf32>
      %add3A_749 = arith.constant 0.999565362 : f32
      %add3A_750 = vector.broadcast %add3A_749 : f32 to vector<16xf32>
      %add3A_751 = arith.addf %mul3A_748, %add3A_750 : vector<16xf32>
      %mul3A_752 = arith.mulf %exp3A_737, %add3A_751 : vector<16xf32>
      %max3A_753 = arith.constant 0.000000e+00 : f32
      %max3A_754 = vector.broadcast %max3A_753 : f32 to vector<16xf32>
      %max3A_755 = arith.maximumf %get3A_723, %max3A_754 : vector<16xf32>
      %add3A_756 = arith.addf %mul3A_752, %max3A_755 : vector<16xf32>
      %mul3A_757 = arith.mulf %get3A_723, %get3A_732 : vector<16xf32>
      %sub3A_758 = arith.subf %add3A_756, %mul3A_757 : vector<16xf32>
      %add3A_759 = arith.addf %add3A_711, %sub3A_758 : vector<16xf32>
      %mul3A_760 = arith.mulf %sub3A_758, %get3A_732 : vector<16xf32>
      %add3A_761 = arith.addf %add3A_713, %mul3A_760 : vector<16xf32>
      %add3A_762 = arith.addf %add3A_714, %get3A_732 : vector<16xf32>
      %get3A_763 = arith.constant 6 : i32
      %get3A_764 = arith.constant 0 : i32
      %get3A_765 = arith.constant 0 : i32
      %get3A_766 = tpu.memref_slice %arg5[%scan3A, %get3A_764, %get3A_765] : memref<2x16x512xf32, #tpu.memory_space<vmem>> -> memref<1x16x512xf32, #tpu.memory_space<vmem>>
      %get3A_767 = tpu.memref_squeeze %get3A_766 : memref<1x16x512xf32, #tpu.memory_space<vmem>> -> memref<16x512xf32, #tpu.memory_space<vmem>>
      %get3A_768 = arith.index_cast %get3A_763 : i32 to index
      %get3A_769 = arith.index_cast %mul3A_479 : i32 to index
      %get3A_770 = tpu.vector_load %get3A_767[%get3A_768, %get3A_769] {strides = array<i32>} : memref<16x512xf32, #tpu.memory_space<vmem>>, vector<1x16xf32>,
      %get3A_771 = vector.shape_cast %get3A_770 : vector<1x16xf32> to vector<16xf32>
      %get3A_772 = arith.constant 6 : i32
      %get3A_773 = arith.constant 0 : i32
      %get3A_774 = arith.constant 0 : i32
      %get3A_775 = tpu.memref_slice %arg6[%scan3A_212, %get3A_773, %get3A_774] : memref<2x16x512xf32, #tpu.memory_space<vmem>> -> memref<1x16x512xf32, #tpu.memory_space<vmem>>
      %get3A_776 = tpu.memref_squeeze %get3A_775 : memref<1x16x512xf32, #tpu.memory_space<vmem>> -> memref<16x512xf32, #tpu.memory_space<vmem>>
      %get3A_777 = arith.index_cast %get3A_772 : i32 to index
      %get3A_778 = arith.index_cast %mul3A_479 : i32 to index
      %get3A_779 = tpu.vector_load %get3A_776[%get3A_777, %get3A_778] {strides = array<i32>} : memref<16x512xf32, #tpu.memory_space<vmem>>, vector<1x16xf32>,
      %get3A_780 = vector.shape_cast %get3A_779 : vector<1x16xf32> to vector<16xf32>
      %abs3A_781 = math.absf %get3A_771 : vector<16xf32>
      %neg3A_782 = arith.constant 0.000000e+00 : f32
      %neg3A_783 = vector.broadcast %neg3A_782 : f32 to vector<16xf32>
      %neg3A_784 = arith.subf %neg3A_783, %abs3A_781 : vector<16xf32>
      %exp3A_785 = math.exp %neg3A_784 : vector<16xf32>
      %broadcast_in_dim3A_786 = arith.constant -0.0732374042 : f32
      %broadcast_in_dim3A_787 = vector.broadcast %broadcast_in_dim3A_786 : f32 to vector<16xf32>
      %mul3A_788 = arith.mulf %broadcast_in_dim3A_787, %exp3A_785 : vector<16xf32>
      %add3A_789 = arith.constant 0.252318591 : f32
      %add3A_790 = vector.broadcast %add3A_789 : f32 to vector<16xf32>
      %add3A_791 = arith.addf %mul3A_788, %add3A_790 : vector<16xf32>
      %mul3A_792 = arith.mulf %add3A_791, %exp3A_785 : vector<16xf32>
      %add3A_793 = arith.constant -0.48574236 : f32
      %add3A_794 = vector.broadcast %add3A_793 : f32 to vector<16xf32>
      %add3A_795 = arith.addf %mul3A_792, %add3A_794 : vector<16xf32>
      %mul3A_796 = arith.mulf %add3A_795, %exp3A_785 : vector<16xf32>
      %add3A_797 = arith.constant 0.999565362 : f32
      %add3A_798 = vector.broadcast %add3A_797 : f32 to vector<16xf32>
      %add3A_799 = arith.addf %mul3A_796, %add3A_798 : vector<16xf32>
      %mul3A_800 = arith.mulf %exp3A_785, %add3A_799 : vector<16xf32>
      %max3A_801 = arith.constant 0.000000e+00 : f32
      %max3A_802 = vector.broadcast %max3A_801 : f32 to vector<16xf32>
      %max3A_803 = arith.maximumf %get3A_771, %max3A_802 : vector<16xf32>
      %add3A_804 = arith.addf %mul3A_800, %max3A_803 : vector<16xf32>
      %mul3A_805 = arith.mulf %get3A_771, %get3A_780 : vector<16xf32>
      %sub3A_806 = arith.subf %add3A_804, %mul3A_805 : vector<16xf32>
      %add3A_807 = arith.addf %add3A_759, %sub3A_806 : vector<16xf32>
      %mul3A_808 = arith.mulf %sub3A_806, %get3A_780 : vector<16xf32>
      %add3A_809 = arith.addf %add3A_761, %mul3A_808 : vector<16xf32>
      %add3A_810 = arith.addf %add3A_762, %get3A_780 : vector<16xf32>
      %get3A_811 = arith.constant 7 : i32
      %get3A_812 = arith.constant 0 : i32
      %get3A_813 = arith.constant 0 : i32
      %get3A_814 = tpu.memref_slice %arg5[%scan3A, %get3A_812, %get3A_813] : memref<2x16x512xf32, #tpu.memory_space<vmem>> -> memref<1x16x512xf32, #tpu.memory_space<vmem>>
      %get3A_815 = tpu.memref_squeeze %get3A_814 : memref<1x16x512xf32, #tpu.memory_space<vmem>> -> memref<16x512xf32, #tpu.memory_space<vmem>>
      %get3A_816 = arith.index_cast %get3A_811 : i32 to index
      %get3A_817 = arith.index_cast %mul3A_479 : i32 to index
      %get3A_818 = tpu.vector_load %get3A_815[%get3A_816, %get3A_817] {strides = array<i32>} : memref<16x512xf32, #tpu.memory_space<vmem>>, vector<1x16xf32>,
      %get3A_819 = vector.shape_cast %get3A_818 : vector<1x16xf32> to vector<16xf32>
      %get3A_820 = arith.constant 7 : i32
      %get3A_821 = arith.constant 0 : i32
      %get3A_822 = arith.constant 0 : i32
      %get3A_823 = tpu.memref_slice %arg6[%scan3A_212, %get3A_821, %get3A_822] : memref<2x16x512xf32, #tpu.memory_space<vmem>> -> memref<1x16x512xf32, #tpu.memory_space<vmem>>
      %get3A_824 = tpu.memref_squeeze %get3A_823 : memref<1x16x512xf32, #tpu.memory_space<vmem>> -> memref<16x512xf32, #tpu.memory_space<vmem>>
      %get3A_825 = arith.index_cast %get3A_820 : i32 to index
      %get3A_826 = arith.index_cast %mul3A_479 : i32 to index
      %get3A_827 = tpu.vector_load %get3A_824[%get3A_825, %get3A_826] {strides = array<i32>} : memref<16x512xf32, #tpu.memory_space<vmem>>, vector<1x16xf32>,
      %get3A_828 = vector.shape_cast %get3A_827 : vector<1x16xf32> to vector<16xf32>
      %abs3A_829 = math.absf %get3A_819 : vector<16xf32>
      %neg3A_830 = arith.constant 0.000000e+00 : f32
      %neg3A_831 = vector.broadcast %neg3A_830 : f32 to vector<16xf32>
      %neg3A_832 = arith.subf %neg3A_831, %abs3A_829 : vector<16xf32>
      %exp3A_833 = math.exp %neg3A_832 : vector<16xf32>
      %broadcast_in_dim3A_834 = arith.constant -0.0732374042 : f32
      %broadcast_in_dim3A_835 = vector.broadcast %broadcast_in_dim3A_834 : f32 to vector<16xf32>
      %mul3A_836 = arith.mulf %broadcast_in_dim3A_835, %exp3A_833 : vector<16xf32>
      %add3A_837 = arith.constant 0.252318591 : f32
      %add3A_838 = vector.broadcast %add3A_837 : f32 to vector<16xf32>
      %add3A_839 = arith.addf %mul3A_836, %add3A_838 : vector<16xf32>
      %mul3A_840 = arith.mulf %add3A_839, %exp3A_833 : vector<16xf32>
      %add3A_841 = arith.constant -0.48574236 : f32
      %add3A_842 = vector.broadcast %add3A_841 : f32 to vector<16xf32>
      %add3A_843 = arith.addf %mul3A_840, %add3A_842 : vector<16xf32>
      %mul3A_844 = arith.mulf %add3A_843, %exp3A_833 : vector<16xf32>
      %add3A_845 = arith.constant 0.999565362 : f32
      %add3A_846 = vector.broadcast %add3A_845 : f32 to vector<16xf32>
      %add3A_847 = arith.addf %mul3A_844, %add3A_846 : vector<16xf32>
      %mul3A_848 = arith.mulf %exp3A_833, %add3A_847 : vector<16xf32>
      %max3A_849 = arith.constant 0.000000e+00 : f32
      %max3A_850 = vector.broadcast %max3A_849 : f32 to vector<16xf32>
      %max3A_851 = arith.maximumf %get3A_819, %max3A_850 : vector<16xf32>
      %add3A_852 = arith.addf %mul3A_848, %max3A_851 : vector<16xf32>
      %mul3A_853 = arith.mulf %get3A_819, %get3A_828 : vector<16xf32>
      %sub3A_854 = arith.subf %add3A_852, %mul3A_853 : vector<16xf32>
      %add3A_855 = arith.addf %add3A_807, %sub3A_854 : vector<16xf32>
      %mul3A_856 = arith.mulf %sub3A_854, %get3A_828 : vector<16xf32>
      %add3A_857 = arith.addf %add3A_809, %mul3A_856 : vector<16xf32>
      %add3A_858 = arith.addf %add3A_810, %get3A_828 : vector<16xf32>
      %get3A_859 = arith.constant 8 : i32
      %get3A_860 = arith.constant 0 : i32
      %get3A_861 = arith.constant 0 : i32
      %get3A_862 = tpu.memref_slice %arg5[%scan3A, %get3A_860, %get3A_861] : memref<2x16x512xf32, #tpu.memory_space<vmem>> -> memref<1x16x512xf32, #tpu.memory_space<vmem>>
      %get3A_863 = tpu.memref_squeeze %get3A_862 : memref<1x16x512xf32, #tpu.memory_space<vmem>> -> memref<16x512xf32, #tpu.memory_space<vmem>>
      %get3A_864 = arith.index_cast %get3A_859 : i32 to index
      %get3A_865 = arith.index_cast %mul3A_479 : i32 to index
      %get3A_866 = tpu.vector_load %get3A_863[%get3A_864, %get3A_865] {strides = array<i32>} : memref<16x512xf32, #tpu.memory_space<vmem>>, vector<1x16xf32>,
      %get3A_867 = vector.shape_cast %get3A_866 : vector<1x16xf32> to vector<16xf32>
      %get3A_868 = arith.constant 8 : i32
      %get3A_869 = arith.constant 0 : i32
      %get3A_870 = arith.constant 0 : i32
      %get3A_871 = tpu.memref_slice %arg6[%scan3A_212, %get3A_869, %get3A_870] : memref<2x16x512xf32, #tpu.memory_space<vmem>> -> memref<1x16x512xf32, #tpu.memory_space<vmem>>
      %get3A_872 = tpu.memref_squeeze %get3A_871 : memref<1x16x512xf32, #tpu.memory_space<vmem>> -> memref<16x512xf32, #tpu.memory_space<vmem>>
      %get3A_873 = arith.index_cast %get3A_868 : i32 to index
      %get3A_874 = arith.index_cast %mul3A_479 : i32 to index
      %get3A_875 = tpu.vector_load %get3A_872[%get3A_873, %get3A_874] {strides = array<i32>} : memref<16x512xf32, #tpu.memory_space<vmem>>, vector<1x16xf32>,
      %get3A_876 = vector.shape_cast %get3A_875 : vector<1x16xf32> to vector<16xf32>
      %abs3A_877 = math.absf %get3A_867 : vector<16xf32>
      %neg3A_878 = arith.constant 0.000000e+00 : f32
      %neg3A_879 = vector.broadcast %neg3A_878 : f32 to vector<16xf32>
      %neg3A_880 = arith.subf %neg3A_879, %abs3A_877 : vector<16xf32>
      %exp3A_881 = math.exp %neg3A_880 : vector<16xf32>
      %broadcast_in_dim3A_882 = arith.constant -0.0732374042 : f32
      %broadcast_in_dim3A_883 = vector.broadcast %broadcast_in_dim3A_882 : f32 to vector<16xf32>
      %mul3A_884 = arith.mulf %broadcast_in_dim3A_883, %exp3A_881 : vector<16xf32>
      %add3A_885 = arith.constant 0.252318591 : f32
      %add3A_886 = vector.broadcast %add3A_885 : f32 to vector<16xf32>
      %add3A_887 = arith.addf %mul3A_884, %add3A_886 : vector<16xf32>
      %mul3A_888 = arith.mulf %add3A_887, %exp3A_881 : vector<16xf32>
      %add3A_889 = arith.constant -0.48574236 : f32
      %add3A_890 = vector.broadcast %add3A_889 : f32 to vector<16xf32>
      %add3A_891 = arith.addf %mul3A_888, %add3A_890 : vector<16xf32>
      %mul3A_892 = arith.mulf %add3A_891, %exp3A_881 : vector<16xf32>
      %add3A_893 = arith.constant 0.999565362 : f32
      %add3A_894 = vector.broadcast %add3A_893 : f32 to vector<16xf32>
      %add3A_895 = arith.addf %mul3A_892, %add3A_894 : vector<16xf32>
      %mul3A_896 = arith.mulf %exp3A_881, %add3A_895 : vector<16xf32>
      %max3A_897 = arith.constant 0.000000e+00 : f32
      %max3A_898 = vector.broadcast %max3A_897 : f32 to vector<16xf32>
      %max3A_899 = arith.maximumf %get3A_867, %max3A_898 : vector<16xf32>
      %add3A_900 = arith.addf %mul3A_896, %max3A_899 : vector<16xf32>
      %mul3A_901 = arith.mulf %get3A_867, %get3A_876 : vector<16xf32>
      %sub3A_902 = arith.subf %add3A_900, %mul3A_901 : vector<16xf32>
      %add3A_903 = arith.addf %add3A_855, %sub3A_902 : vector<16xf32>
      %mul3A_904 = arith.mulf %sub3A_902, %get3A_876 : vector<16xf32>
      %add3A_905 = arith.addf %add3A_857, %mul3A_904 : vector<16xf32>
      %add3A_906 = arith.addf %add3A_858, %get3A_876 : vector<16xf32>
      %get3A_907 = arith.constant 9 : i32
      %get3A_908 = arith.constant 0 : i32
      %get3A_909 = arith.constant 0 : i32
      %get3A_910 = tpu.memref_slice %arg5[%scan3A, %get3A_908, %get3A_909] : memref<2x16x512xf32, #tpu.memory_space<vmem>> -> memref<1x16x512xf32, #tpu.memory_space<vmem>>
      %get3A_911 = tpu.memref_squeeze %get3A_910 : memref<1x16x512xf32, #tpu.memory_space<vmem>> -> memref<16x512xf32, #tpu.memory_space<vmem>>
      %get3A_912 = arith.index_cast %get3A_907 : i32 to index
      %get3A_913 = arith.index_cast %mul3A_479 : i32 to index
      %get3A_914 = tpu.vector_load %get3A_911[%get3A_912, %get3A_913] {strides = array<i32>} : memref<16x512xf32, #tpu.memory_space<vmem>>, vector<1x16xf32>,
      %get3A_915 = vector.shape_cast %get3A_914 : vector<1x16xf32> to vector<16xf32>
      %get3A_916 = arith.constant 9 : i32
      %get3A_917 = arith.constant 0 : i32
      %get3A_918 = arith.constant 0 : i32
      %get3A_919 = tpu.memref_slice %arg6[%scan3A_212, %get3A_917, %get3A_918] : memref<2x16x512xf32, #tpu.memory_space<vmem>> -> memref<1x16x512xf32, #tpu.memory_space<vmem>>
      %get3A_920 = tpu.memref_squeeze %get3A_919 : memref<1x16x512xf32, #tpu.memory_space<vmem>> -> memref<16x512xf32, #tpu.memory_space<vmem>>
      %get3A_921 = arith.index_cast %get3A_916 : i32 to index
      %get3A_922 = arith.index_cast %mul3A_479 : i32 to index
      %get3A_923 = tpu.vector_load %get3A_920[%get3A_921, %get3A_922] {strides = array<i32>} : memref<16x512xf32, #tpu.memory_space<vmem>>, vector<1x16xf32>,
      %get3A_924 = vector.shape_cast %get3A_923 : vector<1x16xf32> to vector<16xf32>
      %abs3A_925 = math.absf %get3A_915 : vector<16xf32>
      %neg3A_926 = arith.constant 0.000000e+00 : f32
      %neg3A_927 = vector.broadcast %neg3A_926 : f32 to vector<16xf32>
      %neg3A_928 = arith.subf %neg3A_927, %abs3A_925 : vector<16xf32>
      %exp3A_929 = math.exp %neg3A_928 : vector<16xf32>
      %broadcast_in_dim3A_930 = arith.constant -0.0732374042 : f32
      %broadcast_in_dim3A_931 = vector.broadcast %broadcast_in_dim3A_930 : f32 to vector<16xf32>
      %mul3A_932 = arith.mulf %broadcast_in_dim3A_931, %exp3A_929 : vector<16xf32>
      %add3A_933 = arith.constant 0.252318591 : f32
      %add3A_934 = vector.broadcast %add3A_933 : f32 to vector<16xf32>
      %add3A_935 = arith.addf %mul3A_932, %add3A_934 : vector<16xf32>
      %mul3A_936 = arith.mulf %add3A_935, %exp3A_929 : vector<16xf32>
      %add3A_937 = arith.constant -0.48574236 : f32
      %add3A_938 = vector.broadcast %add3A_937 : f32 to vector<16xf32>
      %add3A_939 = arith.addf %mul3A_936, %add3A_938 : vector<16xf32>
      %mul3A_940 = arith.mulf %add3A_939, %exp3A_929 : vector<16xf32>
      %add3A_941 = arith.constant 0.999565362 : f32
      %add3A_942 = vector.broadcast %add3A_941 : f32 to vector<16xf32>
      %add3A_943 = arith.addf %mul3A_940, %add3A_942 : vector<16xf32>
      %mul3A_944 = arith.mulf %exp3A_929, %add3A_943 : vector<16xf32>
      %max3A_945 = arith.constant 0.000000e+00 : f32
      %max3A_946 = vector.broadcast %max3A_945 : f32 to vector<16xf32>
      %max3A_947 = arith.maximumf %get3A_915, %max3A_946 : vector<16xf32>
      %add3A_948 = arith.addf %mul3A_944, %max3A_947 : vector<16xf32>
      %mul3A_949 = arith.mulf %get3A_915, %get3A_924 : vector<16xf32>
      %sub3A_950 = arith.subf %add3A_948, %mul3A_949 : vector<16xf32>
      %add3A_951 = arith.addf %add3A_903, %sub3A_950 : vector<16xf32>
      %mul3A_952 = arith.mulf %sub3A_950, %get3A_924 : vector<16xf32>
      %add3A_953 = arith.addf %add3A_905, %mul3A_952 : vector<16xf32>
      %add3A_954 = arith.addf %add3A_906, %get3A_924 : vector<16xf32>
      %get3A_955 = arith.constant 10 : i32
      %get3A_956 = arith.constant 0 : i32
      %get3A_957 = arith.constant 0 : i32
      %get3A_958 = tpu.memref_slice %arg5[%scan3A, %get3A_956, %get3A_957] : memref<2x16x512xf32, #tpu.memory_space<vmem>> -> memref<1x16x512xf32, #tpu.memory_space<vmem>>
      %get3A_959 = tpu.memref_squeeze %get3A_958 : memref<1x16x512xf32, #tpu.memory_space<vmem>> -> memref<16x512xf32, #tpu.memory_space<vmem>>
      %get3A_960 = arith.index_cast %get3A_955 : i32 to index
      %get3A_961 = arith.index_cast %mul3A_479 : i32 to index
      %get3A_962 = tpu.vector_load %get3A_959[%get3A_960, %get3A_961] {strides = array<i32>} : memref<16x512xf32, #tpu.memory_space<vmem>>, vector<1x16xf32>,
      %get3A_963 = vector.shape_cast %get3A_962 : vector<1x16xf32> to vector<16xf32>
      %get3A_964 = arith.constant 10 : i32
      %get3A_965 = arith.constant 0 : i32
      %get3A_966 = arith.constant 0 : i32
      %get3A_967 = tpu.memref_slice %arg6[%scan3A_212, %get3A_965, %get3A_966] : memref<2x16x512xf32, #tpu.memory_space<vmem>> -> memref<1x16x512xf32, #tpu.memory_space<vmem>>
      %get3A_968 = tpu.memref_squeeze %get3A_967 : memref<1x16x512xf32, #tpu.memory_space<vmem>> -> memref<16x512xf32, #tpu.memory_space<vmem>>
      %get3A_969 = arith.index_cast %get3A_964 : i32 to index
      %get3A_970 = arith.index_cast %mul3A_479 : i32 to index
      %get3A_971 = tpu.vector_load %get3A_968[%get3A_969, %get3A_970] {strides = array<i32>} : memref<16x512xf32, #tpu.memory_space<vmem>>, vector<1x16xf32>,
      %get3A_972 = vector.shape_cast %get3A_971 : vector<1x16xf32> to vector<16xf32>
      %abs3A_973 = math.absf %get3A_963 : vector<16xf32>
      %neg3A_974 = arith.constant 0.000000e+00 : f32
      %neg3A_975 = vector.broadcast %neg3A_974 : f32 to vector<16xf32>
      %neg3A_976 = arith.subf %neg3A_975, %abs3A_973 : vector<16xf32>
      %exp3A_977 = math.exp %neg3A_976 : vector<16xf32>
      %broadcast_in_dim3A_978 = arith.constant -0.0732374042 : f32
      %broadcast_in_dim3A_979 = vector.broadcast %broadcast_in_dim3A_978 : f32 to vector<16xf32>
      %mul3A_980 = arith.mulf %broadcast_in_dim3A_979, %exp3A_977 : vector<16xf32>
      %add3A_981 = arith.constant 0.252318591 : f32
      %add3A_982 = vector.broadcast %add3A_981 : f32 to vector<16xf32>
      %add3A_983 = arith.addf %mul3A_980, %add3A_982 : vector<16xf32>
      %mul3A_984 = arith.mulf %add3A_983, %exp3A_977 : vector<16xf32>
      %add3A_985 = arith.constant -0.48574236 : f32
      %add3A_986 = vector.broadcast %add3A_985 : f32 to vector<16xf32>
      %add3A_987 = arith.addf %mul3A_984, %add3A_986 : vector<16xf32>
      %mul3A_988 = arith.mulf %add3A_987, %exp3A_977 : vector<16xf32>
      %add3A_989 = arith.constant 0.999565362 : f32
      %add3A_990 = vector.broadcast %add3A_989 : f32 to vector<16xf32>
      %add3A_991 = arith.addf %mul3A_988, %add3A_990 : vector<16xf32>
      %mul3A_992 = arith.mulf %exp3A_977, %add3A_991 : vector<16xf32>
      %max3A_993 = arith.constant 0.000000e+00 : f32
      %max3A_994 = vector.broadcast %max3A_993 : f32 to vector<16xf32>
      %max3A_995 = arith.maximumf %get3A_963, %max3A_994 : vector<16xf32>
      %add3A_996 = arith.addf %mul3A_992, %max3A_995 : vector<16xf32>
      %mul3A_997 = arith.mulf %get3A_963, %get3A_972 : vector<16xf32>
      %sub3A_998 = arith.subf %add3A_996, %mul3A_997 : vector<16xf32>
      %add3A_999 = arith.addf %add3A_951, %sub3A_998 : vector<16xf32>
      %mul3A_1000 = arith.mulf %sub3A_998, %get3A_972 : vector<16xf32>
      %add3A_1001 = arith.addf %add3A_953, %mul3A_1000 : vector<16xf32>
      %add3A_1002 = arith.addf %add3A_954, %get3A_972 : vector<16xf32>
      %get3A_1003 = arith.constant 11 : i32
      %get3A_1004 = arith.constant 0 : i32
      %get3A_1005 = arith.constant 0 : i32
      %get3A_1006 = tpu.memref_slice %arg5[%scan3A, %get3A_1004, %get3A_1005] : memref<2x16x512xf32, #tpu.memory_space<vmem>> -> memref<1x16x512xf32, #tpu.memory_space<vmem>>
      %get3A_1007 = tpu.memref_squeeze %get3A_1006 : memref<1x16x512xf32, #tpu.memory_space<vmem>> -> memref<16x512xf32, #tpu.memory_space<vmem>>
      %get3A_1008 = arith.index_cast %get3A_1003 : i32 to index
      %get3A_1009 = arith.index_cast %mul3A_479 : i32 to index
      %get3A_1010 = tpu.vector_load %get3A_1007[%get3A_1008, %get3A_1009] {strides = array<i32>} : memref<16x512xf32, #tpu.memory_space<vmem>>, vector<1x16xf32>,
      %get3A_1011 = vector.shape_cast %get3A_1010 : vector<1x16xf32> to vector<16xf32>
      %get3A_1012 = arith.constant 11 : i32
      %get3A_1013 = arith.constant 0 : i32
      %get3A_1014 = arith.constant 0 : i32
      %get3A_1015 = tpu.memref_slice %arg6[%scan3A_212, %get3A_1013, %get3A_1014] : memref<2x16x512xf32, #tpu.memory_space<vmem>> -> memref<1x16x512xf32, #tpu.memory_space<vmem>>
      %get3A_1016 = tpu.memref_squeeze %get3A_1015 : memref<1x16x512xf32, #tpu.memory_space<vmem>> -> memref<16x512xf32, #tpu.memory_space<vmem>>
      %get3A_1017 = arith.index_cast %get3A_1012 : i32 to index
      %get3A_1018 = arith.index_cast %mul3A_479 : i32 to index
      %get3A_1019 = tpu.vector_load %get3A_1016[%get3A_1017, %get3A_1018] {strides = array<i32>} : memref<16x512xf32, #tpu.memory_space<vmem>>, vector<1x16xf32>,
      %get3A_1020 = vector.shape_cast %get3A_1019 : vector<1x16xf32> to vector<16xf32>
      %abs3A_1021 = math.absf %get3A_1011 : vector<16xf32>
      %neg3A_1022 = arith.constant 0.000000e+00 : f32
      %neg3A_1023 = vector.broadcast %neg3A_1022 : f32 to vector<16xf32>
      %neg3A_1024 = arith.subf %neg3A_1023, %abs3A_1021 : vector<16xf32>
      %exp3A_1025 = math.exp %neg3A_1024 : vector<16xf32>
      %broadcast_in_dim3A_1026 = arith.constant -0.0732374042 : f32
      %broadcast_in_dim3A_1027 = vector.broadcast %broadcast_in_dim3A_1026 : f32 to vector<16xf32>
      %mul3A_1028 = arith.mulf %broadcast_in_dim3A_1027, %exp3A_1025 : vector<16xf32>
      %add3A_1029 = arith.constant 0.252318591 : f32
      %add3A_1030 = vector.broadcast %add3A_1029 : f32 to vector<16xf32>
      %add3A_1031 = arith.addf %mul3A_1028, %add3A_1030 : vector<16xf32>
      %mul3A_1032 = arith.mulf %add3A_1031, %exp3A_1025 : vector<16xf32>
      %add3A_1033 = arith.constant -0.48574236 : f32
      %add3A_1034 = vector.broadcast %add3A_1033 : f32 to vector<16xf32>
      %add3A_1035 = arith.addf %mul3A_1032, %add3A_1034 : vector<16xf32>
      %mul3A_1036 = arith.mulf %add3A_1035, %exp3A_1025 : vector<16xf32>
      %add3A_1037 = arith.constant 0.999565362 : f32
      %add3A_1038 = vector.broadcast %add3A_1037 : f32 to vector<16xf32>
      %add3A_1039 = arith.addf %mul3A_1036, %add3A_1038 : vector<16xf32>
      %mul3A_1040 = arith.mulf %exp3A_1025, %add3A_1039 : vector<16xf32>
      %max3A_1041 = arith.constant 0.000000e+00 : f32
      %max3A_1042 = vector.broadcast %max3A_1041 : f32 to vector<16xf32>
      %max3A_1043 = arith.maximumf %get3A_1011, %max3A_1042 : vector<16xf32>
      %add3A_1044 = arith.addf %mul3A_1040, %max3A_1043 : vector<16xf32>
      %mul3A_1045 = arith.mulf %get3A_1011, %get3A_1020 : vector<16xf32>
      %sub3A_1046 = arith.subf %add3A_1044, %mul3A_1045 : vector<16xf32>
      %add3A_1047 = arith.addf %add3A_999, %sub3A_1046 : vector<16xf32>
      %mul3A_1048 = arith.mulf %sub3A_1046, %get3A_1020 : vector<16xf32>
      %add3A_1049 = arith.addf %add3A_1001, %mul3A_1048 : vector<16xf32>
      %add3A_1050 = arith.addf %add3A_1002, %get3A_1020 : vector<16xf32>
      %get3A_1051 = arith.constant 12 : i32
      %get3A_1052 = arith.constant 0 : i32
      %get3A_1053 = arith.constant 0 : i32
      %get3A_1054 = tpu.memref_slice %arg5[%scan3A, %get3A_1052, %get3A_1053] : memref<2x16x512xf32, #tpu.memory_space<vmem>> -> memref<1x16x512xf32, #tpu.memory_space<vmem>>
      %get3A_1055 = tpu.memref_squeeze %get3A_1054 : memref<1x16x512xf32, #tpu.memory_space<vmem>> -> memref<16x512xf32, #tpu.memory_space<vmem>>
      %get3A_1056 = arith.index_cast %get3A_1051 : i32 to index
      %get3A_1057 = arith.index_cast %mul3A_479 : i32 to index
      %get3A_1058 = tpu.vector_load %get3A_1055[%get3A_1056, %get3A_1057] {strides = array<i32>} : memref<16x512xf32, #tpu.memory_space<vmem>>, vector<1x16xf32>,
      %get3A_1059 = vector.shape_cast %get3A_1058 : vector<1x16xf32> to vector<16xf32>
      %get3A_1060 = arith.constant 12 : i32
      %get3A_1061 = arith.constant 0 : i32
      %get3A_1062 = arith.constant 0 : i32
      %get3A_1063 = tpu.memref_slice %arg6[%scan3A_212, %get3A_1061, %get3A_1062] : memref<2x16x512xf32, #tpu.memory_space<vmem>> -> memref<1x16x512xf32, #tpu.memory_space<vmem>>
      %get3A_1064 = tpu.memref_squeeze %get3A_1063 : memref<1x16x512xf32, #tpu.memory_space<vmem>> -> memref<16x512xf32, #tpu.memory_space<vmem>>
      %get3A_1065 = arith.index_cast %get3A_1060 : i32 to index
      %get3A_1066 = arith.index_cast %mul3A_479 : i32 to index
      %get3A_1067 = tpu.vector_load %get3A_1064[%get3A_1065, %get3A_1066] {strides = array<i32>} : memref<16x512xf32, #tpu.memory_space<vmem>>, vector<1x16xf32>,
      %get3A_1068 = vector.shape_cast %get3A_1067 : vector<1x16xf32> to vector<16xf32>
      %abs3A_1069 = math.absf %get3A_1059 : vector<16xf32>
      %neg3A_1070 = arith.constant 0.000000e+00 : f32
      %neg3A_1071 = vector.broadcast %neg3A_1070 : f32 to vector<16xf32>
      %neg3A_1072 = arith.subf %neg3A_1071, %abs3A_1069 : vector<16xf32>
      %exp3A_1073 = math.exp %neg3A_1072 : vector<16xf32>
      %broadcast_in_dim3A_1074 = arith.constant -0.0732374042 : f32
      %broadcast_in_dim3A_1075 = vector.broadcast %broadcast_in_dim3A_1074 : f32 to vector<16xf32>
      %mul3A_1076 = arith.mulf %broadcast_in_dim3A_1075, %exp3A_1073 : vector<16xf32>
      %add3A_1077 = arith.constant 0.252318591 : f32
      %add3A_1078 = vector.broadcast %add3A_1077 : f32 to vector<16xf32>
      %add3A_1079 = arith.addf %mul3A_1076, %add3A_1078 : vector<16xf32>
      %mul3A_1080 = arith.mulf %add3A_1079, %exp3A_1073 : vector<16xf32>
      %add3A_1081 = arith.constant -0.48574236 : f32
      %add3A_1082 = vector.broadcast %add3A_1081 : f32 to vector<16xf32>
      %add3A_1083 = arith.addf %mul3A_1080, %add3A_1082 : vector<16xf32>
      %mul3A_1084 = arith.mulf %add3A_1083, %exp3A_1073 : vector<16xf32>
      %add3A_1085 = arith.constant 0.999565362 : f32
      %add3A_1086 = vector.broadcast %add3A_1085 : f32 to vector<16xf32>
      %add3A_1087 = arith.addf %mul3A_1084, %add3A_1086 : vector<16xf32>
      %mul3A_1088 = arith.mulf %exp3A_1073, %add3A_1087 : vector<16xf32>
      %max3A_1089 = arith.constant 0.000000e+00 : f32
      %max3A_1090 = vector.broadcast %max3A_1089 : f32 to vector<16xf32>
      %max3A_1091 = arith.maximumf %get3A_1059, %max3A_1090 : vector<16xf32>
      %add3A_1092 = arith.addf %mul3A_1088, %max3A_1091 : vector<16xf32>
      %mul3A_1093 = arith.mulf %get3A_1059, %get3A_1068 : vector<16xf32>
      %sub3A_1094 = arith.subf %add3A_1092, %mul3A_1093 : vector<16xf32>
      %add3A_1095 = arith.addf %add3A_1047, %sub3A_1094 : vector<16xf32>
      %mul3A_1096 = arith.mulf %sub3A_1094, %get3A_1068 : vector<16xf32>
      %add3A_1097 = arith.addf %add3A_1049, %mul3A_1096 : vector<16xf32>
      %add3A_1098 = arith.addf %add3A_1050, %get3A_1068 : vector<16xf32>
      %get3A_1099 = arith.constant 13 : i32
      %get3A_1100 = arith.constant 0 : i32
      %get3A_1101 = arith.constant 0 : i32
      %get3A_1102 = tpu.memref_slice %arg5[%scan3A, %get3A_1100, %get3A_1101] : memref<2x16x512xf32, #tpu.memory_space<vmem>> -> memref<1x16x512xf32, #tpu.memory_space<vmem>>
      %get3A_1103 = tpu.memref_squeeze %get3A_1102 : memref<1x16x512xf32, #tpu.memory_space<vmem>> -> memref<16x512xf32, #tpu.memory_space<vmem>>
      %get3A_1104 = arith.index_cast %get3A_1099 : i32 to index
      %get3A_1105 = arith.index_cast %mul3A_479 : i32 to index
      %get3A_1106 = tpu.vector_load %get3A_1103[%get3A_1104, %get3A_1105] {strides = array<i32>} : memref<16x512xf32, #tpu.memory_space<vmem>>, vector<1x16xf32>,
      %get3A_1107 = vector.shape_cast %get3A_1106 : vector<1x16xf32> to vector<16xf32>
      %get3A_1108 = arith.constant 13 : i32
      %get3A_1109 = arith.constant 0 : i32
      %get3A_1110 = arith.constant 0 : i32
      %get3A_1111 = tpu.memref_slice %arg6[%scan3A_212, %get3A_1109, %get3A_1110] : memref<2x16x512xf32, #tpu.memory_space<vmem>> -> memref<1x16x512xf32, #tpu.memory_space<vmem>>
      %get3A_1112 = tpu.memref_squeeze %get3A_1111 : memref<1x16x512xf32, #tpu.memory_space<vmem>> -> memref<16x512xf32, #tpu.memory_space<vmem>>
      %get3A_1113 = arith.index_cast %get3A_1108 : i32 to index
      %get3A_1114 = arith.index_cast %mul3A_479 : i32 to index
      %get3A_1115 = tpu.vector_load %get3A_1112[%get3A_1113, %get3A_1114] {strides = array<i32>} : memref<16x512xf32, #tpu.memory_space<vmem>>, vector<1x16xf32>,
      %get3A_1116 = vector.shape_cast %get3A_1115 : vector<1x16xf32> to vector<16xf32>
      %abs3A_1117 = math.absf %get3A_1107 : vector<16xf32>
      %neg3A_1118 = arith.constant 0.000000e+00 : f32
      %neg3A_1119 = vector.broadcast %neg3A_1118 : f32 to vector<16xf32>
      %neg3A_1120 = arith.subf %neg3A_1119, %abs3A_1117 : vector<16xf32>
      %exp3A_1121 = math.exp %neg3A_1120 : vector<16xf32>
      %broadcast_in_dim3A_1122 = arith.constant -0.0732374042 : f32
      %broadcast_in_dim3A_1123 = vector.broadcast %broadcast_in_dim3A_1122 : f32 to vector<16xf32>
      %mul3A_1124 = arith.mulf %broadcast_in_dim3A_1123, %exp3A_1121 : vector<16xf32>
      %add3A_1125 = arith.constant 0.252318591 : f32
      %add3A_1126 = vector.broadcast %add3A_1125 : f32 to vector<16xf32>
      %add3A_1127 = arith.addf %mul3A_1124, %add3A_1126 : vector<16xf32>
      %mul3A_1128 = arith.mulf %add3A_1127, %exp3A_1121 : vector<16xf32>
      %add3A_1129 = arith.constant -0.48574236 : f32
      %add3A_1130 = vector.broadcast %add3A_1129 : f32 to vector<16xf32>
      %add3A_1131 = arith.addf %mul3A_1128, %add3A_1130 : vector<16xf32>
      %mul3A_1132 = arith.mulf %add3A_1131, %exp3A_1121 : vector<16xf32>
      %add3A_1133 = arith.constant 0.999565362 : f32
      %add3A_1134 = vector.broadcast %add3A_1133 : f32 to vector<16xf32>
      %add3A_1135 = arith.addf %mul3A_1132, %add3A_1134 : vector<16xf32>
      %mul3A_1136 = arith.mulf %exp3A_1121, %add3A_1135 : vector<16xf32>
      %max3A_1137 = arith.constant 0.000000e+00 : f32
      %max3A_1138 = vector.broadcast %max3A_1137 : f32 to vector<16xf32>
      %max3A_1139 = arith.maximumf %get3A_1107, %max3A_1138 : vector<16xf32>
      %add3A_1140 = arith.addf %mul3A_1136, %max3A_1139 : vector<16xf32>
      %mul3A_1141 = arith.mulf %get3A_1107, %get3A_1116 : vector<16xf32>
      %sub3A_1142 = arith.subf %add3A_1140, %mul3A_1141 : vector<16xf32>
      %add3A_1143 = arith.addf %add3A_1095, %sub3A_1142 : vector<16xf32>
      %mul3A_1144 = arith.mulf %sub3A_1142, %get3A_1116 : vector<16xf32>
      %add3A_1145 = arith.addf %add3A_1097, %mul3A_1144 : vector<16xf32>
      %add3A_1146 = arith.addf %add3A_1098, %get3A_1116 : vector<16xf32>
      %get3A_1147 = arith.constant 14 : i32
      %get3A_1148 = arith.constant 0 : i32
      %get3A_1149 = arith.constant 0 : i32
      %get3A_1150 = tpu.memref_slice %arg5[%scan3A, %get3A_1148, %get3A_1149] : memref<2x16x512xf32, #tpu.memory_space<vmem>> -> memref<1x16x512xf32, #tpu.memory_space<vmem>>
      %get3A_1151 = tpu.memref_squeeze %get3A_1150 : memref<1x16x512xf32, #tpu.memory_space<vmem>> -> memref<16x512xf32, #tpu.memory_space<vmem>>
      %get3A_1152 = arith.index_cast %get3A_1147 : i32 to index
      %get3A_1153 = arith.index_cast %mul3A_479 : i32 to index
      %get3A_1154 = tpu.vector_load %get3A_1151[%get3A_1152, %get3A_1153] {strides = array<i32>} : memref<16x512xf32, #tpu.memory_space<vmem>>, vector<1x16xf32>,
      %get3A_1155 = vector.shape_cast %get3A_1154 : vector<1x16xf32> to vector<16xf32>
      %get3A_1156 = arith.constant 14 : i32
      %get3A_1157 = arith.constant 0 : i32
      %get3A_1158 = arith.constant 0 : i32
      %get3A_1159 = tpu.memref_slice %arg6[%scan3A_212, %get3A_1157, %get3A_1158] : memref<2x16x512xf32, #tpu.memory_space<vmem>> -> memref<1x16x512xf32, #tpu.memory_space<vmem>>
      %get3A_1160 = tpu.memref_squeeze %get3A_1159 : memref<1x16x512xf32, #tpu.memory_space<vmem>> -> memref<16x512xf32, #tpu.memory_space<vmem>>
      %get3A_1161 = arith.index_cast %get3A_1156 : i32 to index
      %get3A_1162 = arith.index_cast %mul3A_479 : i32 to index
      %get3A_1163 = tpu.vector_load %get3A_1160[%get3A_1161, %get3A_1162] {strides = array<i32>} : memref<16x512xf32, #tpu.memory_space<vmem>>, vector<1x16xf32>,
      %get3A_1164 = vector.shape_cast %get3A_1163 : vector<1x16xf32> to vector<16xf32>
      %abs3A_1165 = math.absf %get3A_1155 : vector<16xf32>
      %neg3A_1166 = arith.constant 0.000000e+00 : f32
      %neg3A_1167 = vector.broadcast %neg3A_1166 : f32 to vector<16xf32>
      %neg3A_1168 = arith.subf %neg3A_1167, %abs3A_1165 : vector<16xf32>
      %exp3A_1169 = math.exp %neg3A_1168 : vector<16xf32>
      %broadcast_in_dim3A_1170 = arith.constant -0.0732374042 : f32
      %broadcast_in_dim3A_1171 = vector.broadcast %broadcast_in_dim3A_1170 : f32 to vector<16xf32>
      %mul3A_1172 = arith.mulf %broadcast_in_dim3A_1171, %exp3A_1169 : vector<16xf32>
      %add3A_1173 = arith.constant 0.252318591 : f32
      %add3A_1174 = vector.broadcast %add3A_1173 : f32 to vector<16xf32>
      %add3A_1175 = arith.addf %mul3A_1172, %add3A_1174 : vector<16xf32>
      %mul3A_1176 = arith.mulf %add3A_1175, %exp3A_1169 : vector<16xf32>
      %add3A_1177 = arith.constant -0.48574236 : f32
      %add3A_1178 = vector.broadcast %add3A_1177 : f32 to vector<16xf32>
      %add3A_1179 = arith.addf %mul3A_1176, %add3A_1178 : vector<16xf32>
      %mul3A_1180 = arith.mulf %add3A_1179, %exp3A_1169 : vector<16xf32>
      %add3A_1181 = arith.constant 0.999565362 : f32
      %add3A_1182 = vector.broadcast %add3A_1181 : f32 to vector<16xf32>
      %add3A_1183 = arith.addf %mul3A_1180, %add3A_1182 : vector<16xf32>
      %mul3A_1184 = arith.mulf %exp3A_1169, %add3A_1183 : vector<16xf32>
      %max3A_1185 = arith.constant 0.000000e+00 : f32
      %max3A_1186 = vector.broadcast %max3A_1185 : f32 to vector<16xf32>
      %max3A_1187 = arith.maximumf %get3A_1155, %max3A_1186 : vector<16xf32>
      %add3A_1188 = arith.addf %mul3A_1184, %max3A_1187 : vector<16xf32>
      %mul3A_1189 = arith.mulf %get3A_1155, %get3A_1164 : vector<16xf32>
      %sub3A_1190 = arith.subf %add3A_1188, %mul3A_1189 : vector<16xf32>
      %add3A_1191 = arith.addf %add3A_1143, %sub3A_1190 : vector<16xf32>
      %mul3A_1192 = arith.mulf %sub3A_1190, %get3A_1164 : vector<16xf32>
      %add3A_1193 = arith.addf %add3A_1145, %mul3A_1192 : vector<16xf32>
      %add3A_1194 = arith.addf %add3A_1146, %get3A_1164 : vector<16xf32>
      %get3A_1195 = arith.constant 15 : i32
      %get3A_1196 = arith.constant 0 : i32
      %get3A_1197 = arith.constant 0 : i32
      %get3A_1198 = tpu.memref_slice %arg5[%scan3A, %get3A_1196, %get3A_1197] : memref<2x16x512xf32, #tpu.memory_space<vmem>> -> memref<1x16x512xf32, #tpu.memory_space<vmem>>
      %get3A_1199 = tpu.memref_squeeze %get3A_1198 : memref<1x16x512xf32, #tpu.memory_space<vmem>> -> memref<16x512xf32, #tpu.memory_space<vmem>>
      %get3A_1200 = arith.index_cast %get3A_1195 : i32 to index
      %get3A_1201 = arith.index_cast %mul3A_479 : i32 to index
      %get3A_1202 = tpu.vector_load %get3A_1199[%get3A_1200, %get3A_1201] {strides = array<i32>} : memref<16x512xf32, #tpu.memory_space<vmem>>, vector<1x16xf32>,
      %get3A_1203 = vector.shape_cast %get3A_1202 : vector<1x16xf32> to vector<16xf32>
      %get3A_1204 = arith.constant 15 : i32
      %get3A_1205 = arith.constant 0 : i32
      %get3A_1206 = arith.constant 0 : i32
      %get3A_1207 = tpu.memref_slice %arg6[%scan3A_212, %get3A_1205, %get3A_1206] : memref<2x16x512xf32, #tpu.memory_space<vmem>> -> memref<1x16x512xf32, #tpu.memory_space<vmem>>
      %get3A_1208 = tpu.memref_squeeze %get3A_1207 : memref<1x16x512xf32, #tpu.memory_space<vmem>> -> memref<16x512xf32, #tpu.memory_space<vmem>>
      %get3A_1209 = arith.index_cast %get3A_1204 : i32 to index
      %get3A_1210 = arith.index_cast %mul3A_479 : i32 to index
      %get3A_1211 = tpu.vector_load %get3A_1208[%get3A_1209, %get3A_1210] {strides = array<i32>} : memref<16x512xf32, #tpu.memory_space<vmem>>, vector<1x16xf32>,
      %get3A_1212 = vector.shape_cast %get3A_1211 : vector<1x16xf32> to vector<16xf32>
      %abs3A_1213 = math.absf %get3A_1203 : vector<16xf32>
      %neg3A_1214 = arith.constant 0.000000e+00 : f32
      %neg3A_1215 = vector.broadcast %neg3A_1214 : f32 to vector<16xf32>
      %neg3A_1216 = arith.subf %neg3A_1215, %abs3A_1213 : vector<16xf32>
      %exp3A_1217 = math.exp %neg3A_1216 : vector<16xf32>
      %broadcast_in_dim3A_1218 = arith.constant -0.0732374042 : f32
      %broadcast_in_dim3A_1219 = vector.broadcast %broadcast_in_dim3A_1218 : f32 to vector<16xf32>
      %mul3A_1220 = arith.mulf %broadcast_in_dim3A_1219, %exp3A_1217 : vector<16xf32>
      %add3A_1221 = arith.constant 0.252318591 : f32
      %add3A_1222 = vector.broadcast %add3A_1221 : f32 to vector<16xf32>
      %add3A_1223 = arith.addf %mul3A_1220, %add3A_1222 : vector<16xf32>
      %mul3A_1224 = arith.mulf %add3A_1223, %exp3A_1217 : vector<16xf32>
      %add3A_1225 = arith.constant -0.48574236 : f32
      %add3A_1226 = vector.broadcast %add3A_1225 : f32 to vector<16xf32>
      %add3A_1227 = arith.addf %mul3A_1224, %add3A_1226 : vector<16xf32>
      %mul3A_1228 = arith.mulf %add3A_1227, %exp3A_1217 : vector<16xf32>
      %add3A_1229 = arith.constant 0.999565362 : f32
      %add3A_1230 = vector.broadcast %add3A_1229 : f32 to vector<16xf32>
      %add3A_1231 = arith.addf %mul3A_1228, %add3A_1230 : vector<16xf32>
      %mul3A_1232 = arith.mulf %exp3A_1217, %add3A_1231 : vector<16xf32>
      %max3A_1233 = arith.constant 0.000000e+00 : f32
      %max3A_1234 = vector.broadcast %max3A_1233 : f32 to vector<16xf32>
      %max3A_1235 = arith.maximumf %get3A_1203, %max3A_1234 : vector<16xf32>
      %add3A_1236 = arith.addf %mul3A_1232, %max3A_1235 : vector<16xf32>
      %mul3A_1237 = arith.mulf %get3A_1203, %get3A_1212 : vector<16xf32>
      %sub3A_1238 = arith.subf %add3A_1236, %mul3A_1237 : vector<16xf32>
      %add3A_1239 = arith.addf %add3A_1191, %sub3A_1238 : vector<16xf32>
      %mul3A_1240 = arith.mulf %sub3A_1238, %get3A_1212 : vector<16xf32>
      %add3A_1241 = arith.addf %add3A_1193, %mul3A_1240 : vector<16xf32>
      %add3A_1242 = arith.addf %add3A_1194, %get3A_1212 : vector<16xf32>
      scf.yield %add3A_1239, %add3A_1241, %add3A_1242 : vector<16xf32>, vector<16xf32>, vector<16xf32>
    }
    %scan3A_218 = arith.constant 32 : i32
    %add3A_219 = arith.constant 32 : i32
    %add3A_220 = arith.addi %add3A, %add3A_219 : i32
    %jit3A_221 = arith.constant 32 : i32
    %div3A_222 = arith.divsi %add3A_220, %jit3A_221 : i32
    %sign3A_223 = arith.constant 0 : i32
    %sign3A_224 = arith.cmpi sgt, %add3A_220, %sign3A_223 : i32
    %sign3A_225 = arith.extui %sign3A_224 : i1 to i32
    %sign3A_226 = arith.constant 0 : i32
    %sign3A_227 = arith.cmpi slt, %add3A_220, %sign3A_226 : i32
    %sign3A_228 = arith.extui %sign3A_227 : i1 to i32
    %sign3A_229 = arith.subi %sign3A_225, %sign3A_228 : i32
    %sign3A_230 = arith.constant 0 : i32
    %sign3A_231 = arith.cmpi sgt, %jit3A_221, %sign3A_230 : i32
    %sign3A_232 = arith.extui %sign3A_231 : i1 to i32
    %sign3A_233 = arith.constant 0 : i32
    %sign3A_234 = arith.cmpi slt, %jit3A_221, %sign3A_233 : i32
    %sign3A_235 = arith.extui %sign3A_234 : i1 to i32
    %sign3A_236 = arith.subi %sign3A_232, %sign3A_235 : i32
    %ne3A_237 = arith.cmpi ne, %sign3A_229, %sign3A_236 : i32
    %rem3A_238 = arith.remsi %add3A_220, %jit3A_221 : i32
    %ne3A_239 = arith.constant 0 : i32
    %ne3A_240 = arith.cmpi ne, %rem3A_238, %ne3A_239 : i32
    %and3A_241 = arith.andi %ne3A_237, %ne3A_240 : i1
    %sub3A_242 = arith.constant 1 : i32
    %sub3A_243 = arith.subi %div3A_222, %sub3A_242 : i32
    %select_n3A_244 = arith.select %and3A_241, %sub3A_243, %div3A_222 : i32
    %jit3A_245 = arith.constant 32 : i32
    %eq3A_246 = arith.constant 0 : i32
    %eq3A_247 = arith.cmpi eq, %jit3A_245, %eq3A_246 : i32
    %jit3A_248 = arith.constant 1 : i32
    %select_n3A_249 = arith.select %eq3A_247, %jit3A_248, %jit3A_245 : i32
    %rem3A_250 = arith.remsi %add3A_220, %select_n3A_249 : i32
    %ne3A_251 = arith.constant 0 : i32
    %ne3A_252 = arith.cmpi ne, %rem3A_250, %ne3A_251 : i32
    %lt3A_253 = arith.constant 0 : i32
    %lt3A_254 = arith.cmpi slt, %rem3A_250, %lt3A_253 : i32
    %lt3A_255 = arith.constant 0 : i32
    %lt3A_256 = arith.cmpi slt, %select_n3A_249, %lt3A_255 : i32
    %ne3A_257 = arith.xori %lt3A_254, %lt3A_256 : i1
    %and3A_258 = arith.andi %ne3A_257, %ne3A_252 : i1
    %add3A_259 = arith.addi %rem3A_250, %select_n3A_249 : i32
    %select_n3A_260 = arith.select %and3A_258, %add3A_259, %rem3A_250 : i32
    %mul3A_261 = arith.constant 16 : i32
    %mul3A_262 = arith.muli %select_n3A_260, %mul3A_261 : i32
    %dma_wait3A_263 = arith.constant 1 : i32
    %dma_wait3A_264 = arith.constant 0 : i32
    %dma_wait3A_265 = arith.constant 0 : i32
    %dma_wait3A_266 = tpu.memref_slice %arg5[%dma_wait3A_263, %dma_wait3A_264, %dma_wait3A_265] : memref<2x16x512xf32, #tpu.memory_space<vmem>> -> memref<1x16x512xf32, #tpu.memory_space<vmem>>
    %dma_wait3A_267 = tpu.memref_squeeze %dma_wait3A_266 : memref<1x16x512xf32, #tpu.memory_space<vmem>> -> memref<16x512xf32, #tpu.memory_space<vmem>>
    %dma_wait3A_268 = arith.constant 0 : i32
    %dma_wait3A_269 = tpu.memref_slice %arg2[%select_n3A_244, %mul3A_262, %dma_wait3A_268] : memref<8x512x512xf32, #tpu.memory_space<hbm>> -> memref<1x16x512xf32, #tpu.memory_space<hbm>>
    %dma_wait3A_270 = tpu.memref_squeeze %dma_wait3A_269 : memref<1x16x512xf32, #tpu.memory_space<hbm>> -> memref<16x512xf32, #tpu.memory_space<hbm>>
    %dma_wait3A_271 = arith.constant 0 : i32
    %dma_wait3A_272 = arith.constant 0 : i32
    %dma_wait3A_273 = tpu.memref_slice %arg5[%dma_wait3A_263, %dma_wait3A_271, %dma_wait3A_272] : memref<2x16x512xf32, #tpu.memory_space<vmem>> -> memref<1x16x512xf32, #tpu.memory_space<vmem>>
    %dma_wait3A_274 = tpu.memref_squeeze %dma_wait3A_273 : memref<1x16x512xf32, #tpu.memory_space<vmem>> -> memref<16x512xf32, #tpu.memory_space<vmem>>
    %dma_wait3A_275 = arith.constant 0 : i32
    %dma_wait3A_276 = tpu.memref_slice %arg2[%select_n3A_244, %mul3A_262, %dma_wait3A_275] : memref<8x512x512xf32, #tpu.memory_space<hbm>> -> memref<1x16x512xf32, #tpu.memory_space<hbm>>
    %dma_wait3A_277 = tpu.memref_squeeze %dma_wait3A_276 : memref<1x16x512xf32, #tpu.memory_space<hbm>> -> memref<16x512xf32, #tpu.memory_space<hbm>>
    tpu.wait_dma2 semaphore(%arg9 : memref<!tpu.dma_semaphore, #tpu.memory_space<semaphore_mem>>) src(%dma_wait3A_277 : memref<16x512xf32, #tpu.memory_space<hbm>>) dst(%dma_wait3A_274 : memref<16x512xf32, #tpu.memory_space<vmem>>)
    %dma_wait3A_278 = arith.constant 1 : i32
    %dma_wait3A_279 = arith.constant 0 : i32
    %dma_wait3A_280 = arith.constant 0 : i32
    %dma_wait3A_281 = tpu.memref_slice %arg6[%dma_wait3A_278, %dma_wait3A_279, %dma_wait3A_280] : memref<2x16x512xf32, #tpu.memory_space<vmem>> -> memref<1x16x512xf32, #tpu.memory_space<vmem>>
    %dma_wait3A_282 = tpu.memref_squeeze %dma_wait3A_281 : memref<1x16x512xf32, #tpu.memory_space<vmem>> -> memref<16x512xf32, #tpu.memory_space<vmem>>
    %dma_wait3A_283 = arith.constant 0 : i32
    %dma_wait3A_284 = tpu.memref_slice %arg3[%select_n3A_244, %mul3A_262, %dma_wait3A_283] : memref<8x512x512xf32, #tpu.memory_space<hbm>> -> memref<1x16x512xf32, #tpu.memory_space<hbm>>
    %dma_wait3A_285 = tpu.memref_squeeze %dma_wait3A_284 : memref<1x16x512xf32, #tpu.memory_space<hbm>> -> memref<16x512xf32, #tpu.memory_space<hbm>>
    %dma_wait3A_286 = arith.constant 0 : i32
    %dma_wait3A_287 = arith.constant 0 : i32
    %dma_wait3A_288 = tpu.memref_slice %arg6[%dma_wait3A_278, %dma_wait3A_286, %dma_wait3A_287] : memref<2x16x512xf32, #tpu.memory_space<vmem>> -> memref<1x16x512xf32, #tpu.memory_space<vmem>>
    %dma_wait3A_289 = tpu.memref_squeeze %dma_wait3A_288 : memref<1x16x512xf32, #tpu.memory_space<vmem>> -> memref<16x512xf32, #tpu.memory_space<vmem>>
    %dma_wait3A_290 = arith.constant 0 : i32
    %dma_wait3A_291 = tpu.memref_slice %arg3[%select_n3A_244, %mul3A_262, %dma_wait3A_290] : memref<8x512x512xf32, #tpu.memory_space<hbm>> -> memref<1x16x512xf32, #tpu.memory_space<hbm>>
    %dma_wait3A_292 = tpu.memref_squeeze %dma_wait3A_291 : memref<1x16x512xf32, #tpu.memory_space<hbm>> -> memref<16x512xf32, #tpu.memory_space<hbm>>
    tpu.wait_dma2 semaphore(%arg9 : memref<!tpu.dma_semaphore, #tpu.memory_space<semaphore_mem>>) src(%dma_wait3A_292 : memref<16x512xf32, #tpu.memory_space<hbm>>) dst(%dma_wait3A_289 : memref<16x512xf32, #tpu.memory_space<vmem>>)
    %add3A_293 = arith.constant 64 : i32
    %add3A_294 = arith.addi %add3A, %add3A_293 : i32
    %jit3A_295 = arith.constant 32 : i32
    %div3A_296 = arith.divsi %add3A_294, %jit3A_295 : i32
    %sign3A_297 = arith.constant 0 : i32
    %sign3A_298 = arith.cmpi sgt, %add3A_294, %sign3A_297 : i32
    %sign3A_299 = arith.extui %sign3A_298 : i1 to i32
    %sign3A_300 = arith.constant 0 : i32
    %sign3A_301 = arith.cmpi slt, %add3A_294, %sign3A_300 : i32
    %sign3A_302 = arith.extui %sign3A_301 : i1 to i32
    %sign3A_303 = arith.subi %sign3A_299, %sign3A_302 : i32
    %sign3A_304 = arith.constant 0 : i32
    %sign3A_305 = arith.cmpi sgt, %jit3A_295, %sign3A_304 : i32
    %sign3A_306 = arith.extui %sign3A_305 : i1 to i32
    %sign3A_307 = arith.constant 0 : i32
    %sign3A_308 = arith.cmpi slt, %jit3A_295, %sign3A_307 : i32
    %sign3A_309 = arith.extui %sign3A_308 : i1 to i32
    %sign3A_310 = arith.subi %sign3A_306, %sign3A_309 : i32
    %ne3A_311 = arith.cmpi ne, %sign3A_303, %sign3A_310 : i32
    %rem3A_312 = arith.remsi %add3A_294, %jit3A_295 : i32
    %ne3A_313 = arith.constant 0 : i32
    %ne3A_314 = arith.cmpi ne, %rem3A_312, %ne3A_313 : i32
    %and3A_315 = arith.andi %ne3A_311, %ne3A_314 : i1
    %sub3A_316 = arith.constant 1 : i32
    %sub3A_317 = arith.subi %div3A_296, %sub3A_316 : i32
    %select_n3A_318 = arith.select %and3A_315, %sub3A_317, %div3A_296 : i32
    %jit3A_319 = arith.constant 32 : i32
    %eq3A_320 = arith.constant 0 : i32
    %eq3A_321 = arith.cmpi eq, %jit3A_319, %eq3A_320 : i32
    %jit3A_322 = arith.constant 1 : i32
    %select_n3A_323 = arith.select %eq3A_321, %jit3A_322, %jit3A_319 : i32
    %rem3A_324 = arith.remsi %add3A_294, %select_n3A_323 : i32
    %ne3A_325 = arith.constant 0 : i32
    %ne3A_326 = arith.cmpi ne, %rem3A_324, %ne3A_325 : i32
    %lt3A_327 = arith.constant 0 : i32
    %lt3A_328 = arith.cmpi slt, %rem3A_324, %lt3A_327 : i32
    %lt3A_329 = arith.constant 0 : i32
    %lt3A_330 = arith.cmpi slt, %select_n3A_323, %lt3A_329 : i32
    %ne3A_331 = arith.xori %lt3A_328, %lt3A_330 : i1
    %and3A_332 = arith.andi %ne3A_331, %ne3A_326 : i1
    %add3A_333 = arith.addi %rem3A_324, %select_n3A_323 : i32
    %select_n3A_334 = arith.select %and3A_332, %add3A_333, %rem3A_324 : i32
    %mul3A_335 = arith.constant 16 : i32
    %mul3A_336 = arith.muli %select_n3A_334, %mul3A_335 : i32
    %dma_start3A_337 = arith.constant 0 : i32
    %dma_start3A_338 = arith.constant 0 : i32
    %dma_start3A_339 = arith.constant 0 : i32
    %dma_start3A_340 = tpu.memref_slice %arg5[%dma_start3A_337, %dma_start3A_338, %dma_start3A_339] : memref<2x16x512xf32, #tpu.memory_space<vmem>> -> memref<1x16x512xf32, #tpu.memory_space<vmem>>
    %dma_start3A_341 = tpu.memref_squeeze %dma_start3A_340 : memref<1x16x512xf32, #tpu.memory_space<vmem>> -> memref<16x512xf32, #tpu.memory_space<vmem>>
    %dma_start3A_342 = arith.constant 0 : i32
    %dma_start3A_343 = tpu.memref_slice %arg2[%select_n3A_318, %mul3A_336, %dma_start3A_342] : memref<8x512x512xf32, #tpu.memory_space<hbm>> -> memref<1x16x512xf32, #tpu.memory_space<hbm>>
    %dma_start3A_344 = tpu.memref_squeeze %dma_start3A_343 : memref<1x16x512xf32, #tpu.memory_space<hbm>> -> memref<16x512xf32, #tpu.memory_space<hbm>>
    %dma_start3A_345 = arith.constant 0 : i32
    %dma_start3A_346 = arith.constant 0 : i32
    %dma_start3A_347 = tpu.memref_slice %arg5[%dma_start3A_337, %dma_start3A_345, %dma_start3A_346] : memref<2x16x512xf32, #tpu.memory_space<vmem>> -> memref<1x16x512xf32, #tpu.memory_space<vmem>>
    %dma_start3A_348 = tpu.memref_squeeze %dma_start3A_347 : memref<1x16x512xf32, #tpu.memory_space<vmem>> -> memref<16x512xf32, #tpu.memory_space<vmem>>
    %dma_start3A_349 = arith.constant 0 : i32
    %dma_start3A_350 = tpu.memref_slice %arg2[%select_n3A_318, %mul3A_336, %dma_start3A_349] : memref<8x512x512xf32, #tpu.memory_space<hbm>> -> memref<1x16x512xf32, #tpu.memory_space<hbm>>
    %dma_start3A_351 = tpu.memref_squeeze %dma_start3A_350 : memref<1x16x512xf32, #tpu.memory_space<hbm>> -> memref<16x512xf32, #tpu.memory_space<hbm>>
    tpu.enqueue_dma source(%dma_start3A_351 : memref<16x512xf32, #tpu.memory_space<hbm>>) target(%dma_start3A_348 : memref<16x512xf32, #tpu.memory_space<vmem>>) target_semaphore(%arg8 : memref<!tpu.dma_semaphore, #tpu.memory_space<semaphore_mem>>)
    %dma_start3A_352 = arith.constant 0 : i32
    %dma_start3A_353 = arith.constant 0 : i32
    %dma_start3A_354 = arith.constant 0 : i32
    %dma_start3A_355 = tpu.memref_slice %arg6[%dma_start3A_352, %dma_start3A_353, %dma_start3A_354] : memref<2x16x512xf32, #tpu.memory_space<vmem>> -> memref<1x16x512xf32, #tpu.memory_space<vmem>>
    %dma_start3A_356 = tpu.memref_squeeze %dma_start3A_355 : memref<1x16x512xf32, #tpu.memory_space<vmem>> -> memref<16x512xf32, #tpu.memory_space<vmem>>
    %dma_start3A_357 = arith.constant 0 : i32
    %dma_start3A_358 = tpu.memref_slice %arg3[%select_n3A_318, %mul3A_336, %dma_start3A_357] : memref<8x512x512xf32, #tpu.memory_space<hbm>> -> memref<1x16x512xf32, #tpu.memory_space<hbm>>
    %dma_start3A_359 = tpu.memref_squeeze %dma_start3A_358 : memref<1x16x512xf32, #tpu.memory_space<hbm>> -> memref<16x512xf32, #tpu.memory_space<hbm>>
    %dma_start3A_360 = arith.constant 0 : i32
    %dma_start3A_361 = arith.constant 0 : i32
    %dma_start3A_362 = tpu.memref_slice %arg6[%dma_start3A_352, %dma_start3A_360, %dma_start3A_361] : memref<2x16x512xf32, #tpu.memory_space<vmem>> -> memref<1x16x512xf32, #tpu.memory_space<vmem>>
    %dma_start3A_363 = tpu.memref_squeeze %dma_start3A_362 : memref<1x16x512xf32, #tpu.memory_space<vmem>> -> memref<16x512xf32, #tpu.memory_space<vmem>>
    %dma_start3A_364 = arith.constant 0 : i32
    %dma_start3A_365 = tpu.memref_slice %arg3[%select_n3A_318, %mul3A_336, %dma_start3A_364] : memref<8x512x512xf32, #tpu.memory_space<hbm>> -> memref<1x16x512xf32, #tpu.memory_space<hbm>>
    %dma_start3A_366 = tpu.memref_squeeze %dma_start3A_365 : memref<1x16x512xf32, #tpu.memory_space<hbm>> -> memref<16x512xf32, #tpu.memory_space<hbm>>
    tpu.enqueue_dma source(%dma_start3A_366 : memref<16x512xf32, #tpu.memory_space<hbm>>) target(%dma_start3A_363 : memref<16x512xf32, #tpu.memory_space<vmem>>) target_semaphore(%arg8 : memref<!tpu.dma_semaphore, #tpu.memory_space<semaphore_mem>>)
    %scan3A_367 = arith.constant 1 : i32
    %scan3A_368 = arith.constant 1 : i32
    %scan3A_369 = arith.constant 0 : i32
    %scan3A_370 = arith.constant 32 : i32
    %scan3A_371 = arith.addi %scan3A_369, %scan3A_370 : i32
    %scan3A_372 = arith.constant 1 : i32
    %scan3A_373:3 = scf.for %scan3A_474 = %scan3A_369 to %scan3A_371 step %scan3A_372 iter_args(%scan3A_475 = %scan3A_217#0, %scan3A_476 = %scan3A_217#1, %scan3A_477 = %scan3A_217#2) -> (vector<16xf32>, vector<16xf32>, vector<16xf32>)  : i32 {
      %mul3A_478 = arith.constant 16 : i32
      %mul3A_479 = arith.muli %scan3A_474, %mul3A_478 : i32
      %get3A = arith.constant 0 : i32
      %get3A_480 = arith.constant 0 : i32
      %get3A_481 = arith.constant 0 : i32
      %get3A_482 = tpu.memref_slice %arg5[%scan3A_367, %get3A_480, %get3A_481] : memref<2x16x512xf32, #tpu.memory_space<vmem>> -> memref<1x16x512xf32, #tpu.memory_space<vmem>>
      %get3A_483 = tpu.memref_squeeze %get3A_482 : memref<1x16x512xf32, #tpu.memory_space<vmem>> -> memref<16x512xf32, #tpu.memory_space<vmem>>
      %get3A_484 = arith.index_cast %get3A : i32 to index
      %get3A_485 = arith.index_cast %mul3A_479 : i32 to index
      %get3A_486 = tpu.vector_load %get3A_483[%get3A_484, %get3A_485] {strides = array<i32>} : memref<16x512xf32, #tpu.memory_space<vmem>>, vector<1x16xf32>,
      %get3A_487 = vector.shape_cast %get3A_486 : vector<1x16xf32> to vector<16xf32>
      %get3A_488 = arith.constant 0 : i32
      %get3A_489 = arith.constant 0 : i32
      %get3A_490 = arith.constant 0 : i32
      %get3A_491 = tpu.memref_slice %arg6[%scan3A_368, %get3A_489, %get3A_490] : memref<2x16x512xf32, #tpu.memory_space<vmem>> -> memref<1x16x512xf32, #tpu.memory_space<vmem>>
      %get3A_492 = tpu.memref_squeeze %get3A_491 : memref<1x16x512xf32, #tpu.memory_space<vmem>> -> memref<16x512xf32, #tpu.memory_space<vmem>>
      %get3A_493 = arith.index_cast %get3A_488 : i32 to index
      %get3A_494 = arith.index_cast %mul3A_479 : i32 to index
      %get3A_495 = tpu.vector_load %get3A_492[%get3A_493, %get3A_494] {strides = array<i32>} : memref<16x512xf32, #tpu.memory_space<vmem>>, vector<1x16xf32>,
      %get3A_496 = vector.shape_cast %get3A_495 : vector<1x16xf32> to vector<16xf32>
      %abs3A = math.absf %get3A_487 : vector<16xf32>
      %neg3A = arith.constant 0.000000e+00 : f32
      %neg3A_497 = vector.broadcast %neg3A : f32 to vector<16xf32>
      %neg3A_498 = arith.subf %neg3A_497, %abs3A : vector<16xf32>
      %exp3A = math.exp %neg3A_498 : vector<16xf32>
      %broadcast_in_dim3A_499 = arith.constant -0.0732374042 : f32
      %broadcast_in_dim3A_500 = vector.broadcast %broadcast_in_dim3A_499 : f32 to vector<16xf32>
      %mul3A_501 = arith.mulf %broadcast_in_dim3A_500, %exp3A : vector<16xf32>
      %add3A_502 = arith.constant 0.252318591 : f32
      %add3A_503 = vector.broadcast %add3A_502 : f32 to vector<16xf32>
      %add3A_504 = arith.addf %mul3A_501, %add3A_503 : vector<16xf32>
      %mul3A_505 = arith.mulf %add3A_504, %exp3A : vector<16xf32>
      %add3A_506 = arith.constant -0.48574236 : f32
      %add3A_507 = vector.broadcast %add3A_506 : f32 to vector<16xf32>
      %add3A_508 = arith.addf %mul3A_505, %add3A_507 : vector<16xf32>
      %mul3A_509 = arith.mulf %add3A_508, %exp3A : vector<16xf32>
      %add3A_510 = arith.constant 0.999565362 : f32
      %add3A_511 = vector.broadcast %add3A_510 : f32 to vector<16xf32>
      %add3A_512 = arith.addf %mul3A_509, %add3A_511 : vector<16xf32>
      %mul3A_513 = arith.mulf %exp3A, %add3A_512 : vector<16xf32>
      %max3A = arith.constant 0.000000e+00 : f32
      %max3A_514 = vector.broadcast %max3A : f32 to vector<16xf32>
      %max3A_515 = arith.maximumf %get3A_487, %max3A_514 : vector<16xf32>
      %add3A_516 = arith.addf %mul3A_513, %max3A_515 : vector<16xf32>
      %mul3A_517 = arith.mulf %get3A_487, %get3A_496 : vector<16xf32>
      %sub3A_518 = arith.subf %add3A_516, %mul3A_517 : vector<16xf32>
      %add3A_519 = arith.addf %scan3A_475, %sub3A_518 : vector<16xf32>
      %mul3A_520 = arith.mulf %sub3A_518, %get3A_496 : vector<16xf32>
      %add3A_521 = arith.addf %scan3A_476, %mul3A_520 : vector<16xf32>
      %add3A_522 = arith.addf %scan3A_477, %get3A_496 : vector<16xf32>
      %get3A_523 = arith.constant 1 : i32
      %get3A_524 = arith.constant 0 : i32
      %get3A_525 = arith.constant 0 : i32
      %get3A_526 = tpu.memref_slice %arg5[%scan3A_367, %get3A_524, %get3A_525] : memref<2x16x512xf32, #tpu.memory_space<vmem>> -> memref<1x16x512xf32, #tpu.memory_space<vmem>>
      %get3A_527 = tpu.memref_squeeze %get3A_526 : memref<1x16x512xf32, #tpu.memory_space<vmem>> -> memref<16x512xf32, #tpu.memory_space<vmem>>
      %get3A_528 = arith.index_cast %get3A_523 : i32 to index
      %get3A_529 = arith.index_cast %mul3A_479 : i32 to index
      %get3A_530 = tpu.vector_load %get3A_527[%get3A_528, %get3A_529] {strides = array<i32>} : memref<16x512xf32, #tpu.memory_space<vmem>>, vector<1x16xf32>,
      %get3A_531 = vector.shape_cast %get3A_530 : vector<1x16xf32> to vector<16xf32>
      %get3A_532 = arith.constant 1 : i32
      %get3A_533 = arith.constant 0 : i32
      %get3A_534 = arith.constant 0 : i32
      %get3A_535 = tpu.memref_slice %arg6[%scan3A_368, %get3A_533, %get3A_534] : memref<2x16x512xf32, #tpu.memory_space<vmem>> -> memref<1x16x512xf32, #tpu.memory_space<vmem>>
      %get3A_536 = tpu.memref_squeeze %get3A_535 : memref<1x16x512xf32, #tpu.memory_space<vmem>> -> memref<16x512xf32, #tpu.memory_space<vmem>>
      %get3A_537 = arith.index_cast %get3A_532 : i32 to index
      %get3A_538 = arith.index_cast %mul3A_479 : i32 to index
      %get3A_539 = tpu.vector_load %get3A_536[%get3A_537, %get3A_538] {strides = array<i32>} : memref<16x512xf32, #tpu.memory_space<vmem>>, vector<1x16xf32>,
      %get3A_540 = vector.shape_cast %get3A_539 : vector<1x16xf32> to vector<16xf32>
      %abs3A_541 = math.absf %get3A_531 : vector<16xf32>
      %neg3A_542 = arith.constant 0.000000e+00 : f32
      %neg3A_543 = vector.broadcast %neg3A_542 : f32 to vector<16xf32>
      %neg3A_544 = arith.subf %neg3A_543, %abs3A_541 : vector<16xf32>
      %exp3A_545 = math.exp %neg3A_544 : vector<16xf32>
      %broadcast_in_dim3A_546 = arith.constant -0.0732374042 : f32
      %broadcast_in_dim3A_547 = vector.broadcast %broadcast_in_dim3A_546 : f32 to vector<16xf32>
      %mul3A_548 = arith.mulf %broadcast_in_dim3A_547, %exp3A_545 : vector<16xf32>
      %add3A_549 = arith.constant 0.252318591 : f32
      %add3A_550 = vector.broadcast %add3A_549 : f32 to vector<16xf32>
      %add3A_551 = arith.addf %mul3A_548, %add3A_550 : vector<16xf32>
      %mul3A_552 = arith.mulf %add3A_551, %exp3A_545 : vector<16xf32>
      %add3A_553 = arith.constant -0.48574236 : f32
      %add3A_554 = vector.broadcast %add3A_553 : f32 to vector<16xf32>
      %add3A_555 = arith.addf %mul3A_552, %add3A_554 : vector<16xf32>
      %mul3A_556 = arith.mulf %add3A_555, %exp3A_545 : vector<16xf32>
      %add3A_557 = arith.constant 0.999565362 : f32
      %add3A_558 = vector.broadcast %add3A_557 : f32 to vector<16xf32>
      %add3A_559 = arith.addf %mul3A_556, %add3A_558 : vector<16xf32>
      %mul3A_560 = arith.mulf %exp3A_545, %add3A_559 : vector<16xf32>
      %max3A_561 = arith.constant 0.000000e+00 : f32
      %max3A_562 = vector.broadcast %max3A_561 : f32 to vector<16xf32>
      %max3A_563 = arith.maximumf %get3A_531, %max3A_562 : vector<16xf32>
      %add3A_564 = arith.addf %mul3A_560, %max3A_563 : vector<16xf32>
      %mul3A_565 = arith.mulf %get3A_531, %get3A_540 : vector<16xf32>
      %sub3A_566 = arith.subf %add3A_564, %mul3A_565 : vector<16xf32>
      %add3A_567 = arith.addf %add3A_519, %sub3A_566 : vector<16xf32>
      %mul3A_568 = arith.mulf %sub3A_566, %get3A_540 : vector<16xf32>
      %add3A_569 = arith.addf %add3A_521, %mul3A_568 : vector<16xf32>
      %add3A_570 = arith.addf %add3A_522, %get3A_540 : vector<16xf32>
      %get3A_571 = arith.constant 2 : i32
      %get3A_572 = arith.constant 0 : i32
      %get3A_573 = arith.constant 0 : i32
      %get3A_574 = tpu.memref_slice %arg5[%scan3A_367, %get3A_572, %get3A_573] : memref<2x16x512xf32, #tpu.memory_space<vmem>> -> memref<1x16x512xf32, #tpu.memory_space<vmem>>
      %get3A_575 = tpu.memref_squeeze %get3A_574 : memref<1x16x512xf32, #tpu.memory_space<vmem>> -> memref<16x512xf32, #tpu.memory_space<vmem>>
      %get3A_576 = arith.index_cast %get3A_571 : i32 to index
      %get3A_577 = arith.index_cast %mul3A_479 : i32 to index
      %get3A_578 = tpu.vector_load %get3A_575[%get3A_576, %get3A_577] {strides = array<i32>} : memref<16x512xf32, #tpu.memory_space<vmem>>, vector<1x16xf32>,
      %get3A_579 = vector.shape_cast %get3A_578 : vector<1x16xf32> to vector<16xf32>
      %get3A_580 = arith.constant 2 : i32
      %get3A_581 = arith.constant 0 : i32
      %get3A_582 = arith.constant 0 : i32
      %get3A_583 = tpu.memref_slice %arg6[%scan3A_368, %get3A_581, %get3A_582] : memref<2x16x512xf32, #tpu.memory_space<vmem>> -> memref<1x16x512xf32, #tpu.memory_space<vmem>>
      %get3A_584 = tpu.memref_squeeze %get3A_583 : memref<1x16x512xf32, #tpu.memory_space<vmem>> -> memref<16x512xf32, #tpu.memory_space<vmem>>
      %get3A_585 = arith.index_cast %get3A_580 : i32 to index
      %get3A_586 = arith.index_cast %mul3A_479 : i32 to index
      %get3A_587 = tpu.vector_load %get3A_584[%get3A_585, %get3A_586] {strides = array<i32>} : memref<16x512xf32, #tpu.memory_space<vmem>>, vector<1x16xf32>,
      %get3A_588 = vector.shape_cast %get3A_587 : vector<1x16xf32> to vector<16xf32>
      %abs3A_589 = math.absf %get3A_579 : vector<16xf32>
      %neg3A_590 = arith.constant 0.000000e+00 : f32
      %neg3A_591 = vector.broadcast %neg3A_590 : f32 to vector<16xf32>
      %neg3A_592 = arith.subf %neg3A_591, %abs3A_589 : vector<16xf32>
      %exp3A_593 = math.exp %neg3A_592 : vector<16xf32>
      %broadcast_in_dim3A_594 = arith.constant -0.0732374042 : f32
      %broadcast_in_dim3A_595 = vector.broadcast %broadcast_in_dim3A_594 : f32 to vector<16xf32>
      %mul3A_596 = arith.mulf %broadcast_in_dim3A_595, %exp3A_593 : vector<16xf32>
      %add3A_597 = arith.constant 0.252318591 : f32
      %add3A_598 = vector.broadcast %add3A_597 : f32 to vector<16xf32>
      %add3A_599 = arith.addf %mul3A_596, %add3A_598 : vector<16xf32>
      %mul3A_600 = arith.mulf %add3A_599, %exp3A_593 : vector<16xf32>
      %add3A_601 = arith.constant -0.48574236 : f32
      %add3A_602 = vector.broadcast %add3A_601 : f32 to vector<16xf32>
      %add3A_603 = arith.addf %mul3A_600, %add3A_602 : vector<16xf32>
      %mul3A_604 = arith.mulf %add3A_603, %exp3A_593 : vector<16xf32>
      %add3A_605 = arith.constant 0.999565362 : f32
      %add3A_606 = vector.broadcast %add3A_605 : f32 to vector<16xf32>
      %add3A_607 = arith.addf %mul3A_604, %add3A_606 : vector<16xf32>
      %mul3A_608 = arith.mulf %exp3A_593, %add3A_607 : vector<16xf32>
      %max3A_609 = arith.constant 0.000000e+00 : f32
      %max3A_610 = vector.broadcast %max3A_609 : f32 to vector<16xf32>
      %max3A_611 = arith.maximumf %get3A_579, %max3A_610 : vector<16xf32>
      %add3A_612 = arith.addf %mul3A_608, %max3A_611 : vector<16xf32>
      %mul3A_613 = arith.mulf %get3A_579, %get3A_588 : vector<16xf32>
      %sub3A_614 = arith.subf %add3A_612, %mul3A_613 : vector<16xf32>
      %add3A_615 = arith.addf %add3A_567, %sub3A_614 : vector<16xf32>
      %mul3A_616 = arith.mulf %sub3A_614, %get3A_588 : vector<16xf32>
      %add3A_617 = arith.addf %add3A_569, %mul3A_616 : vector<16xf32>
      %add3A_618 = arith.addf %add3A_570, %get3A_588 : vector<16xf32>
      %get3A_619 = arith.constant 3 : i32
      %get3A_620 = arith.constant 0 : i32
      %get3A_621 = arith.constant 0 : i32
      %get3A_622 = tpu.memref_slice %arg5[%scan3A_367, %get3A_620, %get3A_621] : memref<2x16x512xf32, #tpu.memory_space<vmem>> -> memref<1x16x512xf32, #tpu.memory_space<vmem>>
      %get3A_623 = tpu.memref_squeeze %get3A_622 : memref<1x16x512xf32, #tpu.memory_space<vmem>> -> memref<16x512xf32, #tpu.memory_space<vmem>>
      %get3A_624 = arith.index_cast %get3A_619 : i32 to index
      %get3A_625 = arith.index_cast %mul3A_479 : i32 to index
      %get3A_626 = tpu.vector_load %get3A_623[%get3A_624, %get3A_625] {strides = array<i32>} : memref<16x512xf32, #tpu.memory_space<vmem>>, vector<1x16xf32>,
      %get3A_627 = vector.shape_cast %get3A_626 : vector<1x16xf32> to vector<16xf32>
      %get3A_628 = arith.constant 3 : i32
      %get3A_629 = arith.constant 0 : i32
      %get3A_630 = arith.constant 0 : i32
      %get3A_631 = tpu.memref_slice %arg6[%scan3A_368, %get3A_629, %get3A_630] : memref<2x16x512xf32, #tpu.memory_space<vmem>> -> memref<1x16x512xf32, #tpu.memory_space<vmem>>
      %get3A_632 = tpu.memref_squeeze %get3A_631 : memref<1x16x512xf32, #tpu.memory_space<vmem>> -> memref<16x512xf32, #tpu.memory_space<vmem>>
      %get3A_633 = arith.index_cast %get3A_628 : i32 to index
      %get3A_634 = arith.index_cast %mul3A_479 : i32 to index
      %get3A_635 = tpu.vector_load %get3A_632[%get3A_633, %get3A_634] {strides = array<i32>} : memref<16x512xf32, #tpu.memory_space<vmem>>, vector<1x16xf32>,
      %get3A_636 = vector.shape_cast %get3A_635 : vector<1x16xf32> to vector<16xf32>
      %abs3A_637 = math.absf %get3A_627 : vector<16xf32>
      %neg3A_638 = arith.constant 0.000000e+00 : f32
      %neg3A_639 = vector.broadcast %neg3A_638 : f32 to vector<16xf32>
      %neg3A_640 = arith.subf %neg3A_639, %abs3A_637 : vector<16xf32>
      %exp3A_641 = math.exp %neg3A_640 : vector<16xf32>
      %broadcast_in_dim3A_642 = arith.constant -0.0732374042 : f32
      %broadcast_in_dim3A_643 = vector.broadcast %broadcast_in_dim3A_642 : f32 to vector<16xf32>
      %mul3A_644 = arith.mulf %broadcast_in_dim3A_643, %exp3A_641 : vector<16xf32>
      %add3A_645 = arith.constant 0.252318591 : f32
      %add3A_646 = vector.broadcast %add3A_645 : f32 to vector<16xf32>
      %add3A_647 = arith.addf %mul3A_644, %add3A_646 : vector<16xf32>
      %mul3A_648 = arith.mulf %add3A_647, %exp3A_641 : vector<16xf32>
      %add3A_649 = arith.constant -0.48574236 : f32
      %add3A_650 = vector.broadcast %add3A_649 : f32 to vector<16xf32>
      %add3A_651 = arith.addf %mul3A_648, %add3A_650 : vector<16xf32>
      %mul3A_652 = arith.mulf %add3A_651, %exp3A_641 : vector<16xf32>
      %add3A_653 = arith.constant 0.999565362 : f32
      %add3A_654 = vector.broadcast %add3A_653 : f32 to vector<16xf32>
      %add3A_655 = arith.addf %mul3A_652, %add3A_654 : vector<16xf32>
      %mul3A_656 = arith.mulf %exp3A_641, %add3A_655 : vector<16xf32>
      %max3A_657 = arith.constant 0.000000e+00 : f32
      %max3A_658 = vector.broadcast %max3A_657 : f32 to vector<16xf32>
      %max3A_659 = arith.maximumf %get3A_627, %max3A_658 : vector<16xf32>
      %add3A_660 = arith.addf %mul3A_656, %max3A_659 : vector<16xf32>
      %mul3A_661 = arith.mulf %get3A_627, %get3A_636 : vector<16xf32>
      %sub3A_662 = arith.subf %add3A_660, %mul3A_661 : vector<16xf32>
      %add3A_663 = arith.addf %add3A_615, %sub3A_662 : vector<16xf32>
      %mul3A_664 = arith.mulf %sub3A_662, %get3A_636 : vector<16xf32>
      %add3A_665 = arith.addf %add3A_617, %mul3A_664 : vector<16xf32>
      %add3A_666 = arith.addf %add3A_618, %get3A_636 : vector<16xf32>
      %get3A_667 = arith.constant 4 : i32
      %get3A_668 = arith.constant 0 : i32
      %get3A_669 = arith.constant 0 : i32
      %get3A_670 = tpu.memref_slice %arg5[%scan3A_367, %get3A_668, %get3A_669] : memref<2x16x512xf32, #tpu.memory_space<vmem>> -> memref<1x16x512xf32, #tpu.memory_space<vmem>>
      %get3A_671 = tpu.memref_squeeze %get3A_670 : memref<1x16x512xf32, #tpu.memory_space<vmem>> -> memref<16x512xf32, #tpu.memory_space<vmem>>
      %get3A_672 = arith.index_cast %get3A_667 : i32 to index
      %get3A_673 = arith.index_cast %mul3A_479 : i32 to index
      %get3A_674 = tpu.vector_load %get3A_671[%get3A_672, %get3A_673] {strides = array<i32>} : memref<16x512xf32, #tpu.memory_space<vmem>>, vector<1x16xf32>,
      %get3A_675 = vector.shape_cast %get3A_674 : vector<1x16xf32> to vector<16xf32>
      %get3A_676 = arith.constant 4 : i32
      %get3A_677 = arith.constant 0 : i32
      %get3A_678 = arith.constant 0 : i32
      %get3A_679 = tpu.memref_slice %arg6[%scan3A_368, %get3A_677, %get3A_678] : memref<2x16x512xf32, #tpu.memory_space<vmem>> -> memref<1x16x512xf32, #tpu.memory_space<vmem>>
      %get3A_680 = tpu.memref_squeeze %get3A_679 : memref<1x16x512xf32, #tpu.memory_space<vmem>> -> memref<16x512xf32, #tpu.memory_space<vmem>>
      %get3A_681 = arith.index_cast %get3A_676 : i32 to index
      %get3A_682 = arith.index_cast %mul3A_479 : i32 to index
      %get3A_683 = tpu.vector_load %get3A_680[%get3A_681, %get3A_682] {strides = array<i32>} : memref<16x512xf32, #tpu.memory_space<vmem>>, vector<1x16xf32>,
      %get3A_684 = vector.shape_cast %get3A_683 : vector<1x16xf32> to vector<16xf32>
      %abs3A_685 = math.absf %get3A_675 : vector<16xf32>
      %neg3A_686 = arith.constant 0.000000e+00 : f32
      %neg3A_687 = vector.broadcast %neg3A_686 : f32 to vector<16xf32>
      %neg3A_688 = arith.subf %neg3A_687, %abs3A_685 : vector<16xf32>
      %exp3A_689 = math.exp %neg3A_688 : vector<16xf32>
      %broadcast_in_dim3A_690 = arith.constant -0.0732374042 : f32
      %broadcast_in_dim3A_691 = vector.broadcast %broadcast_in_dim3A_690 : f32 to vector<16xf32>
      %mul3A_692 = arith.mulf %broadcast_in_dim3A_691, %exp3A_689 : vector<16xf32>
      %add3A_693 = arith.constant 0.252318591 : f32
      %add3A_694 = vector.broadcast %add3A_693 : f32 to vector<16xf32>
      %add3A_695 = arith.addf %mul3A_692, %add3A_694 : vector<16xf32>
      %mul3A_696 = arith.mulf %add3A_695, %exp3A_689 : vector<16xf32>
      %add3A_697 = arith.constant -0.48574236 : f32
      %add3A_698 = vector.broadcast %add3A_697 : f32 to vector<16xf32>
      %add3A_699 = arith.addf %mul3A_696, %add3A_698 : vector<16xf32>
      %mul3A_700 = arith.mulf %add3A_699, %exp3A_689 : vector<16xf32>
      %add3A_701 = arith.constant 0.999565362 : f32
      %add3A_702 = vector.broadcast %add3A_701 : f32 to vector<16xf32>
      %add3A_703 = arith.addf %mul3A_700, %add3A_702 : vector<16xf32>
      %mul3A_704 = arith.mulf %exp3A_689, %add3A_703 : vector<16xf32>
      %max3A_705 = arith.constant 0.000000e+00 : f32
      %max3A_706 = vector.broadcast %max3A_705 : f32 to vector<16xf32>
      %max3A_707 = arith.maximumf %get3A_675, %max3A_706 : vector<16xf32>
      %add3A_708 = arith.addf %mul3A_704, %max3A_707 : vector<16xf32>
      %mul3A_709 = arith.mulf %get3A_675, %get3A_684 : vector<16xf32>
      %sub3A_710 = arith.subf %add3A_708, %mul3A_709 : vector<16xf32>
      %add3A_711 = arith.addf %add3A_663, %sub3A_710 : vector<16xf32>
      %mul3A_712 = arith.mulf %sub3A_710, %get3A_684 : vector<16xf32>
      %add3A_713 = arith.addf %add3A_665, %mul3A_712 : vector<16xf32>
      %add3A_714 = arith.addf %add3A_666, %get3A_684 : vector<16xf32>
      %get3A_715 = arith.constant 5 : i32
      %get3A_716 = arith.constant 0 : i32
      %get3A_717 = arith.constant 0 : i32
      %get3A_718 = tpu.memref_slice %arg5[%scan3A_367, %get3A_716, %get3A_717] : memref<2x16x512xf32, #tpu.memory_space<vmem>> -> memref<1x16x512xf32, #tpu.memory_space<vmem>>
      %get3A_719 = tpu.memref_squeeze %get3A_718 : memref<1x16x512xf32, #tpu.memory_space<vmem>> -> memref<16x512xf32, #tpu.memory_space<vmem>>
      %get3A_720 = arith.index_cast %get3A_715 : i32 to index
      %get3A_721 = arith.index_cast %mul3A_479 : i32 to index
      %get3A_722 = tpu.vector_load %get3A_719[%get3A_720, %get3A_721] {strides = array<i32>} : memref<16x512xf32, #tpu.memory_space<vmem>>, vector<1x16xf32>,
      %get3A_723 = vector.shape_cast %get3A_722 : vector<1x16xf32> to vector<16xf32>
      %get3A_724 = arith.constant 5 : i32
      %get3A_725 = arith.constant 0 : i32
      %get3A_726 = arith.constant 0 : i32
      %get3A_727 = tpu.memref_slice %arg6[%scan3A_368, %get3A_725, %get3A_726] : memref<2x16x512xf32, #tpu.memory_space<vmem>> -> memref<1x16x512xf32, #tpu.memory_space<vmem>>
      %get3A_728 = tpu.memref_squeeze %get3A_727 : memref<1x16x512xf32, #tpu.memory_space<vmem>> -> memref<16x512xf32, #tpu.memory_space<vmem>>
      %get3A_729 = arith.index_cast %get3A_724 : i32 to index
      %get3A_730 = arith.index_cast %mul3A_479 : i32 to index
      %get3A_731 = tpu.vector_load %get3A_728[%get3A_729, %get3A_730] {strides = array<i32>} : memref<16x512xf32, #tpu.memory_space<vmem>>, vector<1x16xf32>,
      %get3A_732 = vector.shape_cast %get3A_731 : vector<1x16xf32> to vector<16xf32>
      %abs3A_733 = math.absf %get3A_723 : vector<16xf32>
      %neg3A_734 = arith.constant 0.000000e+00 : f32
      %neg3A_735 = vector.broadcast %neg3A_734 : f32 to vector<16xf32>
      %neg3A_736 = arith.subf %neg3A_735, %abs3A_733 : vector<16xf32>
      %exp3A_737 = math.exp %neg3A_736 : vector<16xf32>
      %broadcast_in_dim3A_738 = arith.constant -0.0732374042 : f32
      %broadcast_in_dim3A_739 = vector.broadcast %broadcast_in_dim3A_738 : f32 to vector<16xf32>
      %mul3A_740 = arith.mulf %broadcast_in_dim3A_739, %exp3A_737 : vector<16xf32>
      %add3A_741 = arith.constant 0.252318591 : f32
      %add3A_742 = vector.broadcast %add3A_741 : f32 to vector<16xf32>
      %add3A_743 = arith.addf %mul3A_740, %add3A_742 : vector<16xf32>
      %mul3A_744 = arith.mulf %add3A_743, %exp3A_737 : vector<16xf32>
      %add3A_745 = arith.constant -0.48574236 : f32
      %add3A_746 = vector.broadcast %add3A_745 : f32 to vector<16xf32>
      %add3A_747 = arith.addf %mul3A_744, %add3A_746 : vector<16xf32>
      %mul3A_748 = arith.mulf %add3A_747, %exp3A_737 : vector<16xf32>
      %add3A_749 = arith.constant 0.999565362 : f32
      %add3A_750 = vector.broadcast %add3A_749 : f32 to vector<16xf32>
      %add3A_751 = arith.addf %mul3A_748, %add3A_750 : vector<16xf32>
      %mul3A_752 = arith.mulf %exp3A_737, %add3A_751 : vector<16xf32>
      %max3A_753 = arith.constant 0.000000e+00 : f32
      %max3A_754 = vector.broadcast %max3A_753 : f32 to vector<16xf32>
      %max3A_755 = arith.maximumf %get3A_723, %max3A_754 : vector<16xf32>
      %add3A_756 = arith.addf %mul3A_752, %max3A_755 : vector<16xf32>
      %mul3A_757 = arith.mulf %get3A_723, %get3A_732 : vector<16xf32>
      %sub3A_758 = arith.subf %add3A_756, %mul3A_757 : vector<16xf32>
      %add3A_759 = arith.addf %add3A_711, %sub3A_758 : vector<16xf32>
      %mul3A_760 = arith.mulf %sub3A_758, %get3A_732 : vector<16xf32>
      %add3A_761 = arith.addf %add3A_713, %mul3A_760 : vector<16xf32>
      %add3A_762 = arith.addf %add3A_714, %get3A_732 : vector<16xf32>
      %get3A_763 = arith.constant 6 : i32
      %get3A_764 = arith.constant 0 : i32
      %get3A_765 = arith.constant 0 : i32
      %get3A_766 = tpu.memref_slice %arg5[%scan3A_367, %get3A_764, %get3A_765] : memref<2x16x512xf32, #tpu.memory_space<vmem>> -> memref<1x16x512xf32, #tpu.memory_space<vmem>>
      %get3A_767 = tpu.memref_squeeze %get3A_766 : memref<1x16x512xf32, #tpu.memory_space<vmem>> -> memref<16x512xf32, #tpu.memory_space<vmem>>
      %get3A_768 = arith.index_cast %get3A_763 : i32 to index
      %get3A_769 = arith.index_cast %mul3A_479 : i32 to index
      %get3A_770 = tpu.vector_load %get3A_767[%get3A_768, %get3A_769] {strides = array<i32>} : memref<16x512xf32, #tpu.memory_space<vmem>>, vector<1x16xf32>,
      %get3A_771 = vector.shape_cast %get3A_770 : vector<1x16xf32> to vector<16xf32>
      %get3A_772 = arith.constant 6 : i32
      %get3A_773 = arith.constant 0 : i32
      %get3A_774 = arith.constant 0 : i32
      %get3A_775 = tpu.memref_slice %arg6[%scan3A_368, %get3A_773, %get3A_774] : memref<2x16x512xf32, #tpu.memory_space<vmem>> -> memref<1x16x512xf32, #tpu.memory_space<vmem>>
      %get3A_776 = tpu.memref_squeeze %get3A_775 : memref<1x16x512xf32, #tpu.memory_space<vmem>> -> memref<16x512xf32, #tpu.memory_space<vmem>>
      %get3A_777 = arith.index_cast %get3A_772 : i32 to index
      %get3A_778 = arith.index_cast %mul3A_479 : i32 to index
      %get3A_779 = tpu.vector_load %get3A_776[%get3A_777, %get3A_778] {strides = array<i32>} : memref<16x512xf32, #tpu.memory_space<vmem>>, vector<1x16xf32>,
      %get3A_780 = vector.shape_cast %get3A_779 : vector<1x16xf32> to vector<16xf32>
      %abs3A_781 = math.absf %get3A_771 : vector<16xf32>
      %neg3A_782 = arith.constant 0.000000e+00 : f32
      %neg3A_783 = vector.broadcast %neg3A_782 : f32 to vector<16xf32>
      %neg3A_784 = arith.subf %neg3A_783, %abs3A_781 : vector<16xf32>
      %exp3A_785 = math.exp %neg3A_784 : vector<16xf32>
      %broadcast_in_dim3A_786 = arith.constant -0.0732374042 : f32
      %broadcast_in_dim3A_787 = vector.broadcast %broadcast_in_dim3A_786 : f32 to vector<16xf32>
      %mul3A_788 = arith.mulf %broadcast_in_dim3A_787, %exp3A_785 : vector<16xf32>
      %add3A_789 = arith.constant 0.252318591 : f32
      %add3A_790 = vector.broadcast %add3A_789 : f32 to vector<16xf32>
      %add3A_791 = arith.addf %mul3A_788, %add3A_790 : vector<16xf32>
      %mul3A_792 = arith.mulf %add3A_791, %exp3A_785 : vector<16xf32>
      %add3A_793 = arith.constant -0.48574236 : f32
      %add3A_794 = vector.broadcast %add3A_793 : f32 to vector<16xf32>
      %add3A_795 = arith.addf %mul3A_792, %add3A_794 : vector<16xf32>
      %mul3A_796 = arith.mulf %add3A_795, %exp3A_785 : vector<16xf32>
      %add3A_797 = arith.constant 0.999565362 : f32
      %add3A_798 = vector.broadcast %add3A_797 : f32 to vector<16xf32>
      %add3A_799 = arith.addf %mul3A_796, %add3A_798 : vector<16xf32>
      %mul3A_800 = arith.mulf %exp3A_785, %add3A_799 : vector<16xf32>
      %max3A_801 = arith.constant 0.000000e+00 : f32
      %max3A_802 = vector.broadcast %max3A_801 : f32 to vector<16xf32>
      %max3A_803 = arith.maximumf %get3A_771, %max3A_802 : vector<16xf32>
      %add3A_804 = arith.addf %mul3A_800, %max3A_803 : vector<16xf32>
      %mul3A_805 = arith.mulf %get3A_771, %get3A_780 : vector<16xf32>
      %sub3A_806 = arith.subf %add3A_804, %mul3A_805 : vector<16xf32>
      %add3A_807 = arith.addf %add3A_759, %sub3A_806 : vector<16xf32>
      %mul3A_808 = arith.mulf %sub3A_806, %get3A_780 : vector<16xf32>
      %add3A_809 = arith.addf %add3A_761, %mul3A_808 : vector<16xf32>
      %add3A_810 = arith.addf %add3A_762, %get3A_780 : vector<16xf32>
      %get3A_811 = arith.constant 7 : i32
      %get3A_812 = arith.constant 0 : i32
      %get3A_813 = arith.constant 0 : i32
      %get3A_814 = tpu.memref_slice %arg5[%scan3A_367, %get3A_812, %get3A_813] : memref<2x16x512xf32, #tpu.memory_space<vmem>> -> memref<1x16x512xf32, #tpu.memory_space<vmem>>
      %get3A_815 = tpu.memref_squeeze %get3A_814 : memref<1x16x512xf32, #tpu.memory_space<vmem>> -> memref<16x512xf32, #tpu.memory_space<vmem>>
      %get3A_816 = arith.index_cast %get3A_811 : i32 to index
      %get3A_817 = arith.index_cast %mul3A_479 : i32 to index
      %get3A_818 = tpu.vector_load %get3A_815[%get3A_816, %get3A_817] {strides = array<i32>} : memref<16x512xf32, #tpu.memory_space<vmem>>, vector<1x16xf32>,
      %get3A_819 = vector.shape_cast %get3A_818 : vector<1x16xf32> to vector<16xf32>
      %get3A_820 = arith.constant 7 : i32
      %get3A_821 = arith.constant 0 : i32
      %get3A_822 = arith.constant 0 : i32
      %get3A_823 = tpu.memref_slice %arg6[%scan3A_368, %get3A_821, %get3A_822] : memref<2x16x512xf32, #tpu.memory_space<vmem>> -> memref<1x16x512xf32, #tpu.memory_space<vmem>>
      %get3A_824 = tpu.memref_squeeze %get3A_823 : memref<1x16x512xf32, #tpu.memory_space<vmem>> -> memref<16x512xf32, #tpu.memory_space<vmem>>
      %get3A_825 = arith.index_cast %get3A_820 : i32 to index
      %get3A_826 = arith.index_cast %mul3A_479 : i32 to index
      %get3A_827 = tpu.vector_load %get3A_824[%get3A_825, %get3A_826] {strides = array<i32>} : memref<16x512xf32, #tpu.memory_space<vmem>>, vector<1x16xf32>,
      %get3A_828 = vector.shape_cast %get3A_827 : vector<1x16xf32> to vector<16xf32>
      %abs3A_829 = math.absf %get3A_819 : vector<16xf32>
      %neg3A_830 = arith.constant 0.000000e+00 : f32
      %neg3A_831 = vector.broadcast %neg3A_830 : f32 to vector<16xf32>
      %neg3A_832 = arith.subf %neg3A_831, %abs3A_829 : vector<16xf32>
      %exp3A_833 = math.exp %neg3A_832 : vector<16xf32>
      %broadcast_in_dim3A_834 = arith.constant -0.0732374042 : f32
      %broadcast_in_dim3A_835 = vector.broadcast %broadcast_in_dim3A_834 : f32 to vector<16xf32>
      %mul3A_836 = arith.mulf %broadcast_in_dim3A_835, %exp3A_833 : vector<16xf32>
      %add3A_837 = arith.constant 0.252318591 : f32
      %add3A_838 = vector.broadcast %add3A_837 : f32 to vector<16xf32>
      %add3A_839 = arith.addf %mul3A_836, %add3A_838 : vector<16xf32>
      %mul3A_840 = arith.mulf %add3A_839, %exp3A_833 : vector<16xf32>
      %add3A_841 = arith.constant -0.48574236 : f32
      %add3A_842 = vector.broadcast %add3A_841 : f32 to vector<16xf32>
      %add3A_843 = arith.addf %mul3A_840, %add3A_842 : vector<16xf32>
      %mul3A_844 = arith.mulf %add3A_843, %exp3A_833 : vector<16xf32>
      %add3A_845 = arith.constant 0.999565362 : f32
      %add3A_846 = vector.broadcast %add3A_845 : f32 to vector<16xf32>
      %add3A_847 = arith.addf %mul3A_844, %add3A_846 : vector<16xf32>
      %mul3A_848 = arith.mulf %exp3A_833, %add3A_847 : vector<16xf32>
      %max3A_849 = arith.constant 0.000000e+00 : f32
      %max3A_850 = vector.broadcast %max3A_849 : f32 to vector<16xf32>
      %max3A_851 = arith.maximumf %get3A_819, %max3A_850 : vector<16xf32>
      %add3A_852 = arith.addf %mul3A_848, %max3A_851 : vector<16xf32>
      %mul3A_853 = arith.mulf %get3A_819, %get3A_828 : vector<16xf32>
      %sub3A_854 = arith.subf %add3A_852, %mul3A_853 : vector<16xf32>
      %add3A_855 = arith.addf %add3A_807, %sub3A_854 : vector<16xf32>
      %mul3A_856 = arith.mulf %sub3A_854, %get3A_828 : vector<16xf32>
      %add3A_857 = arith.addf %add3A_809, %mul3A_856 : vector<16xf32>
      %add3A_858 = arith.addf %add3A_810, %get3A_828 : vector<16xf32>
      %get3A_859 = arith.constant 8 : i32
      %get3A_860 = arith.constant 0 : i32
      %get3A_861 = arith.constant 0 : i32
      %get3A_862 = tpu.memref_slice %arg5[%scan3A_367, %get3A_860, %get3A_861] : memref<2x16x512xf32, #tpu.memory_space<vmem>> -> memref<1x16x512xf32, #tpu.memory_space<vmem>>
      %get3A_863 = tpu.memref_squeeze %get3A_862 : memref<1x16x512xf32, #tpu.memory_space<vmem>> -> memref<16x512xf32, #tpu.memory_space<vmem>>
      %get3A_864 = arith.index_cast %get3A_859 : i32 to index
      %get3A_865 = arith.index_cast %mul3A_479 : i32 to index
      %get3A_866 = tpu.vector_load %get3A_863[%get3A_864, %get3A_865] {strides = array<i32>} : memref<16x512xf32, #tpu.memory_space<vmem>>, vector<1x16xf32>,
      %get3A_867 = vector.shape_cast %get3A_866 : vector<1x16xf32> to vector<16xf32>
      %get3A_868 = arith.constant 8 : i32
      %get3A_869 = arith.constant 0 : i32
      %get3A_870 = arith.constant 0 : i32
      %get3A_871 = tpu.memref_slice %arg6[%scan3A_368, %get3A_869, %get3A_870] : memref<2x16x512xf32, #tpu.memory_space<vmem>> -> memref<1x16x512xf32, #tpu.memory_space<vmem>>
      %get3A_872 = tpu.memref_squeeze %get3A_871 : memref<1x16x512xf32, #tpu.memory_space<vmem>> -> memref<16x512xf32, #tpu.memory_space<vmem>>
      %get3A_873 = arith.index_cast %get3A_868 : i32 to index
      %get3A_874 = arith.index_cast %mul3A_479 : i32 to index
      %get3A_875 = tpu.vector_load %get3A_872[%get3A_873, %get3A_874] {strides = array<i32>} : memref<16x512xf32, #tpu.memory_space<vmem>>, vector<1x16xf32>,
      %get3A_876 = vector.shape_cast %get3A_875 : vector<1x16xf32> to vector<16xf32>
      %abs3A_877 = math.absf %get3A_867 : vector<16xf32>
      %neg3A_878 = arith.constant 0.000000e+00 : f32
      %neg3A_879 = vector.broadcast %neg3A_878 : f32 to vector<16xf32>
      %neg3A_880 = arith.subf %neg3A_879, %abs3A_877 : vector<16xf32>
      %exp3A_881 = math.exp %neg3A_880 : vector<16xf32>
      %broadcast_in_dim3A_882 = arith.constant -0.0732374042 : f32
      %broadcast_in_dim3A_883 = vector.broadcast %broadcast_in_dim3A_882 : f32 to vector<16xf32>
      %mul3A_884 = arith.mulf %broadcast_in_dim3A_883, %exp3A_881 : vector<16xf32>
      %add3A_885 = arith.constant 0.252318591 : f32
      %add3A_886 = vector.broadcast %add3A_885 : f32 to vector<16xf32>
      %add3A_887 = arith.addf %mul3A_884, %add3A_886 : vector<16xf32>
      %mul3A_888 = arith.mulf %add3A_887, %exp3A_881 : vector<16xf32>
      %add3A_889 = arith.constant -0.48574236 : f32
      %add3A_890 = vector.broadcast %add3A_889 : f32 to vector<16xf32>
      %add3A_891 = arith.addf %mul3A_888, %add3A_890 : vector<16xf32>
      %mul3A_892 = arith.mulf %add3A_891, %exp3A_881 : vector<16xf32>
      %add3A_893 = arith.constant 0.999565362 : f32
      %add3A_894 = vector.broadcast %add3A_893 : f32 to vector<16xf32>
      %add3A_895 = arith.addf %mul3A_892, %add3A_894 : vector<16xf32>
      %mul3A_896 = arith.mulf %exp3A_881, %add3A_895 : vector<16xf32>
      %max3A_897 = arith.constant 0.000000e+00 : f32
      %max3A_898 = vector.broadcast %max3A_897 : f32 to vector<16xf32>
      %max3A_899 = arith.maximumf %get3A_867, %max3A_898 : vector<16xf32>
      %add3A_900 = arith.addf %mul3A_896, %max3A_899 : vector<16xf32>
      %mul3A_901 = arith.mulf %get3A_867, %get3A_876 : vector<16xf32>
      %sub3A_902 = arith.subf %add3A_900, %mul3A_901 : vector<16xf32>
      %add3A_903 = arith.addf %add3A_855, %sub3A_902 : vector<16xf32>
      %mul3A_904 = arith.mulf %sub3A_902, %get3A_876 : vector<16xf32>
      %add3A_905 = arith.addf %add3A_857, %mul3A_904 : vector<16xf32>
      %add3A_906 = arith.addf %add3A_858, %get3A_876 : vector<16xf32>
      %get3A_907 = arith.constant 9 : i32
      %get3A_908 = arith.constant 0 : i32
      %get3A_909 = arith.constant 0 : i32
      %get3A_910 = tpu.memref_slice %arg5[%scan3A_367, %get3A_908, %get3A_909] : memref<2x16x512xf32, #tpu.memory_space<vmem>> -> memref<1x16x512xf32, #tpu.memory_space<vmem>>
      %get3A_911 = tpu.memref_squeeze %get3A_910 : memref<1x16x512xf32, #tpu.memory_space<vmem>> -> memref<16x512xf32, #tpu.memory_space<vmem>>
      %get3A_912 = arith.index_cast %get3A_907 : i32 to index
      %get3A_913 = arith.index_cast %mul3A_479 : i32 to index
      %get3A_914 = tpu.vector_load %get3A_911[%get3A_912, %get3A_913] {strides = array<i32>} : memref<16x512xf32, #tpu.memory_space<vmem>>, vector<1x16xf32>,
      %get3A_915 = vector.shape_cast %get3A_914 : vector<1x16xf32> to vector<16xf32>
      %get3A_916 = arith.constant 9 : i32
      %get3A_917 = arith.constant 0 : i32
      %get3A_918 = arith.constant 0 : i32
      %get3A_919 = tpu.memref_slice %arg6[%scan3A_368, %get3A_917, %get3A_918] : memref<2x16x512xf32, #tpu.memory_space<vmem>> -> memref<1x16x512xf32, #tpu.memory_space<vmem>>
      %get3A_920 = tpu.memref_squeeze %get3A_919 : memref<1x16x512xf32, #tpu.memory_space<vmem>> -> memref<16x512xf32, #tpu.memory_space<vmem>>
      %get3A_921 = arith.index_cast %get3A_916 : i32 to index
      %get3A_922 = arith.index_cast %mul3A_479 : i32 to index
      %get3A_923 = tpu.vector_load %get3A_920[%get3A_921, %get3A_922] {strides = array<i32>} : memref<16x512xf32, #tpu.memory_space<vmem>>, vector<1x16xf32>,
      %get3A_924 = vector.shape_cast %get3A_923 : vector<1x16xf32> to vector<16xf32>
      %abs3A_925 = math.absf %get3A_915 : vector<16xf32>
      %neg3A_926 = arith.constant 0.000000e+00 : f32
      %neg3A_927 = vector.broadcast %neg3A_926 : f32 to vector<16xf32>
      %neg3A_928 = arith.subf %neg3A_927, %abs3A_925 : vector<16xf32>
      %exp3A_929 = math.exp %neg3A_928 : vector<16xf32>
      %broadcast_in_dim3A_930 = arith.constant -0.0732374042 : f32
      %broadcast_in_dim3A_931 = vector.broadcast %broadcast_in_dim3A_930 : f32 to vector<16xf32>
      %mul3A_932 = arith.mulf %broadcast_in_dim3A_931, %exp3A_929 : vector<16xf32>
      %add3A_933 = arith.constant 0.252318591 : f32
      %add3A_934 = vector.broadcast %add3A_933 : f32 to vector<16xf32>
      %add3A_935 = arith.addf %mul3A_932, %add3A_934 : vector<16xf32>
      %mul3A_936 = arith.mulf %add3A_935, %exp3A_929 : vector<16xf32>
      %add3A_937 = arith.constant -0.48574236 : f32
      %add3A_938 = vector.broadcast %add3A_937 : f32 to vector<16xf32>
      %add3A_939 = arith.addf %mul3A_936, %add3A_938 : vector<16xf32>
      %mul3A_940 = arith.mulf %add3A_939, %exp3A_929 : vector<16xf32>
      %add3A_941 = arith.constant 0.999565362 : f32
      %add3A_942 = vector.broadcast %add3A_941 : f32 to vector<16xf32>
      %add3A_943 = arith.addf %mul3A_940, %add3A_942 : vector<16xf32>
      %mul3A_944 = arith.mulf %exp3A_929, %add3A_943 : vector<16xf32>
      %max3A_945 = arith.constant 0.000000e+00 : f32
      %max3A_946 = vector.broadcast %max3A_945 : f32 to vector<16xf32>
      %max3A_947 = arith.maximumf %get3A_915, %max3A_946 : vector<16xf32>
      %add3A_948 = arith.addf %mul3A_944, %max3A_947 : vector<16xf32>
      %mul3A_949 = arith.mulf %get3A_915, %get3A_924 : vector<16xf32>
      %sub3A_950 = arith.subf %add3A_948, %mul3A_949 : vector<16xf32>
      %add3A_951 = arith.addf %add3A_903, %sub3A_950 : vector<16xf32>
      %mul3A_952 = arith.mulf %sub3A_950, %get3A_924 : vector<16xf32>
      %add3A_953 = arith.addf %add3A_905, %mul3A_952 : vector<16xf32>
      %add3A_954 = arith.addf %add3A_906, %get3A_924 : vector<16xf32>
      %get3A_955 = arith.constant 10 : i32
      %get3A_956 = arith.constant 0 : i32
      %get3A_957 = arith.constant 0 : i32
      %get3A_958 = tpu.memref_slice %arg5[%scan3A_367, %get3A_956, %get3A_957] : memref<2x16x512xf32, #tpu.memory_space<vmem>> -> memref<1x16x512xf32, #tpu.memory_space<vmem>>
      %get3A_959 = tpu.memref_squeeze %get3A_958 : memref<1x16x512xf32, #tpu.memory_space<vmem>> -> memref<16x512xf32, #tpu.memory_space<vmem>>
      %get3A_960 = arith.index_cast %get3A_955 : i32 to index
      %get3A_961 = arith.index_cast %mul3A_479 : i32 to index
      %get3A_962 = tpu.vector_load %get3A_959[%get3A_960, %get3A_961] {strides = array<i32>} : memref<16x512xf32, #tpu.memory_space<vmem>>, vector<1x16xf32>,
      %get3A_963 = vector.shape_cast %get3A_962 : vector<1x16xf32> to vector<16xf32>
      %get3A_964 = arith.constant 10 : i32
      %get3A_965 = arith.constant 0 : i32
      %get3A_966 = arith.constant 0 : i32
      %get3A_967 = tpu.memref_slice %arg6[%scan3A_368, %get3A_965, %get3A_966] : memref<2x16x512xf32, #tpu.memory_space<vmem>> -> memref<1x16x512xf32, #tpu.memory_space<vmem>>
      %get3A_968 = tpu.memref_squeeze %get3A_967 : memref<1x16x512xf32, #tpu.memory_space<vmem>> -> memref<16x512xf32, #tpu.memory_space<vmem>>
      %get3A_969 = arith.index_cast %get3A_964 : i32 to index
      %get3A_970 = arith.index_cast %mul3A_479 : i32 to index
      %get3A_971 = tpu.vector_load %get3A_968[%get3A_969, %get3A_970] {strides = array<i32>} : memref<16x512xf32, #tpu.memory_space<vmem>>, vector<1x16xf32>,
      %get3A_972 = vector.shape_cast %get3A_971 : vector<1x16xf32> to vector<16xf32>
      %abs3A_973 = math.absf %get3A_963 : vector<16xf32>
      %neg3A_974 = arith.constant 0.000000e+00 : f32
      %neg3A_975 = vector.broadcast %neg3A_974 : f32 to vector<16xf32>
      %neg3A_976 = arith.subf %neg3A_975, %abs3A_973 : vector<16xf32>
      %exp3A_977 = math.exp %neg3A_976 : vector<16xf32>
      %broadcast_in_dim3A_978 = arith.constant -0.0732374042 : f32
      %broadcast_in_dim3A_979 = vector.broadcast %broadcast_in_dim3A_978 : f32 to vector<16xf32>
      %mul3A_980 = arith.mulf %broadcast_in_dim3A_979, %exp3A_977 : vector<16xf32>
      %add3A_981 = arith.constant 0.252318591 : f32
      %add3A_982 = vector.broadcast %add3A_981 : f32 to vector<16xf32>
      %add3A_983 = arith.addf %mul3A_980, %add3A_982 : vector<16xf32>
      %mul3A_984 = arith.mulf %add3A_983, %exp3A_977 : vector<16xf32>
      %add3A_985 = arith.constant -0.48574236 : f32
      %add3A_986 = vector.broadcast %add3A_985 : f32 to vector<16xf32>
      %add3A_987 = arith.addf %mul3A_984, %add3A_986 : vector<16xf32>
      %mul3A_988 = arith.mulf %add3A_987, %exp3A_977 : vector<16xf32>
      %add3A_989 = arith.constant 0.999565362 : f32
      %add3A_990 = vector.broadcast %add3A_989 : f32 to vector<16xf32>
      %add3A_991 = arith.addf %mul3A_988, %add3A_990 : vector<16xf32>
      %mul3A_992 = arith.mulf %exp3A_977, %add3A_991 : vector<16xf32>
      %max3A_993 = arith.constant 0.000000e+00 : f32
      %max3A_994 = vector.broadcast %max3A_993 : f32 to vector<16xf32>
      %max3A_995 = arith.maximumf %get3A_963, %max3A_994 : vector<16xf32>
      %add3A_996 = arith.addf %mul3A_992, %max3A_995 : vector<16xf32>
      %mul3A_997 = arith.mulf %get3A_963, %get3A_972 : vector<16xf32>
      %sub3A_998 = arith.subf %add3A_996, %mul3A_997 : vector<16xf32>
      %add3A_999 = arith.addf %add3A_951, %sub3A_998 : vector<16xf32>
      %mul3A_1000 = arith.mulf %sub3A_998, %get3A_972 : vector<16xf32>
      %add3A_1001 = arith.addf %add3A_953, %mul3A_1000 : vector<16xf32>
      %add3A_1002 = arith.addf %add3A_954, %get3A_972 : vector<16xf32>
      %get3A_1003 = arith.constant 11 : i32
      %get3A_1004 = arith.constant 0 : i32
      %get3A_1005 = arith.constant 0 : i32
      %get3A_1006 = tpu.memref_slice %arg5[%scan3A_367, %get3A_1004, %get3A_1005] : memref<2x16x512xf32, #tpu.memory_space<vmem>> -> memref<1x16x512xf32, #tpu.memory_space<vmem>>
      %get3A_1007 = tpu.memref_squeeze %get3A_1006 : memref<1x16x512xf32, #tpu.memory_space<vmem>> -> memref<16x512xf32, #tpu.memory_space<vmem>>
      %get3A_1008 = arith.index_cast %get3A_1003 : i32 to index
      %get3A_1009 = arith.index_cast %mul3A_479 : i32 to index
      %get3A_1010 = tpu.vector_load %get3A_1007[%get3A_1008, %get3A_1009] {strides = array<i32>} : memref<16x512xf32, #tpu.memory_space<vmem>>, vector<1x16xf32>,
      %get3A_1011 = vector.shape_cast %get3A_1010 : vector<1x16xf32> to vector<16xf32>
      %get3A_1012 = arith.constant 11 : i32
      %get3A_1013 = arith.constant 0 : i32
      %get3A_1014 = arith.constant 0 : i32
      %get3A_1015 = tpu.memref_slice %arg6[%scan3A_368, %get3A_1013, %get3A_1014] : memref<2x16x512xf32, #tpu.memory_space<vmem>> -> memref<1x16x512xf32, #tpu.memory_space<vmem>>
      %get3A_1016 = tpu.memref_squeeze %get3A_1015 : memref<1x16x512xf32, #tpu.memory_space<vmem>> -> memref<16x512xf32, #tpu.memory_space<vmem>>
      %get3A_1017 = arith.index_cast %get3A_1012 : i32 to index
      %get3A_1018 = arith.index_cast %mul3A_479 : i32 to index
      %get3A_1019 = tpu.vector_load %get3A_1016[%get3A_1017, %get3A_1018] {strides = array<i32>} : memref<16x512xf32, #tpu.memory_space<vmem>>, vector<1x16xf32>,
      %get3A_1020 = vector.shape_cast %get3A_1019 : vector<1x16xf32> to vector<16xf32>
      %abs3A_1021 = math.absf %get3A_1011 : vector<16xf32>
      %neg3A_1022 = arith.constant 0.000000e+00 : f32
      %neg3A_1023 = vector.broadcast %neg3A_1022 : f32 to vector<16xf32>
      %neg3A_1024 = arith.subf %neg3A_1023, %abs3A_1021 : vector<16xf32>
      %exp3A_1025 = math.exp %neg3A_1024 : vector<16xf32>
      %broadcast_in_dim3A_1026 = arith.constant -0.0732374042 : f32
      %broadcast_in_dim3A_1027 = vector.broadcast %broadcast_in_dim3A_1026 : f32 to vector<16xf32>
      %mul3A_1028 = arith.mulf %broadcast_in_dim3A_1027, %exp3A_1025 : vector<16xf32>
      %add3A_1029 = arith.constant 0.252318591 : f32
      %add3A_1030 = vector.broadcast %add3A_1029 : f32 to vector<16xf32>
      %add3A_1031 = arith.addf %mul3A_1028, %add3A_1030 : vector<16xf32>
      %mul3A_1032 = arith.mulf %add3A_1031, %exp3A_1025 : vector<16xf32>
      %add3A_1033 = arith.constant -0.48574236 : f32
      %add3A_1034 = vector.broadcast %add3A_1033 : f32 to vector<16xf32>
      %add3A_1035 = arith.addf %mul3A_1032, %add3A_1034 : vector<16xf32>
      %mul3A_1036 = arith.mulf %add3A_1035, %exp3A_1025 : vector<16xf32>
      %add3A_1037 = arith.constant 0.999565362 : f32
      %add3A_1038 = vector.broadcast %add3A_1037 : f32 to vector<16xf32>
      %add3A_1039 = arith.addf %mul3A_1036, %add3A_1038 : vector<16xf32>
      %mul3A_1040 = arith.mulf %exp3A_1025, %add3A_1039 : vector<16xf32>
      %max3A_1041 = arith.constant 0.000000e+00 : f32
      %max3A_1042 = vector.broadcast %max3A_1041 : f32 to vector<16xf32>
      %max3A_1043 = arith.maximumf %get3A_1011, %max3A_1042 : vector<16xf32>
      %add3A_1044 = arith.addf %mul3A_1040, %max3A_1043 : vector<16xf32>
      %mul3A_1045 = arith.mulf %get3A_1011, %get3A_1020 : vector<16xf32>
      %sub3A_1046 = arith.subf %add3A_1044, %mul3A_1045 : vector<16xf32>
      %add3A_1047 = arith.addf %add3A_999, %sub3A_1046 : vector<16xf32>
      %mul3A_1048 = arith.mulf %sub3A_1046, %get3A_1020 : vector<16xf32>
      %add3A_1049 = arith.addf %add3A_1001, %mul3A_1048 : vector<16xf32>
      %add3A_1050 = arith.addf %add3A_1002, %get3A_1020 : vector<16xf32>
      %get3A_1051 = arith.constant 12 : i32
      %get3A_1052 = arith.constant 0 : i32
      %get3A_1053 = arith.constant 0 : i32
      %get3A_1054 = tpu.memref_slice %arg5[%scan3A_367, %get3A_1052, %get3A_1053] : memref<2x16x512xf32, #tpu.memory_space<vmem>> -> memref<1x16x512xf32, #tpu.memory_space<vmem>>
      %get3A_1055 = tpu.memref_squeeze %get3A_1054 : memref<1x16x512xf32, #tpu.memory_space<vmem>> -> memref<16x512xf32, #tpu.memory_space<vmem>>
      %get3A_1056 = arith.index_cast %get3A_1051 : i32 to index
      %get3A_1057 = arith.index_cast %mul3A_479 : i32 to index
      %get3A_1058 = tpu.vector_load %get3A_1055[%get3A_1056, %get3A_1057] {strides = array<i32>} : memref<16x512xf32, #tpu.memory_space<vmem>>, vector<1x16xf32>,
      %get3A_1059 = vector.shape_cast %get3A_1058 : vector<1x16xf32> to vector<16xf32>
      %get3A_1060 = arith.constant 12 : i32
      %get3A_1061 = arith.constant 0 : i32
      %get3A_1062 = arith.constant 0 : i32
      %get3A_1063 = tpu.memref_slice %arg6[%scan3A_368, %get3A_1061, %get3A_1062] : memref<2x16x512xf32, #tpu.memory_space<vmem>> -> memref<1x16x512xf32, #tpu.memory_space<vmem>>
      %get3A_1064 = tpu.memref_squeeze %get3A_1063 : memref<1x16x512xf32, #tpu.memory_space<vmem>> -> memref<16x512xf32, #tpu.memory_space<vmem>>
      %get3A_1065 = arith.index_cast %get3A_1060 : i32 to index
      %get3A_1066 = arith.index_cast %mul3A_479 : i32 to index
      %get3A_1067 = tpu.vector_load %get3A_1064[%get3A_1065, %get3A_1066] {strides = array<i32>} : memref<16x512xf32, #tpu.memory_space<vmem>>, vector<1x16xf32>,
      %get3A_1068 = vector.shape_cast %get3A_1067 : vector<1x16xf32> to vector<16xf32>
      %abs3A_1069 = math.absf %get3A_1059 : vector<16xf32>
      %neg3A_1070 = arith.constant 0.000000e+00 : f32
      %neg3A_1071 = vector.broadcast %neg3A_1070 : f32 to vector<16xf32>
      %neg3A_1072 = arith.subf %neg3A_1071, %abs3A_1069 : vector<16xf32>
      %exp3A_1073 = math.exp %neg3A_1072 : vector<16xf32>
      %broadcast_in_dim3A_1074 = arith.constant -0.0732374042 : f32
      %broadcast_in_dim3A_1075 = vector.broadcast %broadcast_in_dim3A_1074 : f32 to vector<16xf32>
      %mul3A_1076 = arith.mulf %broadcast_in_dim3A_1075, %exp3A_1073 : vector<16xf32>
      %add3A_1077 = arith.constant 0.252318591 : f32
      %add3A_1078 = vector.broadcast %add3A_1077 : f32 to vector<16xf32>
      %add3A_1079 = arith.addf %mul3A_1076, %add3A_1078 : vector<16xf32>
      %mul3A_1080 = arith.mulf %add3A_1079, %exp3A_1073 : vector<16xf32>
      %add3A_1081 = arith.constant -0.48574236 : f32
      %add3A_1082 = vector.broadcast %add3A_1081 : f32 to vector<16xf32>
      %add3A_1083 = arith.addf %mul3A_1080, %add3A_1082 : vector<16xf32>
      %mul3A_1084 = arith.mulf %add3A_1083, %exp3A_1073 : vector<16xf32>
      %add3A_1085 = arith.constant 0.999565362 : f32
      %add3A_1086 = vector.broadcast %add3A_1085 : f32 to vector<16xf32>
      %add3A_1087 = arith.addf %mul3A_1084, %add3A_1086 : vector<16xf32>
      %mul3A_1088 = arith.mulf %exp3A_1073, %add3A_1087 : vector<16xf32>
      %max3A_1089 = arith.constant 0.000000e+00 : f32
      %max3A_1090 = vector.broadcast %max3A_1089 : f32 to vector<16xf32>
      %max3A_1091 = arith.maximumf %get3A_1059, %max3A_1090 : vector<16xf32>
      %add3A_1092 = arith.addf %mul3A_1088, %max3A_1091 : vector<16xf32>
      %mul3A_1093 = arith.mulf %get3A_1059, %get3A_1068 : vector<16xf32>
      %sub3A_1094 = arith.subf %add3A_1092, %mul3A_1093 : vector<16xf32>
      %add3A_1095 = arith.addf %add3A_1047, %sub3A_1094 : vector<16xf32>
      %mul3A_1096 = arith.mulf %sub3A_1094, %get3A_1068 : vector<16xf32>
      %add3A_1097 = arith.addf %add3A_1049, %mul3A_1096 : vector<16xf32>
      %add3A_1098 = arith.addf %add3A_1050, %get3A_1068 : vector<16xf32>
      %get3A_1099 = arith.constant 13 : i32
      %get3A_1100 = arith.constant 0 : i32
      %get3A_1101 = arith.constant 0 : i32
      %get3A_1102 = tpu.memref_slice %arg5[%scan3A_367, %get3A_1100, %get3A_1101] : memref<2x16x512xf32, #tpu.memory_space<vmem>> -> memref<1x16x512xf32, #tpu.memory_space<vmem>>
      %get3A_1103 = tpu.memref_squeeze %get3A_1102 : memref<1x16x512xf32, #tpu.memory_space<vmem>> -> memref<16x512xf32, #tpu.memory_space<vmem>>
      %get3A_1104 = arith.index_cast %get3A_1099 : i32 to index
      %get3A_1105 = arith.index_cast %mul3A_479 : i32 to index
      %get3A_1106 = tpu.vector_load %get3A_1103[%get3A_1104, %get3A_1105] {strides = array<i32>} : memref<16x512xf32, #tpu.memory_space<vmem>>, vector<1x16xf32>,
      %get3A_1107 = vector.shape_cast %get3A_1106 : vector<1x16xf32> to vector<16xf32>
      %get3A_1108 = arith.constant 13 : i32
      %get3A_1109 = arith.constant 0 : i32
      %get3A_1110 = arith.constant 0 : i32
      %get3A_1111 = tpu.memref_slice %arg6[%scan3A_368, %get3A_1109, %get3A_1110] : memref<2x16x512xf32, #tpu.memory_space<vmem>> -> memref<1x16x512xf32, #tpu.memory_space<vmem>>
      %get3A_1112 = tpu.memref_squeeze %get3A_1111 : memref<1x16x512xf32, #tpu.memory_space<vmem>> -> memref<16x512xf32, #tpu.memory_space<vmem>>
      %get3A_1113 = arith.index_cast %get3A_1108 : i32 to index
      %get3A_1114 = arith.index_cast %mul3A_479 : i32 to index
      %get3A_1115 = tpu.vector_load %get3A_1112[%get3A_1113, %get3A_1114] {strides = array<i32>} : memref<16x512xf32, #tpu.memory_space<vmem>>, vector<1x16xf32>,
      %get3A_1116 = vector.shape_cast %get3A_1115 : vector<1x16xf32> to vector<16xf32>
      %abs3A_1117 = math.absf %get3A_1107 : vector<16xf32>
      %neg3A_1118 = arith.constant 0.000000e+00 : f32
      %neg3A_1119 = vector.broadcast %neg3A_1118 : f32 to vector<16xf32>
      %neg3A_1120 = arith.subf %neg3A_1119, %abs3A_1117 : vector<16xf32>
      %exp3A_1121 = math.exp %neg3A_1120 : vector<16xf32>
      %broadcast_in_dim3A_1122 = arith.constant -0.0732374042 : f32
      %broadcast_in_dim3A_1123 = vector.broadcast %broadcast_in_dim3A_1122 : f32 to vector<16xf32>
      %mul3A_1124 = arith.mulf %broadcast_in_dim3A_1123, %exp3A_1121 : vector<16xf32>
      %add3A_1125 = arith.constant 0.252318591 : f32
      %add3A_1126 = vector.broadcast %add3A_1125 : f32 to vector<16xf32>
      %add3A_1127 = arith.addf %mul3A_1124, %add3A_1126 : vector<16xf32>
      %mul3A_1128 = arith.mulf %add3A_1127, %exp3A_1121 : vector<16xf32>
      %add3A_1129 = arith.constant -0.48574236 : f32
      %add3A_1130 = vector.broadcast %add3A_1129 : f32 to vector<16xf32>
      %add3A_1131 = arith.addf %mul3A_1128, %add3A_1130 : vector<16xf32>
      %mul3A_1132 = arith.mulf %add3A_1131, %exp3A_1121 : vector<16xf32>
      %add3A_1133 = arith.constant 0.999565362 : f32
      %add3A_1134 = vector.broadcast %add3A_1133 : f32 to vector<16xf32>
      %add3A_1135 = arith.addf %mul3A_1132, %add3A_1134 : vector<16xf32>
      %mul3A_1136 = arith.mulf %exp3A_1121, %add3A_1135 : vector<16xf32>
      %max3A_1137 = arith.constant 0.000000e+00 : f32
      %max3A_1138 = vector.broadcast %max3A_1137 : f32 to vector<16xf32>
      %max3A_1139 = arith.maximumf %get3A_1107, %max3A_1138 : vector<16xf32>
      %add3A_1140 = arith.addf %mul3A_1136, %max3A_1139 : vector<16xf32>
      %mul3A_1141 = arith.mulf %get3A_1107, %get3A_1116 : vector<16xf32>
      %sub3A_1142 = arith.subf %add3A_1140, %mul3A_1141 : vector<16xf32>
      %add3A_1143 = arith.addf %add3A_1095, %sub3A_1142 : vector<16xf32>
      %mul3A_1144 = arith.mulf %sub3A_1142, %get3A_1116 : vector<16xf32>
      %add3A_1145 = arith.addf %add3A_1097, %mul3A_1144 : vector<16xf32>
      %add3A_1146 = arith.addf %add3A_1098, %get3A_1116 : vector<16xf32>
      %get3A_1147 = arith.constant 14 : i32
      %get3A_1148 = arith.constant 0 : i32
      %get3A_1149 = arith.constant 0 : i32
      %get3A_1150 = tpu.memref_slice %arg5[%scan3A_367, %get3A_1148, %get3A_1149] : memref<2x16x512xf32, #tpu.memory_space<vmem>> -> memref<1x16x512xf32, #tpu.memory_space<vmem>>
      %get3A_1151 = tpu.memref_squeeze %get3A_1150 : memref<1x16x512xf32, #tpu.memory_space<vmem>> -> memref<16x512xf32, #tpu.memory_space<vmem>>
      %get3A_1152 = arith.index_cast %get3A_1147 : i32 to index
      %get3A_1153 = arith.index_cast %mul3A_479 : i32 to index
      %get3A_1154 = tpu.vector_load %get3A_1151[%get3A_1152, %get3A_1153] {strides = array<i32>} : memref<16x512xf32, #tpu.memory_space<vmem>>, vector<1x16xf32>,
      %get3A_1155 = vector.shape_cast %get3A_1154 : vector<1x16xf32> to vector<16xf32>
      %get3A_1156 = arith.constant 14 : i32
      %get3A_1157 = arith.constant 0 : i32
      %get3A_1158 = arith.constant 0 : i32
      %get3A_1159 = tpu.memref_slice %arg6[%scan3A_368, %get3A_1157, %get3A_1158] : memref<2x16x512xf32, #tpu.memory_space<vmem>> -> memref<1x16x512xf32, #tpu.memory_space<vmem>>
      %get3A_1160 = tpu.memref_squeeze %get3A_1159 : memref<1x16x512xf32, #tpu.memory_space<vmem>> -> memref<16x512xf32, #tpu.memory_space<vmem>>
      %get3A_1161 = arith.index_cast %get3A_1156 : i32 to index
      %get3A_1162 = arith.index_cast %mul3A_479 : i32 to index
      %get3A_1163 = tpu.vector_load %get3A_1160[%get3A_1161, %get3A_1162] {strides = array<i32>} : memref<16x512xf32, #tpu.memory_space<vmem>>, vector<1x16xf32>,
      %get3A_1164 = vector.shape_cast %get3A_1163 : vector<1x16xf32> to vector<16xf32>
      %abs3A_1165 = math.absf %get3A_1155 : vector<16xf32>
      %neg3A_1166 = arith.constant 0.000000e+00 : f32
      %neg3A_1167 = vector.broadcast %neg3A_1166 : f32 to vector<16xf32>
      %neg3A_1168 = arith.subf %neg3A_1167, %abs3A_1165 : vector<16xf32>
      %exp3A_1169 = math.exp %neg3A_1168 : vector<16xf32>
      %broadcast_in_dim3A_1170 = arith.constant -0.0732374042 : f32
      %broadcast_in_dim3A_1171 = vector.broadcast %broadcast_in_dim3A_1170 : f32 to vector<16xf32>
      %mul3A_1172 = arith.mulf %broadcast_in_dim3A_1171, %exp3A_1169 : vector<16xf32>
      %add3A_1173 = arith.constant 0.252318591 : f32
      %add3A_1174 = vector.broadcast %add3A_1173 : f32 to vector<16xf32>
      %add3A_1175 = arith.addf %mul3A_1172, %add3A_1174 : vector<16xf32>
      %mul3A_1176 = arith.mulf %add3A_1175, %exp3A_1169 : vector<16xf32>
      %add3A_1177 = arith.constant -0.48574236 : f32
      %add3A_1178 = vector.broadcast %add3A_1177 : f32 to vector<16xf32>
      %add3A_1179 = arith.addf %mul3A_1176, %add3A_1178 : vector<16xf32>
      %mul3A_1180 = arith.mulf %add3A_1179, %exp3A_1169 : vector<16xf32>
      %add3A_1181 = arith.constant 0.999565362 : f32
      %add3A_1182 = vector.broadcast %add3A_1181 : f32 to vector<16xf32>
      %add3A_1183 = arith.addf %mul3A_1180, %add3A_1182 : vector<16xf32>
      %mul3A_1184 = arith.mulf %exp3A_1169, %add3A_1183 : vector<16xf32>
      %max3A_1185 = arith.constant 0.000000e+00 : f32
      %max3A_1186 = vector.broadcast %max3A_1185 : f32 to vector<16xf32>
      %max3A_1187 = arith.maximumf %get3A_1155, %max3A_1186 : vector<16xf32>
      %add3A_1188 = arith.addf %mul3A_1184, %max3A_1187 : vector<16xf32>
      %mul3A_1189 = arith.mulf %get3A_1155, %get3A_1164 : vector<16xf32>
      %sub3A_1190 = arith.subf %add3A_1188, %mul3A_1189 : vector<16xf32>
      %add3A_1191 = arith.addf %add3A_1143, %sub3A_1190 : vector<16xf32>
      %mul3A_1192 = arith.mulf %sub3A_1190, %get3A_1164 : vector<16xf32>
      %add3A_1193 = arith.addf %add3A_1145, %mul3A_1192 : vector<16xf32>
      %add3A_1194 = arith.addf %add3A_1146, %get3A_1164 : vector<16xf32>
      %get3A_1195 = arith.constant 15 : i32
      %get3A_1196 = arith.constant 0 : i32
      %get3A_1197 = arith.constant 0 : i32
      %get3A_1198 = tpu.memref_slice %arg5[%scan3A_367, %get3A_1196, %get3A_1197] : memref<2x16x512xf32, #tpu.memory_space<vmem>> -> memref<1x16x512xf32, #tpu.memory_space<vmem>>
      %get3A_1199 = tpu.memref_squeeze %get3A_1198 : memref<1x16x512xf32, #tpu.memory_space<vmem>> -> memref<16x512xf32, #tpu.memory_space<vmem>>
      %get3A_1200 = arith.index_cast %get3A_1195 : i32 to index
      %get3A_1201 = arith.index_cast %mul3A_479 : i32 to index
      %get3A_1202 = tpu.vector_load %get3A_1199[%get3A_1200, %get3A_1201] {strides = array<i32>} : memref<16x512xf32, #tpu.memory_space<vmem>>, vector<1x16xf32>,
      %get3A_1203 = vector.shape_cast %get3A_1202 : vector<1x16xf32> to vector<16xf32>
      %get3A_1204 = arith.constant 15 : i32
      %get3A_1205 = arith.constant 0 : i32
      %get3A_1206 = arith.constant 0 : i32
      %get3A_1207 = tpu.memref_slice %arg6[%scan3A_368, %get3A_1205, %get3A_1206] : memref<2x16x512xf32, #tpu.memory_space<vmem>> -> memref<1x16x512xf32, #tpu.memory_space<vmem>>
      %get3A_1208 = tpu.memref_squeeze %get3A_1207 : memref<1x16x512xf32, #tpu.memory_space<vmem>> -> memref<16x512xf32, #tpu.memory_space<vmem>>
      %get3A_1209 = arith.index_cast %get3A_1204 : i32 to index
      %get3A_1210 = arith.index_cast %mul3A_479 : i32 to index
      %get3A_1211 = tpu.vector_load %get3A_1208[%get3A_1209, %get3A_1210] {strides = array<i32>} : memref<16x512xf32, #tpu.memory_space<vmem>>, vector<1x16xf32>,
      %get3A_1212 = vector.shape_cast %get3A_1211 : vector<1x16xf32> to vector<16xf32>
      %abs3A_1213 = math.absf %get3A_1203 : vector<16xf32>
      %neg3A_1214 = arith.constant 0.000000e+00 : f32
      %neg3A_1215 = vector.broadcast %neg3A_1214 : f32 to vector<16xf32>
      %neg3A_1216 = arith.subf %neg3A_1215, %abs3A_1213 : vector<16xf32>
      %exp3A_1217 = math.exp %neg3A_1216 : vector<16xf32>
      %broadcast_in_dim3A_1218 = arith.constant -0.0732374042 : f32
      %broadcast_in_dim3A_1219 = vector.broadcast %broadcast_in_dim3A_1218 : f32 to vector<16xf32>
      %mul3A_1220 = arith.mulf %broadcast_in_dim3A_1219, %exp3A_1217 : vector<16xf32>
      %add3A_1221 = arith.constant 0.252318591 : f32
      %add3A_1222 = vector.broadcast %add3A_1221 : f32 to vector<16xf32>
      %add3A_1223 = arith.addf %mul3A_1220, %add3A_1222 : vector<16xf32>
      %mul3A_1224 = arith.mulf %add3A_1223, %exp3A_1217 : vector<16xf32>
      %add3A_1225 = arith.constant -0.48574236 : f32
      %add3A_1226 = vector.broadcast %add3A_1225 : f32 to vector<16xf32>
      %add3A_1227 = arith.addf %mul3A_1224, %add3A_1226 : vector<16xf32>
      %mul3A_1228 = arith.mulf %add3A_1227, %exp3A_1217 : vector<16xf32>
      %add3A_1229 = arith.constant 0.999565362 : f32
      %add3A_1230 = vector.broadcast %add3A_1229 : f32 to vector<16xf32>
      %add3A_1231 = arith.addf %mul3A_1228, %add3A_1230 : vector<16xf32>
      %mul3A_1232 = arith.mulf %exp3A_1217, %add3A_1231 : vector<16xf32>
      %max3A_1233 = arith.constant 0.000000e+00 : f32
      %max3A_1234 = vector.broadcast %max3A_1233 : f32 to vector<16xf32>
      %max3A_1235 = arith.maximumf %get3A_1203, %max3A_1234 : vector<16xf32>
      %add3A_1236 = arith.addf %mul3A_1232, %max3A_1235 : vector<16xf32>
      %mul3A_1237 = arith.mulf %get3A_1203, %get3A_1212 : vector<16xf32>
      %sub3A_1238 = arith.subf %add3A_1236, %mul3A_1237 : vector<16xf32>
      %add3A_1239 = arith.addf %add3A_1191, %sub3A_1238 : vector<16xf32>
      %mul3A_1240 = arith.mulf %sub3A_1238, %get3A_1212 : vector<16xf32>
      %add3A_1241 = arith.addf %add3A_1193, %mul3A_1240 : vector<16xf32>
      %add3A_1242 = arith.addf %add3A_1194, %get3A_1212 : vector<16xf32>
      scf.yield %add3A_1239, %add3A_1241, %add3A_1242 : vector<16xf32>, vector<16xf32>, vector<16xf32>
    }
    %scan3A_374 = arith.constant 32 : i32
    %add3A_375 = arith.constant 64 : i32
    %add3A_376 = arith.addi %add3A, %add3A_375 : i32
    %jit3A_377 = arith.constant 32 : i32
    %div3A_378 = arith.divsi %add3A_376, %jit3A_377 : i32
    %sign3A_379 = arith.constant 0 : i32
    %sign3A_380 = arith.cmpi sgt, %add3A_376, %sign3A_379 : i32
    %sign3A_381 = arith.extui %sign3A_380 : i1 to i32
    %sign3A_382 = arith.constant 0 : i32
    %sign3A_383 = arith.cmpi slt, %add3A_376, %sign3A_382 : i32
    %sign3A_384 = arith.extui %sign3A_383 : i1 to i32
    %sign3A_385 = arith.subi %sign3A_381, %sign3A_384 : i32
    %sign3A_386 = arith.constant 0 : i32
    %sign3A_387 = arith.cmpi sgt, %jit3A_377, %sign3A_386 : i32
    %sign3A_388 = arith.extui %sign3A_387 : i1 to i32
    %sign3A_389 = arith.constant 0 : i32
    %sign3A_390 = arith.cmpi slt, %jit3A_377, %sign3A_389 : i32
    %sign3A_391 = arith.extui %sign3A_390 : i1 to i32
    %sign3A_392 = arith.subi %sign3A_388, %sign3A_391 : i32
    %ne3A_393 = arith.cmpi ne, %sign3A_385, %sign3A_392 : i32
    %rem3A_394 = arith.remsi %add3A_376, %jit3A_377 : i32
    %ne3A_395 = arith.constant 0 : i32
    %ne3A_396 = arith.cmpi ne, %rem3A_394, %ne3A_395 : i32
    %and3A_397 = arith.andi %ne3A_393, %ne3A_396 : i1
    %sub3A_398 = arith.constant 1 : i32
    %sub3A_399 = arith.subi %div3A_378, %sub3A_398 : i32
    %select_n3A_400 = arith.select %and3A_397, %sub3A_399, %div3A_378 : i32
    %jit3A_401 = arith.constant 32 : i32
    %eq3A_402 = arith.constant 0 : i32
    %eq3A_403 = arith.cmpi eq, %jit3A_401, %eq3A_402 : i32
    %jit3A_404 = arith.constant 1 : i32
    %select_n3A_405 = arith.select %eq3A_403, %jit3A_404, %jit3A_401 : i32
    %rem3A_406 = arith.remsi %add3A_376, %select_n3A_405 : i32
    %ne3A_407 = arith.constant 0 : i32
    %ne3A_408 = arith.cmpi ne, %rem3A_406, %ne3A_407 : i32
    %lt3A_409 = arith.constant 0 : i32
    %lt3A_410 = arith.cmpi slt, %rem3A_406, %lt3A_409 : i32
    %lt3A_411 = arith.constant 0 : i32
    %lt3A_412 = arith.cmpi slt, %select_n3A_405, %lt3A_411 : i32
    %ne3A_413 = arith.xori %lt3A_410, %lt3A_412 : i1
    %and3A_414 = arith.andi %ne3A_413, %ne3A_408 : i1
    %add3A_415 = arith.addi %rem3A_406, %select_n3A_405 : i32
    %select_n3A_416 = arith.select %and3A_414, %add3A_415, %rem3A_406 : i32
    %mul3A_417 = arith.constant 16 : i32
    %mul3A_418 = arith.muli %select_n3A_416, %mul3A_417 : i32
    %dma_wait3A_419 = arith.constant 0 : i32
    %dma_wait3A_420 = arith.constant 0 : i32
    %dma_wait3A_421 = arith.constant 0 : i32
    %dma_wait3A_422 = tpu.memref_slice %arg5[%dma_wait3A_419, %dma_wait3A_420, %dma_wait3A_421] : memref<2x16x512xf32, #tpu.memory_space<vmem>> -> memref<1x16x512xf32, #tpu.memory_space<vmem>>
    %dma_wait3A_423 = tpu.memref_squeeze %dma_wait3A_422 : memref<1x16x512xf32, #tpu.memory_space<vmem>> -> memref<16x512xf32, #tpu.memory_space<vmem>>
    %dma_wait3A_424 = arith.constant 0 : i32
    %dma_wait3A_425 = tpu.memref_slice %arg2[%select_n3A_400, %mul3A_418, %dma_wait3A_424] : memref<8x512x512xf32, #tpu.memory_space<hbm>> -> memref<1x16x512xf32, #tpu.memory_space<hbm>>
    %dma_wait3A_426 = tpu.memref_squeeze %dma_wait3A_425 : memref<1x16x512xf32, #tpu.memory_space<hbm>> -> memref<16x512xf32, #tpu.memory_space<hbm>>
    %dma_wait3A_427 = arith.constant 0 : i32
    %dma_wait3A_428 = arith.constant 0 : i32
    %dma_wait3A_429 = tpu.memref_slice %arg5[%dma_wait3A_419, %dma_wait3A_427, %dma_wait3A_428] : memref<2x16x512xf32, #tpu.memory_space<vmem>> -> memref<1x16x512xf32, #tpu.memory_space<vmem>>
    %dma_wait3A_430 = tpu.memref_squeeze %dma_wait3A_429 : memref<1x16x512xf32, #tpu.memory_space<vmem>> -> memref<16x512xf32, #tpu.memory_space<vmem>>
    %dma_wait3A_431 = arith.constant 0 : i32
    %dma_wait3A_432 = tpu.memref_slice %arg2[%select_n3A_400, %mul3A_418, %dma_wait3A_431] : memref<8x512x512xf32, #tpu.memory_space<hbm>> -> memref<1x16x512xf32, #tpu.memory_space<hbm>>
    %dma_wait3A_433 = tpu.memref_squeeze %dma_wait3A_432 : memref<1x16x512xf32, #tpu.memory_space<hbm>> -> memref<16x512xf32, #tpu.memory_space<hbm>>
    tpu.wait_dma2 semaphore(%arg8 : memref<!tpu.dma_semaphore, #tpu.memory_space<semaphore_mem>>) src(%dma_wait3A_433 : memref<16x512xf32, #tpu.memory_space<hbm>>) dst(%dma_wait3A_430 : memref<16x512xf32, #tpu.memory_space<vmem>>)
    %dma_wait3A_434 = arith.constant 0 : i32
    %dma_wait3A_435 = arith.constant 0 : i32
    %dma_wait3A_436 = arith.constant 0 : i32
    %dma_wait3A_437 = tpu.memref_slice %arg6[%dma_wait3A_434, %dma_wait3A_435, %dma_wait3A_436] : memref<2x16x512xf32, #tpu.memory_space<vmem>> -> memref<1x16x512xf32, #tpu.memory_space<vmem>>
    %dma_wait3A_438 = tpu.memref_squeeze %dma_wait3A_437 : memref<1x16x512xf32, #tpu.memory_space<vmem>> -> memref<16x512xf32, #tpu.memory_space<vmem>>
    %dma_wait3A_439 = arith.constant 0 : i32
    %dma_wait3A_440 = tpu.memref_slice %arg3[%select_n3A_400, %mul3A_418, %dma_wait3A_439] : memref<8x512x512xf32, #tpu.memory_space<hbm>> -> memref<1x16x512xf32, #tpu.memory_space<hbm>>
    %dma_wait3A_441 = tpu.memref_squeeze %dma_wait3A_440 : memref<1x16x512xf32, #tpu.memory_space<hbm>> -> memref<16x512xf32, #tpu.memory_space<hbm>>
    %dma_wait3A_442 = arith.constant 0 : i32
    %dma_wait3A_443 = arith.constant 0 : i32
    %dma_wait3A_444 = tpu.memref_slice %arg6[%dma_wait3A_434, %dma_wait3A_442, %dma_wait3A_443] : memref<2x16x512xf32, #tpu.memory_space<vmem>> -> memref<1x16x512xf32, #tpu.memory_space<vmem>>
    %dma_wait3A_445 = tpu.memref_squeeze %dma_wait3A_444 : memref<1x16x512xf32, #tpu.memory_space<vmem>> -> memref<16x512xf32, #tpu.memory_space<vmem>>
    %dma_wait3A_446 = arith.constant 0 : i32
    %dma_wait3A_447 = tpu.memref_slice %arg3[%select_n3A_400, %mul3A_418, %dma_wait3A_446] : memref<8x512x512xf32, #tpu.memory_space<hbm>> -> memref<1x16x512xf32, #tpu.memory_space<hbm>>
    %dma_wait3A_448 = tpu.memref_squeeze %dma_wait3A_447 : memref<1x16x512xf32, #tpu.memory_space<hbm>> -> memref<16x512xf32, #tpu.memory_space<hbm>>
    tpu.wait_dma2 semaphore(%arg8 : memref<!tpu.dma_semaphore, #tpu.memory_space<semaphore_mem>>) src(%dma_wait3A_448 : memref<16x512xf32, #tpu.memory_space<hbm>>) dst(%dma_wait3A_445 : memref<16x512xf32, #tpu.memory_space<vmem>>)
    %scan3A_449 = arith.constant 0 : i32
    %scan3A_450 = arith.constant 0 : i32
    %scan3A_451 = arith.constant 0 : i32
    %scan3A_452 = arith.constant 32 : i32
    %scan3A_453 = arith.addi %scan3A_451, %scan3A_452 : i32
    %scan3A_454 = arith.constant 1 : i32
    %scan3A_455:3 = scf.for %scan3A_474 = %scan3A_451 to %scan3A_453 step %scan3A_454 iter_args(%scan3A_475 = %scan3A_373#0, %scan3A_476 = %scan3A_373#1, %scan3A_477 = %scan3A_373#2) -> (vector<16xf32>, vector<16xf32>, vector<16xf32>)  : i32 {
      %mul3A_478 = arith.constant 16 : i32
      %mul3A_479 = arith.muli %scan3A_474, %mul3A_478 : i32
      %get3A = arith.constant 0 : i32
      %get3A_480 = arith.constant 0 : i32
      %get3A_481 = arith.constant 0 : i32
      %get3A_482 = tpu.memref_slice %arg5[%scan3A_449, %get3A_480, %get3A_481] : memref<2x16x512xf32, #tpu.memory_space<vmem>> -> memref<1x16x512xf32, #tpu.memory_space<vmem>>
      %get3A_483 = tpu.memref_squeeze %get3A_482 : memref<1x16x512xf32, #tpu.memory_space<vmem>> -> memref<16x512xf32, #tpu.memory_space<vmem>>
      %get3A_484 = arith.index_cast %get3A : i32 to index
      %get3A_485 = arith.index_cast %mul3A_479 : i32 to index
      %get3A_486 = tpu.vector_load %get3A_483[%get3A_484, %get3A_485] {strides = array<i32>} : memref<16x512xf32, #tpu.memory_space<vmem>>, vector<1x16xf32>,
      %get3A_487 = vector.shape_cast %get3A_486 : vector<1x16xf32> to vector<16xf32>
      %get3A_488 = arith.constant 0 : i32
      %get3A_489 = arith.constant 0 : i32
      %get3A_490 = arith.constant 0 : i32
      %get3A_491 = tpu.memref_slice %arg6[%scan3A_450, %get3A_489, %get3A_490] : memref<2x16x512xf32, #tpu.memory_space<vmem>> -> memref<1x16x512xf32, #tpu.memory_space<vmem>>
      %get3A_492 = tpu.memref_squeeze %get3A_491 : memref<1x16x512xf32, #tpu.memory_space<vmem>> -> memref<16x512xf32, #tpu.memory_space<vmem>>
      %get3A_493 = arith.index_cast %get3A_488 : i32 to index
      %get3A_494 = arith.index_cast %mul3A_479 : i32 to index
      %get3A_495 = tpu.vector_load %get3A_492[%get3A_493, %get3A_494] {strides = array<i32>} : memref<16x512xf32, #tpu.memory_space<vmem>>, vector<1x16xf32>,
      %get3A_496 = vector.shape_cast %get3A_495 : vector<1x16xf32> to vector<16xf32>
      %abs3A = math.absf %get3A_487 : vector<16xf32>
      %neg3A = arith.constant 0.000000e+00 : f32
      %neg3A_497 = vector.broadcast %neg3A : f32 to vector<16xf32>
      %neg3A_498 = arith.subf %neg3A_497, %abs3A : vector<16xf32>
      %exp3A = math.exp %neg3A_498 : vector<16xf32>
      %broadcast_in_dim3A_499 = arith.constant -0.0732374042 : f32
      %broadcast_in_dim3A_500 = vector.broadcast %broadcast_in_dim3A_499 : f32 to vector<16xf32>
      %mul3A_501 = arith.mulf %broadcast_in_dim3A_500, %exp3A : vector<16xf32>
      %add3A_502 = arith.constant 0.252318591 : f32
      %add3A_503 = vector.broadcast %add3A_502 : f32 to vector<16xf32>
      %add3A_504 = arith.addf %mul3A_501, %add3A_503 : vector<16xf32>
      %mul3A_505 = arith.mulf %add3A_504, %exp3A : vector<16xf32>
      %add3A_506 = arith.constant -0.48574236 : f32
      %add3A_507 = vector.broadcast %add3A_506 : f32 to vector<16xf32>
      %add3A_508 = arith.addf %mul3A_505, %add3A_507 : vector<16xf32>
      %mul3A_509 = arith.mulf %add3A_508, %exp3A : vector<16xf32>
      %add3A_510 = arith.constant 0.999565362 : f32
      %add3A_511 = vector.broadcast %add3A_510 : f32 to vector<16xf32>
      %add3A_512 = arith.addf %mul3A_509, %add3A_511 : vector<16xf32>
      %mul3A_513 = arith.mulf %exp3A, %add3A_512 : vector<16xf32>
      %max3A = arith.constant 0.000000e+00 : f32
      %max3A_514 = vector.broadcast %max3A : f32 to vector<16xf32>
      %max3A_515 = arith.maximumf %get3A_487, %max3A_514 : vector<16xf32>
      %add3A_516 = arith.addf %mul3A_513, %max3A_515 : vector<16xf32>
      %mul3A_517 = arith.mulf %get3A_487, %get3A_496 : vector<16xf32>
      %sub3A_518 = arith.subf %add3A_516, %mul3A_517 : vector<16xf32>
      %add3A_519 = arith.addf %scan3A_475, %sub3A_518 : vector<16xf32>
      %mul3A_520 = arith.mulf %sub3A_518, %get3A_496 : vector<16xf32>
      %add3A_521 = arith.addf %scan3A_476, %mul3A_520 : vector<16xf32>
      %add3A_522 = arith.addf %scan3A_477, %get3A_496 : vector<16xf32>
      %get3A_523 = arith.constant 1 : i32
      %get3A_524 = arith.constant 0 : i32
      %get3A_525 = arith.constant 0 : i32
      %get3A_526 = tpu.memref_slice %arg5[%scan3A_449, %get3A_524, %get3A_525] : memref<2x16x512xf32, #tpu.memory_space<vmem>> -> memref<1x16x512xf32, #tpu.memory_space<vmem>>
      %get3A_527 = tpu.memref_squeeze %get3A_526 : memref<1x16x512xf32, #tpu.memory_space<vmem>> -> memref<16x512xf32, #tpu.memory_space<vmem>>
      %get3A_528 = arith.index_cast %get3A_523 : i32 to index
      %get3A_529 = arith.index_cast %mul3A_479 : i32 to index
      %get3A_530 = tpu.vector_load %get3A_527[%get3A_528, %get3A_529] {strides = array<i32>} : memref<16x512xf32, #tpu.memory_space<vmem>>, vector<1x16xf32>,
      %get3A_531 = vector.shape_cast %get3A_530 : vector<1x16xf32> to vector<16xf32>
      %get3A_532 = arith.constant 1 : i32
      %get3A_533 = arith.constant 0 : i32
      %get3A_534 = arith.constant 0 : i32
      %get3A_535 = tpu.memref_slice %arg6[%scan3A_450, %get3A_533, %get3A_534] : memref<2x16x512xf32, #tpu.memory_space<vmem>> -> memref<1x16x512xf32, #tpu.memory_space<vmem>>
      %get3A_536 = tpu.memref_squeeze %get3A_535 : memref<1x16x512xf32, #tpu.memory_space<vmem>> -> memref<16x512xf32, #tpu.memory_space<vmem>>
      %get3A_537 = arith.index_cast %get3A_532 : i32 to index
      %get3A_538 = arith.index_cast %mul3A_479 : i32 to index
      %get3A_539 = tpu.vector_load %get3A_536[%get3A_537, %get3A_538] {strides = array<i32>} : memref<16x512xf32, #tpu.memory_space<vmem>>, vector<1x16xf32>,
      %get3A_540 = vector.shape_cast %get3A_539 : vector<1x16xf32> to vector<16xf32>
      %abs3A_541 = math.absf %get3A_531 : vector<16xf32>
      %neg3A_542 = arith.constant 0.000000e+00 : f32
      %neg3A_543 = vector.broadcast %neg3A_542 : f32 to vector<16xf32>
      %neg3A_544 = arith.subf %neg3A_543, %abs3A_541 : vector<16xf32>
      %exp3A_545 = math.exp %neg3A_544 : vector<16xf32>
      %broadcast_in_dim3A_546 = arith.constant -0.0732374042 : f32
      %broadcast_in_dim3A_547 = vector.broadcast %broadcast_in_dim3A_546 : f32 to vector<16xf32>
      %mul3A_548 = arith.mulf %broadcast_in_dim3A_547, %exp3A_545 : vector<16xf32>
      %add3A_549 = arith.constant 0.252318591 : f32
      %add3A_550 = vector.broadcast %add3A_549 : f32 to vector<16xf32>
      %add3A_551 = arith.addf %mul3A_548, %add3A_550 : vector<16xf32>
      %mul3A_552 = arith.mulf %add3A_551, %exp3A_545 : vector<16xf32>
      %add3A_553 = arith.constant -0.48574236 : f32
      %add3A_554 = vector.broadcast %add3A_553 : f32 to vector<16xf32>
      %add3A_555 = arith.addf %mul3A_552, %add3A_554 : vector<16xf32>
      %mul3A_556 = arith.mulf %add3A_555, %exp3A_545 : vector<16xf32>
      %add3A_557 = arith.constant 0.999565362 : f32
      %add3A_558 = vector.broadcast %add3A_557 : f32 to vector<16xf32>
      %add3A_559 = arith.addf %mul3A_556, %add3A_558 : vector<16xf32>
      %mul3A_560 = arith.mulf %exp3A_545, %add3A_559 : vector<16xf32>
      %max3A_561 = arith.constant 0.000000e+00 : f32
      %max3A_562 = vector.broadcast %max3A_561 : f32 to vector<16xf32>
      %max3A_563 = arith.maximumf %get3A_531, %max3A_562 : vector<16xf32>
      %add3A_564 = arith.addf %mul3A_560, %max3A_563 : vector<16xf32>
      %mul3A_565 = arith.mulf %get3A_531, %get3A_540 : vector<16xf32>
      %sub3A_566 = arith.subf %add3A_564, %mul3A_565 : vector<16xf32>
      %add3A_567 = arith.addf %add3A_519, %sub3A_566 : vector<16xf32>
      %mul3A_568 = arith.mulf %sub3A_566, %get3A_540 : vector<16xf32>
      %add3A_569 = arith.addf %add3A_521, %mul3A_568 : vector<16xf32>
      %add3A_570 = arith.addf %add3A_522, %get3A_540 : vector<16xf32>
      %get3A_571 = arith.constant 2 : i32
      %get3A_572 = arith.constant 0 : i32
      %get3A_573 = arith.constant 0 : i32
      %get3A_574 = tpu.memref_slice %arg5[%scan3A_449, %get3A_572, %get3A_573] : memref<2x16x512xf32, #tpu.memory_space<vmem>> -> memref<1x16x512xf32, #tpu.memory_space<vmem>>
      %get3A_575 = tpu.memref_squeeze %get3A_574 : memref<1x16x512xf32, #tpu.memory_space<vmem>> -> memref<16x512xf32, #tpu.memory_space<vmem>>
      %get3A_576 = arith.index_cast %get3A_571 : i32 to index
      %get3A_577 = arith.index_cast %mul3A_479 : i32 to index
      %get3A_578 = tpu.vector_load %get3A_575[%get3A_576, %get3A_577] {strides = array<i32>} : memref<16x512xf32, #tpu.memory_space<vmem>>, vector<1x16xf32>,
      %get3A_579 = vector.shape_cast %get3A_578 : vector<1x16xf32> to vector<16xf32>
      %get3A_580 = arith.constant 2 : i32
      %get3A_581 = arith.constant 0 : i32
      %get3A_582 = arith.constant 0 : i32
      %get3A_583 = tpu.memref_slice %arg6[%scan3A_450, %get3A_581, %get3A_582] : memref<2x16x512xf32, #tpu.memory_space<vmem>> -> memref<1x16x512xf32, #tpu.memory_space<vmem>>
      %get3A_584 = tpu.memref_squeeze %get3A_583 : memref<1x16x512xf32, #tpu.memory_space<vmem>> -> memref<16x512xf32, #tpu.memory_space<vmem>>
      %get3A_585 = arith.index_cast %get3A_580 : i32 to index
      %get3A_586 = arith.index_cast %mul3A_479 : i32 to index
      %get3A_587 = tpu.vector_load %get3A_584[%get3A_585, %get3A_586] {strides = array<i32>} : memref<16x512xf32, #tpu.memory_space<vmem>>, vector<1x16xf32>,
      %get3A_588 = vector.shape_cast %get3A_587 : vector<1x16xf32> to vector<16xf32>
      %abs3A_589 = math.absf %get3A_579 : vector<16xf32>
      %neg3A_590 = arith.constant 0.000000e+00 : f32
      %neg3A_591 = vector.broadcast %neg3A_590 : f32 to vector<16xf32>
      %neg3A_592 = arith.subf %neg3A_591, %abs3A_589 : vector<16xf32>
      %exp3A_593 = math.exp %neg3A_592 : vector<16xf32>
      %broadcast_in_dim3A_594 = arith.constant -0.0732374042 : f32
      %broadcast_in_dim3A_595 = vector.broadcast %broadcast_in_dim3A_594 : f32 to vector<16xf32>
      %mul3A_596 = arith.mulf %broadcast_in_dim3A_595, %exp3A_593 : vector<16xf32>
      %add3A_597 = arith.constant 0.252318591 : f32
      %add3A_598 = vector.broadcast %add3A_597 : f32 to vector<16xf32>
      %add3A_599 = arith.addf %mul3A_596, %add3A_598 : vector<16xf32>
      %mul3A_600 = arith.mulf %add3A_599, %exp3A_593 : vector<16xf32>
      %add3A_601 = arith.constant -0.48574236 : f32
      %add3A_602 = vector.broadcast %add3A_601 : f32 to vector<16xf32>
      %add3A_603 = arith.addf %mul3A_600, %add3A_602 : vector<16xf32>
      %mul3A_604 = arith.mulf %add3A_603, %exp3A_593 : vector<16xf32>
      %add3A_605 = arith.constant 0.999565362 : f32
      %add3A_606 = vector.broadcast %add3A_605 : f32 to vector<16xf32>
      %add3A_607 = arith.addf %mul3A_604, %add3A_606 : vector<16xf32>
      %mul3A_608 = arith.mulf %exp3A_593, %add3A_607 : vector<16xf32>
      %max3A_609 = arith.constant 0.000000e+00 : f32
      %max3A_610 = vector.broadcast %max3A_609 : f32 to vector<16xf32>
      %max3A_611 = arith.maximumf %get3A_579, %max3A_610 : vector<16xf32>
      %add3A_612 = arith.addf %mul3A_608, %max3A_611 : vector<16xf32>
      %mul3A_613 = arith.mulf %get3A_579, %get3A_588 : vector<16xf32>
      %sub3A_614 = arith.subf %add3A_612, %mul3A_613 : vector<16xf32>
      %add3A_615 = arith.addf %add3A_567, %sub3A_614 : vector<16xf32>
      %mul3A_616 = arith.mulf %sub3A_614, %get3A_588 : vector<16xf32>
      %add3A_617 = arith.addf %add3A_569, %mul3A_616 : vector<16xf32>
      %add3A_618 = arith.addf %add3A_570, %get3A_588 : vector<16xf32>
      %get3A_619 = arith.constant 3 : i32
      %get3A_620 = arith.constant 0 : i32
      %get3A_621 = arith.constant 0 : i32
      %get3A_622 = tpu.memref_slice %arg5[%scan3A_449, %get3A_620, %get3A_621] : memref<2x16x512xf32, #tpu.memory_space<vmem>> -> memref<1x16x512xf32, #tpu.memory_space<vmem>>
      %get3A_623 = tpu.memref_squeeze %get3A_622 : memref<1x16x512xf32, #tpu.memory_space<vmem>> -> memref<16x512xf32, #tpu.memory_space<vmem>>
      %get3A_624 = arith.index_cast %get3A_619 : i32 to index
      %get3A_625 = arith.index_cast %mul3A_479 : i32 to index
      %get3A_626 = tpu.vector_load %get3A_623[%get3A_624, %get3A_625] {strides = array<i32>} : memref<16x512xf32, #tpu.memory_space<vmem>>, vector<1x16xf32>,
      %get3A_627 = vector.shape_cast %get3A_626 : vector<1x16xf32> to vector<16xf32>
      %get3A_628 = arith.constant 3 : i32
      %get3A_629 = arith.constant 0 : i32
      %get3A_630 = arith.constant 0 : i32
      %get3A_631 = tpu.memref_slice %arg6[%scan3A_450, %get3A_629, %get3A_630] : memref<2x16x512xf32, #tpu.memory_space<vmem>> -> memref<1x16x512xf32, #tpu.memory_space<vmem>>
      %get3A_632 = tpu.memref_squeeze %get3A_631 : memref<1x16x512xf32, #tpu.memory_space<vmem>> -> memref<16x512xf32, #tpu.memory_space<vmem>>
      %get3A_633 = arith.index_cast %get3A_628 : i32 to index
      %get3A_634 = arith.index_cast %mul3A_479 : i32 to index
      %get3A_635 = tpu.vector_load %get3A_632[%get3A_633, %get3A_634] {strides = array<i32>} : memref<16x512xf32, #tpu.memory_space<vmem>>, vector<1x16xf32>,
      %get3A_636 = vector.shape_cast %get3A_635 : vector<1x16xf32> to vector<16xf32>
      %abs3A_637 = math.absf %get3A_627 : vector<16xf32>
      %neg3A_638 = arith.constant 0.000000e+00 : f32
      %neg3A_639 = vector.broadcast %neg3A_638 : f32 to vector<16xf32>
      %neg3A_640 = arith.subf %neg3A_639, %abs3A_637 : vector<16xf32>
      %exp3A_641 = math.exp %neg3A_640 : vector<16xf32>
      %broadcast_in_dim3A_642 = arith.constant -0.0732374042 : f32
      %broadcast_in_dim3A_643 = vector.broadcast %broadcast_in_dim3A_642 : f32 to vector<16xf32>
      %mul3A_644 = arith.mulf %broadcast_in_dim3A_643, %exp3A_641 : vector<16xf32>
      %add3A_645 = arith.constant 0.252318591 : f32
      %add3A_646 = vector.broadcast %add3A_645 : f32 to vector<16xf32>
      %add3A_647 = arith.addf %mul3A_644, %add3A_646 : vector<16xf32>
      %mul3A_648 = arith.mulf %add3A_647, %exp3A_641 : vector<16xf32>
      %add3A_649 = arith.constant -0.48574236 : f32
      %add3A_650 = vector.broadcast %add3A_649 : f32 to vector<16xf32>
      %add3A_651 = arith.addf %mul3A_648, %add3A_650 : vector<16xf32>
      %mul3A_652 = arith.mulf %add3A_651, %exp3A_641 : vector<16xf32>
      %add3A_653 = arith.constant 0.999565362 : f32
      %add3A_654 = vector.broadcast %add3A_653 : f32 to vector<16xf32>
      %add3A_655 = arith.addf %mul3A_652, %add3A_654 : vector<16xf32>
      %mul3A_656 = arith.mulf %exp3A_641, %add3A_655 : vector<16xf32>
      %max3A_657 = arith.constant 0.000000e+00 : f32
      %max3A_658 = vector.broadcast %max3A_657 : f32 to vector<16xf32>
      %max3A_659 = arith.maximumf %get3A_627, %max3A_658 : vector<16xf32>
      %add3A_660 = arith.addf %mul3A_656, %max3A_659 : vector<16xf32>
      %mul3A_661 = arith.mulf %get3A_627, %get3A_636 : vector<16xf32>
      %sub3A_662 = arith.subf %add3A_660, %mul3A_661 : vector<16xf32>
      %add3A_663 = arith.addf %add3A_615, %sub3A_662 : vector<16xf32>
      %mul3A_664 = arith.mulf %sub3A_662, %get3A_636 : vector<16xf32>
      %add3A_665 = arith.addf %add3A_617, %mul3A_664 : vector<16xf32>
      %add3A_666 = arith.addf %add3A_618, %get3A_636 : vector<16xf32>
      %get3A_667 = arith.constant 4 : i32
      %get3A_668 = arith.constant 0 : i32
      %get3A_669 = arith.constant 0 : i32
      %get3A_670 = tpu.memref_slice %arg5[%scan3A_449, %get3A_668, %get3A_669] : memref<2x16x512xf32, #tpu.memory_space<vmem>> -> memref<1x16x512xf32, #tpu.memory_space<vmem>>
      %get3A_671 = tpu.memref_squeeze %get3A_670 : memref<1x16x512xf32, #tpu.memory_space<vmem>> -> memref<16x512xf32, #tpu.memory_space<vmem>>
      %get3A_672 = arith.index_cast %get3A_667 : i32 to index
      %get3A_673 = arith.index_cast %mul3A_479 : i32 to index
      %get3A_674 = tpu.vector_load %get3A_671[%get3A_672, %get3A_673] {strides = array<i32>} : memref<16x512xf32, #tpu.memory_space<vmem>>, vector<1x16xf32>,
      %get3A_675 = vector.shape_cast %get3A_674 : vector<1x16xf32> to vector<16xf32>
      %get3A_676 = arith.constant 4 : i32
      %get3A_677 = arith.constant 0 : i32
      %get3A_678 = arith.constant 0 : i32
      %get3A_679 = tpu.memref_slice %arg6[%scan3A_450, %get3A_677, %get3A_678] : memref<2x16x512xf32, #tpu.memory_space<vmem>> -> memref<1x16x512xf32, #tpu.memory_space<vmem>>
      %get3A_680 = tpu.memref_squeeze %get3A_679 : memref<1x16x512xf32, #tpu.memory_space<vmem>> -> memref<16x512xf32, #tpu.memory_space<vmem>>
      %get3A_681 = arith.index_cast %get3A_676 : i32 to index
      %get3A_682 = arith.index_cast %mul3A_479 : i32 to index
      %get3A_683 = tpu.vector_load %get3A_680[%get3A_681, %get3A_682] {strides = array<i32>} : memref<16x512xf32, #tpu.memory_space<vmem>>, vector<1x16xf32>,
      %get3A_684 = vector.shape_cast %get3A_683 : vector<1x16xf32> to vector<16xf32>
      %abs3A_685 = math.absf %get3A_675 : vector<16xf32>
      %neg3A_686 = arith.constant 0.000000e+00 : f32
      %neg3A_687 = vector.broadcast %neg3A_686 : f32 to vector<16xf32>
      %neg3A_688 = arith.subf %neg3A_687, %abs3A_685 : vector<16xf32>
      %exp3A_689 = math.exp %neg3A_688 : vector<16xf32>
      %broadcast_in_dim3A_690 = arith.constant -0.0732374042 : f32
      %broadcast_in_dim3A_691 = vector.broadcast %broadcast_in_dim3A_690 : f32 to vector<16xf32>
      %mul3A_692 = arith.mulf %broadcast_in_dim3A_691, %exp3A_689 : vector<16xf32>
      %add3A_693 = arith.constant 0.252318591 : f32
      %add3A_694 = vector.broadcast %add3A_693 : f32 to vector<16xf32>
      %add3A_695 = arith.addf %mul3A_692, %add3A_694 : vector<16xf32>
      %mul3A_696 = arith.mulf %add3A_695, %exp3A_689 : vector<16xf32>
      %add3A_697 = arith.constant -0.48574236 : f32
      %add3A_698 = vector.broadcast %add3A_697 : f32 to vector<16xf32>
      %add3A_699 = arith.addf %mul3A_696, %add3A_698 : vector<16xf32>
      %mul3A_700 = arith.mulf %add3A_699, %exp3A_689 : vector<16xf32>
      %add3A_701 = arith.constant 0.999565362 : f32
      %add3A_702 = vector.broadcast %add3A_701 : f32 to vector<16xf32>
      %add3A_703 = arith.addf %mul3A_700, %add3A_702 : vector<16xf32>
      %mul3A_704 = arith.mulf %exp3A_689, %add3A_703 : vector<16xf32>
      %max3A_705 = arith.constant 0.000000e+00 : f32
      %max3A_706 = vector.broadcast %max3A_705 : f32 to vector<16xf32>
      %max3A_707 = arith.maximumf %get3A_675, %max3A_706 : vector<16xf32>
      %add3A_708 = arith.addf %mul3A_704, %max3A_707 : vector<16xf32>
      %mul3A_709 = arith.mulf %get3A_675, %get3A_684 : vector<16xf32>
      %sub3A_710 = arith.subf %add3A_708, %mul3A_709 : vector<16xf32>
      %add3A_711 = arith.addf %add3A_663, %sub3A_710 : vector<16xf32>
      %mul3A_712 = arith.mulf %sub3A_710, %get3A_684 : vector<16xf32>
      %add3A_713 = arith.addf %add3A_665, %mul3A_712 : vector<16xf32>
      %add3A_714 = arith.addf %add3A_666, %get3A_684 : vector<16xf32>
      %get3A_715 = arith.constant 5 : i32
      %get3A_716 = arith.constant 0 : i32
      %get3A_717 = arith.constant 0 : i32
      %get3A_718 = tpu.memref_slice %arg5[%scan3A_449, %get3A_716, %get3A_717] : memref<2x16x512xf32, #tpu.memory_space<vmem>> -> memref<1x16x512xf32, #tpu.memory_space<vmem>>
      %get3A_719 = tpu.memref_squeeze %get3A_718 : memref<1x16x512xf32, #tpu.memory_space<vmem>> -> memref<16x512xf32, #tpu.memory_space<vmem>>
      %get3A_720 = arith.index_cast %get3A_715 : i32 to index
      %get3A_721 = arith.index_cast %mul3A_479 : i32 to index
      %get3A_722 = tpu.vector_load %get3A_719[%get3A_720, %get3A_721] {strides = array<i32>} : memref<16x512xf32, #tpu.memory_space<vmem>>, vector<1x16xf32>,
      %get3A_723 = vector.shape_cast %get3A_722 : vector<1x16xf32> to vector<16xf32>
      %get3A_724 = arith.constant 5 : i32
      %get3A_725 = arith.constant 0 : i32
      %get3A_726 = arith.constant 0 : i32
      %get3A_727 = tpu.memref_slice %arg6[%scan3A_450, %get3A_725, %get3A_726] : memref<2x16x512xf32, #tpu.memory_space<vmem>> -> memref<1x16x512xf32, #tpu.memory_space<vmem>>
      %get3A_728 = tpu.memref_squeeze %get3A_727 : memref<1x16x512xf32, #tpu.memory_space<vmem>> -> memref<16x512xf32, #tpu.memory_space<vmem>>
      %get3A_729 = arith.index_cast %get3A_724 : i32 to index
      %get3A_730 = arith.index_cast %mul3A_479 : i32 to index
      %get3A_731 = tpu.vector_load %get3A_728[%get3A_729, %get3A_730] {strides = array<i32>} : memref<16x512xf32, #tpu.memory_space<vmem>>, vector<1x16xf32>,
      %get3A_732 = vector.shape_cast %get3A_731 : vector<1x16xf32> to vector<16xf32>
      %abs3A_733 = math.absf %get3A_723 : vector<16xf32>
      %neg3A_734 = arith.constant 0.000000e+00 : f32
      %neg3A_735 = vector.broadcast %neg3A_734 : f32 to vector<16xf32>
      %neg3A_736 = arith.subf %neg3A_735, %abs3A_733 : vector<16xf32>
      %exp3A_737 = math.exp %neg3A_736 : vector<16xf32>
      %broadcast_in_dim3A_738 = arith.constant -0.0732374042 : f32
      %broadcast_in_dim3A_739 = vector.broadcast %broadcast_in_dim3A_738 : f32 to vector<16xf32>
      %mul3A_740 = arith.mulf %broadcast_in_dim3A_739, %exp3A_737 : vector<16xf32>
      %add3A_741 = arith.constant 0.252318591 : f32
      %add3A_742 = vector.broadcast %add3A_741 : f32 to vector<16xf32>
      %add3A_743 = arith.addf %mul3A_740, %add3A_742 : vector<16xf32>
      %mul3A_744 = arith.mulf %add3A_743, %exp3A_737 : vector<16xf32>
      %add3A_745 = arith.constant -0.48574236 : f32
      %add3A_746 = vector.broadcast %add3A_745 : f32 to vector<16xf32>
      %add3A_747 = arith.addf %mul3A_744, %add3A_746 : vector<16xf32>
      %mul3A_748 = arith.mulf %add3A_747, %exp3A_737 : vector<16xf32>
      %add3A_749 = arith.constant 0.999565362 : f32
      %add3A_750 = vector.broadcast %add3A_749 : f32 to vector<16xf32>
      %add3A_751 = arith.addf %mul3A_748, %add3A_750 : vector<16xf32>
      %mul3A_752 = arith.mulf %exp3A_737, %add3A_751 : vector<16xf32>
      %max3A_753 = arith.constant 0.000000e+00 : f32
      %max3A_754 = vector.broadcast %max3A_753 : f32 to vector<16xf32>
      %max3A_755 = arith.maximumf %get3A_723, %max3A_754 : vector<16xf32>
      %add3A_756 = arith.addf %mul3A_752, %max3A_755 : vector<16xf32>
      %mul3A_757 = arith.mulf %get3A_723, %get3A_732 : vector<16xf32>
      %sub3A_758 = arith.subf %add3A_756, %mul3A_757 : vector<16xf32>
      %add3A_759 = arith.addf %add3A_711, %sub3A_758 : vector<16xf32>
      %mul3A_760 = arith.mulf %sub3A_758, %get3A_732 : vector<16xf32>
      %add3A_761 = arith.addf %add3A_713, %mul3A_760 : vector<16xf32>
      %add3A_762 = arith.addf %add3A_714, %get3A_732 : vector<16xf32>
      %get3A_763 = arith.constant 6 : i32
      %get3A_764 = arith.constant 0 : i32
      %get3A_765 = arith.constant 0 : i32
      %get3A_766 = tpu.memref_slice %arg5[%scan3A_449, %get3A_764, %get3A_765] : memref<2x16x512xf32, #tpu.memory_space<vmem>> -> memref<1x16x512xf32, #tpu.memory_space<vmem>>
      %get3A_767 = tpu.memref_squeeze %get3A_766 : memref<1x16x512xf32, #tpu.memory_space<vmem>> -> memref<16x512xf32, #tpu.memory_space<vmem>>
      %get3A_768 = arith.index_cast %get3A_763 : i32 to index
      %get3A_769 = arith.index_cast %mul3A_479 : i32 to index
      %get3A_770 = tpu.vector_load %get3A_767[%get3A_768, %get3A_769] {strides = array<i32>} : memref<16x512xf32, #tpu.memory_space<vmem>>, vector<1x16xf32>,
      %get3A_771 = vector.shape_cast %get3A_770 : vector<1x16xf32> to vector<16xf32>
      %get3A_772 = arith.constant 6 : i32
      %get3A_773 = arith.constant 0 : i32
      %get3A_774 = arith.constant 0 : i32
      %get3A_775 = tpu.memref_slice %arg6[%scan3A_450, %get3A_773, %get3A_774] : memref<2x16x512xf32, #tpu.memory_space<vmem>> -> memref<1x16x512xf32, #tpu.memory_space<vmem>>
      %get3A_776 = tpu.memref_squeeze %get3A_775 : memref<1x16x512xf32, #tpu.memory_space<vmem>> -> memref<16x512xf32, #tpu.memory_space<vmem>>
      %get3A_777 = arith.index_cast %get3A_772 : i32 to index
      %get3A_778 = arith.index_cast %mul3A_479 : i32 to index
      %get3A_779 = tpu.vector_load %get3A_776[%get3A_777, %get3A_778] {strides = array<i32>} : memref<16x512xf32, #tpu.memory_space<vmem>>, vector<1x16xf32>,
      %get3A_780 = vector.shape_cast %get3A_779 : vector<1x16xf32> to vector<16xf32>
      %abs3A_781 = math.absf %get3A_771 : vector<16xf32>
      %neg3A_782 = arith.constant 0.000000e+00 : f32
      %neg3A_783 = vector.broadcast %neg3A_782 : f32 to vector<16xf32>
      %neg3A_784 = arith.subf %neg3A_783, %abs3A_781 : vector<16xf32>
      %exp3A_785 = math.exp %neg3A_784 : vector<16xf32>
      %broadcast_in_dim3A_786 = arith.constant -0.0732374042 : f32
      %broadcast_in_dim3A_787 = vector.broadcast %broadcast_in_dim3A_786 : f32 to vector<16xf32>
      %mul3A_788 = arith.mulf %broadcast_in_dim3A_787, %exp3A_785 : vector<16xf32>
      %add3A_789 = arith.constant 0.252318591 : f32
      %add3A_790 = vector.broadcast %add3A_789 : f32 to vector<16xf32>
      %add3A_791 = arith.addf %mul3A_788, %add3A_790 : vector<16xf32>
      %mul3A_792 = arith.mulf %add3A_791, %exp3A_785 : vector<16xf32>
      %add3A_793 = arith.constant -0.48574236 : f32
      %add3A_794 = vector.broadcast %add3A_793 : f32 to vector<16xf32>
      %add3A_795 = arith.addf %mul3A_792, %add3A_794 : vector<16xf32>
      %mul3A_796 = arith.mulf %add3A_795, %exp3A_785 : vector<16xf32>
      %add3A_797 = arith.constant 0.999565362 : f32
      %add3A_798 = vector.broadcast %add3A_797 : f32 to vector<16xf32>
      %add3A_799 = arith.addf %mul3A_796, %add3A_798 : vector<16xf32>
      %mul3A_800 = arith.mulf %exp3A_785, %add3A_799 : vector<16xf32>
      %max3A_801 = arith.constant 0.000000e+00 : f32
      %max3A_802 = vector.broadcast %max3A_801 : f32 to vector<16xf32>
      %max3A_803 = arith.maximumf %get3A_771, %max3A_802 : vector<16xf32>
      %add3A_804 = arith.addf %mul3A_800, %max3A_803 : vector<16xf32>
      %mul3A_805 = arith.mulf %get3A_771, %get3A_780 : vector<16xf32>
      %sub3A_806 = arith.subf %add3A_804, %mul3A_805 : vector<16xf32>
      %add3A_807 = arith.addf %add3A_759, %sub3A_806 : vector<16xf32>
      %mul3A_808 = arith.mulf %sub3A_806, %get3A_780 : vector<16xf32>
      %add3A_809 = arith.addf %add3A_761, %mul3A_808 : vector<16xf32>
      %add3A_810 = arith.addf %add3A_762, %get3A_780 : vector<16xf32>
      %get3A_811 = arith.constant 7 : i32
      %get3A_812 = arith.constant 0 : i32
      %get3A_813 = arith.constant 0 : i32
      %get3A_814 = tpu.memref_slice %arg5[%scan3A_449, %get3A_812, %get3A_813] : memref<2x16x512xf32, #tpu.memory_space<vmem>> -> memref<1x16x512xf32, #tpu.memory_space<vmem>>
      %get3A_815 = tpu.memref_squeeze %get3A_814 : memref<1x16x512xf32, #tpu.memory_space<vmem>> -> memref<16x512xf32, #tpu.memory_space<vmem>>
      %get3A_816 = arith.index_cast %get3A_811 : i32 to index
      %get3A_817 = arith.index_cast %mul3A_479 : i32 to index
      %get3A_818 = tpu.vector_load %get3A_815[%get3A_816, %get3A_817] {strides = array<i32>} : memref<16x512xf32, #tpu.memory_space<vmem>>, vector<1x16xf32>,
      %get3A_819 = vector.shape_cast %get3A_818 : vector<1x16xf32> to vector<16xf32>
      %get3A_820 = arith.constant 7 : i32
      %get3A_821 = arith.constant 0 : i32
      %get3A_822 = arith.constant 0 : i32
      %get3A_823 = tpu.memref_slice %arg6[%scan3A_450, %get3A_821, %get3A_822] : memref<2x16x512xf32, #tpu.memory_space<vmem>> -> memref<1x16x512xf32, #tpu.memory_space<vmem>>
      %get3A_824 = tpu.memref_squeeze %get3A_823 : memref<1x16x512xf32, #tpu.memory_space<vmem>> -> memref<16x512xf32, #tpu.memory_space<vmem>>
      %get3A_825 = arith.index_cast %get3A_820 : i32 to index
      %get3A_826 = arith.index_cast %mul3A_479 : i32 to index
      %get3A_827 = tpu.vector_load %get3A_824[%get3A_825, %get3A_826] {strides = array<i32>} : memref<16x512xf32, #tpu.memory_space<vmem>>, vector<1x16xf32>,
      %get3A_828 = vector.shape_cast %get3A_827 : vector<1x16xf32> to vector<16xf32>
      %abs3A_829 = math.absf %get3A_819 : vector<16xf32>
      %neg3A_830 = arith.constant 0.000000e+00 : f32
      %neg3A_831 = vector.broadcast %neg3A_830 : f32 to vector<16xf32>
      %neg3A_832 = arith.subf %neg3A_831, %abs3A_829 : vector<16xf32>
      %exp3A_833 = math.exp %neg3A_832 : vector<16xf32>
      %broadcast_in_dim3A_834 = arith.constant -0.0732374042 : f32
      %broadcast_in_dim3A_835 = vector.broadcast %broadcast_in_dim3A_834 : f32 to vector<16xf32>
      %mul3A_836 = arith.mulf %broadcast_in_dim3A_835, %exp3A_833 : vector<16xf32>
      %add3A_837 = arith.constant 0.252318591 : f32
      %add3A_838 = vector.broadcast %add3A_837 : f32 to vector<16xf32>
      %add3A_839 = arith.addf %mul3A_836, %add3A_838 : vector<16xf32>
      %mul3A_840 = arith.mulf %add3A_839, %exp3A_833 : vector<16xf32>
      %add3A_841 = arith.constant -0.48574236 : f32
      %add3A_842 = vector.broadcast %add3A_841 : f32 to vector<16xf32>
      %add3A_843 = arith.addf %mul3A_840, %add3A_842 : vector<16xf32>
      %mul3A_844 = arith.mulf %add3A_843, %exp3A_833 : vector<16xf32>
      %add3A_845 = arith.constant 0.999565362 : f32
      %add3A_846 = vector.broadcast %add3A_845 : f32 to vector<16xf32>
      %add3A_847 = arith.addf %mul3A_844, %add3A_846 : vector<16xf32>
      %mul3A_848 = arith.mulf %exp3A_833, %add3A_847 : vector<16xf32>
      %max3A_849 = arith.constant 0.000000e+00 : f32
      %max3A_850 = vector.broadcast %max3A_849 : f32 to vector<16xf32>
      %max3A_851 = arith.maximumf %get3A_819, %max3A_850 : vector<16xf32>
      %add3A_852 = arith.addf %mul3A_848, %max3A_851 : vector<16xf32>
      %mul3A_853 = arith.mulf %get3A_819, %get3A_828 : vector<16xf32>
      %sub3A_854 = arith.subf %add3A_852, %mul3A_853 : vector<16xf32>
      %add3A_855 = arith.addf %add3A_807, %sub3A_854 : vector<16xf32>
      %mul3A_856 = arith.mulf %sub3A_854, %get3A_828 : vector<16xf32>
      %add3A_857 = arith.addf %add3A_809, %mul3A_856 : vector<16xf32>
      %add3A_858 = arith.addf %add3A_810, %get3A_828 : vector<16xf32>
      %get3A_859 = arith.constant 8 : i32
      %get3A_860 = arith.constant 0 : i32
      %get3A_861 = arith.constant 0 : i32
      %get3A_862 = tpu.memref_slice %arg5[%scan3A_449, %get3A_860, %get3A_861] : memref<2x16x512xf32, #tpu.memory_space<vmem>> -> memref<1x16x512xf32, #tpu.memory_space<vmem>>
      %get3A_863 = tpu.memref_squeeze %get3A_862 : memref<1x16x512xf32, #tpu.memory_space<vmem>> -> memref<16x512xf32, #tpu.memory_space<vmem>>
      %get3A_864 = arith.index_cast %get3A_859 : i32 to index
      %get3A_865 = arith.index_cast %mul3A_479 : i32 to index
      %get3A_866 = tpu.vector_load %get3A_863[%get3A_864, %get3A_865] {strides = array<i32>} : memref<16x512xf32, #tpu.memory_space<vmem>>, vector<1x16xf32>,
      %get3A_867 = vector.shape_cast %get3A_866 : vector<1x16xf32> to vector<16xf32>
      %get3A_868 = arith.constant 8 : i32
      %get3A_869 = arith.constant 0 : i32
      %get3A_870 = arith.constant 0 : i32
      %get3A_871 = tpu.memref_slice %arg6[%scan3A_450, %get3A_869, %get3A_870] : memref<2x16x512xf32, #tpu.memory_space<vmem>> -> memref<1x16x512xf32, #tpu.memory_space<vmem>>
      %get3A_872 = tpu.memref_squeeze %get3A_871 : memref<1x16x512xf32, #tpu.memory_space<vmem>> -> memref<16x512xf32, #tpu.memory_space<vmem>>
      %get3A_873 = arith.index_cast %get3A_868 : i32 to index
      %get3A_874 = arith.index_cast %mul3A_479 : i32 to index
      %get3A_875 = tpu.vector_load %get3A_872[%get3A_873, %get3A_874] {strides = array<i32>} : memref<16x512xf32, #tpu.memory_space<vmem>>, vector<1x16xf32>,
      %get3A_876 = vector.shape_cast %get3A_875 : vector<1x16xf32> to vector<16xf32>
      %abs3A_877 = math.absf %get3A_867 : vector<16xf32>
      %neg3A_878 = arith.constant 0.000000e+00 : f32
      %neg3A_879 = vector.broadcast %neg3A_878 : f32 to vector<16xf32>
      %neg3A_880 = arith.subf %neg3A_879, %abs3A_877 : vector<16xf32>
      %exp3A_881 = math.exp %neg3A_880 : vector<16xf32>
      %broadcast_in_dim3A_882 = arith.constant -0.0732374042 : f32
      %broadcast_in_dim3A_883 = vector.broadcast %broadcast_in_dim3A_882 : f32 to vector<16xf32>
      %mul3A_884 = arith.mulf %broadcast_in_dim3A_883, %exp3A_881 : vector<16xf32>
      %add3A_885 = arith.constant 0.252318591 : f32
      %add3A_886 = vector.broadcast %add3A_885 : f32 to vector<16xf32>
      %add3A_887 = arith.addf %mul3A_884, %add3A_886 : vector<16xf32>
      %mul3A_888 = arith.mulf %add3A_887, %exp3A_881 : vector<16xf32>
      %add3A_889 = arith.constant -0.48574236 : f32
      %add3A_890 = vector.broadcast %add3A_889 : f32 to vector<16xf32>
      %add3A_891 = arith.addf %mul3A_888, %add3A_890 : vector<16xf32>
      %mul3A_892 = arith.mulf %add3A_891, %exp3A_881 : vector<16xf32>
      %add3A_893 = arith.constant 0.999565362 : f32
      %add3A_894 = vector.broadcast %add3A_893 : f32 to vector<16xf32>
      %add3A_895 = arith.addf %mul3A_892, %add3A_894 : vector<16xf32>
      %mul3A_896 = arith.mulf %exp3A_881, %add3A_895 : vector<16xf32>
      %max3A_897 = arith.constant 0.000000e+00 : f32
      %max3A_898 = vector.broadcast %max3A_897 : f32 to vector<16xf32>
      %max3A_899 = arith.maximumf %get3A_867, %max3A_898 : vector<16xf32>
      %add3A_900 = arith.addf %mul3A_896, %max3A_899 : vector<16xf32>
      %mul3A_901 = arith.mulf %get3A_867, %get3A_876 : vector<16xf32>
      %sub3A_902 = arith.subf %add3A_900, %mul3A_901 : vector<16xf32>
      %add3A_903 = arith.addf %add3A_855, %sub3A_902 : vector<16xf32>
      %mul3A_904 = arith.mulf %sub3A_902, %get3A_876 : vector<16xf32>
      %add3A_905 = arith.addf %add3A_857, %mul3A_904 : vector<16xf32>
      %add3A_906 = arith.addf %add3A_858, %get3A_876 : vector<16xf32>
      %get3A_907 = arith.constant 9 : i32
      %get3A_908 = arith.constant 0 : i32
      %get3A_909 = arith.constant 0 : i32
      %get3A_910 = tpu.memref_slice %arg5[%scan3A_449, %get3A_908, %get3A_909] : memref<2x16x512xf32, #tpu.memory_space<vmem>> -> memref<1x16x512xf32, #tpu.memory_space<vmem>>
      %get3A_911 = tpu.memref_squeeze %get3A_910 : memref<1x16x512xf32, #tpu.memory_space<vmem>> -> memref<16x512xf32, #tpu.memory_space<vmem>>
      %get3A_912 = arith.index_cast %get3A_907 : i32 to index
      %get3A_913 = arith.index_cast %mul3A_479 : i32 to index
      %get3A_914 = tpu.vector_load %get3A_911[%get3A_912, %get3A_913] {strides = array<i32>} : memref<16x512xf32, #tpu.memory_space<vmem>>, vector<1x16xf32>,
      %get3A_915 = vector.shape_cast %get3A_914 : vector<1x16xf32> to vector<16xf32>
      %get3A_916 = arith.constant 9 : i32
      %get3A_917 = arith.constant 0 : i32
      %get3A_918 = arith.constant 0 : i32
      %get3A_919 = tpu.memref_slice %arg6[%scan3A_450, %get3A_917, %get3A_918] : memref<2x16x512xf32, #tpu.memory_space<vmem>> -> memref<1x16x512xf32, #tpu.memory_space<vmem>>
      %get3A_920 = tpu.memref_squeeze %get3A_919 : memref<1x16x512xf32, #tpu.memory_space<vmem>> -> memref<16x512xf32, #tpu.memory_space<vmem>>
      %get3A_921 = arith.index_cast %get3A_916 : i32 to index
      %get3A_922 = arith.index_cast %mul3A_479 : i32 to index
      %get3A_923 = tpu.vector_load %get3A_920[%get3A_921, %get3A_922] {strides = array<i32>} : memref<16x512xf32, #tpu.memory_space<vmem>>, vector<1x16xf32>,
      %get3A_924 = vector.shape_cast %get3A_923 : vector<1x16xf32> to vector<16xf32>
      %abs3A_925 = math.absf %get3A_915 : vector<16xf32>
      %neg3A_926 = arith.constant 0.000000e+00 : f32
      %neg3A_927 = vector.broadcast %neg3A_926 : f32 to vector<16xf32>
      %neg3A_928 = arith.subf %neg3A_927, %abs3A_925 : vector<16xf32>
      %exp3A_929 = math.exp %neg3A_928 : vector<16xf32>
      %broadcast_in_dim3A_930 = arith.constant -0.0732374042 : f32
      %broadcast_in_dim3A_931 = vector.broadcast %broadcast_in_dim3A_930 : f32 to vector<16xf32>
      %mul3A_932 = arith.mulf %broadcast_in_dim3A_931, %exp3A_929 : vector<16xf32>
      %add3A_933 = arith.constant 0.252318591 : f32
      %add3A_934 = vector.broadcast %add3A_933 : f32 to vector<16xf32>
      %add3A_935 = arith.addf %mul3A_932, %add3A_934 : vector<16xf32>
      %mul3A_936 = arith.mulf %add3A_935, %exp3A_929 : vector<16xf32>
      %add3A_937 = arith.constant -0.48574236 : f32
      %add3A_938 = vector.broadcast %add3A_937 : f32 to vector<16xf32>
      %add3A_939 = arith.addf %mul3A_936, %add3A_938 : vector<16xf32>
      %mul3A_940 = arith.mulf %add3A_939, %exp3A_929 : vector<16xf32>
      %add3A_941 = arith.constant 0.999565362 : f32
      %add3A_942 = vector.broadcast %add3A_941 : f32 to vector<16xf32>
      %add3A_943 = arith.addf %mul3A_940, %add3A_942 : vector<16xf32>
      %mul3A_944 = arith.mulf %exp3A_929, %add3A_943 : vector<16xf32>
      %max3A_945 = arith.constant 0.000000e+00 : f32
      %max3A_946 = vector.broadcast %max3A_945 : f32 to vector<16xf32>
      %max3A_947 = arith.maximumf %get3A_915, %max3A_946 : vector<16xf32>
      %add3A_948 = arith.addf %mul3A_944, %max3A_947 : vector<16xf32>
      %mul3A_949 = arith.mulf %get3A_915, %get3A_924 : vector<16xf32>
      %sub3A_950 = arith.subf %add3A_948, %mul3A_949 : vector<16xf32>
      %add3A_951 = arith.addf %add3A_903, %sub3A_950 : vector<16xf32>
      %mul3A_952 = arith.mulf %sub3A_950, %get3A_924 : vector<16xf32>
      %add3A_953 = arith.addf %add3A_905, %mul3A_952 : vector<16xf32>
      %add3A_954 = arith.addf %add3A_906, %get3A_924 : vector<16xf32>
      %get3A_955 = arith.constant 10 : i32
      %get3A_956 = arith.constant 0 : i32
      %get3A_957 = arith.constant 0 : i32
      %get3A_958 = tpu.memref_slice %arg5[%scan3A_449, %get3A_956, %get3A_957] : memref<2x16x512xf32, #tpu.memory_space<vmem>> -> memref<1x16x512xf32, #tpu.memory_space<vmem>>
      %get3A_959 = tpu.memref_squeeze %get3A_958 : memref<1x16x512xf32, #tpu.memory_space<vmem>> -> memref<16x512xf32, #tpu.memory_space<vmem>>
      %get3A_960 = arith.index_cast %get3A_955 : i32 to index
      %get3A_961 = arith.index_cast %mul3A_479 : i32 to index
      %get3A_962 = tpu.vector_load %get3A_959[%get3A_960, %get3A_961] {strides = array<i32>} : memref<16x512xf32, #tpu.memory_space<vmem>>, vector<1x16xf32>,
      %get3A_963 = vector.shape_cast %get3A_962 : vector<1x16xf32> to vector<16xf32>
      %get3A_964 = arith.constant 10 : i32
      %get3A_965 = arith.constant 0 : i32
      %get3A_966 = arith.constant 0 : i32
      %get3A_967 = tpu.memref_slice %arg6[%scan3A_450, %get3A_965, %get3A_966] : memref<2x16x512xf32, #tpu.memory_space<vmem>> -> memref<1x16x512xf32, #tpu.memory_space<vmem>>
      %get3A_968 = tpu.memref_squeeze %get3A_967 : memref<1x16x512xf32, #tpu.memory_space<vmem>> -> memref<16x512xf32, #tpu.memory_space<vmem>>
      %get3A_969 = arith.index_cast %get3A_964 : i32 to index
      %get3A_970 = arith.index_cast %mul3A_479 : i32 to index
      %get3A_971 = tpu.vector_load %get3A_968[%get3A_969, %get3A_970] {strides = array<i32>} : memref<16x512xf32, #tpu.memory_space<vmem>>, vector<1x16xf32>,
      %get3A_972 = vector.shape_cast %get3A_971 : vector<1x16xf32> to vector<16xf32>
      %abs3A_973 = math.absf %get3A_963 : vector<16xf32>
      %neg3A_974 = arith.constant 0.000000e+00 : f32
      %neg3A_975 = vector.broadcast %neg3A_974 : f32 to vector<16xf32>
      %neg3A_976 = arith.subf %neg3A_975, %abs3A_973 : vector<16xf32>
      %exp3A_977 = math.exp %neg3A_976 : vector<16xf32>
      %broadcast_in_dim3A_978 = arith.constant -0.0732374042 : f32
      %broadcast_in_dim3A_979 = vector.broadcast %broadcast_in_dim3A_978 : f32 to vector<16xf32>
      %mul3A_980 = arith.mulf %broadcast_in_dim3A_979, %exp3A_977 : vector<16xf32>
      %add3A_981 = arith.constant 0.252318591 : f32
      %add3A_982 = vector.broadcast %add3A_981 : f32 to vector<16xf32>
      %add3A_983 = arith.addf %mul3A_980, %add3A_982 : vector<16xf32>
      %mul3A_984 = arith.mulf %add3A_983, %exp3A_977 : vector<16xf32>
      %add3A_985 = arith.constant -0.48574236 : f32
      %add3A_986 = vector.broadcast %add3A_985 : f32 to vector<16xf32>
      %add3A_987 = arith.addf %mul3A_984, %add3A_986 : vector<16xf32>
      %mul3A_988 = arith.mulf %add3A_987, %exp3A_977 : vector<16xf32>
      %add3A_989 = arith.constant 0.999565362 : f32
      %add3A_990 = vector.broadcast %add3A_989 : f32 to vector<16xf32>
      %add3A_991 = arith.addf %mul3A_988, %add3A_990 : vector<16xf32>
      %mul3A_992 = arith.mulf %exp3A_977, %add3A_991 : vector<16xf32>
      %max3A_993 = arith.constant 0.000000e+00 : f32
      %max3A_994 = vector.broadcast %max3A_993 : f32 to vector<16xf32>
      %max3A_995 = arith.maximumf %get3A_963, %max3A_994 : vector<16xf32>
      %add3A_996 = arith.addf %mul3A_992, %max3A_995 : vector<16xf32>
      %mul3A_997 = arith.mulf %get3A_963, %get3A_972 : vector<16xf32>
      %sub3A_998 = arith.subf %add3A_996, %mul3A_997 : vector<16xf32>
      %add3A_999 = arith.addf %add3A_951, %sub3A_998 : vector<16xf32>
      %mul3A_1000 = arith.mulf %sub3A_998, %get3A_972 : vector<16xf32>
      %add3A_1001 = arith.addf %add3A_953, %mul3A_1000 : vector<16xf32>
      %add3A_1002 = arith.addf %add3A_954, %get3A_972 : vector<16xf32>
      %get3A_1003 = arith.constant 11 : i32
      %get3A_1004 = arith.constant 0 : i32
      %get3A_1005 = arith.constant 0 : i32
      %get3A_1006 = tpu.memref_slice %arg5[%scan3A_449, %get3A_1004, %get3A_1005] : memref<2x16x512xf32, #tpu.memory_space<vmem>> -> memref<1x16x512xf32, #tpu.memory_space<vmem>>
      %get3A_1007 = tpu.memref_squeeze %get3A_1006 : memref<1x16x512xf32, #tpu.memory_space<vmem>> -> memref<16x512xf32, #tpu.memory_space<vmem>>
      %get3A_1008 = arith.index_cast %get3A_1003 : i32 to index
      %get3A_1009 = arith.index_cast %mul3A_479 : i32 to index
      %get3A_1010 = tpu.vector_load %get3A_1007[%get3A_1008, %get3A_1009] {strides = array<i32>} : memref<16x512xf32, #tpu.memory_space<vmem>>, vector<1x16xf32>,
      %get3A_1011 = vector.shape_cast %get3A_1010 : vector<1x16xf32> to vector<16xf32>
      %get3A_1012 = arith.constant 11 : i32
      %get3A_1013 = arith.constant 0 : i32
      %get3A_1014 = arith.constant 0 : i32
      %get3A_1015 = tpu.memref_slice %arg6[%scan3A_450, %get3A_1013, %get3A_1014] : memref<2x16x512xf32, #tpu.memory_space<vmem>> -> memref<1x16x512xf32, #tpu.memory_space<vmem>>
      %get3A_1016 = tpu.memref_squeeze %get3A_1015 : memref<1x16x512xf32, #tpu.memory_space<vmem>> -> memref<16x512xf32, #tpu.memory_space<vmem>>
      %get3A_1017 = arith.index_cast %get3A_1012 : i32 to index
      %get3A_1018 = arith.index_cast %mul3A_479 : i32 to index
      %get3A_1019 = tpu.vector_load %get3A_1016[%get3A_1017, %get3A_1018] {strides = array<i32>} : memref<16x512xf32, #tpu.memory_space<vmem>>, vector<1x16xf32>,
      %get3A_1020 = vector.shape_cast %get3A_1019 : vector<1x16xf32> to vector<16xf32>
      %abs3A_1021 = math.absf %get3A_1011 : vector<16xf32>
      %neg3A_1022 = arith.constant 0.000000e+00 : f32
      %neg3A_1023 = vector.broadcast %neg3A_1022 : f32 to vector<16xf32>
      %neg3A_1024 = arith.subf %neg3A_1023, %abs3A_1021 : vector<16xf32>
      %exp3A_1025 = math.exp %neg3A_1024 : vector<16xf32>
      %broadcast_in_dim3A_1026 = arith.constant -0.0732374042 : f32
      %broadcast_in_dim3A_1027 = vector.broadcast %broadcast_in_dim3A_1026 : f32 to vector<16xf32>
      %mul3A_1028 = arith.mulf %broadcast_in_dim3A_1027, %exp3A_1025 : vector<16xf32>
      %add3A_1029 = arith.constant 0.252318591 : f32
      %add3A_1030 = vector.broadcast %add3A_1029 : f32 to vector<16xf32>
      %add3A_1031 = arith.addf %mul3A_1028, %add3A_1030 : vector<16xf32>
      %mul3A_1032 = arith.mulf %add3A_1031, %exp3A_1025 : vector<16xf32>
      %add3A_1033 = arith.constant -0.48574236 : f32
      %add3A_1034 = vector.broadcast %add3A_1033 : f32 to vector<16xf32>
      %add3A_1035 = arith.addf %mul3A_1032, %add3A_1034 : vector<16xf32>
      %mul3A_1036 = arith.mulf %add3A_1035, %exp3A_1025 : vector<16xf32>
      %add3A_1037 = arith.constant 0.999565362 : f32
      %add3A_1038 = vector.broadcast %add3A_1037 : f32 to vector<16xf32>
      %add3A_1039 = arith.addf %mul3A_1036, %add3A_1038 : vector<16xf32>
      %mul3A_1040 = arith.mulf %exp3A_1025, %add3A_1039 : vector<16xf32>
      %max3A_1041 = arith.constant 0.000000e+00 : f32
      %max3A_1042 = vector.broadcast %max3A_1041 : f32 to vector<16xf32>
      %max3A_1043 = arith.maximumf %get3A_1011, %max3A_1042 : vector<16xf32>
      %add3A_1044 = arith.addf %mul3A_1040, %max3A_1043 : vector<16xf32>
      %mul3A_1045 = arith.mulf %get3A_1011, %get3A_1020 : vector<16xf32>
      %sub3A_1046 = arith.subf %add3A_1044, %mul3A_1045 : vector<16xf32>
      %add3A_1047 = arith.addf %add3A_999, %sub3A_1046 : vector<16xf32>
      %mul3A_1048 = arith.mulf %sub3A_1046, %get3A_1020 : vector<16xf32>
      %add3A_1049 = arith.addf %add3A_1001, %mul3A_1048 : vector<16xf32>
      %add3A_1050 = arith.addf %add3A_1002, %get3A_1020 : vector<16xf32>
      %get3A_1051 = arith.constant 12 : i32
      %get3A_1052 = arith.constant 0 : i32
      %get3A_1053 = arith.constant 0 : i32
      %get3A_1054 = tpu.memref_slice %arg5[%scan3A_449, %get3A_1052, %get3A_1053] : memref<2x16x512xf32, #tpu.memory_space<vmem>> -> memref<1x16x512xf32, #tpu.memory_space<vmem>>
      %get3A_1055 = tpu.memref_squeeze %get3A_1054 : memref<1x16x512xf32, #tpu.memory_space<vmem>> -> memref<16x512xf32, #tpu.memory_space<vmem>>
      %get3A_1056 = arith.index_cast %get3A_1051 : i32 to index
      %get3A_1057 = arith.index_cast %mul3A_479 : i32 to index
      %get3A_1058 = tpu.vector_load %get3A_1055[%get3A_1056, %get3A_1057] {strides = array<i32>} : memref<16x512xf32, #tpu.memory_space<vmem>>, vector<1x16xf32>,
      %get3A_1059 = vector.shape_cast %get3A_1058 : vector<1x16xf32> to vector<16xf32>
      %get3A_1060 = arith.constant 12 : i32
      %get3A_1061 = arith.constant 0 : i32
      %get3A_1062 = arith.constant 0 : i32
      %get3A_1063 = tpu.memref_slice %arg6[%scan3A_450, %get3A_1061, %get3A_1062] : memref<2x16x512xf32, #tpu.memory_space<vmem>> -> memref<1x16x512xf32, #tpu.memory_space<vmem>>
      %get3A_1064 = tpu.memref_squeeze %get3A_1063 : memref<1x16x512xf32, #tpu.memory_space<vmem>> -> memref<16x512xf32, #tpu.memory_space<vmem>>
      %get3A_1065 = arith.index_cast %get3A_1060 : i32 to index
      %get3A_1066 = arith.index_cast %mul3A_479 : i32 to index
      %get3A_1067 = tpu.vector_load %get3A_1064[%get3A_1065, %get3A_1066] {strides = array<i32>} : memref<16x512xf32, #tpu.memory_space<vmem>>, vector<1x16xf32>,
      %get3A_1068 = vector.shape_cast %get3A_1067 : vector<1x16xf32> to vector<16xf32>
      %abs3A_1069 = math.absf %get3A_1059 : vector<16xf32>
      %neg3A_1070 = arith.constant 0.000000e+00 : f32
      %neg3A_1071 = vector.broadcast %neg3A_1070 : f32 to vector<16xf32>
      %neg3A_1072 = arith.subf %neg3A_1071, %abs3A_1069 : vector<16xf32>
      %exp3A_1073 = math.exp %neg3A_1072 : vector<16xf32>
      %broadcast_in_dim3A_1074 = arith.constant -0.0732374042 : f32
      %broadcast_in_dim3A_1075 = vector.broadcast %broadcast_in_dim3A_1074 : f32 to vector<16xf32>
      %mul3A_1076 = arith.mulf %broadcast_in_dim3A_1075, %exp3A_1073 : vector<16xf32>
      %add3A_1077 = arith.constant 0.252318591 : f32
      %add3A_1078 = vector.broadcast %add3A_1077 : f32 to vector<16xf32>
      %add3A_1079 = arith.addf %mul3A_1076, %add3A_1078 : vector<16xf32>
      %mul3A_1080 = arith.mulf %add3A_1079, %exp3A_1073 : vector<16xf32>
      %add3A_1081 = arith.constant -0.48574236 : f32
      %add3A_1082 = vector.broadcast %add3A_1081 : f32 to vector<16xf32>
      %add3A_1083 = arith.addf %mul3A_1080, %add3A_1082 : vector<16xf32>
      %mul3A_1084 = arith.mulf %add3A_1083, %exp3A_1073 : vector<16xf32>
      %add3A_1085 = arith.constant 0.999565362 : f32
      %add3A_1086 = vector.broadcast %add3A_1085 : f32 to vector<16xf32>
      %add3A_1087 = arith.addf %mul3A_1084, %add3A_1086 : vector<16xf32>
      %mul3A_1088 = arith.mulf %exp3A_1073, %add3A_1087 : vector<16xf32>
      %max3A_1089 = arith.constant 0.000000e+00 : f32
      %max3A_1090 = vector.broadcast %max3A_1089 : f32 to vector<16xf32>
      %max3A_1091 = arith.maximumf %get3A_1059, %max3A_1090 : vector<16xf32>
      %add3A_1092 = arith.addf %mul3A_1088, %max3A_1091 : vector<16xf32>
      %mul3A_1093 = arith.mulf %get3A_1059, %get3A_1068 : vector<16xf32>
      %sub3A_1094 = arith.subf %add3A_1092, %mul3A_1093 : vector<16xf32>
      %add3A_1095 = arith.addf %add3A_1047, %sub3A_1094 : vector<16xf32>
      %mul3A_1096 = arith.mulf %sub3A_1094, %get3A_1068 : vector<16xf32>
      %add3A_1097 = arith.addf %add3A_1049, %mul3A_1096 : vector<16xf32>
      %add3A_1098 = arith.addf %add3A_1050, %get3A_1068 : vector<16xf32>
      %get3A_1099 = arith.constant 13 : i32
      %get3A_1100 = arith.constant 0 : i32
      %get3A_1101 = arith.constant 0 : i32
      %get3A_1102 = tpu.memref_slice %arg5[%scan3A_449, %get3A_1100, %get3A_1101] : memref<2x16x512xf32, #tpu.memory_space<vmem>> -> memref<1x16x512xf32, #tpu.memory_space<vmem>>
      %get3A_1103 = tpu.memref_squeeze %get3A_1102 : memref<1x16x512xf32, #tpu.memory_space<vmem>> -> memref<16x512xf32, #tpu.memory_space<vmem>>
      %get3A_1104 = arith.index_cast %get3A_1099 : i32 to index
      %get3A_1105 = arith.index_cast %mul3A_479 : i32 to index
      %get3A_1106 = tpu.vector_load %get3A_1103[%get3A_1104, %get3A_1105] {strides = array<i32>} : memref<16x512xf32, #tpu.memory_space<vmem>>, vector<1x16xf32>,
      %get3A_1107 = vector.shape_cast %get3A_1106 : vector<1x16xf32> to vector<16xf32>
      %get3A_1108 = arith.constant 13 : i32
      %get3A_1109 = arith.constant 0 : i32
      %get3A_1110 = arith.constant 0 : i32
      %get3A_1111 = tpu.memref_slice %arg6[%scan3A_450, %get3A_1109, %get3A_1110] : memref<2x16x512xf32, #tpu.memory_space<vmem>> -> memref<1x16x512xf32, #tpu.memory_space<vmem>>
      %get3A_1112 = tpu.memref_squeeze %get3A_1111 : memref<1x16x512xf32, #tpu.memory_space<vmem>> -> memref<16x512xf32, #tpu.memory_space<vmem>>
      %get3A_1113 = arith.index_cast %get3A_1108 : i32 to index
      %get3A_1114 = arith.index_cast %mul3A_479 : i32 to index
      %get3A_1115 = tpu.vector_load %get3A_1112[%get3A_1113, %get3A_1114] {strides = array<i32>} : memref<16x512xf32, #tpu.memory_space<vmem>>, vector<1x16xf32>,
      %get3A_1116 = vector.shape_cast %get3A_1115 : vector<1x16xf32> to vector<16xf32>
      %abs3A_1117 = math.absf %get3A_1107 : vector<16xf32>
      %neg3A_1118 = arith.constant 0.000000e+00 : f32
      %neg3A_1119 = vector.broadcast %neg3A_1118 : f32 to vector<16xf32>
      %neg3A_1120 = arith.subf %neg3A_1119, %abs3A_1117 : vector<16xf32>
      %exp3A_1121 = math.exp %neg3A_1120 : vector<16xf32>
      %broadcast_in_dim3A_1122 = arith.constant -0.0732374042 : f32
      %broadcast_in_dim3A_1123 = vector.broadcast %broadcast_in_dim3A_1122 : f32 to vector<16xf32>
      %mul3A_1124 = arith.mulf %broadcast_in_dim3A_1123, %exp3A_1121 : vector<16xf32>
      %add3A_1125 = arith.constant 0.252318591 : f32
      %add3A_1126 = vector.broadcast %add3A_1125 : f32 to vector<16xf32>
      %add3A_1127 = arith.addf %mul3A_1124, %add3A_1126 : vector<16xf32>
      %mul3A_1128 = arith.mulf %add3A_1127, %exp3A_1121 : vector<16xf32>
      %add3A_1129 = arith.constant -0.48574236 : f32
      %add3A_1130 = vector.broadcast %add3A_1129 : f32 to vector<16xf32>
      %add3A_1131 = arith.addf %mul3A_1128, %add3A_1130 : vector<16xf32>
      %mul3A_1132 = arith.mulf %add3A_1131, %exp3A_1121 : vector<16xf32>
      %add3A_1133 = arith.constant 0.999565362 : f32
      %add3A_1134 = vector.broadcast %add3A_1133 : f32 to vector<16xf32>
      %add3A_1135 = arith.addf %mul3A_1132, %add3A_1134 : vector<16xf32>
      %mul3A_1136 = arith.mulf %exp3A_1121, %add3A_1135 : vector<16xf32>
      %max3A_1137 = arith.constant 0.000000e+00 : f32
      %max3A_1138 = vector.broadcast %max3A_1137 : f32 to vector<16xf32>
      %max3A_1139 = arith.maximumf %get3A_1107, %max3A_1138 : vector<16xf32>
      %add3A_1140 = arith.addf %mul3A_1136, %max3A_1139 : vector<16xf32>
      %mul3A_1141 = arith.mulf %get3A_1107, %get3A_1116 : vector<16xf32>
      %sub3A_1142 = arith.subf %add3A_1140, %mul3A_1141 : vector<16xf32>
      %add3A_1143 = arith.addf %add3A_1095, %sub3A_1142 : vector<16xf32>
      %mul3A_1144 = arith.mulf %sub3A_1142, %get3A_1116 : vector<16xf32>
      %add3A_1145 = arith.addf %add3A_1097, %mul3A_1144 : vector<16xf32>
      %add3A_1146 = arith.addf %add3A_1098, %get3A_1116 : vector<16xf32>
      %get3A_1147 = arith.constant 14 : i32
      %get3A_1148 = arith.constant 0 : i32
      %get3A_1149 = arith.constant 0 : i32
      %get3A_1150 = tpu.memref_slice %arg5[%scan3A_449, %get3A_1148, %get3A_1149] : memref<2x16x512xf32, #tpu.memory_space<vmem>> -> memref<1x16x512xf32, #tpu.memory_space<vmem>>
      %get3A_1151 = tpu.memref_squeeze %get3A_1150 : memref<1x16x512xf32, #tpu.memory_space<vmem>> -> memref<16x512xf32, #tpu.memory_space<vmem>>
      %get3A_1152 = arith.index_cast %get3A_1147 : i32 to index
      %get3A_1153 = arith.index_cast %mul3A_479 : i32 to index
      %get3A_1154 = tpu.vector_load %get3A_1151[%get3A_1152, %get3A_1153] {strides = array<i32>} : memref<16x512xf32, #tpu.memory_space<vmem>>, vector<1x16xf32>,
      %get3A_1155 = vector.shape_cast %get3A_1154 : vector<1x16xf32> to vector<16xf32>
      %get3A_1156 = arith.constant 14 : i32
      %get3A_1157 = arith.constant 0 : i32
      %get3A_1158 = arith.constant 0 : i32
      %get3A_1159 = tpu.memref_slice %arg6[%scan3A_450, %get3A_1157, %get3A_1158] : memref<2x16x512xf32, #tpu.memory_space<vmem>> -> memref<1x16x512xf32, #tpu.memory_space<vmem>>
      %get3A_1160 = tpu.memref_squeeze %get3A_1159 : memref<1x16x512xf32, #tpu.memory_space<vmem>> -> memref<16x512xf32, #tpu.memory_space<vmem>>
      %get3A_1161 = arith.index_cast %get3A_1156 : i32 to index
      %get3A_1162 = arith.index_cast %mul3A_479 : i32 to index
      %get3A_1163 = tpu.vector_load %get3A_1160[%get3A_1161, %get3A_1162] {strides = array<i32>} : memref<16x512xf32, #tpu.memory_space<vmem>>, vector<1x16xf32>,
      %get3A_1164 = vector.shape_cast %get3A_1163 : vector<1x16xf32> to vector<16xf32>
      %abs3A_1165 = math.absf %get3A_1155 : vector<16xf32>
      %neg3A_1166 = arith.constant 0.000000e+00 : f32
      %neg3A_1167 = vector.broadcast %neg3A_1166 : f32 to vector<16xf32>
      %neg3A_1168 = arith.subf %neg3A_1167, %abs3A_1165 : vector<16xf32>
      %exp3A_1169 = math.exp %neg3A_1168 : vector<16xf32>
      %broadcast_in_dim3A_1170 = arith.constant -0.0732374042 : f32
      %broadcast_in_dim3A_1171 = vector.broadcast %broadcast_in_dim3A_1170 : f32 to vector<16xf32>
      %mul3A_1172 = arith.mulf %broadcast_in_dim3A_1171, %exp3A_1169 : vector<16xf32>
      %add3A_1173 = arith.constant 0.252318591 : f32
      %add3A_1174 = vector.broadcast %add3A_1173 : f32 to vector<16xf32>
      %add3A_1175 = arith.addf %mul3A_1172, %add3A_1174 : vector<16xf32>
      %mul3A_1176 = arith.mulf %add3A_1175, %exp3A_1169 : vector<16xf32>
      %add3A_1177 = arith.constant -0.48574236 : f32
      %add3A_1178 = vector.broadcast %add3A_1177 : f32 to vector<16xf32>
      %add3A_1179 = arith.addf %mul3A_1176, %add3A_1178 : vector<16xf32>
      %mul3A_1180 = arith.mulf %add3A_1179, %exp3A_1169 : vector<16xf32>
      %add3A_1181 = arith.constant 0.999565362 : f32
      %add3A_1182 = vector.broadcast %add3A_1181 : f32 to vector<16xf32>
      %add3A_1183 = arith.addf %mul3A_1180, %add3A_1182 : vector<16xf32>
      %mul3A_1184 = arith.mulf %exp3A_1169, %add3A_1183 : vector<16xf32>
      %max3A_1185 = arith.constant 0.000000e+00 : f32
      %max3A_1186 = vector.broadcast %max3A_1185 : f32 to vector<16xf32>
      %max3A_1187 = arith.maximumf %get3A_1155, %max3A_1186 : vector<16xf32>
      %add3A_1188 = arith.addf %mul3A_1184, %max3A_1187 : vector<16xf32>
      %mul3A_1189 = arith.mulf %get3A_1155, %get3A_1164 : vector<16xf32>
      %sub3A_1190 = arith.subf %add3A_1188, %mul3A_1189 : vector<16xf32>
      %add3A_1191 = arith.addf %add3A_1143, %sub3A_1190 : vector<16xf32>
      %mul3A_1192 = arith.mulf %sub3A_1190, %get3A_1164 : vector<16xf32>
      %add3A_1193 = arith.addf %add3A_1145, %mul3A_1192 : vector<16xf32>
      %add3A_1194 = arith.addf %add3A_1146, %get3A_1164 : vector<16xf32>
      %get3A_1195 = arith.constant 15 : i32
      %get3A_1196 = arith.constant 0 : i32
      %get3A_1197 = arith.constant 0 : i32
      %get3A_1198 = tpu.memref_slice %arg5[%scan3A_449, %get3A_1196, %get3A_1197] : memref<2x16x512xf32, #tpu.memory_space<vmem>> -> memref<1x16x512xf32, #tpu.memory_space<vmem>>
      %get3A_1199 = tpu.memref_squeeze %get3A_1198 : memref<1x16x512xf32, #tpu.memory_space<vmem>> -> memref<16x512xf32, #tpu.memory_space<vmem>>
      %get3A_1200 = arith.index_cast %get3A_1195 : i32 to index
      %get3A_1201 = arith.index_cast %mul3A_479 : i32 to index
      %get3A_1202 = tpu.vector_load %get3A_1199[%get3A_1200, %get3A_1201] {strides = array<i32>} : memref<16x512xf32, #tpu.memory_space<vmem>>, vector<1x16xf32>,
      %get3A_1203 = vector.shape_cast %get3A_1202 : vector<1x16xf32> to vector<16xf32>
      %get3A_1204 = arith.constant 15 : i32
      %get3A_1205 = arith.constant 0 : i32
      %get3A_1206 = arith.constant 0 : i32
      %get3A_1207 = tpu.memref_slice %arg6[%scan3A_450, %get3A_1205, %get3A_1206] : memref<2x16x512xf32, #tpu.memory_space<vmem>> -> memref<1x16x512xf32, #tpu.memory_space<vmem>>
      %get3A_1208 = tpu.memref_squeeze %get3A_1207 : memref<1x16x512xf32, #tpu.memory_space<vmem>> -> memref<16x512xf32, #tpu.memory_space<vmem>>
      %get3A_1209 = arith.index_cast %get3A_1204 : i32 to index
      %get3A_1210 = arith.index_cast %mul3A_479 : i32 to index
      %get3A_1211 = tpu.vector_load %get3A_1208[%get3A_1209, %get3A_1210] {strides = array<i32>} : memref<16x512xf32, #tpu.memory_space<vmem>>, vector<1x16xf32>,
      %get3A_1212 = vector.shape_cast %get3A_1211 : vector<1x16xf32> to vector<16xf32>
      %abs3A_1213 = math.absf %get3A_1203 : vector<16xf32>
      %neg3A_1214 = arith.constant 0.000000e+00 : f32
      %neg3A_1215 = vector.broadcast %neg3A_1214 : f32 to vector<16xf32>
      %neg3A_1216 = arith.subf %neg3A_1215, %abs3A_1213 : vector<16xf32>
      %exp3A_1217 = math.exp %neg3A_1216 : vector<16xf32>
      %broadcast_in_dim3A_1218 = arith.constant -0.0732374042 : f32
      %broadcast_in_dim3A_1219 = vector.broadcast %broadcast_in_dim3A_1218 : f32 to vector<16xf32>
      %mul3A_1220 = arith.mulf %broadcast_in_dim3A_1219, %exp3A_1217 : vector<16xf32>
      %add3A_1221 = arith.constant 0.252318591 : f32
      %add3A_1222 = vector.broadcast %add3A_1221 : f32 to vector<16xf32>
      %add3A_1223 = arith.addf %mul3A_1220, %add3A_1222 : vector<16xf32>
      %mul3A_1224 = arith.mulf %add3A_1223, %exp3A_1217 : vector<16xf32>
      %add3A_1225 = arith.constant -0.48574236 : f32
      %add3A_1226 = vector.broadcast %add3A_1225 : f32 to vector<16xf32>
      %add3A_1227 = arith.addf %mul3A_1224, %add3A_1226 : vector<16xf32>
      %mul3A_1228 = arith.mulf %add3A_1227, %exp3A_1217 : vector<16xf32>
      %add3A_1229 = arith.constant 0.999565362 : f32
      %add3A_1230 = vector.broadcast %add3A_1229 : f32 to vector<16xf32>
      %add3A_1231 = arith.addf %mul3A_1228, %add3A_1230 : vector<16xf32>
      %mul3A_1232 = arith.mulf %exp3A_1217, %add3A_1231 : vector<16xf32>
      %max3A_1233 = arith.constant 0.000000e+00 : f32
      %max3A_1234 = vector.broadcast %max3A_1233 : f32 to vector<16xf32>
      %max3A_1235 = arith.maximumf %get3A_1203, %max3A_1234 : vector<16xf32>
      %add3A_1236 = arith.addf %mul3A_1232, %max3A_1235 : vector<16xf32>
      %mul3A_1237 = arith.mulf %get3A_1203, %get3A_1212 : vector<16xf32>
      %sub3A_1238 = arith.subf %add3A_1236, %mul3A_1237 : vector<16xf32>
      %add3A_1239 = arith.addf %add3A_1191, %sub3A_1238 : vector<16xf32>
      %mul3A_1240 = arith.mulf %sub3A_1238, %get3A_1212 : vector<16xf32>
      %add3A_1241 = arith.addf %add3A_1193, %mul3A_1240 : vector<16xf32>
      %add3A_1242 = arith.addf %add3A_1194, %get3A_1212 : vector<16xf32>
      scf.yield %add3A_1239, %add3A_1241, %add3A_1242 : vector<16xf32>, vector<16xf32>, vector<16xf32>
    }
    %scan3A_456 = arith.constant 32 : i32
    %swap3A = arith.constant 0 : i32
    %swap3A_457 = arith.index_cast %swap3A : i32 to index
    %swap3A_458 = arith.constant 0 : index
    %swap3A_459 = tpu.vector_load %arg7[%swap3A_457, %swap3A_458] {strides = array<i32>} : memref<3x16xf32, #tpu.memory_space<vmem>>, vector<1x16xf32>,
    %swap3A_460 = vector.shape_cast %swap3A_459 : vector<1x16xf32> to vector<16xf32>
    %swap3A_461 = vector.shape_cast %scan3A_455#0 : vector<16xf32> to vector<1x16xf32>
    tpu.vector_store %arg7[%swap3A_457, %swap3A_458], %swap3A_461 {strides = array<i32>} : memref<3x16xf32, #tpu.memory_space<vmem>>, vector<1x16xf32>,
    %swap3A_462 = arith.constant 1 : i32
    %swap3A_463 = arith.index_cast %swap3A_462 : i32 to index
    %swap3A_464 = arith.constant 0 : index
    %swap3A_465 = tpu.vector_load %arg7[%swap3A_463, %swap3A_464] {strides = array<i32>} : memref<3x16xf32, #tpu.memory_space<vmem>>, vector<1x16xf32>,
    %swap3A_466 = vector.shape_cast %swap3A_465 : vector<1x16xf32> to vector<16xf32>
    %swap3A_467 = vector.shape_cast %scan3A_455#1 : vector<16xf32> to vector<1x16xf32>
    tpu.vector_store %arg7[%swap3A_463, %swap3A_464], %swap3A_467 {strides = array<i32>} : memref<3x16xf32, #tpu.memory_space<vmem>>, vector<1x16xf32>,
    %swap3A_468 = arith.constant 2 : i32
    %swap3A_469 = arith.index_cast %swap3A_468 : i32 to index
    %swap3A_470 = arith.constant 0 : index
    %swap3A_471 = tpu.vector_load %arg7[%swap3A_469, %swap3A_470] {strides = array<i32>} : memref<3x16xf32, #tpu.memory_space<vmem>>, vector<1x16xf32>,
    %swap3A_472 = vector.shape_cast %swap3A_471 : vector<1x16xf32> to vector<16xf32>
    %swap3A_473 = vector.shape_cast %scan3A_455#2 : vector<16xf32> to vector<1x16xf32>
    tpu.vector_store %arg7[%swap3A_469, %swap3A_470], %swap3A_473 {strides = array<i32>} : memref<3x16xf32, #tpu.memory_space<vmem>>, vector<1x16xf32>,
    "tpu.region"() ({
      %run_scoped3A = tpu.sem_alloc : memref<!tpu.dma_semaphore, #tpu.memory_space<semaphore_mem>>
      %dma_start3A_474 = arith.constant 0 : i32
      %dma_start3A_475 = arith.constant 0 : i32
      %dma_start3A_476 = tpu.memref_slice %arg4[%add3A, %dma_start3A_474, %dma_start3A_475] : memref<32x3x16xf32, #tpu.memory_space<hbm>> -> memref<1x3x16xf32, #tpu.memory_space<hbm>>
      %dma_start3A_477 = tpu.memref_squeeze %dma_start3A_476 : memref<1x3x16xf32, #tpu.memory_space<hbm>> -> memref<3x16xf32, #tpu.memory_space<hbm>>
      %dma_start3A_478 = arith.constant 0 : i32
      %dma_start3A_479 = arith.constant 0 : i32
      %dma_start3A_480 = tpu.memref_slice %arg4[%add3A, %dma_start3A_478, %dma_start3A_479] : memref<32x3x16xf32, #tpu.memory_space<hbm>> -> memref<1x3x16xf32, #tpu.memory_space<hbm>>
      %dma_start3A_481 = tpu.memref_squeeze %dma_start3A_480 : memref<1x3x16xf32, #tpu.memory_space<hbm>> -> memref<3x16xf32, #tpu.memory_space<hbm>>
      tpu.enqueue_dma source(%arg7 : memref<3x16xf32, #tpu.memory_space<vmem>>) target(%dma_start3A_481 : memref<3x16xf32, #tpu.memory_space<hbm>>) target_semaphore(%run_scoped3A : memref<!tpu.dma_semaphore, #tpu.memory_space<semaphore_mem>>)
      %dma_wait3A_482 = arith.constant 0 : i32
      %dma_wait3A_483 = arith.constant 0 : i32
      %dma_wait3A_484 = tpu.memref_slice %arg4[%add3A, %dma_wait3A_482, %dma_wait3A_483] : memref<32x3x16xf32, #tpu.memory_space<hbm>> -> memref<1x3x16xf32, #tpu.memory_space<hbm>>
      %dma_wait3A_485 = tpu.memref_squeeze %dma_wait3A_484 : memref<1x3x16xf32, #tpu.memory_space<hbm>> -> memref<3x16xf32, #tpu.memory_space<hbm>>
      %dma_wait3A_486 = arith.constant 0 : i32
      %dma_wait3A_487 = arith.constant 0 : i32
      %dma_wait3A_488 = tpu.memref_slice %arg4[%add3A, %dma_wait3A_486, %dma_wait3A_487] : memref<32x3x16xf32, #tpu.memory_space<hbm>> -> memref<1x3x16xf32, #tpu.memory_space<hbm>>
      %dma_wait3A_489 = tpu.memref_squeeze %dma_wait3A_488 : memref<1x3x16xf32, #tpu.memory_space<hbm>> -> memref<3x16xf32, #tpu.memory_space<hbm>>
      tpu.wait_dma2 semaphore(%run_scoped3A : memref<!tpu.dma_semaphore, #tpu.memory_space<semaphore_mem>>) src(%arg7 : memref<3x16xf32, #tpu.memory_space<vmem>>) dst(%dma_wait3A_489 : memref<3x16xf32, #tpu.memory_space<hbm>>)
      tpu.yield
    }) : () -> ()
    return
  }
}

module attributes {stable_mosaic.version = 14 : i64} {
  func.func @_tc_reduce_body(%arg0: i32, %arg1: memref<1x512x512xf32, #tpu.memory_space<vmem>>, %arg2: memref<1x512x512xf32, #tpu.memory_space<vmem>>, %arg3: memref<3xf32, #tpu.memory_space<smem>>, %arg4: memref<3xf32, #tpu.memory_space<smem>>) attributes {dimension_semantics = [#tpu.dimension_semantics<arbitrary>], iteration_bounds = array<i64: 5>, scalar_prefetch = 0 : i64, scratch_operands = 1 : i64, tpu.core_type = #tpu.core_type<tc>, window_params = [{transform_indices = @transform_0, window_bounds = array<i64: 1, 512, 512>}, {transform_indices = @transform_1, window_bounds = array<i64: 1, 512, 512>}, {transform_indices = @transform_2, window_bounds = array<i64: 3>}]} {
    %eq3A = arith.constant 0 : i32
    %eq3A_0 = arith.cmpi eq, %arg0, %eq3A : i32
    %convert_element_type3A = arith.extui %eq3A_0 : i1 to i32
    %cond3A = arith.constant 0 : i32
    %cond3A_1 = arith.cmpi ne, %convert_element_type3A, %cond3A : i32
    scf.if %cond3A_1 {
      %swap3A_61 = arith.constant 0.000000e+00 : f32
      %swap3A_62 = arith.constant 0 : index
      %swap3A_63 = memref.load %arg4[%swap3A_62] : memref<3xf32, #tpu.memory_space<smem>>
      memref.store %swap3A_61, %arg4[%swap3A_62] : memref<3xf32, #tpu.memory_space<smem>>
      %swap3A_64 = arith.constant 0.000000e+00 : f32
      %swap3A_65 = arith.constant 1 : index
      %swap3A_66 = memref.load %arg4[%swap3A_65] : memref<3xf32, #tpu.memory_space<smem>>
      memref.store %swap3A_64, %arg4[%swap3A_65] : memref<3xf32, #tpu.memory_space<smem>>
      %swap3A_67 = arith.constant 0.000000e+00 : f32
      %swap3A_68 = arith.constant 2 : index
      %swap3A_69 = memref.load %arg4[%swap3A_68] : memref<3xf32, #tpu.memory_space<smem>>
      memref.store %swap3A_67, %arg4[%swap3A_68] : memref<3xf32, #tpu.memory_space<smem>>
    } else {
    }
    %get3A = arith.constant 0 : index
    %get3A_2 = arith.constant 0 : index
    %get3A_3 = arith.constant 0 : index
    %get3A_4 = vector.load %arg1[%get3A, %get3A_2, %get3A_3] : memref<1x512x512xf32, #tpu.memory_space<vmem>>, vector<1x512x512xf32>
    %get3A_5 = arith.constant 0 : index
    %get3A_6 = arith.constant 0 : index
    %get3A_7 = arith.constant 0 : index
    %get3A_8 = vector.load %arg2[%get3A_5, %get3A_6, %get3A_7] : memref<1x512x512xf32, #tpu.memory_space<vmem>>, vector<1x512x512xf32>
    %max3A = arith.constant 0.000000e+00 : f32
    %max3A_9 = vector.broadcast %max3A : f32 to vector<1x512x512xf32>
    %max3A_10 = arith.maximumf %get3A_4, %max3A_9 : vector<1x512x512xf32>
    %mul3A = arith.mulf %get3A_4, %get3A_8 : vector<1x512x512xf32>
    %sub3A = arith.subf %max3A_10, %mul3A : vector<1x512x512xf32>
    %abs3A = math.absf %get3A_4 : vector<1x512x512xf32>
    %neg3A = arith.constant 0.000000e+00 : f32
    %neg3A_11 = vector.broadcast %neg3A : f32 to vector<1x512x512xf32>
    %neg3A_12 = arith.subf %neg3A_11, %abs3A : vector<1x512x512xf32>
    %exp3A = math.exp %neg3A_12 : vector<1x512x512xf32>
    %broadcast_in_dim3A = arith.constant -0.0732374042 : f32
    %broadcast_in_dim3A_13 = vector.broadcast %broadcast_in_dim3A : f32 to vector<1x512x512xf32>
    %mul3A_14 = arith.mulf %broadcast_in_dim3A_13, %exp3A : vector<1x512x512xf32>
    %add3A = arith.constant 0.252318591 : f32
    %add3A_15 = vector.broadcast %add3A : f32 to vector<1x512x512xf32>
    %add3A_16 = arith.addf %mul3A_14, %add3A_15 : vector<1x512x512xf32>
    %mul3A_17 = arith.mulf %add3A_16, %exp3A : vector<1x512x512xf32>
    %add3A_18 = arith.constant -0.48574236 : f32
    %add3A_19 = vector.broadcast %add3A_18 : f32 to vector<1x512x512xf32>
    %add3A_20 = arith.addf %mul3A_17, %add3A_19 : vector<1x512x512xf32>
    %mul3A_21 = arith.mulf %add3A_20, %exp3A : vector<1x512x512xf32>
    %add3A_22 = arith.constant 0.999565362 : f32
    %add3A_23 = vector.broadcast %add3A_22 : f32 to vector<1x512x512xf32>
    %add3A_24 = arith.addf %mul3A_21, %add3A_23 : vector<1x512x512xf32>
    %mul3A_25 = arith.mulf %exp3A, %add3A_24 : vector<1x512x512xf32>
    %add3A_26 = arith.addf %sub3A, %mul3A_25 : vector<1x512x512xf32>
    %get3A_27 = arith.constant 0 : index
    %get3A_28 = memref.load %arg4[%get3A_27] : memref<3xf32, #tpu.memory_space<smem>>
    %reduce_sum3A = vector.shape_cast %add3A_26 : vector<1x512x512xf32> to vector<1x1x512x512xf32>
    %reduce_sum3A_29 = arith.constant dense<0.000000e+00> : vector<1xf32>
    %reduce_sum3A_30 = vector.multi_reduction <add>, %reduce_sum3A, %reduce_sum3A_29 [1, 2, 3] : vector<1x1x512x512xf32> to vector<1xf32>
    %reduce_sum3A_31 = vector.shape_cast %reduce_sum3A_30 : vector<1xf32> to vector<1x1x1x1xf32>
    %reduce_sum3A_32 = vector.extract %reduce_sum3A_31[0, 0, 0, 0] : f32 from vector<1x1x1x1xf32>
    %add3A_33 = arith.addf %get3A_28, %reduce_sum3A_32 : f32
    %swap3A = arith.constant 0 : index
    %swap3A_34 = memref.load %arg4[%swap3A] : memref<3xf32, #tpu.memory_space<smem>>
    memref.store %add3A_33, %arg4[%swap3A] : memref<3xf32, #tpu.memory_space<smem>>
    %get3A_35 = arith.constant 1 : index
    %get3A_36 = memref.load %arg4[%get3A_35] : memref<3xf32, #tpu.memory_space<smem>>
    %mul3A_37 = arith.mulf %add3A_26, %get3A_8 : vector<1x512x512xf32>
    %reduce_sum3A_38 = vector.shape_cast %mul3A_37 : vector<1x512x512xf32> to vector<1x1x512x512xf32>
    %reduce_sum3A_39 = arith.constant dense<0.000000e+00> : vector<1xf32>
    %reduce_sum3A_40 = vector.multi_reduction <add>, %reduce_sum3A_38, %reduce_sum3A_39 [1, 2, 3] : vector<1x1x512x512xf32> to vector<1xf32>
    %reduce_sum3A_41 = vector.shape_cast %reduce_sum3A_40 : vector<1xf32> to vector<1x1x1x1xf32>
    %reduce_sum3A_42 = vector.extract %reduce_sum3A_41[0, 0, 0, 0] : f32 from vector<1x1x1x1xf32>
    %add3A_43 = arith.addf %get3A_36, %reduce_sum3A_42 : f32
    %swap3A_44 = arith.constant 1 : index
    %swap3A_45 = memref.load %arg4[%swap3A_44] : memref<3xf32, #tpu.memory_space<smem>>
    memref.store %add3A_43, %arg4[%swap3A_44] : memref<3xf32, #tpu.memory_space<smem>>
    %get3A_46 = arith.constant 2 : index
    %get3A_47 = memref.load %arg4[%get3A_46] : memref<3xf32, #tpu.memory_space<smem>>
    %reduce_sum3A_48 = vector.shape_cast %get3A_8 : vector<1x512x512xf32> to vector<1x1x512x512xf32>
    %reduce_sum3A_49 = arith.constant dense<0.000000e+00> : vector<1xf32>
    %reduce_sum3A_50 = vector.multi_reduction <add>, %reduce_sum3A_48, %reduce_sum3A_49 [1, 2, 3] : vector<1x1x512x512xf32> to vector<1xf32>
    %reduce_sum3A_51 = vector.shape_cast %reduce_sum3A_50 : vector<1xf32> to vector<1x1x1x1xf32>
    %reduce_sum3A_52 = vector.extract %reduce_sum3A_51[0, 0, 0, 0] : f32 from vector<1x1x1x1xf32>
    %add3A_53 = arith.addf %get3A_47, %reduce_sum3A_52 : f32
    %swap3A_54 = arith.constant 2 : index
    %swap3A_55 = memref.load %arg4[%swap3A_54] : memref<3xf32, #tpu.memory_space<smem>>
    memref.store %add3A_53, %arg4[%swap3A_54] : memref<3xf32, #tpu.memory_space<smem>>
    %eq3A_56 = arith.constant 4 : i32
    %eq3A_57 = arith.cmpi eq, %arg0, %eq3A_56 : i32
    %convert_element_type3A_58 = arith.extui %eq3A_57 : i1 to i32
    %cond3A_59 = arith.constant 0 : i32
    %cond3A_60 = arith.cmpi ne, %convert_element_type3A_58, %cond3A_59 : i32
    scf.if %cond3A_60 {
      %get3A_61 = arith.constant 0 : index
      %get3A_62 = memref.load %arg4[%get3A_61] : memref<3xf32, #tpu.memory_space<smem>>
      %swap3A_63 = arith.constant 0 : index
      %swap3A_64 = memref.load %arg3[%swap3A_63] : memref<3xf32, #tpu.memory_space<smem>>
      memref.store %get3A_62, %arg3[%swap3A_63] : memref<3xf32, #tpu.memory_space<smem>>
      %get3A_65 = arith.constant 1 : index
      %get3A_66 = memref.load %arg4[%get3A_65] : memref<3xf32, #tpu.memory_space<smem>>
      %swap3A_67 = arith.constant 1 : index
      %swap3A_68 = memref.load %arg3[%swap3A_67] : memref<3xf32, #tpu.memory_space<smem>>
      memref.store %get3A_66, %arg3[%swap3A_67] : memref<3xf32, #tpu.memory_space<smem>>
      %get3A_69 = arith.constant 2 : index
      %get3A_70 = memref.load %arg4[%get3A_69] : memref<3xf32, #tpu.memory_space<smem>>
      %swap3A_71 = arith.constant 2 : index
      %swap3A_72 = memref.load %arg3[%swap3A_71] : memref<3xf32, #tpu.memory_space<smem>>
      memref.store %get3A_70, %arg3[%swap3A_71] : memref<3xf32, #tpu.memory_space<smem>>
    } else {
    }
    return
  }
  func.func @transform_0(%arg0: i32) -> (i32, i32, i32) {
    %jit3A = arith.constant 1 : i32
    %div3A = arith.divsi %arg0, %jit3A : i32
    %sign3A = arith.constant 0 : i32
    %sign3A_0 = arith.cmpi sgt, %arg0, %sign3A : i32
    %sign3A_1 = arith.extui %sign3A_0 : i1 to i32
    %sign3A_2 = arith.constant 0 : i32
    %sign3A_3 = arith.cmpi slt, %arg0, %sign3A_2 : i32
    %sign3A_4 = arith.extui %sign3A_3 : i1 to i32
    %sign3A_5 = arith.subi %sign3A_1, %sign3A_4 : i32
    %sign3A_6 = arith.constant 0 : i32
    %sign3A_7 = arith.cmpi sgt, %jit3A, %sign3A_6 : i32
    %sign3A_8 = arith.extui %sign3A_7 : i1 to i32
    %sign3A_9 = arith.constant 0 : i32
    %sign3A_10 = arith.cmpi slt, %jit3A, %sign3A_9 : i32
    %sign3A_11 = arith.extui %sign3A_10 : i1 to i32
    %sign3A_12 = arith.subi %sign3A_8, %sign3A_11 : i32
    %ne3A = arith.cmpi ne, %sign3A_5, %sign3A_12 : i32
    %rem3A = arith.remsi %arg0, %jit3A : i32
    %ne3A_13 = arith.constant 0 : i32
    %ne3A_14 = arith.cmpi ne, %rem3A, %ne3A_13 : i32
    %and3A = arith.andi %ne3A, %ne3A_14 : i1
    %sub3A = arith.constant 1 : i32
    %sub3A_15 = arith.subi %div3A, %sub3A : i32
    %select_n3A = arith.select %and3A, %sub3A_15, %div3A : i32
    %add3A = arith.constant 3 : i32
    %add3A_16 = arith.addi %add3A, %select_n3A : i32
    %jit3A_17 = arith.constant 1 : i32
    %eq3A = arith.constant 0 : i32
    %eq3A_18 = arith.cmpi eq, %jit3A_17, %eq3A : i32
    %jit3A_19 = arith.constant 1 : i32
    %select_n3A_20 = arith.select %eq3A_18, %jit3A_19, %jit3A_17 : i32
    %rem3A_21 = arith.remsi %arg0, %select_n3A_20 : i32
    %ne3A_22 = arith.constant 0 : i32
    %ne3A_23 = arith.cmpi ne, %rem3A_21, %ne3A_22 : i32
    %lt3A = arith.constant 0 : i32
    %lt3A_24 = arith.cmpi slt, %rem3A_21, %lt3A : i32
    %lt3A_25 = arith.constant 0 : i32
    %lt3A_26 = arith.cmpi slt, %select_n3A_20, %lt3A_25 : i32
    %ne3A_27 = arith.xori %lt3A_24, %lt3A_26 : i1
    %and3A_28 = arith.andi %ne3A_27, %ne3A_23 : i1
    %add3A_29 = arith.addi %rem3A_21, %select_n3A_20 : i32
    %select_n3A_30 = arith.select %and3A_28, %add3A_29, %rem3A_21 : i32
    %c0_i32 = arith.constant 0 : i32
    %c0_i32_31 = arith.constant 0 : i32
    return %add3A_16, %select_n3A_30, %c0_i32 : i32, i32, i32
  }
  func.func @transform_1(%arg0: i32) -> (i32, i32, i32) {
    %jit3A = arith.constant 1 : i32
    %div3A = arith.divsi %arg0, %jit3A : i32
    %sign3A = arith.constant 0 : i32
    %sign3A_0 = arith.cmpi sgt, %arg0, %sign3A : i32
    %sign3A_1 = arith.extui %sign3A_0 : i1 to i32
    %sign3A_2 = arith.constant 0 : i32
    %sign3A_3 = arith.cmpi slt, %arg0, %sign3A_2 : i32
    %sign3A_4 = arith.extui %sign3A_3 : i1 to i32
    %sign3A_5 = arith.subi %sign3A_1, %sign3A_4 : i32
    %sign3A_6 = arith.constant 0 : i32
    %sign3A_7 = arith.cmpi sgt, %jit3A, %sign3A_6 : i32
    %sign3A_8 = arith.extui %sign3A_7 : i1 to i32
    %sign3A_9 = arith.constant 0 : i32
    %sign3A_10 = arith.cmpi slt, %jit3A, %sign3A_9 : i32
    %sign3A_11 = arith.extui %sign3A_10 : i1 to i32
    %sign3A_12 = arith.subi %sign3A_8, %sign3A_11 : i32
    %ne3A = arith.cmpi ne, %sign3A_5, %sign3A_12 : i32
    %rem3A = arith.remsi %arg0, %jit3A : i32
    %ne3A_13 = arith.constant 0 : i32
    %ne3A_14 = arith.cmpi ne, %rem3A, %ne3A_13 : i32
    %and3A = arith.andi %ne3A, %ne3A_14 : i1
    %sub3A = arith.constant 1 : i32
    %sub3A_15 = arith.subi %div3A, %sub3A : i32
    %select_n3A = arith.select %and3A, %sub3A_15, %div3A : i32
    %add3A = arith.constant 3 : i32
    %add3A_16 = arith.addi %add3A, %select_n3A : i32
    %jit3A_17 = arith.constant 1 : i32
    %eq3A = arith.constant 0 : i32
    %eq3A_18 = arith.cmpi eq, %jit3A_17, %eq3A : i32
    %jit3A_19 = arith.constant 1 : i32
    %select_n3A_20 = arith.select %eq3A_18, %jit3A_19, %jit3A_17 : i32
    %rem3A_21 = arith.remsi %arg0, %select_n3A_20 : i32
    %ne3A_22 = arith.constant 0 : i32
    %ne3A_23 = arith.cmpi ne, %rem3A_21, %ne3A_22 : i32
    %lt3A = arith.constant 0 : i32
    %lt3A_24 = arith.cmpi slt, %rem3A_21, %lt3A : i32
    %lt3A_25 = arith.constant 0 : i32
    %lt3A_26 = arith.cmpi slt, %select_n3A_20, %lt3A_25 : i32
    %ne3A_27 = arith.xori %lt3A_24, %lt3A_26 : i1
    %and3A_28 = arith.andi %ne3A_27, %ne3A_23 : i1
    %add3A_29 = arith.addi %rem3A_21, %select_n3A_20 : i32
    %select_n3A_30 = arith.select %and3A_28, %add3A_29, %rem3A_21 : i32
    %c0_i32 = arith.constant 0 : i32
    %c0_i32_31 = arith.constant 0 : i32
    return %add3A_16, %select_n3A_30, %c0_i32 : i32, i32, i32
  }
  func.func @transform_2(%arg0: i32) -> i32 {
    %c0_i32 = arith.constant 0 : i32
    %c0_i32_0 = arith.constant 0 : i32
    return %c0_i32 : i32
  }
}

module attributes {stable_mosaic.version = 14 : i64} {
  func.func @_topk_body(%arg0: memref<1xi32, #tpu.memory_space<smem>>, %arg1: memref<8x512x512xf32, #tpu.memory_space<vmem>>, %arg2: memref<8x512x512xf32, #tpu.memory_space<vmem>>, %arg3: memref<1xf32, #tpu.memory_space<smem>>, %arg4: memref<8x512x512xf32, #tpu.memory_space<vmem>>) attributes {dimension_semantics = [], scalar_prefetch = 0 : i64, scratch_operands = 1 : i64, tpu.core_type = #tpu.core_type<tc>} {
    %get3A = arith.constant 0 : index
    %get3A_0 = arith.constant 0 : index
    %get3A_1 = arith.constant 0 : index
    %get3A_2 = vector.load %arg1[%get3A, %get3A_0, %get3A_1] : memref<8x512x512xf32, #tpu.memory_space<vmem>>, vector<8x512x512xf32>
    %get3A_3 = arith.constant 0 : index
    %get3A_4 = arith.constant 0 : index
    %get3A_5 = arith.constant 0 : index
    %get3A_6 = vector.load %arg2[%get3A_3, %get3A_4, %get3A_5] : memref<8x512x512xf32, #tpu.memory_space<vmem>>, vector<8x512x512xf32>
    %max3A = arith.constant 0.000000e+00 : f32
    %max3A_7 = vector.broadcast %max3A : f32 to vector<8x512x512xf32>
    %max3A_8 = arith.maximumf %get3A_2, %max3A_7 : vector<8x512x512xf32>
    %mul3A = arith.mulf %get3A_2, %get3A_6 : vector<8x512x512xf32>
    %sub3A = arith.subf %max3A_8, %mul3A : vector<8x512x512xf32>
    %abs3A = math.absf %get3A_2 : vector<8x512x512xf32>
    %neg3A = arith.constant 0.000000e+00 : f32
    %neg3A_9 = vector.broadcast %neg3A : f32 to vector<8x512x512xf32>
    %neg3A_10 = arith.subf %neg3A_9, %abs3A : vector<8x512x512xf32>
    %exp3A = math.exp %neg3A_10 : vector<8x512x512xf32>
    %broadcast_in_dim3A = arith.constant -0.0732374042 : f32
    %broadcast_in_dim3A_11 = vector.broadcast %broadcast_in_dim3A : f32 to vector<8x512x512xf32>
    %mul3A_12 = arith.mulf %broadcast_in_dim3A_11, %exp3A : vector<8x512x512xf32>
    %add3A = arith.constant 0.252318591 : f32
    %add3A_13 = vector.broadcast %add3A : f32 to vector<8x512x512xf32>
    %add3A_14 = arith.addf %mul3A_12, %add3A_13 : vector<8x512x512xf32>
    %mul3A_15 = arith.mulf %add3A_14, %exp3A : vector<8x512x512xf32>
    %add3A_16 = arith.constant -0.48574236 : f32
    %add3A_17 = vector.broadcast %add3A_16 : f32 to vector<8x512x512xf32>
    %add3A_18 = arith.addf %mul3A_15, %add3A_17 : vector<8x512x512xf32>
    %mul3A_19 = arith.mulf %add3A_18, %exp3A : vector<8x512x512xf32>
    %add3A_20 = arith.constant 0.999565362 : f32
    %add3A_21 = vector.broadcast %add3A_20 : f32 to vector<8x512x512xf32>
    %add3A_22 = arith.addf %mul3A_19, %add3A_21 : vector<8x512x512xf32>
    %mul3A_23 = arith.mulf %exp3A, %add3A_22 : vector<8x512x512xf32>
    %add3A_24 = arith.addf %sub3A, %mul3A_23 : vector<8x512x512xf32>
    %sub3A_25 = arith.constant 1.000000e+00 : f32
    %sub3A_26 = vector.broadcast %sub3A_25 : f32 to vector<8x512x512xf32>
    %sub3A_27 = arith.subf %sub3A_26, %get3A_6 : vector<8x512x512xf32>
    %gt3A = arith.constant 0.000000e+00 : f32
    %gt3A_28 = vector.broadcast %gt3A : f32 to vector<8x512x512xf32>
    %gt3A_29 = arith.cmpf ogt, %sub3A_27, %gt3A_28 : vector<8x512x512xf32>
    %jit3A = arith.constant 0.000000e+00 : f32
    %broadcast_in_dim3A_30 = vector.broadcast %jit3A : f32 to vector<8x512x512xf32>
    %select_n3A = arith.select %gt3A_29, %add3A_24, %broadcast_in_dim3A_30 : vector<8x512x512xi1>, vector<8x512x512xf32>
    %swap3A = arith.constant 0 : index
    %swap3A_31 = arith.constant 0 : index
    %swap3A_32 = arith.constant 0 : index
    %swap3A_33 = vector.load %arg4[%swap3A, %swap3A_31, %swap3A_32] : memref<8x512x512xf32, #tpu.memory_space<vmem>>, vector<8x512x512xf32>
    tpu.vector_store %arg4[%swap3A, %swap3A_31, %swap3A_32], %select_n3A {strides = array<i32>} : memref<8x512x512xf32, #tpu.memory_space<vmem>>, vector<8x512x512xf32>,
    %get3A_34 = arith.constant 0 : index
    %get3A_35 = memref.load %arg0[%get3A_34] : memref<1xi32, #tpu.memory_space<smem>>
    %convert_element_type3A = arith.sitofp %get3A_35 : i32 to f32
    %scan3A = arith.constant 0 : i32
    %scan3A_36 = arith.constant 0 : i32
    %scan3A_37 = arith.constant 31 : i32
    %scan3A_38 = arith.addi %scan3A_36, %scan3A_37 : i32
    %scan3A_39 = arith.constant 1 : i32
    %scan3A_40 = scf.for %scan3A_79 = %scan3A_36 to %scan3A_38 step %scan3A_39 iter_args(%scan3A_80 = %scan3A) -> (i32)  : i32 {
      %get3A_81 = arith.constant 0 : index
      %get3A_82 = arith.constant 0 : index
      %get3A_83 = arith.constant 0 : index
      %get3A_84 = vector.load %arg4[%get3A_81, %get3A_82, %get3A_83] : memref<8x512x512xf32, #tpu.memory_space<vmem>>, vector<8x512x512xf32>
      %bitcast_convert_type3A_85 = tpu.bitcast %get3A_84 : vector<8x512x512xf32> -> vector<8x512x512xi32>
      %sub3A_86 = arith.constant 30 : i32
      %sub3A_87 = arith.subi %sub3A_86, %scan3A_79 : i32
      %shift_left3A = arith.constant 1 : i32
      %shift_left3A_88 = arith.shli %shift_left3A, %sub3A_87 : i32
      %add3A_89 = arith.addi %scan3A_80, %shift_left3A_88 : i32
      %ge3A = vector.broadcast %add3A_89 : i32 to vector<8x512x512xi32>
      %ge3A_90 = arith.cmpi sge, %bitcast_convert_type3A_85, %ge3A : vector<8x512x512xi32>
      %convert_element_type3A_91 = arith.extui %ge3A_90 : vector<8x512x512xi1> to vector<8x512x512xi32>
      %convert_element_type3A_92 = arith.sitofp %convert_element_type3A_91 : vector<8x512x512xi32> to vector<8x512x512xf32>
      %reduce_sum3A_93 = vector.shape_cast %convert_element_type3A_92 : vector<8x512x512xf32> to vector<1x8x512x512xf32>
      %reduce_sum3A_94 = arith.constant dense<0.000000e+00> : vector<1xf32>
      %reduce_sum3A_95 = vector.multi_reduction <add>, %reduce_sum3A_93, %reduce_sum3A_94 [1, 2, 3] : vector<1x8x512x512xf32> to vector<1xf32>
      %reduce_sum3A_96 = vector.shape_cast %reduce_sum3A_95 : vector<1xf32> to vector<1x1x1x1xf32>
      %reduce_sum3A_97 = vector.extract %reduce_sum3A_96[0, 0, 0, 0] : f32 from vector<1x1x1x1xf32>
      %ge3A_98 = arith.cmpf oge, %reduce_sum3A_97, %convert_element_type3A : f32
      %select_n3A_99 = arith.select %ge3A_98, %add3A_89, %scan3A_80 : i32
      scf.yield %select_n3A_99 : i32
    }
    %scan3A_41 = arith.constant 31 : i32
    %get3A_42 = arith.constant 0 : index
    %get3A_43 = arith.constant 0 : index
    %get3A_44 = arith.constant 0 : index
    %get3A_45 = vector.load %arg4[%get3A_42, %get3A_43, %get3A_44] : memref<8x512x512xf32, #tpu.memory_space<vmem>>, vector<8x512x512xf32>
    %bitcast_convert_type3A = tpu.bitcast %get3A_45 : vector<8x512x512xf32> -> vector<8x512x512xi32>
    %eq3A = vector.broadcast %scan3A_40 : i32 to vector<8x512x512xi32>
    %eq3A_46 = arith.cmpi eq, %bitcast_convert_type3A, %eq3A : vector<8x512x512xi32>
    %jit3A_47 = arith.constant 0.000000e+00 : f32
    %broadcast_in_dim3A_48 = vector.broadcast %jit3A_47 : f32 to vector<8x512x512xf32>
    %select_n3A_49 = arith.select %eq3A_46, %get3A_45, %broadcast_in_dim3A_48 : vector<8x512x512xi1>, vector<8x512x512xf32>
    %reduce_max3A = vector.shape_cast %select_n3A_49 : vector<8x512x512xf32> to vector<1x8x512x512xf32>
    %reduce_max3A_50 = arith.constant dense<0xFF800000> : vector<1xf32>
    %reduce_max3A_51 = vector.multi_reduction <maximumf>, %reduce_max3A, %reduce_max3A_50 [1, 2, 3] : vector<1x8x512x512xf32> to vector<1xf32>
    %reduce_max3A_52 = vector.shape_cast %reduce_max3A_51 : vector<1xf32> to vector<1x1x1x1xf32>
    %reduce_max3A_53 = vector.extract %reduce_max3A_52[0, 0, 0, 0] : f32 from vector<1x1x1x1xf32>
    %gt3A_54 = vector.broadcast %scan3A_40 : i32 to vector<8x512x512xi32>
    %gt3A_55 = arith.cmpi sgt, %bitcast_convert_type3A, %gt3A_54 : vector<8x512x512xi32>
    %jit3A_56 = arith.constant 0.000000e+00 : f32
    %broadcast_in_dim3A_57 = vector.broadcast %jit3A_56 : f32 to vector<8x512x512xf32>
    %select_n3A_58 = arith.select %gt3A_55, %get3A_45, %broadcast_in_dim3A_57 : vector<8x512x512xi1>, vector<8x512x512xf32>
    %reduce_sum3A = vector.shape_cast %select_n3A_58 : vector<8x512x512xf32> to vector<1x8x512x512xf32>
    %reduce_sum3A_59 = arith.constant dense<0.000000e+00> : vector<1xf32>
    %reduce_sum3A_60 = vector.multi_reduction <add>, %reduce_sum3A, %reduce_sum3A_59 [1, 2, 3] : vector<1x8x512x512xf32> to vector<1xf32>
    %reduce_sum3A_61 = vector.shape_cast %reduce_sum3A_60 : vector<1xf32> to vector<1x1x1x1xf32>
    %reduce_sum3A_62 = vector.extract %reduce_sum3A_61[0, 0, 0, 0] : f32 from vector<1x1x1x1xf32>
    %convert_element_type3A_63 = arith.extui %gt3A_55 : vector<8x512x512xi1> to vector<8x512x512xi32>
    %convert_element_type3A_64 = arith.sitofp %convert_element_type3A_63 : vector<8x512x512xi32> to vector<8x512x512xf32>
    %reduce_sum3A_65 = vector.shape_cast %convert_element_type3A_64 : vector<8x512x512xf32> to vector<1x8x512x512xf32>
    %reduce_sum3A_66 = arith.constant dense<0.000000e+00> : vector<1xf32>
    %reduce_sum3A_67 = vector.multi_reduction <add>, %reduce_sum3A_65, %reduce_sum3A_66 [1, 2, 3] : vector<1x8x512x512xf32> to vector<1xf32>
    %reduce_sum3A_68 = vector.shape_cast %reduce_sum3A_67 : vector<1xf32> to vector<1x1x1x1xf32>
    %reduce_sum3A_69 = vector.extract %reduce_sum3A_68[0, 0, 0, 0] : f32 from vector<1x1x1x1xf32>
    %sub3A_70 = arith.subf %convert_element_type3A, %reduce_sum3A_69 : f32
    %mul3A_71 = arith.mulf %sub3A_70, %reduce_max3A_53 : f32
    %add3A_72 = arith.addf %reduce_sum3A_62, %mul3A_71 : f32
    %gt3A_73 = arith.constant 0.000000e+00 : f32
    %gt3A_74 = arith.cmpf ogt, %convert_element_type3A, %gt3A_73 : f32
    %jit3A_75 = arith.constant 0.000000e+00 : f32
    %select_n3A_76 = arith.select %gt3A_74, %add3A_72, %jit3A_75 : f32
    %swap3A_77 = arith.constant 0 : index
    %swap3A_78 = memref.load %arg3[%swap3A_77] : memref<1xf32, #tpu.memory_space<smem>>
    memref.store %select_n3A_76, %arg3[%swap3A_77] : memref<1xf32, #tpu.memory_space<smem>>
    return
  }
}

</mosaic_0001>

<sc_bundles>
// kernel: kernel.4.cloned.1.call-start
scs
__scs_entry_jumppad:
0x0: {  	(pc) =	sbr.rel $0x88, $3  }
0x1: {  	(tag) =	ssettag $0x0;
	lr =	simm.s32 $0x1  }
0x2: {  	[smem:$0x3F9F] =	sst lr;
	_ =	strace $0xD0000000  }
0x3: {  	_ = 	snop  }
0x4: {  	_ = 	snop  }
0x5: {  	_ = 	snop  }
0x6: {  	_ = 	snop  }
0x7: {  	_ = 	snop  }
__scs_overlays_trampoline_lowered:
0x8: {  	[smem:$0x3FAE] =	sst s0  }
0x9: {  	[smem:$0x3FAF] =	sst s1  }
0xa: {  	[smem:$0x3FB0] =	sst s2  }
0xb: {  	[smem:$0x3FB1] =	sst s3  }
0xc: {  	[smem:$0x3FB2] =	sst s4  }
0xd: {  	[smem:$0x3FB3] =	sst s5  }
0xe: {  	[smem:$0x3FB4] =	sst s6  }
0xf: {  	[smem:$0x3FB5] =	sst s7  }
0x10: {  	[smem:$0x3FB6] =	sst s8  }
0x11: {  	[smem:$0x3FB7] =	sst s9;
	s0 =	simm.s32 @!p0 $0x0  }
0x12: {  	s1 =	sld [smem:$0x3F9D];
	s0 =	simm.s32 @p0 $0x1  }
0x13: {  	[smem:$0x3FB8] =	sst s0;
	s0 =	simm.s32 @!p1 $0x0  }
0x14: {  	s2 =	sld [smem:$0x3F9C];
	s0 =	simm.s32 @p1 $0x1  }
0x15: {  	[smem:$0x3FB9] =	sst s0;
	s0 =	simm.s32 @!p2 $0x0  }
0x16: {  	s3 =	sld [smem:$0x3FDB];
	s0 =	simm.s32 @p2 $0x1  }
0x17: {  	s4 =	simm.s32 $0x1BF5;
	[smem:$0x3FBB] =	sst s0  }
0x18: {  	s0 =	sld [smem:$0x3F9E];
	_ =	swait.ge [sflag:s4], $0x0  }
0x19: {  	s7 =	sld [smem:$0x3F9F]  }
0x1a: {  	s8 =	sadd.s32 $0xFFFFE003, lr  }
0x1b: {  	s9 =	sadd.s32 $0xFFFFFEF7, lr;
	s5 =	simm.s32 $0xFFFFFFFF;
	p2 =	slt.u32 s8, $0xFFFFF086  }
0x1c: {  	p1 =	slt.u32 s9, $0xF7A;
	s5 =	simm.s32 @!p2 $0x0  }
0x1d: {  	s5 =	simm.s32 @p1 $0x1;
	p0 =	seq.s32 s7, s2  }
0x1e: {  	s7 =	smul.u32 @!p0 $0xF7A, s2;
	p2 =	seq.s32 @!p0 s5, $0x0  }
0x1f: {  	s9 =	smul.u32 $0xF7A, s1;
	s8 =	simm.s32 @!p0 $0x1BF5;
	p2 =	por !p2, p0  }
0x20: {  	[sflag:s8] =	ssyncset.s32 @!p0 $0xFFFFF086;
	s6 =	sadd.s32 @!p0 s3, s7;
	s7 =	simm.s32 @!p0 $0x108  }
0x21: {  	s3 =	sadd.s32 s3, s9;
	s6 =	sadd.s32 @!p0 $0x88, s6;
	s7 =	simm.s32 @p2 $0x1082  }
0x22: {  	[simem:s7], [sflag:s8] =	dma.local @!p0 [hbm:s6], $0xF7A  }
0x23: {  	s9 =	sor.u32 $0xD0000000, s2;
	s6 =	simm.s32 $0x108;
	_ =	swait.ge @!p0 [sflag:s8], $0x0  }
0x24: {  	s3 =	sadd.s32 $0x88, s3;
	s6 =	simm.s32 @!p1 $0x1082;
	[sflag:s4] =	ssyncset.s32 $0xFFFFF086  }
0x25: {  	[simem:s6], [sflag:s4] =	dma.local [hbm:s3], $0xF7A  }
0x26: {  	[smem:$0x3F9F] =	sst s1;
	(tag) =	ssettag s2;
	_ =	strace s9  }
0x27: {  	s1 =	sld [smem:$0x3FAF]  }
0x28: {  	s2 =	sld [smem:$0x3FB0]  }
0x29: {  	s4 =	sld [smem:$0x3FB2]  }
0x2a: {  	p0 =	seq.s32 s5, $0x0;
	s5 =	sld [smem:$0x3FB3]  }
0x2b: {  	s6 =	sld [smem:$0x3FB4]  }
0x2c: {  	s7 =	sld [smem:$0x3FB5]  }
0x2d: {  	s3 =	simm.s32 $0x108;
	s8 =	sld [smem:$0x3FB6]  }
0x2e: {  	s3 =	simm.s32 @!p0 $0x1082;
	s9 =	sld [smem:$0x3FB7]  }
0x2f: {  	lr =	sadd.s32 s0, s3;
	s0 =	sld [smem:$0x3FAE]  }
0x30: {  	s3 =	sld [smem:$0x3FB1]  }
0x31: {  	[smem:$0x3FBA] =	sst s10  }
0x32: {  	s10 =	sld [smem:$0x3FB8];
	_ =	sdelay $0x3  }
0x33: {  	p0 =	seq.s32 s10, $0x1;
	s10 =	sld [smem:$0x3FBA];
	_ =	sdelay $0x3  }
0x34: {  	[smem:$0x3FBA] =	sst s10  }
0x35: {  	s10 =	sld [smem:$0x3FB9];
	_ =	sdelay $0x3  }
0x36: {  	p1 =	seq.s32 s10, $0x1;
	s10 =	sld [smem:$0x3FBA];
	_ =	sdelay $0x3  }
0x37: {  	[smem:$0x3FBA] =	sst s10  }
0x38: {  	s10 =	sld [smem:$0x3FBB]  }
0x39: {  	_ = 	snop;
	(pc) =	sbr.ind lr, $3  }
0x3a: {  	_ = 	snop  }
0x3b: {  	_ = 	snop  }
0x3c: {  	p2 =	seq.s32 s10, $0x1;
	s10 =	sld [smem:$0x3FBA]  }
0x3d: {  	_ =	shalt  }
0x3e: {  	_ =	shalt  }
0x3f: {  	_ =	shalt  }
0x40: {  	_ =	shalt  }
0x41: {  	_ =	shalt  }
0x42: {  	_ =	shalt  }
0x43: {  	_ =	shalt  }
0x44: {  	_ =	shalt  }
0x45: {  	_ =	shalt  }
0x46: {  	_ =	shalt  }
0x47: {  	_ =	shalt  }
0x48: {  	_ =	shalt  }
0x49: {  	_ =	shalt  }
0x4a: {  	_ =	shalt  }
0x4b: {  	_ =	shalt  }
0x4c: {  	_ =	shalt  }
0x4d: {  	_ =	shalt  }
0x4e: {  	_ =	shalt  }
0x4f: {  	_ =	shalt  }
0x50: {  	_ =	shalt  }
0x51: {  	_ =	shalt  }
0x52: {  	_ =	shalt  }
0x53: {  	_ =	shalt  }
0x54: {  	_ =	shalt  }
0x55: {  	_ =	shalt  }
0x56: {  	_ =	shalt  }
0x57: {  	_ =	shalt  }
0x58: {  	_ =	shalt  }
0x59: {  	_ =	shalt  }
0x5a: {  	_ =	shalt  }
0x5b: {  	_ =	shalt  }
0x5c: {  	_ =	shalt  }
0x5d: {  	_ =	shalt  }
0x5e: {  	_ =	shalt  }
0x5f: {  	_ =	shalt  }
0x60: {  	_ =	shalt  }
0x61: {  	_ =	shalt  }
0x62: {  	_ =	shalt  }
0x63: {  	_ =	shalt  }
0x64: {  	_ =	shalt  }
0x65: {  	_ =	shalt  }
0x66: {  	_ =	shalt  }
0x67: {  	_ =	shalt  }
0x68: {  	_ =	shalt  }
0x69: {  	_ =	shalt  }
0x6a: {  	_ =	shalt  }
0x6b: {  	_ =	shalt  }
0x6c: {  	_ =	shalt  }
0x6d: {  	_ =	shalt  }
0x6e: {  	_ =	shalt  }
0x6f: {  	_ =	shalt  }
0x70: {  	_ =	shalt  }
0x71: {  	_ =	shalt  }
0x72: {  	_ =	shalt  }
0x73: {  	_ =	shalt  }
0x74: {  	_ =	shalt  }
0x75: {  	_ =	shalt  }
0x76: {  	_ =	shalt  }
0x77: {  	_ =	shalt  }
0x78: {  	_ =	shalt  }
0x79: {  	_ =	shalt  }
0x7a: {  	_ =	shalt  }
0x7b: {  	_ =	shalt  }
0x7c: {  	_ =	shalt  }
0x7d: {  	_ =	shalt  }
0x7e: {  	_ =	shalt  }
0x7f: {  	_ =	shalt  }
0x80: {  	_ =	shalt  }
0x81: {  	_ =	shalt  }
0x82: {  	_ =	shalt  }
0x83: {  	_ =	shalt  }
0x84: {  	_ =	shalt  }
0x85: {  	_ =	shalt  }
0x86: {  	_ =	shalt  }
0x87: {  	_ =	shalt  }
.Lfunc_end0:
.L_simem_size_0:
called_computation_lowered:
.L_overlay_start_0:
0x88: {  	s2 =	sld [smem:$0x3FD9]  }
0x89: {  	s3 =	sld [smem:$0x3FFE];
	_ =	sdelay $0x1  }
0x8a: {  	s1 =	srdreg.scid  }
0x8b: {  	s0 =	sand.u32 $0x1, s1  }
0x8c: {  	s17 =	sshll.u32 s0, $0xA;
	s2 =	sadd.s32 s3, s2  }
0x8d: {  	s2 =	sadd.s32 s2, s17  }
0x8e: {  	[smem:$0x3FC6] =	sst s2  }
0x8f: {  	_ = 	snop  }
0x90: {  	s2 =	sld [smem:$0x3FC9]  }
0x91: {  	s18 =	sld [smem:$0x3FC8];
	(tm) =	ssettm $0x1  }
0x92: {  	s4 =	sld [smem:$0x3FFB];
	_ =	sdelay $0x3  }
0x93: {  	_ =	strace s4  }
0x94: {  	s4 =	sld [smem:$0x3FFC];
	_ =	sdelay $0x3  }
0x95: {  	_ =	strace s4  }
0x96: {  	s4 =	sld [smem:$0x3FFD];
	_ =	sdelay $0x3  }
0x97: {  	_ =	strace s4  }
0x98: {  	_ =	strace $0x8FFFFFFF  }
0x99: {  	s19 =	sld [smem:$0x3FDB];
	_ =	sdelay $0x1  }
0x9a: {  	s5 =	simm.s32 $_scs_section_size  }
0x9b: {  	s6 =	simm.s32 $_size__tile_overlayer_lowered;
	s7 =	simm.s32 $_tile_overlayer_lowered  }
0x9c: {  	s22 =	simm.s32 $0x1BFF;
	s21 =	sshll.u32 s7, $0x1;
	s4 =	sadd.s32 s5, s19  }
0x9d: {  	s8 =	simm.s32 $0x0;
	s20 =	sshll.u32 s6, $0x1;
	s6 =	sadd.s32 s21, s4  }
0x9e: {  	[timem:s8], [sflag:s22] =	dma.local [hbm:s6], s20  }
0x9f: {  	_ =	swait.ge [sflag:s22], s20  }
0xa0: {  	s5 =	ssub.s32 $0x0, s20;
	[sflag:s22] =	ssyncset.done $0x0  }
0xa1: {  	[sflag:s22] =	ssyncadd.s32 s5;
	_ =	sdelay $0x1  }
0xa2: {  	s23 =	simm.s32 $0x1B8B  }
0xa3: {  	_ =	swait.ge [sflag:s23], $0x1  }
0xa4: {  	[sflag:s23] =	ssyncset.done $0x0  }
0xa5: {  	s25 =	simm.s32 $0x1B8E;
	s24 =	sld [smem:$0x3FFE];
	[sflag:s23] =	ssyncadd.s32 $0xFFFFFFFF  }
0xa6: {  	s26 =	simm.s32 $execute0_lowered;
	[smem:$0x3FD2] =	sst s25  }
0xa7: {  	s6 =	sshll.u32 s26, $0x1;
	_ =	strace $0x80000046;
	[dreg:$0x1] =	wrdreg $0xFFFFFFFF  }
0xa8: {  	s28 =	simm.s32 $_size_execute0_lowered;
	s4 =	sadd.s32 s4, s6;
	[dreg:$0x0] =	wrdreg $0x0  }
0xa9: {  	s6 =	sshll.u32 s28, $0x1;
	[dreg:$0x2] =	wrdreg s4  }
0xaa: {  	[dreg:$0x3] =	wrdreg s6  }
0xab: {  	[dreg:$0x4] =	wrdreg $0xC0  }
0xac: {  	_ =	task [dreg:s8], $0x5FFFF  }
0xad: {  	[dreg:$0x1] =	wrdreg $0xFFFFFFFF  }
0xae: {  	[dreg:$0x0] =	wrdreg $0x60  }
0xaf: {  	[dreg:$0x2] =	wrdreg s2  }
0xb0: {  	[dreg:$0x3] =	wrdreg s18  }
0xb1: {  	[dreg:$0x4] =	wrdreg s24  }
0xb2: {  	[dreg:$0x5] =	wrdreg $0x9  }
0xb3: {  	_ =	task.clear_ibuf [dreg:s8], $0x6FFFF;
	_ =	strace $0x90000046  }
0xb4: {  	s29 =	simm.s32 $0x9;
	_ =	strace $0x80000048  }
0xb5: {  	_ =	swait.ge [sflag:s29], $0x1  }
0xb6: {  	[sflag:s29] =	ssyncadd.s32 $0xFFFFFFFF  }
0xb7: {  	_ =	strace $0x90000048  }
0xb8: {  	_ =	sfence  }
0xb9: {  	s30 =	sld [smem:$0x0];
	_ =	sdelay $0x2  }
0xba: {  	s31 =	sshll.u32 s1, $0xD;
	s1 =	sshrl.u32 s1, $0x2  }
0xbb: {  	s3 =	sand.u32 $0x4000, s31;
	s1 =	sadd.s32 s1, s30  }
0xbc: {  	s0 =	sor.u32 s3, s0;
	s1 =	sshll.u32 s1, $0x11  }
0xbd: {  	s0 =	sor.u32 s1, s0  }
0xbe: {  	s0 =	sadd.s32 $0x8F2B, s0  }
0xbf: {  	[sflag:s0] =	ssyncadd.remote.s32 $0x1  }
0xc0: {  	_ =	sfence.sel $0xFFFF  }
0xc1: {  	[dreg:$0x0] =	wrdreg $0xFFFFFFFF;
	(pc) =	sbr.abs _section_cstart, $3  }
0xc2: {  	[dreg:$0x1] =	wrdreg $0xFFFFFFFF  }
0xc3: {  	_ =	task.clear_ibuf [dreg:s8], $0x2FFFF;
	_ =	strace $0x9FFFFFFF  }
0xc4: {  	(tm) =	ssettm $0x7FFFFFFF  }
0xc5: {  	_ =	shalt  }
tec
execute0_lowered:
.L_overlay_start_1:
0x0: {  	(tag) =	ssettag $0x1  }
0x1: {  	s7 =	rddreg [dreg:$0x0]  }
0x2: {  	s8 =	rddreg [dreg:$0x1]  }
0x3: {  	s3 =	rddreg [dreg:$0x2]  }
0x4: {  	s0 =	rddreg [dreg:$0x3]  }
0x5: {  	s4 =	srdreg.scid;
	s1 =	stileid.u32  }
0x6: {  	s2 =	simm.s32 $0x0;
	s12 =	simm.s32 $0x1;
	s13 =	simm.s32 $0x2000  }
0x7: {  	s14 =	simm.s32 $0x6000;
	s15 =	simm.s32 $0x2;
	s16 =	simm.s32 $0x8000  }
0x8: {  	s17 =	simm.s32 $0x3;
	s4 =	sand.u32 $0x1, s4;
	s5 =	sshll.u32 s1, $0x1  }
0x9: {  	s18 =	simm.s32 $0x0;
	[smem:$0x7FF] =	sst s2;
	s5 =	sor.u32 s4, s5  }
0xa: {  	s4 =	ssub.s32 $0x2, s4;
	_ =	strace $0x80000047;
	s6 =	sshll.u32 s5, $0x6  }
0xb: {  	s9 =	sshrl.u32 s4, $0x1;
	s30 =	sshll.u32 s5, $0xA;
	s10 =	sadd.s32 s6, s3  }
0xc: {  	s11 =	ssub.s32 s4, s9;
	s3 =	sadd.s32 s7, s30;
	s31 =	sor.u32 $0x8000, s30  }
0xd: {  	s4 =	sadd.s32 s8, s30;
	s9 =	sor.u32 $0x10000, s30;
	s5 =	sadd.s32 s7, s31  }
0xe: {  	s6 =	sadd.s32 s8, s31;
	s7 =	sadd.s32 s7, s9;
	s8 =	sadd.s32 s8, s9  }
0xf: {  	s9 =	sadd.s32 $0xC00, s10;
	s10 =	smax.u32 s11, $0x1;
	s11 =	simm.s32 $0x4000  }
.LBB2_1:
0x10: {  	[tilespmem:s2], [sflag:$0x1] =	stream.linear.gather [hbm4b:s3+s2], $0x2000, $0x38;
	[tilespmem:$0x8200] =	vst v63  }
0x11: {  	_ = 	snop  }
0x12: {  	[tilespmem:s11], [sflag:$0x1] =	stream.linear.gather [hbm4b:s4+s2], $0x2000, $0x38;
	[tilespmem:$0x8200] =	vst v63  }
0x13: {  	_ =	swait.ge [sflag:s12], $0x2000  }
0x14: {  	[sflag:s12] =	ssyncset.done $0x0  }
0x15: {  	[sflag:s12] =	ssyncadd.s32 $0xFFFFE000  }
0x16: {  	_ =	swait.ge [sflag:s12], $0x2000  }
0x17: {  	[sflag:s12] =	ssyncset.done $0x0  }
0x18: {  	s19 =	sand.u32 $0x70, s2;
	s20 =	sand.u32 $0xC00, s2;
	[sflag:s12] =	ssyncadd.s32 $0xFFFFE000  }
0x19: {  	[tilespmem:s13], [sflag:$0x2] =	stream.linear.gather [hbm4b:s5+s2], $0x2000, $0x38;
	[tilespmem:$0x8200] =	vst v63  }
0x1a: {  	s19 =	sor.u32 s19, s20  }
0x1b: {  	[tilespmem:s14], [sflag:$0x2] =	stream.linear.gather [hbm4b:s6+s2], $0x2000, $0x38;
	[tilespmem:$0x8200] =	vst v63  }
0x1c: {  	s21 =	sor.u32 s2, s2;
	v6 =	vld [tilespmem:s19+$0x4100]  }
0x1d: {  	s20 =	sor.u32 $0x1380, s21;
	v8 =	vld [tilespmem:s19+$0x4080]  }
0x1e: {  	v61 =	vld [tilespmem:s20+$0x0]  }
0x1f: {  	v2 =	vld [tilespmem:s19+$0x1300]  }
0x20: {  	v60 =	vld [tilespmem:s19+$0x1280]  }
0x21: {  	v3 =	vld [tilespmem:s19+$0x1200]  }
0x22: {  	v4 =	vld [tilespmem:s19+$0x1100]  }
0x23: {  	v5 =	vld [tilespmem:s19+$0x1080]  }
0x24: {  	v7 =	vld [tilespmem:s19+$0x1000]  }
0x25: {  	v24 =	vld [tilespmem:s19+$0x100]  }
0x26: {  	s22 =	sor.u32 $0x380, s21;
	v25 =	vld [tilespmem:s19+$0x80]  }
0x27: {  	v10 =	vld [tilespmem:s22+$0x0]  }
0x28: {  	v11 =	vld [tilespmem:s19+$0x300]  }
0x29: {  	v62 =	vimm.f32 $0.0e+00;
	v12 =	vld [tilespmem:s19+$0x280]  }
0x2a: {  	s31 =	sand.u32 $0xFFFFFC00, s2;
	v13 =	vld [tilespmem:s19+$0x200];
	v17 =	vmax.f32 v61, $0.0e+00;
	v18 =	vmax.f32 v60, $0.0e+00;
	v21 =	vmax.f32 v2, $0.0e+00  }
0x2b: {  	s23 =	sadd.s32 $0x0, s31;
	v35 =	vld [tilespmem:s19+$0x0];
	v20 =	vmax.f32 v3, $0.0e+00;
	v19 =	vmax.f32 v7, $0.0e+00;
	v22 =	vmax.f32 v5, $0.0e+00  }
0x2c: {  	s21 =	sor.u32 $0x1180, s23;
	v0 =	vmul.f32 v8, v25;
	v63 =	vmul.f32 v6, v24;
	v23 =	vand.u32 $0x7FFFFFFF, v61  }
0x2d: {  	v9 =	vld [tilespmem:s21+$0x0];
	v26 =	vand.u32 $0x7FFFFFFF, v3;
	v27 =	vand.u32 $0x7FFFFFFF, v60;
	v28 =	vand.u32 $0x7FFFFFFF, v2  }
0x2e: {  	v29 =	vand.u32 $0x7FFFFFFF, v7;
	v30 =	vand.u32 $0x7FFFFFFF, v5;
	v31 =	vand.u32 $0x7FFFFFFF, v4  }
0x2f: {  	v32 =	vand.u32 $0x7FFFFFFF, v12;
	v33 =	vand.u32 $0x7FFFFFFF, v11;
	v34 =	vand.u32 $0x7FFFFFFF, v10  }
0x30: {  	v36 =	vand.u32 $0x7FFFFFFF, v24;
	v37 =	vand.u32 $0x7FFFFFFF, v13;
	v38 =	vand.u32 $0x7FFFFFFF, v35  }
0x31: {  	v39 =	vand.u32 $0x7FFFFFFF, v25;
	v23 =	vsub.f32 $0.0e+00, v23;
	v28 =	vsub.f32 $0.0e+00, v28  }
0x32: {  	v40 =	vand.u32 $0x7FFFFFFF, v9;
	v26 =	vsub.f32 $0.0e+00, v26;
	v27 =	vsub.f32 $0.0e+00, v27  }
0x33: {  	v31 =	vsub.f32 $0.0e+00, v31;
	v23 =	vmul.f32 $1.442695020e+00, v23;
	v28 =	vmul.f32 $1.442695020e+00, v28  }
0x34: {  	v30 =	vsub.f32 $0.0e+00, v30;
	v27 =	vmul.f32 $1.442695020e+00, v27;
	v26 =	vmul.f32 $1.442695020e+00, v26  }
0x35: {  	v29 =	vsub.f32 $0.0e+00, v29;
	v31 =	vmul.f32 $1.442695020e+00, v31;
	(erf) = vpow2.f32 v23  }
0x36: {  	v57 =	vsub.f32 $0.0e+00, v38;
	v30 =	vmul.f32 $1.442695020e+00, v30;
	(erf) = vpow2.f32 v28  }
0x37: {  	s25 =	sor.u32 $0x180, s23;
	v58 =	vsub.f32 $0.0e+00, v40;
	v29 =	vmul.f32 $1.442695020e+00, v29;
	(erf) = vpow2.f32 v27  }
0x38: {  	v23 =	vld [tilespmem:s25+$0x0];
	v28 =	vsub.f32 $0.0e+00, v34;
	v34 =	vmax.f32 v25, $0.0e+00;
	(erf) = vpow2.f32 v26  }
0x39: {  	v25 =	vimm.f32 $0.0e+00;
	v27 =	vsub.f32 $0.0e+00, v33;
	(erf) = vpow2.f32 v31  }
0x3a: {  	v26 =	vsub.f32 $0.0e+00, v32;
	v28 =	vmul.f32 $1.442695020e+00, v28;
	(erf) = vpow2.f32 v30  }
0x3b: {  	v31 =	vsub.f32 $0.0e+00, v37;
	v27 =	vmul.f32 $1.442695020e+00, v27;
	(erf) = vpow2.f32 v29  }
0x3c: {  	v26 =	vmul.f32 $1.442695020e+00, v26;
	v29 =	vsub.f32 $0.0e+00, v36;
	(erf) = vpow2.f32 v28  }
0x3d: {  	v30 =	vand.u32 $0x7FFFFFFF, v23;
	v31 =	vmul.f32 $1.442695020e+00, v31;
	(erf) = vpow2.f32 v27  }
0x3e: {  	v59 =	vsub.f32 $0.0e+00, v30;
	v29 =	vmul.f32 $1.442695020e+00, v29;
	(erf) = vpow2.f32 v26;
	v44 =	vpop (erf)  }
0x3f: {  	v33 =	vmul.f32 $1.442695020e+00, v58;
	v28 =	vsub.f32 $0.0e+00, v39;
	v27 =	vld [tilespmem:s19+$0x4000];
	(erf) = vpow2.f32 v31;
	v41 =	vpop (erf)  }
0x40: {  	v30 =	vmax.f32 v10, $0.0e+00;
	v32 =	vmul.f32 $1.442695020e+00, v59;
	(erf) = vpow2.f32 v29;
	v46 =	vpop (erf)  }
0x41: {  	v36 =	vmax.f32 v35, $0.0e+00;
	v28 =	vmul.f32 $1.442695020e+00, v28;
	v31 =	vmul.f32 $1.442695020e+00, v57;
	v43 =	vpop (erf)  }
0x42: {  	v26 =	vmax.f32 v4, $0.0e+00;
	v38 =	vmul.f32 $7.323740420e-02, v44;
	v49 =	vmul.f32 $7.323740420e-02, v41;
	v47 =	vpop (erf)  }
0x43: {  	v29 =	vmax.f32 v11, $0.0e+00;
	(erf) = vpow2.f32 v28;
	v55 =	vmul.f32 $7.323740420e-02, v46;
	v45 =	vpop (erf)  }
0x44: {  	v59 =	vsub.f32 $2.523185910e-01, v38;
	(erf) = vpow2.f32 v31;
	v28 =	vmul.f32 v27, v35;
	v48 =	vpop (erf)  }
0x45: {  	v31 =	vmax.f32 v12, $0.0e+00;
	v56 =	vmul.f32 $7.323740420e-02, v43;
	(erf) = vpow2.f32 v33;
	v37 =	vpop (erf)  }
0x46: {  	v35 =	vmax.f32 v9, $0.0e+00;
	v57 =	vmul.f32 $7.323740420e-02, v47;
	(erf) = vpow2.f32 v32;
	v40 =	vpop (erf)  }
0x47: {  	v33 =	vmax.f32 v13, $0.0e+00;
	v58 =	vmul.f32 $7.323740420e-02, v45;
	v50 =	vmul.f32 $7.323740420e-02, v48;
	v39 =	vpop (erf)  }
0x48: {  	v32 =	vmax.f32 v24, $0.0e+00;
	v51 =	vmul.f32 $7.323740420e-02, v37;
	v54 =	vmul.f32 $7.323740420e-02, v40;
	v42 =	vpop (erf)  }
0x49: {  	s24 =	simm.s32 $0x0;
	s23 =	simm.s32 $0x10;
	[tilespmem:$0x1FFF0] =	vst v0;
	v24 =	vimm.f32 $0.0e+00;
	v52 =	vmul.f32 $7.323740420e-02, v39;
	v53 =	vmul.f32 $7.323740420e-02, v42;
	v38 =	vpop (erf)  }
.LBB2_2:
0x4a: {  	v25 =	vadd.f32 v27, v25;
	v55 =	vsub.f32 $2.523185910e-01, v55  }
0x4b: {  	[tilespmem:$0x1FFE0] =	vst v61;
	v61 =	vsub.f32 $2.523185910e-01, v49;
	v57 =	vsub.f32 $2.523185910e-01, v57  }
0x4c: {  	[tilespmem:$0x1FFC0] =	vst v60;
	v60 =	vmul.f32 $7.323740420e-02, v38;
	v56 =	vsub.f32 $2.523185910e-01, v56;
	v15 =	vsub.f32 $2.523185910e-01, v50  }
0x4d: {  	v58 =	vsub.f32 $2.523185910e-01, v58;
	v54 =	vsub.f32 $2.523185910e-01, v54;
	v59 =	vmul.f32 v59, v44  }
0x4e: {  	v1 =	vsub.f32 $2.523185910e-01, v51;
	v61 =	vmul.f32 v61, v41;
	v56 =	vmul.f32 v56, v43  }
0x4f: {  	v52 =	vsub.f32 $2.523185910e-01, v52;
	v55 =	vmul.f32 v55, v46;
	v58 =	vmul.f32 v58, v45  }
0x50: {  	v53 =	vsub.f32 $2.523185910e-01, v53;
	v57 =	vmul.f32 v57, v47;
	v1 =	vmul.f32 v1, v37  }
0x51: {  	v60 =	vsub.f32 $2.523185910e-01, v60;
	v15 =	vmul.f32 v15, v48;
	v52 =	vmul.f32 v52, v39  }
0x52: {  	[tilespmem:$0x1FFB0] =	vst v3;
	v54 =	vmul.f32 v54, v40;
	v59 =	vadd.f32 $-4.857423600e-01, v59;
	v55 =	vadd.f32 $-4.857423600e-01, v55  }
0x53: {  	[tilespmem:$0x1FFD0] =	vst v2;
	v2 =	vmovc v62;
	v3 =	vmovc v63;
	v53 =	vmul.f32 v53, v42;
	v61 =	vadd.f32 $-4.857423600e-01, v61;
	v57 =	vadd.f32 $-4.857423600e-01, v57  }
0x54: {  	v49 =	vpop (erf);
	v60 =	vmul.f32 v60, v38;
	v56 =	vadd.f32 $-4.857423600e-01, v56;
	v15 =	vadd.f32 $-4.857423600e-01, v15  }
0x55: {  	v62 =	vmul.f32 $7.323740420e-02, v49;
	v63 =	vpop (erf);
	v58 =	vadd.f32 $-4.857423600e-01, v58;
	v54 =	vadd.f32 $-4.857423600e-01, v54  }
0x56: {  	v1 =	vadd.f32 $-4.857423600e-01, v1;
	v59 =	vmul.f32 v59, v44;
	v14 =	vmul.f32 $7.323740420e-02, v63;
	v50 =	vpop (erf)  }
0x57: {  	v53 =	vadd.f32 $-4.857423600e-01, v53;
	v16 =	vmul.f32 $7.323740420e-02, v50;
	v55 =	vmul.f32 v55, v46  }
0x58: {  	v52 =	vadd.f32 $-4.857423600e-01, v52;
	v61 =	vmul.f32 v61, v41;
	v57 =	vmul.f32 v57, v47  }
0x59: {  	v60 =	vadd.f32 $-4.857423600e-01, v60;
	v56 =	vmul.f32 v56, v43;
	v15 =	vmul.f32 v15, v48  }
0x5a: {  	v62 =	vsub.f32 $2.523185910e-01, v62;
	v58 =	vmul.f32 v58, v45;
	v54 =	vmul.f32 v54, v40  }
0x5b: {  	v1 =	vmul.f32 v1, v37;
	v59 =	vadd.f32 $9.995653620e-01, v59;
	v14 =	vsub.f32 $2.523185910e-01, v14  }
0x5c: {  	v53 =	vmul.f32 v53, v42;
	v16 =	vsub.f32 $2.523185910e-01, v16;
	v61 =	vadd.f32 $9.995653620e-01, v61  }
0x5d: {  	v52 =	vmul.f32 v52, v39;
	v56 =	vadd.f32 $9.995653620e-01, v56;
	v55 =	vadd.f32 $9.995653620e-01, v55  }
0x5e: {  	v51 =	vpop (erf);
	v60 =	vmul.f32 v60, v38;
	v58 =	vadd.f32 $9.995653620e-01, v58;
	v57 =	vadd.f32 $9.995653620e-01, v57  }
0x5f: {  	v0 =	vmul.f32 $7.323740420e-02, v51;
	v1 =	vadd.f32 $9.995653620e-01, v1;
	v15 =	vadd.f32 $9.995653620e-01, v15  }
0x60: {  	v62 =	vmul.f32 v62, v49;
	v52 =	vadd.f32 $9.995653620e-01, v52;
	v54 =	vadd.f32 $9.995653620e-01, v54  }
0x61: {  	v53 =	vadd.f32 $9.995653620e-01, v53;
	v44 =	vmul.f32 v59, v44;
	v14 =	vmul.f32 v14, v63  }
0x62: {  	v60 =	vadd.f32 $9.995653620e-01, v60;
	v0 =	vsub.f32 $2.523185910e-01, v0;
	v16 =	vmul.f32 v16, v50  }
0x63: {  	v46 =	vmul.f32 v55, v46;
	v41 =	vmul.f32 v61, v41;
	v14 =	vadd.f32 $-4.857423600e-01, v14  }
0x64: {  	v55 =	vmul.f32 v57, v47;
	v15 =	vmul.f32 v15, v48;
	v16 =	vadd.f32 $-4.857423600e-01, v16  }
0x65: {  	v62 =	vadd.f32 $-4.857423600e-01, v62;
	v1 =	vmul.f32 v1, v37;
	v14 =	vmul.f32 v14, v63  }
0x66: {  	v17 =	vadd.f32 v44, v17;
	v0 =	vmul.f32 v0, v51;
	v16 =	vmul.f32 v16, v50  }
0x67: {  	v44 =	vmul.f32 v53, v42;
	v62 =	vmul.f32 v62, v49;
	v14 =	vadd.f32 $9.995653620e-01, v14  }
0x68: {  	v47 =	vmul.f32 v60, v38;
	v0 =	vadd.f32 $-4.857423600e-01, v0;
	v16 =	vadd.f32 $9.995653620e-01, v16  }
0x69: {  	v1 =	vadd.f32 v1, v30;
	v59 =	vadd.f32 $9.995653620e-01, v62;
	v14 =	vmul.f32 v14, v63  }
0x6a: {  	v15 =	vadd.f32 v15, v19;
	v0 =	vmul.f32 v0, v51;
	v16 =	vmul.f32 v16, v50;
	v50 =	vld [tilespmem:$0x1FFF0]  }
0x6b: {  	v30 =	vld [tilespmem:s25+$0x4000];
	v33 =	vadd.f32 v44, v33;
	v19 =	vmul.f32 v59, v49;
	v14 =	vadd.f32 v14, v36  }
0x6c: {  	v61 =	vmul.f32 v54, v40;
	v32 =	vadd.f32 v47, v32;
	v0 =	vadd.f32 $9.995653620e-01, v0  }
0x6d: {  	v48 =	vmax.f32 v23, $0.0e+00;
	v19 =	vadd.f32 v19, v34;
	v14 =	vsub.f32 v14, v28;
	v28 =	vld [tilespmem:s19+$0x4200]  }
0x6e: {  	v62 =	vmul.f32 v52, v39;
	v32 =	vsub.f32 v32, v3;
	v0 =	vmul.f32 v0, v51  }
0x6f: {  	v51 =	vld [tilespmem:s19+$0x4280];
	v49 =	vmul.f32 v14, v27;
	v19 =	vsub.f32 v19, v50;
	v14 =	vadd.f32 v14, v2  }
0x70: {  	v31 =	vadd.f32 v62, v31;
	v23 =	vmul.f32 v30, v23;
	v0 =	vadd.f32 v0, v48  }
0x71: {  	v52 =	vld [tilespmem:s19+$0x4300];
	v24 =	vadd.f32 v49, v24;
	v27 =	vmul.f32 v19, v8;
	v14 =	vadd.f32 v19, v14  }
0x72: {  	v0 =	vsub.f32 v0, v23;
	v8 =	vadd.f32 v8, v25;
	v13 =	vmul.f32 v28, v13  }
0x73: {  	v23 =	vmul.f32 v32, v6;
	v19 =	vadd.f32 v27, v24;
	v24 =	vld [tilespmem:s22+$0x4000];
	v14 =	vadd.f32 v32, v14  }
0x74: {  	v12 =	vmul.f32 v51, v12;
	v6 =	vadd.f32 v6, v8;
	v13 =	vsub.f32 v33, v13  }
0x75: {  	v8 =	vmul.f32 v0, v30;
	v19 =	vadd.f32 v23, v19;
	v0 =	vadd.f32 v0, v14  }
0x76: {  	v29 =	vadd.f32 v61, v29;
	v11 =	vmul.f32 v52, v11;
	v12 =	vsub.f32 v31, v12  }
0x77: {  	v14 =	vmul.f32 v13, v28;
	v8 =	vadd.f32 v8, v19;
	v0 =	vadd.f32 v13, v0  }
0x78: {  	v11 =	vsub.f32 v29, v11;
	v6 =	vadd.f32 v30, v6;
	v19 =	vld [tilespmem:s19+$0x5080];
	v10 =	vmul.f32 v24, v10  }
0x79: {  	v23 =	vld [tilespmem:s19+$0x5000];
	v13 =	vmul.f32 v12, v51;
	v8 =	vadd.f32 v14, v8;
	v0 =	vadd.f32 v12, v0  }
0x7a: {  	v58 =	vmul.f32 v58, v45;
	v2 =	vld [tilespmem:$0x1FFB0];
	v6 =	vadd.f32 v28, v6;
	v1 =	vsub.f32 v1, v10  }
0x7b: {  	v10 =	vmul.f32 v11, v52;
	v8 =	vadd.f32 v13, v8;
	v0 =	vadd.f32 v11, v0;
	v11 =	vld [tilespmem:s19+$0x5200]  }
0x7c: {  	v57 =	vmul.f32 v56, v43;
	v22 =	vadd.f32 v58, v22;
	v14 =	vld [tilespmem:s19+$0x5100];
	v6 =	vadd.f32 v51, v6  }
0x7d: {  	v5 =	vmul.f32 v19, v5;
	v8 =	vadd.f32 v10, v8;
	v10 =	vmul.f32 v1, v24  }
0x7e: {  	v12 =	vld [tilespmem:s21+$0x4000];
	v7 =	vmul.f32 v23, v7;
	v6 =	vadd.f32 v52, v6;
	v0 =	vadd.f32 v1, v0  }
0x7f: {  	v1 =	vsub.f32 v22, v5;
	v5 =	vadd.f32 v10, v8;
	v10 =	vld [tilespmem:s19+$0x5280]  }
0x80: {  	v20 =	vadd.f32 v57, v20;
	v7 =	vsub.f32 v15, v7;
	v3 =	vmul.f32 v11, v2;
	v2 =	vld [tilespmem:$0x1FFC0]  }
0x81: {  	s24 =	sadd.s32 $0x80, s24;
	v26 =	vadd.f32 v55, v26;
	v6 =	vadd.f32 v24, v6;
	v4 =	vmul.f32 v14, v4  }
0x82: {  	s26 =	sand.u32 $0x70, s23;
	s28 =	sand.u32 $0xC00, s24;
	v16 =	vadd.f32 v16, v35;
	v22 =	vld [tilespmem:s19+$0x5300];
	v8 =	vmul.f32 v7, v23;
	v0 =	vadd.f32 v7, v0  }
0x83: {  	v7 =	vmul.f32 v12, v9;
	v9 =	vld [tilespmem:s20+$0x4000];
	v13 =	vadd.f32 v23, v6;
	s19 =	sor.u32 s26, s28;
	v4 =	vsub.f32 v26, v4  }
0x84: {  	v15 =	vmul.f32 v1, v19;
	v6 =	vld [tilespmem:s19+$0x4100];
	v5 =	vadd.f32 v8, v5;
	v0 =	vadd.f32 v1, v0  }
0x85: {  	v1 =	vsub.f32 v16, v7;
	v16 =	vsub.f32 v20, v3;
	v3 =	vmul.f32 v10, v2;
	v2 =	vld [tilespmem:$0x1FFD0]  }
0x86: {  	v53 =	vld [tilespmem:s19+$0x100];
	v7 =	vadd.f32 v19, v13;
	v13 =	vmul.f32 v4, v14;
	v5 =	vadd.f32 v15, v5  }
0x87: {  	v18 =	vadd.f32 v46, v18;
	v60 =	vld [tilespmem:s19+$0x1280];
	v0 =	vadd.f32 v4, v0  }
0x88: {  	v34 =	vld [tilespmem:s19+$0x80];
	v4 =	vadd.f32 v13, v5;
	v5 =	vadd.f32 v14, v7;
	v7 =	vmul.f32 v1, v12  }
0x89: {  	v0 =	vadd.f32 v1, v0;
	v1 =	vsub.f32 v18, v3;
	v3 =	vld [tilespmem:s19+$0x1200]  }
0x8a: {  	v21 =	vadd.f32 v41, v21;
	v7 =	vadd.f32 v7, v4;
	v4 =	vld [tilespmem:s19+$0x1100];
	v2 =	vmul.f32 v22, v2  }
0x8b: {  	v13 =	vmul.f32 v16, v11;
	v63 =	vmul.f32 v6, v53;
	v12 =	vadd.f32 v12, v5;
	v5 =	vld [tilespmem:s19+$0x1080]  }
0x8c: {  	v54 =	vand.u32 $0x7FFFFFFF, v53;
	v0 =	vadd.f32 v16, v0;
	v14 =	vsub.f32 v21, v2;
	v2 =	vld [tilespmem:$0x1FFE0]  }
0x8d: {  	v8 =	vld [tilespmem:s19+$0x4080];
	v13 =	vadd.f32 v13, v7;
	v11 =	vadd.f32 v11, v12;
	v12 =	vmul.f32 v1, v10  }
0x8e: {  	s29 =	sor.u32 s23, s24;
	v19 =	vld [tilespmem:s19+$0x1300];
	v57 =	vand.u32 $0x7FFFFFFF, v34;
	v32 =	vmax.f32 v53, $0.0e+00;
	v0 =	vadd.f32 v1, v0  }
0x8f: {  	s20 =	sor.u32 $0x1380, s29;
	v18 =	vmax.f32 v60, $0.0e+00;
	v7 =	vld [tilespmem:s19+$0x1000];
	v12 =	vadd.f32 v12, v13;
	v11 =	vadd.f32 v10, v11  }
0x90: {  	s22 =	sor.u32 $0x380, s29;
	v15 =	vld [tilespmem:s20+$0x0];
	v20 =	vmax.f32 v3, $0.0e+00;
	v26 =	vmax.f32 v4, $0.0e+00;
	v28 =	vand.u32 $0x7FFFFFFF, v4  }
0x91: {  	v10 =	vld [tilespmem:s22+$0x0];
	v23 =	vand.u32 $0x7FFFFFFF, v5;
	v28 =	vsub.f32 $0.0e+00, v28;
	v16 =	vmul.f32 v9, v2  }
0x92: {  	v13 =	vmul.f32 v14, v22;
	v0 =	vadd.f32 v14, v0;
	v14 =	vadd.f32 v22, v11  }
0x93: {  	v59 =	vsub.f32 $0.0e+00, v23;
	v11 =	vld [tilespmem:s19+$0x300];
	v22 =	vmax.f32 v5, $0.0e+00;
	v1 =	vsub.f32 v17, v16  }
0x94: {  	s30 =	sand.u32 $0xFFFFFC00, s24;
	v27 =	vand.u32 $0x7FFFFFFF, v7;
	v13 =	vadd.f32 v13, v12;
	v25 =	vadd.f32 v9, v14  }
0x95: {  	s31 =	sadd.s32 s30, s23;
	v61 =	vmovc v15;
	v12 =	vld [tilespmem:s19+$0x280];
	v15 =	vmul.f32 v1, v9;
	v62 =	vadd.f32 v1, v0;
	v1 =	vmul.f32 v8, v34  }
0x96: {  	s21 =	sor.u32 $0x1180, s31;
	v14 =	vand.u32 $0x7FFFFFFF, v3;
	v31 =	vand.u32 $0x7FFFFFFF, v10;
	v2 =	vmovc v19;
	v19 =	vmax.f32 v7, $0.0e+00;
	v0 =	vld [tilespmem:s19+$0x0]  }
0x97: {  	v14 =	vsub.f32 $0.0e+00, v14;
	v21 =	vmax.f32 v2, $0.0e+00;
	v9 =	vld [tilespmem:s21+$0x0];
	[tilespmem:$0x1FFF0] =	vst v1;
	v1 =	vand.u32 $0x7FFFFFFF, v61  }
0x98: {  	v16 =	vand.u32 $0x7FFFFFFF, v2;
	v30 =	vand.u32 $0x7FFFFFFF, v11;
	v1 =	vsub.f32 $0.0e+00, v1  }
0x99: {  	v16 =	vsub.f32 $0.0e+00, v16;
	v24 =	vadd.f32 v15, v13;
	v13 =	vld [tilespmem:s19+$0x200];
	v15 =	vand.u32 $0x7FFFFFFF, v60  }
0x9a: {  	v14 =	vmul.f32 $1.442695020e+00, v14;
	v15 =	vsub.f32 $0.0e+00, v15;
	v1 =	vmul.f32 $1.442695020e+00, v1  }
0x9b: {  	v29 =	vand.u32 $0x7FFFFFFF, v12;
	v16 =	vmul.f32 $1.442695020e+00, v16;
	v56 =	vand.u32 $0x7FFFFFFF, v0  }
0x9c: {  	s25 =	sor.u32 $0x180, s31;
	v58 =	vand.u32 $0x7FFFFFFF, v9;
	v15 =	vmul.f32 $1.442695020e+00, v15;
	(erf) = vpow2.f32 v1  }
0x9d: {  	v23 =	vld [tilespmem:s25+$0x0];
	v1 =	vsub.f32 $0.0e+00, v27;
	v27 =	vmul.f32 $1.442695020e+00, v28;
	(erf) = vpow2.f32 v16  }
0x9e: {  	v55 =	vand.u32 $0x7FFFFFFF, v13;
	v28 =	vmul.f32 $1.442695020e+00, v59;
	(erf) = vpow2.f32 v15  }
0x9f: {  	v16 =	vsub.f32 $0.0e+00, v31;
	v15 =	vsub.f32 $0.0e+00, v30;
	(erf) = vpow2.f32 v14  }
0xa0: {  	v1 =	vmul.f32 $1.442695020e+00, v1;
	v14 =	vsub.f32 $0.0e+00, v29;
	(erf) = vpow2.f32 v27  }
0xa1: {  	v16 =	vmul.f32 $1.442695020e+00, v16;
	v27 =	vsub.f32 $0.0e+00, v55;
	(erf) = vpow2.f32 v28  }
0xa2: {  	v15 =	vmul.f32 $1.442695020e+00, v15;
	v28 =	vand.u32 $0x7FFFFFFF, v23;
	(erf) = vpow2.f32 v1  }
0xa3: {  	v14 =	vmul.f32 $1.442695020e+00, v14;
	v1 =	vsub.f32 $0.0e+00, v54;
	(erf) = vpow2.f32 v16  }
0xa4: {  	v29 =	vmul.f32 $1.442695020e+00, v27;
	v16 =	vsub.f32 $0.0e+00, v57;
	(erf) = vpow2.f32 v15  }
0xa5: {  	v27 =	vld [tilespmem:s19+$0x4000];
	v15 =	vsub.f32 $0.0e+00, v56;
	v1 =	vmul.f32 $1.442695020e+00, v1;
	(erf) = vpow2.f32 v14;
	v44 =	vpop (erf)  }
0xa6: {  	v14 =	vmul.f32 $1.442695020e+00, v16;
	v16 =	vsub.f32 $0.0e+00, v58;
	(erf) = vpow2.f32 v29;
	v41 =	vpop (erf)  }
0xa7: {  	v28 =	vsub.f32 $0.0e+00, v28;
	v15 =	vmul.f32 $1.442695020e+00, v15;
	(erf) = vpow2.f32 v1;
	v46 =	vpop (erf)  }
0xa8: {  	v17 =	vmax.f32 v61, $0.0e+00;
	v1 =	vmul.f32 $1.442695020e+00, v16;
	v49 =	vmul.f32 $7.323740420e-02, v41;
	v43 =	vpop (erf)  }
0xa9: {  	v34 =	vmax.f32 v34, $0.0e+00;
	(erf) = vpow2.f32 v14;
	v14 =	vmul.f32 $1.442695020e+00, v28;
	v47 =	vpop (erf)  }
0xaa: {  	v36 =	vmax.f32 v0, $0.0e+00;
	v28 =	vmul.f32 v27, v0;
	v55 =	vmul.f32 $7.323740420e-02, v46;
	v45 =	vpop (erf)  }
0xab: {  	p0 =	sne.s32 s23, $0x1F0;
	v35 =	vmax.f32 v9, $0.0e+00;
	(erf) = vpow2.f32 v15;
	v56 =	vmul.f32 $7.323740420e-02, v43;
	v48 =	vpop (erf)  }
.Ltmp0:
0xac: {  	v33 =	vmax.f32 v13, $0.0e+00;
	(erf) = vpow2.f32 v1;
	v1 =	vmul.f32 $7.323740420e-02, v44;
	v37 =	vpop (erf);
	(pc) =	sbr.rel @p0 .LBB2_2-.Ltmp0, $4  }
0xad: {  	v31 =	vmax.f32 v12, $0.0e+00;
	v57 =	vmul.f32 $7.323740420e-02, v47;
	(erf) = vpow2.f32 v14;
	v40 =	vpop (erf)  }
0xae: {  	v30 =	vmax.f32 v10, $0.0e+00;
	v58 =	vmul.f32 $7.323740420e-02, v45;
	v50 =	vmul.f32 $7.323740420e-02, v48;
	v39 =	vpop (erf)  }
0xaf: {  	v29 =	vmax.f32 v11, $0.0e+00;
	v51 =	vmul.f32 $7.323740420e-02, v37;
	v54 =	vmul.f32 $7.323740420e-02, v40;
	v42 =	vpop (erf)  }
0xb0: {  	s23 =	sadd.s32 $0x10, s23;
	v59 =	vsub.f32 $2.523185910e-01, v1;
	v52 =	vmul.f32 $7.323740420e-02, v39;
	v53 =	vmul.f32 $7.323740420e-02, v42;
	v38 =	vpop (erf)  }
0xb1: {  	v0 =	vsub.f32 $2.523185910e-01, v55;
	v14 =	vsub.f32 $2.523185910e-01, v49  }
0xb2: {  	v15 =	vsub.f32 $2.523185910e-01, v57;
	v57 =	vsub.f32 $2.523185910e-01, v58  }
0xb3: {  	v16 =	vmul.f32 $7.323740420e-02, v38;
	v50 =	vsub.f32 $2.523185910e-01, v50;
	v54 =	vsub.f32 $2.523185910e-01, v54  }
0xb4: {  	v51 =	vsub.f32 $2.523185910e-01, v51;
	v25 =	vadd.f32 v27, v25;
	v1 =	vmul.f32 v59, v44  }
0xb5: {  	v59 =	vsub.f32 $2.523185910e-01, v56;
	v53 =	vsub.f32 $2.523185910e-01, v53;
	v14 =	vmul.f32 v14, v41  }
0xb6: {  	v52 =	vsub.f32 $2.523185910e-01, v52;
	v0 =	vmul.f32 v0, v46;
	v55 =	vmul.f32 v57, v45  }
0xb7: {  	v15 =	vmul.f32 v15, v47;
	v50 =	vmul.f32 v50, v48;
	v16 =	vsub.f32 $2.523185910e-01, v16  }
0xb8: {  	v51 =	vmul.f32 v51, v37;
	v54 =	vmul.f32 v54, v40;
	v1 =	vadd.f32 $-4.857423600e-01, v1  }
0xb9: {  	v49 =	vmul.f32 v59, v43;
	v52 =	vmul.f32 v52, v39;
	v0 =	vadd.f32 $-4.857423600e-01, v0  }
0xba: {  	v53 =	vmul.f32 v53, v42;
	v14 =	vadd.f32 $-4.857423600e-01, v14;
	v15 =	vadd.f32 $-4.857423600e-01, v15  }
0xbb: {  	v50 =	vadd.f32 $-4.857423600e-01, v50;
	v55 =	vadd.f32 $-4.857423600e-01, v55;
	v16 =	vmul.f32 v16, v38  }
0xbc: {  	v54 =	vadd.f32 $-4.857423600e-01, v54;
	v51 =	vadd.f32 $-4.857423600e-01, v51;
	v1 =	vmul.f32 v1, v44  }
0xbd: {  	v49 =	vadd.f32 $-4.857423600e-01, v49;
	v53 =	vadd.f32 $-4.857423600e-01, v53;
	v0 =	vmul.f32 v0, v46  }
0xbe: {  	v52 =	vadd.f32 $-4.857423600e-01, v52;
	v14 =	vmul.f32 v14, v41;
	v15 =	vmul.f32 v15, v47  }
0xbf: {  	v50 =	vmul.f32 v50, v48;
	v55 =	vmul.f32 v55, v45;
	v16 =	vadd.f32 $-4.857423600e-01, v16  }
0xc0: {  	v54 =	vmul.f32 v54, v40;
	v51 =	vmul.f32 v51, v37;
	v1 =	vadd.f32 $9.995653620e-01, v1  }
0xc1: {  	v49 =	vmul.f32 v49, v43;
	v53 =	vmul.f32 v53, v42;
	v0 =	vadd.f32 $9.995653620e-01, v0  }
0xc2: {  	v52 =	vmul.f32 v52, v39;
	v14 =	vadd.f32 $9.995653620e-01, v14;
	v15 =	vadd.f32 $9.995653620e-01, v15  }
0xc3: {  	v55 =	vadd.f32 $9.995653620e-01, v55;
	v50 =	vadd.f32 $9.995653620e-01, v50;
	v16 =	vmul.f32 v16, v38  }
0xc4: {  	v56 =	vpop (erf);
	v51 =	vadd.f32 $9.995653620e-01, v51;
	v54 =	vadd.f32 $9.995653620e-01, v54;
	v1 =	vmul.f32 v1, v44  }
0xc5: {  	v44 =	vmul.f32 $7.323740420e-02, v56;
	v49 =	vadd.f32 $9.995653620e-01, v49;
	v0 =	vmul.f32 v0, v46;
	v46 =	vpop (erf)  }
0xc6: {  	v52 =	vadd.f32 $9.995653620e-01, v52;
	v14 =	vmul.f32 v14, v41;
	v58 =	vmul.f32 $7.323740420e-02, v46  }
0xc7: {  	v53 =	vadd.f32 $9.995653620e-01, v53;
	v15 =	vmul.f32 v15, v47;
	v48 =	vmul.f32 v50, v48  }
0xc8: {  	v45 =	vmul.f32 v55, v45;
	v16 =	vadd.f32 $9.995653620e-01, v16;
	v41 =	vsub.f32 $2.523185910e-01, v58  }
0xc9: {  	v43 =	vmul.f32 v49, v43;
	v44 =	vsub.f32 $2.523185910e-01, v44;
	v17 =	vadd.f32 v1, v17  }
0xca: {  	v47 =	vpop (erf);
	v1 =	vmul.f32 v53, v42;
	v21 =	vadd.f32 v14, v21;
	v41 =	vmul.f32 v41, v46  }
0xcb: {  	v59 =	vmul.f32 $7.323740420e-02, v47;
	v18 =	vadd.f32 v0, v18;
	v15 =	vadd.f32 v15, v26  }
0xcc: {  	v50 =	vpop (erf);
	v16 =	vmul.f32 v16, v38;
	v44 =	vmul.f32 v44, v56;
	v41 =	vadd.f32 $-4.857423600e-01, v41  }
0xcd: {  	v19 =	vadd.f32 v48, v19;
	v57 =	vmul.f32 $7.323740420e-02, v50;
	v14 =	vadd.f32 v43, v20  }
0xce: {  	v20 =	vadd.f32 v45, v22;
	v44 =	vadd.f32 $-4.857423600e-01, v44;
	v41 =	vmul.f32 v41, v46  }
0xcf: {  	v58 =	vmul.f32 v54, v40;
	v1 =	vadd.f32 v1, v33;
	v55 =	vsub.f32 $2.523185910e-01, v57  }
0xd0: {  	v42 =	vld [tilespmem:$0x1FFF0];
	v49 =	vsub.f32 $2.523185910e-01, v59;
	v44 =	vmul.f32 v44, v56;
	v41 =	vadd.f32 $9.995653620e-01, v41  }
0xd1: {  	v43 =	vld [tilespmem:s22+$0x4000];
	v59 =	vmul.f32 v51, v37;
	v16 =	vadd.f32 v16, v32;
	v55 =	vmul.f32 v55, v50  }
0xd2: {  	v45 =	vld [tilespmem:s19+$0x5080];
	v29 =	vadd.f32 v58, v29;
	v44 =	vadd.f32 $9.995653620e-01, v44;
	v0 =	vmul.f32 v41, v46  }
0xd3: {  	v57 =	vld [tilespmem:s19+$0x4200];
	v49 =	vmul.f32 v49, v47;
	v22 =	vadd.f32 v59, v30;
	v55 =	vadd.f32 $-4.857423600e-01, v55  }
0xd4: {  	v59 =	vmax.f32 v23, $0.0e+00;
	v26 =	vmul.f32 v44, v56;
	v0 =	vadd.f32 v0, v36  }
0xd5: {  	v16 =	vsub.f32 v16, v63;
	v49 =	vadd.f32 $-4.857423600e-01, v49;
	v55 =	vmul.f32 v55, v50  }
0xd6: {  	v30 =	vld [tilespmem:s25+$0x4000];
	v10 =	vmul.f32 v43, v10;
	v26 =	vadd.f32 v26, v34;
	v0 =	vsub.f32 v0, v28  }
0xd7: {  	v5 =	vmul.f32 v45, v5;
	v49 =	vmul.f32 v49, v47;
	v54 =	vadd.f32 $9.995653620e-01, v55  }
0xd8: {  	v40 =	vld [tilespmem:s19+$0x4300];
	v13 =	vmul.f32 v57, v13;
	v26 =	vsub.f32 v26, v42;
	v41 =	vmul.f32 v0, v27  }
0xd9: {  	v58 =	vld [tilespmem:s19+$0x4280];
	v10 =	vsub.f32 v22, v10;
	v28 =	vmul.f32 v54, v50;
	v0 =	vadd.f32 v0, v62  }
0xda: {  	v44 =	vld [tilespmem:s19+$0x5000];
	v1 =	vsub.f32 v1, v13;
	v27 =	vmul.f32 v26, v8;
	v24 =	vadd.f32 v41, v24  }
0xdb: {  	v23 =	vmul.f32 v30, v23;
	v13 =	vld [tilespmem:s19+$0x5200];
	v28 =	vadd.f32 v28, v59;
	v0 =	vadd.f32 v26, v0  }
0xdc: {  	v8 =	vadd.f32 v8, v25;
	v25 =	vmul.f32 v16, v6;
	v26 =	vld [tilespmem:s19+$0x5100];
	v24 =	vadd.f32 v27, v24  }
0xdd: {  	v55 =	vmul.f32 v52, v39;
	v23 =	vsub.f32 v28, v23;
	v27 =	vld [tilespmem:s21+$0x4000];
	v0 =	vadd.f32 v16, v0  }
0xde: {  	v12 =	vmul.f32 v58, v12;
	v6 =	vadd.f32 v6, v8;
	v16 =	vadd.f32 v25, v24;
	v24 =	vld [tilespmem:s19+$0x5280]  }
0xdf: {  	v31 =	vadd.f32 v55, v31;
	v8 =	vmul.f32 v23, v30;
	v0 =	vadd.f32 v23, v0;
	v23 =	vld [tilespmem:s20+$0x4000]  }
0xe0: {  	v5 =	vsub.f32 v20, v5;
	v6 =	vadd.f32 v30, v6;
	v25 =	vld [tilespmem:s19+$0x5300];
	_ =	swait.ge [sflag:s15], $0x2000  }
0xe1: {  	v11 =	vmul.f32 v40, v11;
	v49 =	vadd.f32 $9.995653620e-01, v49;
	v12 =	vsub.f32 v31, v12;
	[sflag:s15] =	ssyncset.done $0x0  }
0xe2: {  	v6 =	vadd.f32 v57, v6;
	v8 =	vadd.f32 v8, v16;
	v16 =	vmul.f32 v1, v57;
	[sflag:s15] =	ssyncadd.s32 $0xFFFFE000  }
0xe3: {  	v0 =	vadd.f32 v1, v0;
	v1 =	vsub.f32 v29, v11;
	_ =	swait.ge [sflag:s15], $0x2000  }
0xe4: {  	s21 =	simm.s32 $0x0;
	v11 =	vmul.f32 v12, v58;
	v6 =	vadd.f32 v58, v6;
	v8 =	vadd.f32 v16, v8;
	[sflag:s15] =	ssyncset.done $0x0  }
0xe5: {  	v56 =	vmul.f32 v49, v47;
	v7 =	vmul.f32 v44, v7;
	s30 =	sor.u32 s21, s21;
	v0 =	vadd.f32 v12, v0;
	[sflag:s15] =	ssyncadd.s32 $0xFFFFE000  }
0xe6: {  	v6 =	vadd.f32 v40, v6;
	v8 =	vadd.f32 v11, v8;
	v11 =	vmul.f32 v1, v40;
	[tilespmem:s21], [sflag:$0x1] =	stream.linear.gather [hbm4b:s7+s21], $0x2000, $0x38;
	[tilespmem:$0x8200] =	vst v63  }
0xe7: {  	v3 =	vmul.f32 v13, v3;
	s28 =	sand.u32 $0x70, s21;
	s29 =	sand.u32 $0xC00, s21;
	s20 =	sor.u32 $0x1380, s30;
	v0 =	vadd.f32 v1, v0;
	v1 =	vsub.f32 v19, v7  }
0xe8: {  	v6 =	vadd.f32 v43, v6;
	v7 =	vadd.f32 v11, v8;
	v8 =	vmul.f32 v10, v43;
	[tilespmem:s11], [sflag:$0x1] =	stream.linear.gather [hbm4b:s8+s21], $0x2000, $0x38;
	[tilespmem:$0x8200] =	vst v63  }
0xe9: {  	s19 =	sor.u32 s28, s29;
	v0 =	vadd.f32 v10, v0;
	v10 =	vsub.f32 v14, v3;
	v3 =	vmul.f32 v24, v60;
	v60 =	vld [tilespmem:s20+$0x2000]  }
0xea: {  	v33 =	vadd.f32 v56, v35;
	v4 =	vmul.f32 v26, v4;
	v6 =	vadd.f32 v44, v6;
	v32 =	vld [tilespmem:s19+$0x2100]  }
0xeb: {  	v34 =	vld [tilespmem:s19+$0x2080];
	v7 =	vadd.f32 v8, v7;
	v8 =	vmul.f32 v1, v44;
	v0 =	vadd.f32 v1, v0  }
0xec: {  	v35 =	vld [tilespmem:s19+$0x2000];
	v1 =	vsub.f32 v15, v4;
	v4 =	vmul.f32 v27, v9;
	v6 =	vadd.f32 v45, v6  }
0xed: {  	v11 =	vsub.f32 v18, v3;
	v3 =	vld [tilespmem:s19+$0x3300];
	v7 =	vadd.f32 v8, v7;
	v8 =	vmul.f32 v5, v45  }
0xee: {  	v15 =	vld [tilespmem:s19+$0x2200];
	v0 =	vadd.f32 v5, v0;
	v6 =	vadd.f32 v26, v6  }
0xef: {  	v14 =	vmul.f32 v23, v61;
	v4 =	vsub.f32 v33, v4;
	v8 =	vadd.f32 v8, v7  }
0xf0: {  	v9 =	vmul.f32 v1, v26;
	v5 =	vld [tilespmem:s19+$0x6100];
	v1 =	vadd.f32 v1, v0;
	v6 =	vadd.f32 v27, v6  }
0xf1: {  	v19 =	vmax.f32 v60, $0.0e+00;
	v26 =	vand.u32 $0x7FFFFFFF, v60;
	v50 =	vand.u32 $0x7FFFFFFF, v32  }
0xf2: {  	v52 =	vand.u32 $0x7FFFFFFF, v35;
	v53 =	vand.u32 $0x7FFFFFFF, v34;
	v29 =	vand.u32 $0x7FFFFFFF, v3  }
0xf3: {  	v7 =	vld [tilespmem:s19+$0x6080];
	v51 =	vand.u32 $0x7FFFFFFF, v15;
	v26 =	vsub.f32 $0.0e+00, v26;
	v8 =	vadd.f32 v9, v8  }
0xf4: {  	v9 =	vmul.f32 v4, v27;
	v1 =	vadd.f32 v4, v1;
	v4 =	vmul.f32 v25, v2  }
0xf5: {  	v29 =	vsub.f32 $0.0e+00, v29;
	v55 =	vsub.f32 $0.0e+00, v51;
	v0 =	vmul.f32 v5, v32  }
0xf6: {  	v2 =	vld [tilespmem:s19+$0x3280];
	v26 =	vmul.f32 $1.442695020e+00, v26;
	v32 =	vmax.f32 v32, $0.0e+00;
	v8 =	vadd.f32 v9, v8  }
0xf7: {  	v9 =	vmul.f32 v10, v13;
	v10 =	vadd.f32 v10, v1;
	v29 =	vmul.f32 $1.442695020e+00, v29  }
0xf8: {  	v12 =	vsub.f32 v21, v4;
	v1 =	vld [tilespmem:s19+$0x3200];
	v18 =	vmul.f32 v7, v34;
	(erf) = vpow2.f32 v26  }
0xf9: {  	v4 =	vld [tilespmem:s19+$0x3100];
	v34 =	vmax.f32 v34, $0.0e+00;
	v8 =	vadd.f32 v9, v8;
	v9 =	vadd.f32 v13, v6  }
0xfa: {  	v13 =	vmul.f32 v11, v24;
	v10 =	vadd.f32 v11, v10;
	v11 =	vsub.f32 v17, v14  }
0xfb: {  	v14 =	vmul.f32 v12, v25;
	(erf) = vpow2.f32 v29;
	v20 =	vmax.f32 v2, $0.0e+00  }
0xfc: {  	v6 =	vld [tilespmem:s19+$0x3080];
	v28 =	vand.u32 $0x7FFFFFFF, v2;
	v13 =	vadd.f32 v13, v8;
	v9 =	vadd.f32 v24, v9  }
0xfd: {  	v10 =	vadd.f32 v12, v10;
	v28 =	vsub.f32 $0.0e+00, v28;
	v22 =	vmax.f32 v1, $0.0e+00  }
0xfe: {  	s23 =	sor.u32 $0x380, s30;
	v8 =	vld [tilespmem:s19+$0x3000];
	v27 =	vand.u32 $0x7FFFFFFF, v1;
	v46 =	vand.u32 $0x7FFFFFFF, v4;
	v12 =	vadd.f32 v14, v13  }
0xff: {  	v9 =	vadd.f32 v25, v9;
	v13 =	vmul.f32 v11, v23;
	v63 =	vadd.f32 v11, v10;
	v10 =	vld [tilespmem:s23+$0x2000]  }
0x100: {  	v11 =	vld [tilespmem:s19+$0x2300];
	v25 =	vmax.f32 v4, $0.0e+00;
	v27 =	vsub.f32 $0.0e+00, v27;
	v33 =	vsub.f32 $0.0e+00, v46  }
0x101: {  	v28 =	vmul.f32 $1.442695020e+00, v28;
	v31 =	vand.u32 $0x7FFFFFFF, v6;
	v61 =	vadd.f32 v13, v12  }
0x102: {  	v24 =	vmax.f32 v6, $0.0e+00;
	v62 =	vadd.f32 v23, v9;
	v12 =	vld [tilespmem:s19+$0x2280];
	v31 =	vsub.f32 $0.0e+00, v31  }
0x103: {  	s31 =	sand.u32 $0xFFFFFC00, s21;
	v27 =	vmul.f32 $1.442695020e+00, v27;
	v33 =	vmul.f32 $1.442695020e+00, v33;
	v30 =	vand.u32 $0x7FFFFFFF, v8  }
0x104: {  	s24 =	sadd.s32 $0x0, s31;
	(erf) = vpow2.f32 v28;
	v30 =	vsub.f32 $0.0e+00, v30;
	v31 =	vmul.f32 $1.442695020e+00, v31  }
0x105: {  	s25 =	sor.u32 $0x180, s24;
	(erf) = vpow2.f32 v27;
	v48 =	vand.u32 $0x7FFFFFFF, v11;
	v49 =	vand.u32 $0x7FFFFFFF, v10  }
0x106: {  	s22 =	sor.u32 $0x1180, s24;
	v26 =	vld [tilespmem:s25+$0x2000];
	(erf) = vpow2.f32 v33;
	v33 =	vmul.f32 $1.442695020e+00, v55;
	v29 =	vsub.f32 $0.0e+00, v49  }
0x107: {  	v9 =	vld [tilespmem:s22+$0x2000];
	v28 =	vsub.f32 $0.0e+00, v48;
	v30 =	vmul.f32 $1.442695020e+00, v30;
	v47 =	vand.u32 $0x7FFFFFFF, v12  }
0x108: {  	(erf) = vpow2.f32 v31;
	v27 =	vsub.f32 $0.0e+00, v47;
	v29 =	vmul.f32 $1.442695020e+00, v29  }
0x109: {  	v23 =	vmax.f32 v3, $0.0e+00;
	v28 =	vmul.f32 $1.442695020e+00, v28;
	(erf) = vpow2.f32 v30  }
0x10a: {  	v44 =	vpop (erf);
	v30 =	vsub.f32 $0.0e+00, v50;
	v36 =	vmul.f32 $1.442695020e+00, v27;
	(erf) = vpow2.f32 v29  }
0x10b: {  	v38 =	vmul.f32 $7.323740420e-02, v44;
	v31 =	vand.u32 $0x7FFFFFFF, v26;
	(erf) = vpow2.f32 v28  }
0x10c: {  	v54 =	vand.u32 $0x7FFFFFFF, v9;
	v30 =	vmul.f32 $1.442695020e+00, v30;
	(erf) = vpow2.f32 v36  }
0x10d: {  	v41 =	vpop (erf);
	v31 =	vsub.f32 $0.0e+00, v31;
	v29 =	vsub.f32 $0.0e+00, v53;
	(erf) = vpow2.f32 v33  }
0x10e: {  	v49 =	vmul.f32 $7.323740420e-02, v41;
	v57 =	vsub.f32 $0.0e+00, v54;
	v27 =	vld [tilespmem:s19+$0x6000];
	v46 =	vpop (erf);
	(erf) = vpow2.f32 v30  }
0x10f: {  	v59 =	vmul.f32 $1.442695020e+00, v31;
	v28 =	vsub.f32 $0.0e+00, v52;
	v56 =	vmul.f32 $1.442695020e+00, v29;
	v43 =	vpop (erf)  }
0x110: {  	v21 =	vmax.f32 v8, $0.0e+00;
	v58 =	vmul.f32 $1.442695020e+00, v57;
	v55 =	vmul.f32 $7.323740420e-02, v46;
	v47 =	vpop (erf)  }
0x111: {  	v31 =	vmax.f32 v12, $0.0e+00;
	v28 =	vmul.f32 $1.442695020e+00, v28;
	(erf) = vpow2.f32 v56;
	v45 =	vpop (erf)  }
0x112: {  	v29 =	vmax.f32 v10, $0.0e+00;
	v57 =	vmul.f32 $7.323740420e-02, v47;
	v56 =	vmul.f32 $7.323740420e-02, v43;
	v48 =	vpop (erf)  }
0x113: {  	v36 =	vmax.f32 v35, $0.0e+00;
	(erf) = vpow2.f32 v28;
	v28 =	vmul.f32 v27, v35;
	v37 =	vpop (erf)  }
0x114: {  	v33 =	vmax.f32 v15, $0.0e+00;
	(erf) = vpow2.f32 v58;
	v58 =	vmul.f32 $7.323740420e-02, v45;
	v40 =	vpop (erf)  }
0x115: {  	v30 =	vmax.f32 v11, $0.0e+00;
	(erf) = vpow2.f32 v59;
	v50 =	vmul.f32 $7.323740420e-02, v48;
	v39 =	vpop (erf)  }
0x116: {  	v35 =	vmax.f32 v9, $0.0e+00;
	v51 =	vmul.f32 $7.323740420e-02, v37;
	v54 =	vmul.f32 $7.323740420e-02, v40;
	v42 =	vpop (erf)  }
0x117: {  	s24 =	simm.s32 $0x10;
	[tilespmem:$0x1FFA0] =	vst v0;
	v59 =	vsub.f32 $2.523185910e-01, v38;
	v52 =	vmul.f32 $7.323740420e-02, v39;
	v53 =	vmul.f32 $7.323740420e-02, v42;
	v38 =	vpop (erf)  }
.LBB2_4:
0x118: {  	v55 =	vsub.f32 $2.523185910e-01, v55  }
0x119: {  	[tilespmem:$0x1FF70] =	vst v2;
	v2 =	vmov v61;
	v61 =	vsub.f32 $2.523185910e-01, v49;
	v57 =	vsub.f32 $2.523185910e-01, v57  }
0x11a: {  	[tilespmem:$0x1FF90] =	vst v60;
	v60 =	vmul.f32 $7.323740420e-02, v38;
	v56 =	vsub.f32 $2.523185910e-01, v56;
	v14 =	vsub.f32 $2.523185910e-01, v50  }
0x11b: {  	v58 =	vsub.f32 $2.523185910e-01, v58;
	v54 =	vsub.f32 $2.523185910e-01, v54;
	v59 =	vmul.f32 v59, v44  }
0x11c: {  	v16 =	vsub.f32 $2.523185910e-01, v51;
	v61 =	vmul.f32 v61, v41;
	v56 =	vmul.f32 v56, v43  }
0x11d: {  	v52 =	vsub.f32 $2.523185910e-01, v52;
	v55 =	vmul.f32 v55, v46;
	v58 =	vmul.f32 v58, v45  }
0x11e: {  	v53 =	vsub.f32 $2.523185910e-01, v53;
	v57 =	vmul.f32 v57, v47;
	v16 =	vmul.f32 v16, v37  }
0x11f: {  	v60 =	vsub.f32 $2.523185910e-01, v60;
	v14 =	vmul.f32 v14, v48;
	v52 =	vmul.f32 v52, v39  }
0x120: {  	[tilespmem:$0x1FF60] =	vst v1;
	v54 =	vmul.f32 v54, v40;
	v59 =	vadd.f32 $-4.857423600e-01, v59;
	v55 =	vadd.f32 $-4.857423600e-01, v55  }
0x121: {  	[tilespmem:$0x1FF80] =	vst v3;
	v3 =	vmovc v62;
	v1 =	vmovc v63;
	v53 =	vmul.f32 v53, v42;
	v61 =	vadd.f32 $-4.857423600e-01, v61;
	v57 =	vadd.f32 $-4.857423600e-01, v57  }
0x122: {  	v49 =	vpop (erf);
	v60 =	vmul.f32 v60, v38;
	v56 =	vadd.f32 $-4.857423600e-01, v56;
	v14 =	vadd.f32 $-4.857423600e-01, v14  }
0x123: {  	v62 =	vmul.f32 $7.323740420e-02, v49;
	v63 =	vpop (erf);
	v58 =	vadd.f32 $-4.857423600e-01, v58;
	v54 =	vadd.f32 $-4.857423600e-01, v54  }
0x124: {  	v16 =	vadd.f32 $-4.857423600e-01, v16;
	v59 =	vmul.f32 v59, v44;
	v13 =	vmul.f32 $7.323740420e-02, v63;
	v50 =	vpop (erf)  }
0x125: {  	v53 =	vadd.f32 $-4.857423600e-01, v53;
	v0 =	vmul.f32 $7.323740420e-02, v50;
	v55 =	vmul.f32 v55, v46  }
0x126: {  	v52 =	vadd.f32 $-4.857423600e-01, v52;
	v61 =	vmul.f32 v61, v41;
	v57 =	vmul.f32 v57, v47  }
0x127: {  	v60 =	vadd.f32 $-4.857423600e-01, v60;
	v56 =	vmul.f32 v56, v43;
	v14 =	vmul.f32 v14, v48  }
0x128: {  	v62 =	vsub.f32 $2.523185910e-01, v62;
	v58 =	vmul.f32 v58, v45;
	v54 =	vmul.f32 v54, v40  }
0x129: {  	v16 =	vmul.f32 v16, v37;
	v53 =	vmul.f32 v53, v42;
	v59 =	vadd.f32 $9.995653620e-01, v59  }
0x12a: {  	v52 =	vmul.f32 v52, v39;
	v13 =	vsub.f32 $2.523185910e-01, v13;
	v0 =	vsub.f32 $2.523185910e-01, v0  }
0x12b: {  	v51 =	vpop (erf);
	v60 =	vmul.f32 v60, v38;
	v61 =	vadd.f32 $9.995653620e-01, v61;
	v56 =	vadd.f32 $9.995653620e-01, v56  }
0x12c: {  	v17 =	vmul.f32 $7.323740420e-02, v51;
	v55 =	vadd.f32 $9.995653620e-01, v55;
	v58 =	vadd.f32 $9.995653620e-01, v58  }
0x12d: {  	v57 =	vadd.f32 $9.995653620e-01, v57;
	v16 =	vadd.f32 $9.995653620e-01, v16;
	v13 =	vmul.f32 v13, v63  }
0x12e: {  	v62 =	vmul.f32 v62, v49;
	v14 =	vadd.f32 $9.995653620e-01, v14;
	v52 =	vadd.f32 $9.995653620e-01, v52  }
0x12f: {  	v54 =	vadd.f32 $9.995653620e-01, v54;
	v44 =	vmul.f32 v59, v44;
	v13 =	vadd.f32 $-4.857423600e-01, v13  }
0x130: {  	v53 =	vadd.f32 $9.995653620e-01, v53;
	v0 =	vmul.f32 v0, v50;
	v46 =	vmul.f32 v55, v46  }
0x131: {  	v60 =	vadd.f32 $9.995653620e-01, v60;
	v41 =	vmul.f32 v61, v41;
	v13 =	vmul.f32 v13, v63  }
0x132: {  	v17 =	vsub.f32 $2.523185910e-01, v17;
	v55 =	vmul.f32 v57, v47;
	v57 =	vmul.f32 v56, v43  }
0x133: {  	v14 =	vmul.f32 v14, v48;
	v58 =	vmul.f32 v58, v45;
	v13 =	vadd.f32 $9.995653620e-01, v13  }
0x134: {  	v62 =	vadd.f32 $-4.857423600e-01, v62;
	v61 =	vmul.f32 v54, v40;
	v16 =	vmul.f32 v16, v37  }
0x135: {  	v19 =	vadd.f32 v44, v19;
	v17 =	vmul.f32 v17, v51;
	v13 =	vmul.f32 v13, v63  }
0x136: {  	v44 =	vmul.f32 v53, v42;
	v0 =	vadd.f32 $-4.857423600e-01, v0;
	v62 =	vmul.f32 v62, v49  }
0x137: {  	v48 =	vmax.f32 v26, $0.0e+00;
	v17 =	vadd.f32 $-4.857423600e-01, v17;
	v13 =	vadd.f32 v13, v36  }
0x138: {  	v47 =	vmul.f32 v60, v38;
	v22 =	vadd.f32 v57, v22;
	v59 =	vadd.f32 $9.995653620e-01, v62  }
0x139: {  	v16 =	vadd.f32 v16, v29;
	v29 =	vld [tilespmem:s25+$0x6000];
	v17 =	vmul.f32 v17, v51;
	v13 =	vsub.f32 v13, v28  }
0x13a: {  	v14 =	vadd.f32 v14, v21;
	v0 =	vmul.f32 v0, v50;
	v21 =	vmul.f32 v59, v49  }
0x13b: {  	v17 =	vadd.f32 $9.995653620e-01, v17;
	v49 =	vmul.f32 v13, v27;
	v13 =	vadd.f32 v13, v1;
	v1 =	vld [tilespmem:$0x1FFA0]  }
0x13c: {  	v33 =	vadd.f32 v44, v33;
	v62 =	vmul.f32 v52, v39;
	v21 =	vadd.f32 v21, v34;
	v28 =	vld [tilespmem:s19+$0x6200]  }
0x13d: {  	v32 =	vadd.f32 v47, v32;
	v0 =	vadd.f32 $9.995653620e-01, v0;
	v17 =	vmul.f32 v17, v51  }
0x13e: {  	v31 =	vadd.f32 v62, v31;
	v26 =	vmul.f32 v29, v26;
	v18 =	vsub.f32 v21, v18;
	v21 =	vld [tilespmem:s19+$0x6280]  }
0x13f: {  	v0 =	vmul.f32 v0, v50;
	v17 =	vadd.f32 v17, v48;
	v27 =	vadd.f32 v27, v3  }
0x140: {  	v52 =	vld [tilespmem:s19+$0x6300];
	v51 =	vmul.f32 v18, v7;
	v50 =	vadd.f32 v49, v2;
	v32 =	vsub.f32 v32, v1  }
0x141: {  	v17 =	vsub.f32 v17, v26;
	v13 =	vadd.f32 v18, v13;
	v15 =	vmul.f32 v28, v15  }
0x142: {  	v7 =	vadd.f32 v7, v27;
	v27 =	vld [tilespmem:s23+$0x6000];
	v18 =	vadd.f32 v51, v50;
	v26 =	vmul.f32 v32, v5  }
0x143: {  	v12 =	vmul.f32 v21, v12;
	v15 =	vsub.f32 v33, v15;
	v13 =	vadd.f32 v32, v13  }
0x144: {  	v5 =	vadd.f32 v5, v7;
	v7 =	vmul.f32 v17, v29;
	v18 =	vadd.f32 v26, v18  }
0x145: {  	v30 =	vadd.f32 v61, v30;
	v11 =	vmul.f32 v52, v11;
	v26 =	vld [tilespmem:s19+$0x7000];
	v13 =	vadd.f32 v17, v13  }
0x146: {  	v12 =	vsub.f32 v31, v12;
	v17 =	vmul.f32 v15, v28;
	v7 =	vadd.f32 v7, v18  }
0x147: {  	v24 =	vadd.f32 v58, v24;
	v10 =	vmul.f32 v27, v10;
	v18 =	vld [tilespmem:s19+$0x7080];
	v13 =	vadd.f32 v15, v13  }
0x148: {  	v11 =	vsub.f32 v30, v11;
	v15 =	vmul.f32 v12, v21;
	v7 =	vadd.f32 v17, v7  }
0x149: {  	v10 =	vsub.f32 v16, v10;
	v12 =	vadd.f32 v12, v13  }
0x14a: {  	v17 =	vld [tilespmem:s19+$0x7100];
	v13 =	vmul.f32 v11, v52;
	v8 =	vmul.f32 v26, v8;
	v7 =	vadd.f32 v15, v7  }
0x14b: {  	v1 =	vld [tilespmem:$0x1FF60];
	v5 =	vadd.f32 v29, v5;
	v11 =	vadd.f32 v11, v12;
	v12 =	vmul.f32 v10, v27  }
0x14c: {  	v8 =	vsub.f32 v14, v8;
	v6 =	vmul.f32 v18, v6;
	v7 =	vadd.f32 v13, v7;
	v13 =	vld [tilespmem:s19+$0x7200]  }
0x14d: {  	v5 =	vadd.f32 v28, v5;
	v10 =	vadd.f32 v10, v11  }
0x14e: {  	v6 =	vsub.f32 v24, v6;
	v11 =	vmul.f32 v8, v26;
	v7 =	vadd.f32 v12, v7  }
0x14f: {  	v25 =	vadd.f32 v55, v25;
	v4 =	vmul.f32 v17, v4;
	v8 =	vadd.f32 v8, v10  }
0x150: {  	v5 =	vadd.f32 v21, v5;
	v16 =	vmul.f32 v6, v18;
	v10 =	vadd.f32 v11, v7  }
0x151: {  	v15 =	vld [tilespmem:s22+$0x6000];
	v4 =	vsub.f32 v25, v4;
	v6 =	vadd.f32 v6, v8;
	v1 =	vmul.f32 v13, v1  }
0x152: {  	v5 =	vadd.f32 v52, v5;
	v12 =	vld [tilespmem:s19+$0x7280];
	v8 =	vadd.f32 v16, v10  }
0x153: {  	v10 =	vmul.f32 v4, v17;
	v4 =	vadd.f32 v4, v6;
	v6 =	vsub.f32 v22, v1;
	v1 =	vld [tilespmem:$0x1FF70]  }
0x154: {  	v5 =	vadd.f32 v27, v5;
	_ =	sdelay $0x1  }
0x155: {  	s21 =	sadd.s32 $0x80, s21;
	v0 =	vadd.f32 v0, v35;
	v9 =	vmul.f32 v15, v9;
	v11 =	vadd.f32 v26, v5  }
0x156: {  	s26 =	sand.u32 $0x70, s24;
	s28 =	sand.u32 $0xC00, s21;
	v20 =	vadd.f32 v46, v20;
	v21 =	vld [tilespmem:s19+$0x7300]  }
0x157: {  	v14 =	vld [tilespmem:s20+$0x6000];
	s19 =	sor.u32 s26, s28;
	v0 =	vsub.f32 v0, v9;
	v9 =	vadd.f32 v18, v11;
	v1 =	vmul.f32 v12, v1  }
0x158: {  	v2 =	vld [tilespmem:s19+$0x3280]  }
0x159: {  	v9 =	vadd.f32 v17, v9;
	v17 =	vsub.f32 v20, v1;
	v1 =	vld [tilespmem:$0x1FF80]  }
0x15a: {  	v53 =	vld [tilespmem:s19+$0x2100]  }
0x15b: {  	s29 =	sor.u32 s24, s21;
	v34 =	vld [tilespmem:s19+$0x2080];
	v9 =	vadd.f32 v15, v9  }
0x15c: {  	s20 =	sor.u32 $0x1380, s29;
	v5 =	vld [tilespmem:s19+$0x6100];
	v8 =	vadd.f32 v10, v8;
	v10 =	vmul.f32 v0, v15  }
0x15d: {  	v11 =	vld [tilespmem:s20+$0x2000];
	v0 =	vadd.f32 v0, v4;
	v9 =	vadd.f32 v13, v9  }
0x15e: {  	v23 =	vadd.f32 v41, v23;
	v4 =	vld [tilespmem:s19+$0x3100];
	v8 =	vadd.f32 v10, v8;
	v3 =	vmul.f32 v21, v1  }
0x15f: {  	v10 =	vmul.f32 v6, v13;
	v0 =	vadd.f32 v6, v0;
	v6 =	vld [tilespmem:s19+$0x3080];
	v9 =	vadd.f32 v12, v9  }
0x160: {  	v15 =	vsub.f32 v23, v3;
	v3 =	vld [tilespmem:$0x1FF90]  }
0x161: {  	v16 =	vld [tilespmem:s19+$0x3300];
	v10 =	vadd.f32 v10, v8;
	v13 =	vmul.f32 v17, v12;
	v9 =	vadd.f32 v21, v9  }
0x162: {  	s30 =	sand.u32 $0xFFFFFC00, s21;
	s23 =	sor.u32 $0x380, s29;
	v54 =	vand.u32 $0x7FFFFFFF, v53;
	v57 =	vand.u32 $0x7FFFFFFF, v34;
	v32 =	vmax.f32 v53, $0.0e+00;
	v8 =	vld [tilespmem:s19+$0x3000]  }
0x163: {  	s31 =	sadd.s32 s30, s24;
	v60 =	vmovc v11;
	v11 =	vadd.f32 v13, v10;
	v10 =	vld [tilespmem:s23+$0x2000];
	v62 =	vadd.f32 v14, v9;
	v9 =	vmul.f32 v5, v53  }
0x164: {  	s22 =	sor.u32 $0x1180, s31;
	v25 =	vmax.f32 v4, $0.0e+00;
	v28 =	vand.u32 $0x7FFFFFFF, v4;
	v20 =	vmax.f32 v2, $0.0e+00;
	v1 =	vld [tilespmem:s19+$0x3200]  }
0x165: {  	v28 =	vsub.f32 $0.0e+00, v28;
	v26 =	vand.u32 $0x7FFFFFFF, v6;
	[tilespmem:$0x1FFA0] =	vst v9;
	v9 =	vld [tilespmem:s22+$0x2000];
	v18 =	vmul.f32 v14, v3  }
0x166: {  	v24 =	vmax.f32 v6, $0.0e+00;
	v0 =	vadd.f32 v17, v0;
	v59 =	vsub.f32 $0.0e+00, v26  }
0x167: {  	v27 =	vand.u32 $0x7FFFFFFF, v8;
	v12 =	vmul.f32 v15, v21;
	v17 =	vsub.f32 v19, v18  }
0x168: {  	v7 =	vld [tilespmem:s19+$0x6080];
	v0 =	vadd.f32 v15, v0;
	v21 =	vmax.f32 v8, $0.0e+00;
	v31 =	vand.u32 $0x7FFFFFFF, v10  }
0x169: {  	v22 =	vmax.f32 v1, $0.0e+00;
	v13 =	vadd.f32 v12, v11;
	v11 =	vld [tilespmem:s19+$0x2300];
	v15 =	vmul.f32 v17, v14  }
0x16a: {  	v12 =	vld [tilespmem:s19+$0x2280];
	v58 =	vand.u32 $0x7FFFFFFF, v9;
	v35 =	vmax.f32 v9, $0.0e+00;
	v3 =	vmovc v16;
	v16 =	vand.u32 $0x7FFFFFFF, v2  }
0x16b: {  	v63 =	vadd.f32 v17, v0;
	v0 =	vld [tilespmem:s19+$0x2000];
	v61 =	vadd.f32 v15, v13;
	v13 =	vand.u32 $0x7FFFFFFF, v60  }
0x16c: {  	v16 =	vsub.f32 $0.0e+00, v16;
	v17 =	vand.u32 $0x7FFFFFFF, v3;
	v13 =	vsub.f32 $0.0e+00, v13  }
0x16d: {  	v18 =	vmul.f32 v7, v34;
	v14 =	vand.u32 $0x7FFFFFFF, v1;
	v17 =	vsub.f32 $0.0e+00, v17;
	v15 =	vld [tilespmem:s19+$0x2200]  }
0x16e: {  	v16 =	vmul.f32 $1.442695020e+00, v16;
	v14 =	vsub.f32 $0.0e+00, v14;
	v13 =	vmul.f32 $1.442695020e+00, v13  }
0x16f: {  	v29 =	vand.u32 $0x7FFFFFFF, v12;
	v30 =	vand.u32 $0x7FFFFFFF, v11;
	v17 =	vmul.f32 $1.442695020e+00, v17  }
0x170: {  	s25 =	sor.u32 $0x180, s31;
	v14 =	vmul.f32 $1.442695020e+00, v14;
	v56 =	vand.u32 $0x7FFFFFFF, v0;
	(erf) = vpow2.f32 v13  }
0x171: {  	v26 =	vld [tilespmem:s25+$0x2000];
	v13 =	vsub.f32 $0.0e+00, v27;
	v27 =	vmul.f32 $1.442695020e+00, v28;
	(erf) = vpow2.f32 v17  }
0x172: {  	v55 =	vand.u32 $0x7FFFFFFF, v15;
	v28 =	vmul.f32 $1.442695020e+00, v59;
	(erf) = vpow2.f32 v16  }
0x173: {  	v17 =	vsub.f32 $0.0e+00, v31;
	v16 =	vsub.f32 $0.0e+00, v30;
	(erf) = vpow2.f32 v14  }
0x174: {  	v13 =	vmul.f32 $1.442695020e+00, v13;
	v14 =	vsub.f32 $0.0e+00, v29;
	(erf) = vpow2.f32 v27  }
0x175: {  	v17 =	vmul.f32 $1.442695020e+00, v17;
	v27 =	vsub.f32 $0.0e+00, v55;
	(erf) = vpow2.f32 v28  }
0x176: {  	v16 =	vmul.f32 $1.442695020e+00, v16;
	v28 =	vand.u32 $0x7FFFFFFF, v26;
	(erf) = vpow2.f32 v13  }
0x177: {  	v14 =	vmul.f32 $1.442695020e+00, v14;
	v13 =	vsub.f32 $0.0e+00, v54;
	(erf) = vpow2.f32 v17  }
0x178: {  	v29 =	vmul.f32 $1.442695020e+00, v27;
	v17 =	vsub.f32 $0.0e+00, v57;
	(erf) = vpow2.f32 v16  }
0x179: {  	v27 =	vld [tilespmem:s19+$0x6000];
	v16 =	vsub.f32 $0.0e+00, v56;
	v13 =	vmul.f32 $1.442695020e+00, v13;
	(erf) = vpow2.f32 v14;
	v44 =	vpop (erf)  }
0x17a: {  	v14 =	vmul.f32 $1.442695020e+00, v17;
	v17 =	vsub.f32 $0.0e+00, v58;
	(erf) = vpow2.f32 v29;
	v41 =	vpop (erf)  }
0x17b: {  	v28 =	vsub.f32 $0.0e+00, v28;
	v16 =	vmul.f32 $1.442695020e+00, v16;
	(erf) = vpow2.f32 v13;
	v46 =	vpop (erf)  }
0x17c: {  	v23 =	vmax.f32 v3, $0.0e+00;
	v13 =	vmul.f32 $1.442695020e+00, v17;
	v49 =	vmul.f32 $7.323740420e-02, v41;
	v43 =	vpop (erf)  }
0x17d: {  	v19 =	vmax.f32 v60, $0.0e+00;
	(erf) = vpow2.f32 v14;
	v14 =	vmul.f32 $1.442695020e+00, v28;
	v47 =	vpop (erf)  }
0x17e: {  	v34 =	vmax.f32 v34, $0.0e+00;
	v28 =	vmul.f32 v27, v0;
	v55 =	vmul.f32 $7.323740420e-02, v46;
	v45 =	vpop (erf)  }
0x17f: {  	p0 =	sne.s32 s24, $0x1F0;
	v36 =	vmax.f32 v0, $0.0e+00;
	(erf) = vpow2.f32 v16;
	v56 =	vmul.f32 $7.323740420e-02, v43;
	v48 =	vpop (erf)  }
.Ltmp1:
0x180: {  	v33 =	vmax.f32 v15, $0.0e+00;
	(erf) = vpow2.f32 v13;
	v13 =	vmul.f32 $7.323740420e-02, v44;
	v37 =	vpop (erf);
	(pc) =	sbr.rel @p0 .LBB2_4-.Ltmp1, $4  }
0x181: {  	v31 =	vmax.f32 v12, $0.0e+00;
	v57 =	vmul.f32 $7.323740420e-02, v47;
	(erf) = vpow2.f32 v14;
	v40 =	vpop (erf)  }
0x182: {  	v30 =	vmax.f32 v11, $0.0e+00;
	v58 =	vmul.f32 $7.323740420e-02, v45;
	v50 =	vmul.f32 $7.323740420e-02, v48;
	v39 =	vpop (erf)  }
0x183: {  	v29 =	vmax.f32 v10, $0.0e+00;
	v51 =	vmul.f32 $7.323740420e-02, v37;
	v54 =	vmul.f32 $7.323740420e-02, v40;
	v42 =	vpop (erf)  }
0x184: {  	s24 =	sadd.s32 $0x10, s24;
	v59 =	vsub.f32 $2.523185910e-01, v13;
	v52 =	vmul.f32 $7.323740420e-02, v39;
	v53 =	vmul.f32 $7.323740420e-02, v42;
	v38 =	vpop (erf)  }
0x185: {  	v0 =	vsub.f32 $2.523185910e-01, v55  }
0x186: {  	v14 =	vsub.f32 $2.523185910e-01, v49;
	v16 =	vsub.f32 $2.523185910e-01, v57  }
0x187: {  	v17 =	vmul.f32 $7.323740420e-02, v38;
	v57 =	vsub.f32 $2.523185910e-01, v56;
	v50 =	vsub.f32 $2.523185910e-01, v50  }
0x188: {  	v54 =	vsub.f32 $2.523185910e-01, v54;
	v51 =	vsub.f32 $2.523185910e-01, v51;
	v13 =	vmul.f32 v59, v44  }
0x189: {  	v59 =	vsub.f32 $2.523185910e-01, v58;
	v53 =	vsub.f32 $2.523185910e-01, v53;
	v14 =	vmul.f32 v14, v41  }
0x18a: {  	v52 =	vsub.f32 $2.523185910e-01, v52;
	v0 =	vmul.f32 v0, v46;
	v49 =	vmul.f32 v57, v43  }
0x18b: {  	v16 =	vmul.f32 v16, v47;
	v50 =	vmul.f32 v50, v48;
	v17 =	vsub.f32 $2.523185910e-01, v17  }
0x18c: {  	v51 =	vmul.f32 v51, v37;
	v54 =	vmul.f32 v54, v40;
	v13 =	vadd.f32 $-4.857423600e-01, v13  }
0x18d: {  	v55 =	vmul.f32 v59, v45;
	v52 =	vmul.f32 v52, v39;
	v0 =	vadd.f32 $-4.857423600e-01, v0  }
0x18e: {  	v53 =	vmul.f32 v53, v42;
	v14 =	vadd.f32 $-4.857423600e-01, v14;
	v16 =	vadd.f32 $-4.857423600e-01, v16  }
0x18f: {  	v49 =	vadd.f32 $-4.857423600e-01, v49;
	v50 =	vadd.f32 $-4.857423600e-01, v50;
	v17 =	vmul.f32 v17, v38  }
0x190: {  	v54 =	vadd.f32 $-4.857423600e-01, v54;
	v51 =	vadd.f32 $-4.857423600e-01, v51;
	v13 =	vmul.f32 v13, v44  }
0x191: {  	v55 =	vadd.f32 $-4.857423600e-01, v55;
	v53 =	vadd.f32 $-4.857423600e-01, v53;
	v0 =	vmul.f32 v0, v46  }
0x192: {  	v52 =	vadd.f32 $-4.857423600e-01, v52;
	v14 =	vmul.f32 v14, v41;
	v16 =	vmul.f32 v16, v47  }
0x193: {  	v49 =	vmul.f32 v49, v43;
	v50 =	vmul.f32 v50, v48;
	v17 =	vadd.f32 $-4.857423600e-01, v17  }
0x194: {  	v54 =	vmul.f32 v54, v40;
	v51 =	vmul.f32 v51, v37;
	v13 =	vadd.f32 $9.995653620e-01, v13  }
0x195: {  	v55 =	vmul.f32 v55, v45;
	v53 =	vmul.f32 v53, v42;
	v0 =	vadd.f32 $9.995653620e-01, v0  }
0x196: {  	v52 =	vmul.f32 v52, v39;
	v14 =	vadd.f32 $9.995653620e-01, v14;
	v16 =	vadd.f32 $9.995653620e-01, v16  }
0x197: {  	v49 =	vadd.f32 $9.995653620e-01, v49;
	v50 =	vadd.f32 $9.995653620e-01, v50;
	v17 =	vmul.f32 v17, v38  }
0x198: {  	v56 =	vpop (erf);
	v51 =	vadd.f32 $9.995653620e-01, v51;
	v54 =	vadd.f32 $9.995653620e-01, v54;
	v13 =	vmul.f32 v13, v44  }
0x199: {  	v44 =	vmul.f32 $7.323740420e-02, v56;
	v55 =	vadd.f32 $9.995653620e-01, v55;
	v0 =	vmul.f32 v0, v46  }
0x19a: {  	v52 =	vadd.f32 $9.995653620e-01, v52;
	v14 =	vmul.f32 v14, v41;
	v16 =	vmul.f32 v16, v47  }
0x19b: {  	v53 =	vadd.f32 $9.995653620e-01, v53;
	v46 =	vpop (erf);
	v43 =	vmul.f32 v49, v43;
	v48 =	vmul.f32 v50, v48  }
0x19c: {  	v17 =	vadd.f32 $9.995653620e-01, v17;
	v54 =	vmul.f32 v54, v40;
	v57 =	vmul.f32 $7.323740420e-02, v46  }
0x19d: {  	v45 =	vmul.f32 v55, v45;
	v44 =	vsub.f32 $2.523185910e-01, v44;
	v19 =	vadd.f32 v13, v19  }
0x19e: {  	v47 =	vpop (erf);
	v13 =	vmul.f32 v53, v42;
	v23 =	vadd.f32 v14, v23;
	v41 =	vsub.f32 $2.523185910e-01, v57  }
0x19f: {  	v58 =	vmul.f32 $7.323740420e-02, v47;
	v50 =	vpop (erf);
	v14 =	vadd.f32 v43, v22;
	v0 =	vadd.f32 v0, v20  }
0x1a0: {  	v16 =	vadd.f32 v16, v25;
	v59 =	vmul.f32 $7.323740420e-02, v50;
	v41 =	vmul.f32 v41, v46  }
0x1a1: {  	v21 =	vadd.f32 v48, v21;
	v44 =	vmul.f32 v44, v56;
	v49 =	vsub.f32 $2.523185910e-01, v58  }
0x1a2: {  	v17 =	vmul.f32 v17, v38;
	v55 =	vsub.f32 $2.523185910e-01, v59;
	v41 =	vadd.f32 $-4.857423600e-01, v41  }
0x1a3: {  	v30 =	vadd.f32 v54, v30;
	v44 =	vadd.f32 $-4.857423600e-01, v44;
	v49 =	vmul.f32 v49, v47  }
0x1a4: {  	v22 =	vadd.f32 v45, v24;
	v55 =	vmul.f32 v55, v50;
	v41 =	vmul.f32 v41, v46  }
0x1a5: {  	v13 =	vadd.f32 v13, v33;
	v44 =	vmul.f32 v44, v56;
	v49 =	vadd.f32 $-4.857423600e-01, v49  }
0x1a6: {  	v57 =	vmul.f32 v51, v37;
	v55 =	vadd.f32 $-4.857423600e-01, v55;
	v41 =	vadd.f32 $9.995653620e-01, v41  }
0x1a7: {  	v59 =	vmul.f32 v52, v39;
	v44 =	vadd.f32 $9.995653620e-01, v44;
	v49 =	vmul.f32 v49, v47  }
0x1a8: {  	v17 =	vadd.f32 v17, v32;
	v52 =	vld [tilespmem:$0x1FFA0];
	v55 =	vmul.f32 v55, v50;
	v20 =	vmul.f32 v41, v46  }
0x1a9: {  	v24 =	vadd.f32 v57, v29;
	v25 =	vmul.f32 v44, v56;
	v49 =	vadd.f32 $9.995653620e-01, v49  }
0x1aa: {  	v29 =	vld [tilespmem:s25+$0x6000];
	v58 =	vadd.f32 $9.995653620e-01, v55;
	v20 =	vadd.f32 v20, v36  }
0x1ab: {  	v31 =	vadd.f32 v59, v31;
	v25 =	vadd.f32 v25, v34;
	v55 =	vld [tilespmem:s19+$0x6300]  }
0x1ac: {  	v48 =	vmul.f32 v49, v47;
	v20 =	vsub.f32 v20, v28;
	v28 =	vmul.f32 v58, v50  }
0x1ad: {  	v17 =	vsub.f32 v17, v52;
	v49 =	vld [tilespmem:s19+$0x6200];
	v18 =	vsub.f32 v25, v18;
	v50 =	vmax.f32 v26, $0.0e+00  }
0x1ae: {  	v33 =	vadd.f32 v48, v35;
	v51 =	vmul.f32 v20, v27;
	v25 =	vadd.f32 v28, v50  }
0x1af: {  	v28 =	vld [tilespmem:s19+$0x6280];
	v20 =	vadd.f32 v20, v63;
	v27 =	vadd.f32 v27, v62  }
0x1b0: {  	v26 =	vmul.f32 v29, v26;
	v11 =	vmul.f32 v55, v11;
	v53 =	vadd.f32 v51, v61  }
0x1b1: {  	v54 =	vmul.f32 v18, v7;
	v18 =	vadd.f32 v18, v20;
	v7 =	vadd.f32 v7, v27;
	v27 =	vld [tilespmem:s23+$0x6000]  }
0x1b2: {  	v15 =	vmul.f32 v49, v15;
	v11 =	vsub.f32 v30, v11;
	v20 =	vsub.f32 v25, v26  }
0x1b3: {  	v26 =	vmul.f32 v17, v5;
	v25 =	vadd.f32 v54, v53;
	v17 =	vadd.f32 v17, v18;
	v18 =	vld [tilespmem:s19+$0x7000]  }
0x1b4: {  	v13 =	vsub.f32 v13, v15;
	v5 =	vadd.f32 v5, v7;
	v12 =	vmul.f32 v28, v12  }
0x1b5: {  	v7 =	vmul.f32 v20, v29;
	v15 =	vadd.f32 v26, v25;
	v17 =	vadd.f32 v20, v17;
	v20 =	vld [tilespmem:s19+$0x7080]  }
0x1b6: {  	v5 =	vadd.f32 v29, v5;
	v25 =	vld [tilespmem:s19+$0x7100];
	v12 =	vsub.f32 v31, v12;
	v10 =	vmul.f32 v27, v10  }
0x1b7: {  	v26 =	vld [tilespmem:s19+$0x7200];
	v7 =	vadd.f32 v7, v15;
	v15 =	vmul.f32 v13, v49;
	v13 =	vadd.f32 v13, v17  }
0x1b8: {  	v17 =	vld [tilespmem:s22+$0x6000];
	v5 =	vadd.f32 v49, v5;
	v10 =	vsub.f32 v24, v10;
	v8 =	vmul.f32 v18, v8  }
0x1b9: {  	v24 =	vld [tilespmem:s20+$0x6000];
	v7 =	vadd.f32 v15, v7;
	v15 =	vmul.f32 v12, v28;
	v12 =	vadd.f32 v12, v13  }
0x1ba: {  	v13 =	vld [tilespmem:s19+$0x7280];
	v5 =	vadd.f32 v28, v5;
	v8 =	vsub.f32 v21, v8;
	v6 =	vmul.f32 v20, v6  }
0x1bb: {  	v7 =	vadd.f32 v15, v7;
	v15 =	vmul.f32 v11, v55;
	v11 =	vadd.f32 v11, v12;
	v12 =	vld [tilespmem:s19+$0x7300];
	_ =	swait.ge [sflag:s12], $0x2000  }
0x1bc: {  	v4 =	vmul.f32 v25, v4;
	v5 =	vadd.f32 v55, v5;
	v6 =	vsub.f32 v22, v6;
	[sflag:s12] =	ssyncset.done $0x0  }
0x1bd: {  	v7 =	vadd.f32 v15, v7;
	v15 =	vmul.f32 v10, v27;
	v10 =	vadd.f32 v10, v11;
	[sflag:s12] =	ssyncadd.s32 $0xFFFFE000  }
0x1be: {  	s21 =	simm.s32 $0x0;
	v4 =	vsub.f32 v16, v4;
	v5 =	vadd.f32 v27, v5;
	_ =	swait.ge [sflag:s12], $0x2000  }
0x1bf: {  	s28 =	sand.u32 $0x70, s21;
	s30 =	sor.u32 s21, s21;
	v11 =	vmul.f32 v8, v18;
	v7 =	vadd.f32 v15, v7;
	v8 =	vadd.f32 v8, v10;
	[sflag:s12] =	ssyncset.done $0x0  }
0x1c0: {  	s29 =	sand.u32 $0xC00, s21;
	s20 =	sor.u32 $0x1380, s30;
	v9 =	vmul.f32 v17, v9;
	v5 =	vadd.f32 v18, v5;
	v15 =	vmul.f32 v24, v60;
	[sflag:s12] =	ssyncadd.s32 $0xFFFFE000  }
0x1c1: {  	s19 =	sor.u32 s28, s29;
	v10 =	vmul.f32 v6, v20;
	v7 =	vadd.f32 v11, v7;
	v6 =	vadd.f32 v6, v8;
	v61 =	vld [tilespmem:s20+$0x0]  }
0x1c2: {  	v1 =	vmul.f32 v26, v1;
	v8 =	vsub.f32 v33, v9;
	v15 =	vsub.f32 v19, v15;
	v31 =	vld [tilespmem:s19+$0x100]  }
0x1c3: {  	v11 =	vmul.f32 v4, v25;
	v35 =	vld [tilespmem:s19+$0x0];
	v9 =	vadd.f32 v10, v7;
	v10 =	vadd.f32 v20, v5  }
0x1c4: {  	v2 =	vmul.f32 v13, v2;
	v34 =	vld [tilespmem:s19+$0x80];
	v4 =	vadd.f32 v4, v6;
	v6 =	vsub.f32 v14, v1  }
0x1c5: {  	v5 =	vld [tilespmem:s19+$0x4100];
	v9 =	vadd.f32 v11, v9;
	v10 =	vadd.f32 v25, v10  }
0x1c6: {  	v7 =	vld [tilespmem:s19+$0x4080];
	v11 =	vmul.f32 v8, v17;
	v4 =	vadd.f32 v8, v4;
	v8 =	vsub.f32 v0, v2  }
0x1c7: {  	v0 =	vmul.f32 v12, v3;
	v21 =	vmax.f32 v61, $0.0e+00;
	v25 =	vand.u32 $0x7FFFFFFF, v61  }
0x1c8: {  	v3 =	vld [tilespmem:s19+$0x1300];
	v46 =	vand.u32 $0x7FFFFFFF, v31;
	v48 =	vand.u32 $0x7FFFFFFF, v35;
	v9 =	vadd.f32 v11, v9  }
0x1c9: {  	v2 =	vld [tilespmem:s19+$0x1280];
	v10 =	vadd.f32 v17, v10;
	v11 =	vmul.f32 v6, v26;
	v6 =	vadd.f32 v6, v4  }
0x1ca: {  	v49 =	vand.u32 $0x7FFFFFFF, v34;
	v14 =	vsub.f32 v23, v0;
	v25 =	vsub.f32 $0.0e+00, v25  }
0x1cb: {  	v18 =	vmul.f32 v7, v34;
	v1 =	vmul.f32 v5, v31;
	v31 =	vmax.f32 v31, $0.0e+00  }
0x1cc: {  	v0 =	vld [tilespmem:s19+$0x1200];
	v34 =	vmax.f32 v34, $0.0e+00;
	v9 =	vadd.f32 v11, v9;
	v10 =	vadd.f32 v26, v10  }
0x1cd: {  	v4 =	vld [tilespmem:s19+$0x1100];
	v11 =	vmul.f32 v8, v13;
	v16 =	vadd.f32 v8, v6;
	v25 =	vmul.f32 $1.442695020e+00, v25  }
0x1ce: {  	v20 =	vmax.f32 v2, $0.0e+00;
	v26 =	vmax.f32 v3, $0.0e+00;
	v28 =	vand.u32 $0x7FFFFFFF, v2  }
0x1cf: {  	v6 =	vld [tilespmem:s19+$0x1080];
	v29 =	vand.u32 $0x7FFFFFFF, v3;
	v9 =	vadd.f32 v11, v9;
	v10 =	vadd.f32 v13, v10  }
0x1d0: {  	s31 =	sand.u32 $0xFFFFFC00, s21;
	v8 =	vld [tilespmem:s19+$0x1000];
	v11 =	vmul.f32 v14, v12;
	v13 =	vadd.f32 v14, v16;
	v29 =	vsub.f32 $0.0e+00, v29  }
0x1d1: {  	s24 =	sadd.s32 $0x0, s31;
	v28 =	vsub.f32 $0.0e+00, v28;
	(erf) = vpow2.f32 v25;
	v27 =	vand.u32 $0x7FFFFFFF, v0  }
0x1d2: {  	s25 =	sor.u32 $0x180, s24;
	v57 =	vand.u32 $0x7FFFFFFF, v4;
	v9 =	vadd.f32 v11, v9;
	v11 =	vadd.f32 v12, v10  }
0x1d3: {  	s23 =	sor.u32 $0x380, s30;
	v25 =	vld [tilespmem:s25+$0x0];
	v12 =	vmul.f32 v15, v24;
	v63 =	vadd.f32 v15, v13;
	v27 =	vsub.f32 $0.0e+00, v27  }
0x1d4: {  	v10 =	vld [tilespmem:s23+$0x0];
	v33 =	vsub.f32 $0.0e+00, v57;
	v29 =	vmul.f32 $1.442695020e+00, v29;
	v28 =	vmul.f32 $1.442695020e+00, v28  }
0x1d5: {  	v15 =	vld [tilespmem:s19+$0x200];
	v30 =	vand.u32 $0x7FFFFFFF, v8;
	v56 =	vand.u32 $0x7FFFFFFF, v6;
	v60 =	vadd.f32 v12, v9  }
0x1d6: {  	v62 =	vadd.f32 v24, v11;
	v11 =	vld [tilespmem:s19+$0x300];
	v32 =	vsub.f32 $0.0e+00, v56;
	v27 =	vmul.f32 $1.442695020e+00, v27  }
0x1d7: {  	v12 =	vld [tilespmem:s19+$0x280];
	v30 =	vsub.f32 $0.0e+00, v30;
	(erf) = vpow2.f32 v29;
	v33 =	vmul.f32 $1.442695020e+00, v33  }
0x1d8: {  	v22 =	vmax.f32 v4, $0.0e+00;
	(erf) = vpow2.f32 v28;
	v32 =	vmul.f32 $1.442695020e+00, v32  }
0x1d9: {  	v52 =	vand.u32 $0x7FFFFFFF, v25;
	(erf) = vpow2.f32 v27;
	v30 =	vmul.f32 $1.442695020e+00, v30  }
0x1da: {  	v54 =	vsub.f32 $0.0e+00, v52;
	v45 =	vand.u32 $0x7FFFFFFF, v10;
	v47 =	vand.u32 $0x7FFFFFFF, v15  }
0x1db: {  	s22 =	sor.u32 $0x1180, s24;
	(erf) = vpow2.f32 v33;
	v29 =	vsub.f32 $0.0e+00, v45;
	v59 =	vand.u32 $0x7FFFFFFF, v11  }
0x1dc: {  	v9 =	vld [tilespmem:s22+$0x0];
	(erf) = vpow2.f32 v32;
	v58 =	vand.u32 $0x7FFFFFFF, v12;
	v28 =	vsub.f32 $0.0e+00, v59  }
0x1dd: {  	v55 =	vmul.f32 $1.442695020e+00, v54;
	v27 =	vsub.f32 $0.0e+00, v58;
	v29 =	vmul.f32 $1.442695020e+00, v29  }
0x1de: {  	v51 =	vsub.f32 $0.0e+00, v47;
	(erf) = vpow2.f32 v30;
	v28 =	vmul.f32 $1.442695020e+00, v28  }
0x1df: {  	v30 =	vsub.f32 $0.0e+00, v46;
	v36 =	vmul.f32 $1.442695020e+00, v27;
	(erf) = vpow2.f32 v29  }
0x1e0: {  	v19 =	vmax.f32 v8, $0.0e+00;
	v33 =	vmul.f32 $1.442695020e+00, v51;
	(erf) = vpow2.f32 v28  }
0x1e1: {  	v50 =	vand.u32 $0x7FFFFFFF, v9;
	v42 =	vpop (erf);
	v30 =	vmul.f32 $1.442695020e+00, v30;
	(erf) = vpow2.f32 v36  }
0x1e2: {  	v53 =	vsub.f32 $0.0e+00, v50;
	v29 =	vsub.f32 $0.0e+00, v49;
	v43 =	vpop (erf);
	(erf) = vpow2.f32 v33  }
0x1e3: {  	v59 =	vmul.f32 $7.323740420e-02, v42;
	v28 =	vsub.f32 $0.0e+00, v48;
	v48 =	vpop (erf);
	(erf) = vpow2.f32 v30  }
0x1e4: {  	v23 =	vmax.f32 v6, $0.0e+00;
	v27 =	vld [tilespmem:s19+$0x4000];
	v29 =	vmul.f32 $1.442695020e+00, v29;
	v58 =	vmul.f32 $7.323740420e-02, v43;
	v38 =	vpop (erf)  }
0x1e5: {  	v24 =	vmax.f32 v0, $0.0e+00;
	v36 =	vmul.f32 $1.442695020e+00, v53;
	v49 =	vmul.f32 $7.323740420e-02, v48;
	v41 =	vpop (erf)  }
0x1e6: {  	v32 =	vmax.f32 v10, $0.0e+00;
	v28 =	vmul.f32 $1.442695020e+00, v28;
	v50 =	vmul.f32 $7.323740420e-02, v38;
	v39 =	vpop (erf)  }
0x1e7: {  	v59 =	vsub.f32 $2.523185910e-01, v59;
	v51 =	vmul.f32 $7.323740420e-02, v41;
	(erf) = vpow2.f32 v29;
	v45 =	vpop (erf)  }
0x1e8: {  	v33 =	vmax.f32 v15, $0.0e+00;
	v54 =	vmul.f32 $7.323740420e-02, v39;
	(erf) = vpow2.f32 v28;
	v40 =	vpop (erf)  }
0x1e9: {  	v30 =	vmax.f32 v12, $0.0e+00;
	v28 =	vmul.f32 v27, v35;
	(erf) = vpow2.f32 v36;
	v47 =	vpop (erf)  }
0x1ea: {  	v29 =	vmax.f32 v11, $0.0e+00;
	v53 =	vmul.f32 $7.323740420e-02, v45;
	(erf) = vpow2.f32 v55;
	v46 =	vpop (erf)  }
0x1eb: {  	v36 =	vmax.f32 v35, $0.0e+00;
	v56 =	vmul.f32 $7.323740420e-02, v40;
	v55 =	vmul.f32 $7.323740420e-02, v47;
	v44 =	vpop (erf)  }
0x1ec: {  	s24 =	simm.s32 $0x10;
	[tilespmem:$0x1FF50] =	vst v1;
	v35 =	vmax.f32 v9, $0.0e+00;
	v57 =	vmul.f32 $7.323740420e-02, v46;
	v52 =	vmul.f32 $7.323740420e-02, v44;
	v37 =	vpop (erf)  }
.LBB2_6:
0x1ed: {  	[tilespmem:$0x1FF40] =	vst v61;
	v61 =	vsub.f32 $2.523185910e-01, v49  }
0x1ee: {  	[tilespmem:$0x1FF10] =	vst v0;
	v0 =	vmov v63;
	v58 =	vsub.f32 $2.523185910e-01, v58;
	v63 =	vsub.f32 $2.523185910e-01, v51  }
0x1ef: {  	v13 =	vsub.f32 $2.523185910e-01, v50;
	v53 =	vsub.f32 $2.523185910e-01, v53  }
0x1f0: {  	[tilespmem:$0x1FF20] =	vst v2;
	v2 =	vmovc v60;
	v60 =	vmul.f32 $7.323740420e-02, v37;
	v54 =	vsub.f32 $2.523185910e-01, v54;
	v55 =	vsub.f32 $2.523185910e-01, v55  }
0x1f1: {  	v56 =	vsub.f32 $2.523185910e-01, v56;
	v59 =	vmul.f32 v59, v42;
	v58 =	vmul.f32 v58, v43  }
0x1f2: {  	v52 =	vsub.f32 $2.523185910e-01, v52;
	v13 =	vmul.f32 v13, v38;
	v61 =	vmul.f32 v61, v48  }
0x1f3: {  	v57 =	vsub.f32 $2.523185910e-01, v57;
	v54 =	vmul.f32 v54, v39;
	v63 =	vmul.f32 v63, v41  }
0x1f4: {  	v60 =	vsub.f32 $2.523185910e-01, v60;
	v56 =	vmul.f32 v56, v40;
	v53 =	vmul.f32 v53, v45  }
0x1f5: {  	v57 =	vmul.f32 v57, v46;
	v55 =	vmul.f32 v55, v47;
	v59 =	vadd.f32 $-4.857423600e-01, v59  }
0x1f6: {  	[tilespmem:$0x1FF30] =	vst v3;
	v3 =	vmovc v62;
	v52 =	vmul.f32 v52, v44;
	v61 =	vadd.f32 $-4.857423600e-01, v61;
	v58 =	vadd.f32 $-4.857423600e-01, v58  }
0x1f7: {  	v49 =	vpop (erf);
	v60 =	vmul.f32 v60, v37;
	v63 =	vadd.f32 $-4.857423600e-01, v63;
	v13 =	vadd.f32 $-4.857423600e-01, v13  }
0x1f8: {  	v62 =	vmul.f32 $7.323740420e-02, v49;
	v14 =	vpop (erf);
	v53 =	vadd.f32 $-4.857423600e-01, v53;
	v54 =	vadd.f32 $-4.857423600e-01, v54  }
0x1f9: {  	v55 =	vadd.f32 $-4.857423600e-01, v55;
	v56 =	vadd.f32 $-4.857423600e-01, v56;
	v59 =	vmul.f32 v59, v42;
	v50 =	vpop (erf)  }
0x1fa: {  	v52 =	vadd.f32 $-4.857423600e-01, v52;
	v16 =	vmul.f32 $7.323740420e-02, v14;
	v1 =	vmul.f32 $7.323740420e-02, v50  }
0x1fb: {  	v57 =	vadd.f32 $-4.857423600e-01, v57;
	v61 =	vmul.f32 v61, v48;
	v58 =	vmul.f32 v58, v43  }
0x1fc: {  	v60 =	vadd.f32 $-4.857423600e-01, v60;
	v63 =	vmul.f32 v63, v41;
	v13 =	vmul.f32 v13, v38  }
0x1fd: {  	v62 =	vsub.f32 $2.523185910e-01, v62;
	v53 =	vmul.f32 v53, v45;
	v54 =	vmul.f32 v54, v39  }
0x1fe: {  	v55 =	vmul.f32 v55, v47;
	v56 =	vmul.f32 v56, v40;
	v59 =	vadd.f32 $9.995653620e-01, v59  }
0x1ff: {  	v52 =	vmul.f32 v52, v44;
	v16 =	vsub.f32 $2.523185910e-01, v16;
	v1 =	vsub.f32 $2.523185910e-01, v1  }
0x200: {  	v57 =	vmul.f32 v57, v46;
	v58 =	vadd.f32 $9.995653620e-01, v58;
	v13 =	vadd.f32 $9.995653620e-01, v13  }
0x201: {  	v51 =	vpop (erf);
	v60 =	vmul.f32 v60, v37;
	v61 =	vadd.f32 $9.995653620e-01, v61;
	v54 =	vadd.f32 $9.995653620e-01, v54  }
0x202: {  	v17 =	vmul.f32 $7.323740420e-02, v51;
	v63 =	vadd.f32 $9.995653620e-01, v63;
	v56 =	vadd.f32 $9.995653620e-01, v56  }
0x203: {  	v53 =	vadd.f32 $9.995653620e-01, v53;
	v57 =	vadd.f32 $9.995653620e-01, v57;
	v16 =	vmul.f32 v16, v14  }
0x204: {  	v62 =	vmul.f32 v62, v49;
	v55 =	vadd.f32 $9.995653620e-01, v55;
	v52 =	vadd.f32 $9.995653620e-01, v52  }
0x205: {  	v42 =	vmul.f32 v59, v42;
	v1 =	vmul.f32 v1, v50;
	v16 =	vadd.f32 $-4.857423600e-01, v16  }
0x206: {  	v60 =	vadd.f32 $9.995653620e-01, v60;
	v48 =	vmul.f32 v61, v48;
	v43 =	vmul.f32 v58, v43  }
0x207: {  	v17 =	vsub.f32 $2.523185910e-01, v17;
	v41 =	vmul.f32 v63, v41;
	v16 =	vmul.f32 v16, v14  }
0x208: {  	v62 =	vadd.f32 $-4.857423600e-01, v62;
	v13 =	vmul.f32 v13, v38;
	v53 =	vmul.f32 v53, v45  }
0x209: {  	v54 =	vmul.f32 v54, v39;
	v58 =	vmul.f32 v55, v47;
	v16 =	vadd.f32 $9.995653620e-01, v16  }
0x20a: {  	v61 =	vmul.f32 v56, v40;
	v17 =	vmul.f32 v17, v51;
	v1 =	vadd.f32 $-4.857423600e-01, v1  }
0x20b: {  	v24 =	vadd.f32 v13, v24;
	v20 =	vadd.f32 v48, v20;
	v13 =	vmul.f32 v16, v14  }
0x20c: {  	v62 =	vmul.f32 v62, v49;
	v19 =	vadd.f32 v53, v19;
	v29 =	vadd.f32 v58, v29  }
0x20d: {  	v63 =	vmul.f32 v52, v44;
	v17 =	vadd.f32 $-4.857423600e-01, v17;
	v13 =	vadd.f32 v13, v36  }
0x20e: {  	v1 =	vmul.f32 v1, v50;
	v59 =	vadd.f32 $9.995653620e-01, v62;
	v62 =	vmul.f32 v57, v46  }
0x20f: {  	v33 =	vadd.f32 v63, v33;
	v17 =	vmul.f32 v17, v51;
	v13 =	vsub.f32 v13, v28  }
0x210: {  	v47 =	vld [tilespmem:s25+$0x4000];
	v1 =	vadd.f32 $9.995653620e-01, v1;
	v44 =	vmul.f32 v59, v49;
	v30 =	vadd.f32 v62, v30  }
0x211: {  	v17 =	vadd.f32 $9.995653620e-01, v17;
	v49 =	vmul.f32 v13, v27;
	v13 =	vadd.f32 v13, v0;
	v0 =	vld [tilespmem:$0x1FF50]  }
0x212: {  	v48 =	vld [tilespmem:s19+$0x4200];
	v16 =	vadd.f32 v41, v22;
	v22 =	vmul.f32 v60, v37;
	v28 =	vadd.f32 v44, v34  }
0x213: {  	v14 =	vadd.f32 v54, v23;
	v1 =	vmul.f32 v1, v50;
	v17 =	vmul.f32 v17, v51  }
0x214: {  	v22 =	vadd.f32 v22, v31;
	v31 =	vmax.f32 v25, $0.0e+00;
	v18 =	vsub.f32 v28, v18;
	v28 =	vld [tilespmem:s19+$0x4280]  }
0x215: {  	v25 =	vmul.f32 v47, v25;
	v17 =	vadd.f32 v17, v31;
	v27 =	vadd.f32 v27, v3  }
0x216: {  	v51 =	vld [tilespmem:s19+$0x4300];
	v31 =	vadd.f32 v49, v2;
	v50 =	vmul.f32 v18, v7;
	v22 =	vsub.f32 v22, v0  }
0x217: {  	v15 =	vmul.f32 v48, v15;
	v17 =	vsub.f32 v17, v25;
	v13 =	vadd.f32 v18, v13  }
0x218: {  	v7 =	vadd.f32 v7, v27;
	v18 =	vadd.f32 v50, v31;
	v25 =	vmul.f32 v22, v5  }
0x219: {  	v15 =	vsub.f32 v33, v15;
	v27 =	vld [tilespmem:s23+$0x4000];
	v12 =	vmul.f32 v28, v12;
	v13 =	vadd.f32 v22, v13  }
0x21a: {  	v5 =	vadd.f32 v5, v7;
	v7 =	vmul.f32 v17, v47;
	v22 =	vld [tilespmem:s19+$0x5000];
	v18 =	vadd.f32 v25, v18  }
0x21b: {  	v23 =	vadd.f32 v61, v32;
	v11 =	vmul.f32 v51, v11;
	v13 =	vadd.f32 v17, v13  }
0x21c: {  	v12 =	vsub.f32 v30, v12;
	v17 =	vmul.f32 v15, v48;
	v7 =	vadd.f32 v7, v18  }
0x21d: {  	v11 =	vsub.f32 v29, v11;
	v18 =	vld [tilespmem:s19+$0x5080];
	v13 =	vadd.f32 v15, v13  }
0x21e: {  	v10 =	vmul.f32 v27, v10;
	v15 =	vmul.f32 v12, v28;
	v7 =	vadd.f32 v17, v7  }
0x21f: {  	v5 =	vadd.f32 v47, v5;
	v8 =	vmul.f32 v22, v8;
	v17 =	vld [tilespmem:s19+$0x5100];
	v12 =	vadd.f32 v12, v13  }
0x220: {  	v10 =	vsub.f32 v23, v10;
	v13 =	vmul.f32 v11, v51;
	v7 =	vadd.f32 v15, v7  }
0x221: {  	v0 =	vld [tilespmem:$0x1FF10];
	v8 =	vsub.f32 v19, v8;
	v11 =	vadd.f32 v11, v12  }
0x222: {  	v12 =	vmul.f32 v10, v27;
	v6 =	vmul.f32 v18, v6;
	v7 =	vadd.f32 v13, v7;
	v13 =	vld [tilespmem:s19+$0x5200]  }
0x223: {  	v5 =	vadd.f32 v48, v5;
	v10 =	vadd.f32 v10, v11;
	v11 =	vmul.f32 v8, v22  }
0x224: {  	v6 =	vsub.f32 v14, v6;
	v4 =	vmul.f32 v17, v4;
	v7 =	vadd.f32 v12, v7  }
0x225: {  	v5 =	vadd.f32 v28, v5;
	v8 =	vadd.f32 v8, v10  }
0x226: {  	v4 =	vsub.f32 v16, v4;
	v16 =	vmul.f32 v6, v18;
	v10 =	vadd.f32 v11, v7  }
0x227: {  	v15 =	vld [tilespmem:s22+$0x4000];
	v6 =	vadd.f32 v6, v8;
	v0 =	vmul.f32 v13, v0  }
0x228: {  	v5 =	vadd.f32 v51, v5;
	v12 =	vld [tilespmem:s19+$0x5280];
	v8 =	vadd.f32 v16, v10  }
0x229: {  	v10 =	vmul.f32 v4, v17;
	v4 =	vadd.f32 v4, v6;
	v6 =	vsub.f32 v24, v0;
	v0 =	vld [tilespmem:$0x1FF20]  }
0x22a: {  	v5 =	vadd.f32 v27, v5;
	_ =	sdelay $0x1  }
0x22b: {  	s21 =	sadd.s32 $0x80, s21;
	v1 =	vadd.f32 v1, v35;
	v9 =	vmul.f32 v15, v9;
	v11 =	vadd.f32 v22, v5  }
0x22c: {  	s26 =	sand.u32 $0x70, s24;
	s28 =	sand.u32 $0xC00, s21;
	v19 =	vld [tilespmem:s19+$0x5300]  }
0x22d: {  	v14 =	vld [tilespmem:s20+$0x4000];
	s19 =	sor.u32 s26, s28;
	v1 =	vsub.f32 v1, v9;
	v9 =	vadd.f32 v18, v11;
	v0 =	vmul.f32 v12, v0  }
0x22e: {  	v2 =	vld [tilespmem:s19+$0x1280]  }
0x22f: {  	v9 =	vadd.f32 v17, v9;
	v17 =	vsub.f32 v20, v0;
	v0 =	vld [tilespmem:$0x1FF30]  }
0x230: {  	v31 =	vld [tilespmem:s19+$0x100]  }
0x231: {  	s29 =	sor.u32 s24, s21;
	v52 =	vld [tilespmem:s19+$0x80];
	v9 =	vadd.f32 v15, v9  }
0x232: {  	s20 =	sor.u32 $0x1380, s29;
	v5 =	vld [tilespmem:s19+$0x4100];
	v8 =	vadd.f32 v10, v8;
	v10 =	vmul.f32 v1, v15  }
0x233: {  	v11 =	vld [tilespmem:s20+$0x0];
	v1 =	vadd.f32 v1, v4;
	v9 =	vadd.f32 v13, v9  }
0x234: {  	v26 =	vadd.f32 v43, v26;
	v4 =	vld [tilespmem:s19+$0x1100];
	v8 =	vadd.f32 v10, v8;
	v3 =	vmul.f32 v19, v0  }
0x235: {  	v10 =	vmul.f32 v6, v13;
	v1 =	vadd.f32 v6, v1;
	v6 =	vld [tilespmem:s19+$0x1080];
	v9 =	vadd.f32 v12, v9  }
0x236: {  	v21 =	vadd.f32 v42, v21;
	v15 =	vsub.f32 v26, v3;
	v3 =	vld [tilespmem:$0x1FF40]  }
0x237: {  	v54 =	vand.u32 $0x7FFFFFFF, v31;
	v57 =	vand.u32 $0x7FFFFFFF, v52;
	v9 =	vadd.f32 v19, v9  }
0x238: {  	s30 =	sand.u32 $0xFFFFFC00, s21;
	v34 =	vmax.f32 v52, $0.0e+00;
	v10 =	vadd.f32 v10, v8;
	v8 =	vld [tilespmem:s19+$0x1000];
	v13 =	vmul.f32 v17, v12  }
0x239: {  	s31 =	sadd.s32 s30, s24;
	s23 =	sor.u32 $0x380, s29;
	v16 =	vld [tilespmem:s19+$0x1300];
	v22 =	vmax.f32 v4, $0.0e+00;
	v62 =	vadd.f32 v14, v9;
	v9 =	vmul.f32 v5, v31  }
0x23a: {  	s22 =	sor.u32 $0x1180, s31;
	v61 =	vmovc v11;
	v28 =	vand.u32 $0x7FFFFFFF, v4;
	v20 =	vmax.f32 v2, $0.0e+00;
	v11 =	vadd.f32 v13, v10;
	v10 =	vld [tilespmem:s23+$0x0]  }
0x23b: {  	v28 =	vsub.f32 $0.0e+00, v28;
	v25 =	vand.u32 $0x7FFFFFFF, v6;
	[tilespmem:$0x1FF50] =	vst v9;
	v9 =	vld [tilespmem:s22+$0x0];
	v18 =	vmul.f32 v14, v3  }
0x23c: {  	v23 =	vmax.f32 v6, $0.0e+00;
	v1 =	vadd.f32 v17, v1;
	v59 =	vsub.f32 $0.0e+00, v25  }
0x23d: {  	v7 =	vld [tilespmem:s19+$0x4080];
	v27 =	vand.u32 $0x7FFFFFFF, v8;
	v12 =	vmul.f32 v15, v19;
	v17 =	vsub.f32 v21, v18  }
0x23e: {  	v31 =	vmax.f32 v31, $0.0e+00;
	v0 =	vld [tilespmem:s19+$0x1200];
	v1 =	vadd.f32 v15, v1;
	v19 =	vmax.f32 v8, $0.0e+00  }
0x23f: {  	v53 =	vand.u32 $0x7FFFFFFF, v10;
	v13 =	vadd.f32 v12, v11;
	v11 =	vld [tilespmem:s19+$0x300];
	v15 =	vmul.f32 v17, v14  }
0x240: {  	v32 =	vmax.f32 v10, $0.0e+00;
	v12 =	vld [tilespmem:s19+$0x280];
	v58 =	vand.u32 $0x7FFFFFFF, v9;
	v3 =	vmovc v16;
	v16 =	vand.u32 $0x7FFFFFFF, v2  }
0x241: {  	v63 =	vadd.f32 v17, v1;
	v1 =	vld [tilespmem:s19+$0x0];
	v60 =	vadd.f32 v15, v13;
	v13 =	vand.u32 $0x7FFFFFFF, v61  }
0x242: {  	v16 =	vsub.f32 $0.0e+00, v16;
	v17 =	vand.u32 $0x7FFFFFFF, v3;
	v13 =	vsub.f32 $0.0e+00, v13  }
0x243: {  	v18 =	vmul.f32 v7, v52;
	v14 =	vand.u32 $0x7FFFFFFF, v0;
	v17 =	vsub.f32 $0.0e+00, v17;
	v15 =	vld [tilespmem:s19+$0x200]  }
0x244: {  	v16 =	vmul.f32 $1.442695020e+00, v16;
	v14 =	vsub.f32 $0.0e+00, v14;
	v13 =	vmul.f32 $1.442695020e+00, v13  }
0x245: {  	v29 =	vand.u32 $0x7FFFFFFF, v12;
	v30 =	vand.u32 $0x7FFFFFFF, v11;
	v17 =	vmul.f32 $1.442695020e+00, v17  }
0x246: {  	s25 =	sor.u32 $0x180, s31;
	v14 =	vmul.f32 $1.442695020e+00, v14;
	v56 =	vand.u32 $0x7FFFFFFF, v1;
	(erf) = vpow2.f32 v13  }
0x247: {  	v25 =	vld [tilespmem:s25+$0x0];
	v13 =	vsub.f32 $0.0e+00, v27;
	v27 =	vmul.f32 $1.442695020e+00, v28;
	(erf) = vpow2.f32 v17  }
0x248: {  	v55 =	vand.u32 $0x7FFFFFFF, v15;
	v28 =	vmul.f32 $1.442695020e+00, v59;
	(erf) = vpow2.f32 v16  }
0x249: {  	v17 =	vsub.f32 $0.0e+00, v53;
	v16 =	vsub.f32 $0.0e+00, v30;
	(erf) = vpow2.f32 v14  }
0x24a: {  	v13 =	vmul.f32 $1.442695020e+00, v13;
	v14 =	vsub.f32 $0.0e+00, v29;
	(erf) = vpow2.f32 v27  }
0x24b: {  	v17 =	vmul.f32 $1.442695020e+00, v17;
	v27 =	vsub.f32 $0.0e+00, v55;
	(erf) = vpow2.f32 v28  }
0x24c: {  	v16 =	vmul.f32 $1.442695020e+00, v16;
	v28 =	vand.u32 $0x7FFFFFFF, v25;
	(erf) = vpow2.f32 v13  }
0x24d: {  	v14 =	vmul.f32 $1.442695020e+00, v14;
	v13 =	vsub.f32 $0.0e+00, v54;
	(erf) = vpow2.f32 v17  }
0x24e: {  	v29 =	vmul.f32 $1.442695020e+00, v27;
	v17 =	vsub.f32 $0.0e+00, v57;
	(erf) = vpow2.f32 v16  }
0x24f: {  	v27 =	vld [tilespmem:s19+$0x4000];
	v16 =	vsub.f32 $0.0e+00, v56;
	v13 =	vmul.f32 $1.442695020e+00, v13;
	(erf) = vpow2.f32 v14;
	v42 =	vpop (erf)  }
0x250: {  	v14 =	vmul.f32 $1.442695020e+00, v17;
	v17 =	vsub.f32 $0.0e+00, v58;
	(erf) = vpow2.f32 v29;
	v43 =	vpop (erf)  }
0x251: {  	v28 =	vsub.f32 $0.0e+00, v28;
	v16 =	vmul.f32 $1.442695020e+00, v16;
	(erf) = vpow2.f32 v13;
	v48 =	vpop (erf)  }
0x252: {  	v24 =	vmax.f32 v0, $0.0e+00;
	v13 =	vmul.f32 $1.442695020e+00, v17;
	v58 =	vmul.f32 $7.323740420e-02, v43;
	v38 =	vpop (erf)  }
0x253: {  	v35 =	vmax.f32 v9, $0.0e+00;
	(erf) = vpow2.f32 v14;
	v14 =	vmul.f32 $1.442695020e+00, v28;
	v41 =	vpop (erf)  }
0x254: {  	v26 =	vmax.f32 v3, $0.0e+00;
	v28 =	vmul.f32 v27, v1;
	v49 =	vmul.f32 $7.323740420e-02, v48;
	v39 =	vpop (erf)  }
0x255: {  	p0 =	sne.s32 s24, $0x1F0;
	v21 =	vmax.f32 v61, $0.0e+00;
	(erf) = vpow2.f32 v16;
	v50 =	vmul.f32 $7.323740420e-02, v38;
	v45 =	vpop (erf)  }
.Ltmp2:
0x256: {  	v36 =	vmax.f32 v1, $0.0e+00;
	(erf) = vpow2.f32 v13;
	v13 =	vmul.f32 $7.323740420e-02, v42;
	v40 =	vpop (erf);
	(pc) =	sbr.rel @p0 .LBB2_6-.Ltmp2, $4  }
0x257: {  	v33 =	vmax.f32 v15, $0.0e+00;
	v51 =	vmul.f32 $7.323740420e-02, v41;
	(erf) = vpow2.f32 v14;
	v47 =	vpop (erf)  }
0x258: {  	v30 =	vmax.f32 v12, $0.0e+00;
	v54 =	vmul.f32 $7.323740420e-02, v39;
	v53 =	vmul.f32 $7.323740420e-02, v45;
	v46 =	vpop (erf)  }
0x259: {  	v29 =	vmax.f32 v11, $0.0e+00;
	v56 =	vmul.f32 $7.323740420e-02, v40;
	v55 =	vmul.f32 $7.323740420e-02, v47;
	v44 =	vpop (erf)  }
0x25a: {  	s24 =	sadd.s32 $0x10, s24;
	v59 =	vsub.f32 $2.523185910e-01, v13;
	v57 =	vmul.f32 $7.323740420e-02, v46;
	v52 =	vmul.f32 $7.323740420e-02, v44;
	v37 =	vpop (erf)  }
0x25b: {  	v1 =	vsub.f32 $2.523185910e-01, v49  }
0x25c: {  	v13 =	vsub.f32 $2.523185910e-01, v58;
	v16 =	vsub.f32 $2.523185910e-01, v51  }
0x25d: {  	v17 =	vsub.f32 $2.523185910e-01, v50;
	v54 =	vsub.f32 $2.523185910e-01, v54  }
0x25e: {  	v58 =	vsub.f32 $2.523185910e-01, v55;
	v14 =	vmul.f32 v59, v42;
	v13 =	vmul.f32 v13, v43  }
0x25f: {  	v59 =	vsub.f32 $2.523185910e-01, v56;
	v1 =	vmul.f32 v1, v48;
	v16 =	vmul.f32 v16, v41  }
0x260: {  	v17 =	vmul.f32 v17, v38;
	v14 =	vadd.f32 $-4.857423600e-01, v14;
	v13 =	vadd.f32 $-4.857423600e-01, v13  }
0x261: {  	v49 =	vmul.f32 v59, v40;
	v1 =	vadd.f32 $-4.857423600e-01, v1;
	v16 =	vadd.f32 $-4.857423600e-01, v16  }
0x262: {  	v17 =	vadd.f32 $-4.857423600e-01, v17;
	v14 =	vmul.f32 v14, v42;
	v13 =	vmul.f32 v13, v43  }
0x263: {  	v49 =	vadd.f32 $-4.857423600e-01, v49;
	v1 =	vmul.f32 v1, v48;
	v16 =	vmul.f32 v16, v41  }
0x264: {  	v17 =	vmul.f32 v17, v38;
	v14 =	vadd.f32 $9.995653620e-01, v14;
	v13 =	vadd.f32 $9.995653620e-01, v13  }
0x265: {  	v49 =	vmul.f32 v49, v40;
	v1 =	vadd.f32 $9.995653620e-01, v1;
	v16 =	vadd.f32 $9.995653620e-01, v16  }
0x266: {  	v17 =	vadd.f32 $9.995653620e-01, v17;
	v14 =	vmul.f32 v14, v42;
	v42 =	vsub.f32 $2.523185910e-01, v53  }
0x267: {  	v53 =	vsub.f32 $2.523185910e-01, v57;
	v57 =	vmul.f32 $7.323740420e-02, v37;
	v1 =	vmul.f32 v1, v48  }
0x268: {  	v49 =	vadd.f32 $9.995653620e-01, v49;
	v13 =	vmul.f32 v13, v43;
	v43 =	vmul.f32 v54, v39  }
0x269: {  	v54 =	vsub.f32 $2.523185910e-01, v52;
	v48 =	vmul.f32 v58, v47;
	v16 =	vmul.f32 v16, v41  }
0x26a: {  	v17 =	vmul.f32 v17, v38;
	v42 =	vmul.f32 v42, v45;
	v21 =	vadd.f32 v14, v21  }
0x26b: {  	v50 =	vmul.f32 v53, v46;
	v43 =	vadd.f32 $-4.857423600e-01, v43;
	v48 =	vadd.f32 $-4.857423600e-01, v48  }
0x26c: {  	v41 =	vpop (erf);
	v40 =	vmul.f32 v49, v40;
	v26 =	vadd.f32 v13, v26;
	v17 =	vadd.f32 v17, v24  }
0x26d: {  	v58 =	vmul.f32 $7.323740420e-02, v41;
	v1 =	vadd.f32 v1, v20;
	v16 =	vadd.f32 v16, v22  }
0x26e: {  	v51 =	vmul.f32 v54, v44;
	v42 =	vadd.f32 $-4.857423600e-01, v42;
	v50 =	vadd.f32 $-4.857423600e-01, v50  }
0x26f: {  	v49 =	vsub.f32 $2.523185910e-01, v58;
	v32 =	vadd.f32 v40, v32;
	v43 =	vmul.f32 v43, v39  }
0x270: {  	v48 =	vmul.f32 v48, v47;
	v56 =	vadd.f32 $-4.857423600e-01, v51;
	v50 =	vmul.f32 v50, v46  }
0x271: {  	v38 =	vpop (erf);
	v42 =	vmul.f32 v42, v45;
	v54 =	vmul.f32 v49, v41;
	v43 =	vadd.f32 $9.995653620e-01, v43  }
0x272: {  	v55 =	vmul.f32 $7.323740420e-02, v38;
	v48 =	vadd.f32 $9.995653620e-01, v48;
	v50 =	vadd.f32 $9.995653620e-01, v50  }
0x273: {  	v42 =	vadd.f32 $9.995653620e-01, v42;
	v58 =	vadd.f32 $-4.857423600e-01, v54;
	v39 =	vmul.f32 v43, v39  }
0x274: {  	v47 =	vmul.f32 v48, v47;
	v43 =	vmul.f32 v56, v44;
	v48 =	vsub.f32 $2.523185910e-01, v57  }
0x275: {  	v42 =	vmul.f32 v42, v45;
	v45 =	vsub.f32 $2.523185910e-01, v55;
	v46 =	vmul.f32 v50, v46  }
0x276: {  	v43 =	vadd.f32 $9.995653620e-01, v43;
	v53 =	vmul.f32 v48, v37;
	v23 =	vadd.f32 v39, v23;
	v50 =	vpop (erf)  }
0x277: {  	v29 =	vadd.f32 v47, v29;
	v45 =	vmul.f32 v45, v38;
	v19 =	vadd.f32 v42, v19;
	v14 =	vpop (erf)  }
0x278: {  	v30 =	vadd.f32 v46, v30;
	v59 =	vmul.f32 $7.323740420e-02, v50;
	v52 =	vmul.f32 $7.323740420e-02, v14  }
0x279: {  	v49 =	vld [tilespmem:s19+$0x4200];
	v43 =	vmul.f32 v43, v44;
	v55 =	vadd.f32 $-4.857423600e-01, v53;
	v45 =	vadd.f32 $-4.857423600e-01, v45  }
0x27a: {  	v13 =	vsub.f32 $2.523185910e-01, v59;
	v44 =	vsub.f32 $2.523185910e-01, v52  }
0x27b: {  	v20 =	vmul.f32 v55, v37;
	v33 =	vadd.f32 v43, v33;
	v45 =	vmul.f32 v45, v38  }
0x27c: {  	v55 =	vadd.f32 v27, v62;
	v13 =	vmul.f32 v13, v50;
	v57 =	vmul.f32 v44, v14  }
0x27d: {  	v20 =	vadd.f32 $9.995653620e-01, v20;
	v45 =	vadd.f32 $9.995653620e-01, v45;
	v44 =	vmul.f32 v58, v41  }
0x27e: {  	v15 =	vmul.f32 v49, v15;
	v13 =	vadd.f32 $-4.857423600e-01, v13;
	v59 =	vadd.f32 $-4.857423600e-01, v57  }
0x27f: {  	v20 =	vmul.f32 v20, v37;
	v56 =	vmul.f32 v45, v38;
	v38 =	vadd.f32 $9.995653620e-01, v44  }
0x280: {  	v47 =	vld [tilespmem:s25+$0x4000];
	v15 =	vsub.f32 v33, v15;
	v13 =	vmul.f32 v13, v50;
	v22 =	vmul.f32 v59, v14  }
0x281: {  	v53 =	vld [tilespmem:$0x1FF50];
	v20 =	vadd.f32 v20, v31;
	v24 =	vadd.f32 v56, v36;
	v45 =	vmul.f32 v38, v41  }
0x282: {  	v13 =	vadd.f32 $9.995653620e-01, v13;
	v22 =	vadd.f32 $9.995653620e-01, v22  }
0x283: {  	v39 =	vld [tilespmem:s19+$0x5100];
	v24 =	vsub.f32 v24, v28;
	v48 =	vadd.f32 v45, v34  }
0x284: {  	v13 =	vmul.f32 v13, v50;
	v50 =	vmax.f32 v25, $0.0e+00;
	v14 =	vmul.f32 v22, v14  }
0x285: {  	v52 =	vld [tilespmem:s19+$0x4280];
	v18 =	vsub.f32 v48, v18;
	v51 =	vmul.f32 v24, v27;
	v24 =	vadd.f32 v24, v63  }
0x286: {  	v54 =	vmul.f32 v47, v25;
	v20 =	vsub.f32 v20, v53;
	v14 =	vadd.f32 v14, v50  }
0x287: {  	v57 =	vld [tilespmem:s19+$0x4300];
	v28 =	vadd.f32 v51, v60;
	v56 =	vmul.f32 v18, v7;
	v18 =	vadd.f32 v18, v24  }
0x288: {  	v4 =	vmul.f32 v39, v4;
	v59 =	vadd.f32 v7, v55;
	v14 =	vsub.f32 v14, v54  }
0x289: {  	v62 =	vld [tilespmem:s23+$0x4000];
	v60 =	vmul.f32 v20, v5;
	v58 =	vadd.f32 v56, v28;
	v18 =	vadd.f32 v20, v18  }
0x28a: {  	v4 =	vsub.f32 v16, v4;
	v12 =	vmul.f32 v52, v12;
	v28 =	vadd.f32 v5, v59  }
0x28b: {  	v34 =	vld [tilespmem:s19+$0x5000];
	v63 =	vadd.f32 v60, v58;
	v33 =	vmul.f32 v14, v47;
	v14 =	vadd.f32 v14, v18  }
0x28c: {  	v12 =	vsub.f32 v30, v12;
	v11 =	vmul.f32 v57, v11;
	v5 =	vadd.f32 v47, v28  }
0x28d: {  	v37 =	vld [tilespmem:s19+$0x5080];
	v36 =	vmul.f32 v15, v49;
	v7 =	vadd.f32 v33, v63;
	v14 =	vadd.f32 v15, v14  }
0x28e: {  	v10 =	vmul.f32 v62, v10;
	v11 =	vsub.f32 v29, v11;
	v5 =	vadd.f32 v49, v5  }
0x28f: {  	v38 =	vmul.f32 v12, v52;
	v7 =	vadd.f32 v36, v7;
	v12 =	vadd.f32 v12, v14  }
0x290: {  	v10 =	vsub.f32 v32, v10;
	v8 =	vmul.f32 v34, v8;
	v5 =	vadd.f32 v52, v5  }
0x291: {  	v41 =	vld [tilespmem:s22+$0x4000];
	v40 =	vmul.f32 v11, v57;
	v7 =	vadd.f32 v38, v7;
	v11 =	vadd.f32 v11, v12  }
0x292: {  	v6 =	vmul.f32 v37, v6;
	v8 =	vsub.f32 v19, v8;
	v5 =	vadd.f32 v57, v5  }
0x293: {  	v43 =	vld [tilespmem:s19+$0x5200];
	v42 =	vmul.f32 v10, v62;
	v7 =	vadd.f32 v40, v7;
	v10 =	vadd.f32 v10, v11  }
0x294: {  	v6 =	vsub.f32 v23, v6;
	v5 =	vadd.f32 v62, v5  }
0x295: {  	v45 =	vld [tilespmem:s19+$0x5280];
	v44 =	vmul.f32 v8, v34;
	v7 =	vadd.f32 v42, v7;
	v8 =	vadd.f32 v8, v10  }
0x296: {  	v13 =	vadd.f32 v13, v35;
	v9 =	vmul.f32 v41, v9;
	v5 =	vadd.f32 v34, v5  }
0x297: {  	v46 =	vmul.f32 v6, v37;
	v47 =	vld [tilespmem:s19+$0x5300];
	v7 =	vadd.f32 v44, v7;
	v6 =	vadd.f32 v6, v8  }
0x298: {  	v0 =	vmul.f32 v43, v0;
	v48 =	vsub.f32 v13, v9;
	v5 =	vadd.f32 v37, v5  }
0x299: {  	v50 =	vld [tilespmem:s20+$0x4000];
	v49 =	vmul.f32 v4, v39;
	v7 =	vadd.f32 v46, v7;
	v4 =	vadd.f32 v4, v6  }
0x29a: {  	v0 =	vsub.f32 v17, v0;
	v2 =	vmul.f32 v45, v2;
	v5 =	vadd.f32 v39, v5  }
0x29b: {  	v51 =	vmul.f32 v48, v41;
	v7 =	vadd.f32 v49, v7;
	v4 =	vadd.f32 v48, v4  }
0x29c: {  	v1 =	vsub.f32 v1, v2;
	v52 =	vmul.f32 v47, v3;
	v5 =	vadd.f32 v41, v5  }
0x29d: {  	v54 =	vmul.f32 v0, v43;
	v53 =	vadd.f32 v51, v7;
	v0 =	vadd.f32 v0, v4  }
0x29e: {  	v55 =	vmul.f32 v50, v61;
	v2 =	vsub.f32 v26, v52;
	v5 =	vadd.f32 v43, v5  }
0x29f: {  	v56 =	vmul.f32 v1, v45;
	v3 =	vadd.f32 v54, v53;
	v0 =	vadd.f32 v1, v0  }
0x2a0: {  	v57 =	vsub.f32 v21, v55;
	v5 =	vadd.f32 v45, v5  }
0x2a1: {  	v58 =	vmul.f32 v2, v47;
	v3 =	vadd.f32 v56, v3;
	v0 =	vadd.f32 v2, v0  }
0x2a2: {  	v61 =	vadd.f32 v47, v5  }
0x2a3: {  	v60 =	vmul.f32 v57, v50;
	v59 =	vadd.f32 v58, v3;
	v0 =	vadd.f32 v57, v0  }
0x2a4: {  	v63 =	vadd.f32 v50, v61  }
0x2a5: {  	s18 =	sadd.s32 $0x1, s18;
	v62 =	vadd.f32 v60, v59;
	[tilespmem:$0x8000] =	vst v0  }
0x2a6: {  	p0 =	sne.s32 s18, s10;
	[tilespmem:$0x8100] =	vst v63  }
.Ltmp3:
0x2a7: {  	[tilespmem:$0x8080] =	vst v62;
	(pc) =	sbr.rel @p0 .LBB2_1-.Ltmp3, $4  }
0x2a8: {  	[hbm4b:s9+s2] =	stream.linear.scatter [tilespmem:s16], [sflag:$0x3], $0x180, $0x38;
	[tilespmem:$0x8200] =	vst v63  }
0x2a9: {  	_ =	swait.ge [sflag:s17], $0x180  }
0x2aa: {  	[sflag:s17] =	ssyncset.done $0x0  }
0x2ab: {  	[sflag:s17] =	ssyncadd.s32 $0xFFFFFE80  }
0x2ac: {  	_ =	sfence.sel $0x180000  }
0x2ad: {  	[bflag:$0x0] =	sbarrier.arrive $0xFFFF  }
0x2ae: {  	p0 =	sne.s32 s1, $0x0;
	_ =	strace $0x90000047  }
0x2af: {  	s0 =	sadd.s32 @!p0 $0x100000, s0;
	[bflag:$0x2] =	sbarrier.arrive $0xFFFF  }
0x2b0: {  	[sflag:s0] =	ssyncadd.tile.s32 @!p0 $0x1;
	_ =	shalt  }
.Lfunc_end2:
_tile_overlayer_lowered:
.L_overlay_start_2:
0x2b1: {  	(tag) =	ssettag $0x2  }
0x2b2: {  	s0 =	rddreg [dreg:$0x0];
	s2 =	stileid.u32  }
0x2b3: {  	s1 =	rddreg [dreg:$0x1];
	p0 =	sne.s32 s2, $0x0  }
0x2b4: {  	s3 =	rddreg [dreg:$0x2];
	[bflag:$0x3] =	sbarrier.arrive $0xFFFF;
	s2 =	simm.s32 @!p0 $0x1C03  }
0x2b5: {  	[timem:s3], [sflag:s2] =	dma.local @!p0 [hbm:s0], s1  }
0x2b6: {  	s0 =	simm.s32 @!p0 $0x3  }
0x2b7: {  	_ =	swait.ge @!p0 [sflag:s0], s1  }
0x2b8: {  	s1 =	ssub.s32 @!p0 $0x0, s1;
	[sflag:s0] =	ssyncset.done @!p0 $0x0  }
0x2b9: {  	[sflag:s0] =	ssyncadd.s32 @!p0 s1  }
0x2ba: {  	[bflag:$0x3] =	sbarrier.arrive $0xFFFF  }
0x2bb: {  	_ =	shalt  }

</sc_bundles>
